<compile_context>
chip_gen: v7x
topology: tpu7x:2x2x1
jax: 0.10.2.dev20260603
libtpu: 0.0.44.dev20260713+nightly
codegen_flags: <defaults>
</compile_context>

<pallas_src>
import jax
import jax.numpy as jnp
from jax import lax
from jax.experimental import pallas as pl
from jax.experimental.pallas import tpu as pltpu
from jax.experimental.pallas import tpu_sc as plsc

_N = 10000
_E = 320000
_D = 128
_G = 256
_C = 60

_NC = 2
_NS = 16
_NW = _NC * _NS
_EPW = _E // _NW
_CH = 128
_NFULL = _EPW // _CH
_REM = _EPW - _NFULL * _CH
_NB = 3
_NR = _NFULL // _NB

_CHS = 64
_NFULLS = _EPW // _CHS
_REMS = _EPW - _NFULLS * _CHS
_NB4 = 4
_NRS = _NFULLS // _NB4

_RA = 624
_RLAST_EXTRA = _N - 16 * _RA

_mesh = plsc.VectorSubcoreMesh(
    core_axis_name="c", subcore_axis_name="s", num_cores=_NC, num_subcores=_NS
)


def _copy_idx_regs(dst_ref, src_ref, base, n):
    for j in range(n // 16):
        dst_ref[pl.ds(j * 16, 16)] = src_ref[pl.ds(base + j * 16, 16)]


def _deg_body(dst_hbm, out_hbm, acc, didx_all, zval, ones, idx16, ones16,
              dc0, dc1, dc2, isem, ss0, ss1, ss2):
    cid = lax.axis_index("c")
    sid = lax.axis_index("s")
    wid = sid * _NC + cid
    base0 = wid * _EPW
    dcur = (dc0, dc1, dc2)
    ssem = (ss0, ss1, ss2)

    idesc = pltpu.async_copy(dst_hbm.at[pl.ds(base0, _EPW)], didx_all, isem)

    def fill_z(i, _):
        zval[pl.ds(i * 16, 16)] = jnp.zeros((16,), jnp.float32)
        return 0

    lax.fori_loop(0, 640 // 16, fill_z, 0)

    def fill_o(i, _):
        ones[pl.ds(i * 16, 16)] = jnp.ones((16,), jnp.float32)
        return 0

    lax.fori_loop(0, _CH // 16, fill_o, 0)
    ones16[pl.ds(0, 16)] = jnp.ones((16,), jnp.float32)

    @pl.when(sid < _NS - 1)
    def _():
        pltpu.sync_copy(zval.at[pl.ds(0, _RA)], acc.at[pl.ds(sid * _RA, _RA)])

    @pl.when(sid == _NS - 1)
    def _():
        pltpu.sync_copy(zval, acc.at[pl.ds((_NS - 1) * _RA, _RA + _RLAST_EXTRA)])

    idesc.wait()
    plsc.subcore_barrier()

    def rnd(r, _):
        for b in range(_NB):
            i = r * _NB + b

            @pl.when(r > 0)
            def _():
                pltpu.make_async_copy(ones, acc.at[dcur[b]], ssem[b]).wait()

            _copy_idx_regs(dcur[b], didx_all, i * _CH, _CH)
            pltpu.async_copy(ones, acc.at[dcur[b]], ssem[b], add=True)
        return 0

    lax.fori_loop(0, _NR, rnd, 0)
    for b in range(_NB):
        pltpu.make_async_copy(ones, acc.at[dcur[b]], ssem[b]).wait()

    idx16[pl.ds(0, _REM)] = didx_all[pl.ds(_NFULL * _CH, _REM)]
    pltpu.sync_copy(ones16, acc.at[idx16], add=True)

    plsc.subcore_barrier()

    @pl.when(sid == 0)
    def _():
        pltpu.sync_copy(acc, out_hbm.at[cid])


_deg_call = pl.kernel(
    _deg_body,
    out_type=jax.ShapeDtypeStruct((_NC, _N), jnp.float32),
    mesh=_mesh,
    scratch_types=[
        pltpu.VMEM_SHARED((_N,), jnp.float32),
        pltpu.VMEM((_EPW,), jnp.int32),
        pltpu.VMEM((640,), jnp.float32),
        pltpu.VMEM((_CH,), jnp.float32),
        pltpu.VMEM((_REM,), jnp.int32),
        pltpu.VMEM((_REM,), jnp.float32),
        pltpu.VMEM((_CH,), jnp.int32),
        pltpu.VMEM((_CH,), jnp.int32),
        pltpu.VMEM((_CH,), jnp.int32),
        pltpu.SemaphoreType.DMA,
        pltpu.SemaphoreType.DMA,
        pltpu.SemaphoreType.DMA,
        pltpu.SemaphoreType.DMA,
    ],
)


def _scat_body(u_hbm, src_hbm, dst_hbm, out_hbm, acc, sidx_all,
               r0, r1, r2, r3, dc0, dc1, dc2, dc3, rows16, sidx16, didx16,
               isem, gs0, gs1, gs2, gs3, ss0, ss1, ss2, ss3,
               ds0, ds1, ds2, ds3):
    cid = lax.axis_index("c")
    sid = lax.axis_index("s")
    wid = sid * _NC + cid
    base0 = wid * _EPW
    rows = (r0, r1, r2, r3)
    dcur = (dc0, dc1, dc2, dc3)
    gsem = (gs0, gs1, gs2, gs3)
    ssem = (ss0, ss1, ss2, ss3)
    dsem = (ds0, ds1, ds2, ds3)

    isd = pltpu.async_copy(src_hbm.at[pl.ds(base0, _EPW)], sidx_all, isem)

    def zrow(i, _):
        for j in range(_D // 16):
            r0[i, pl.ds(j * 16, 16)] = jnp.zeros((16,), jnp.float32)
        return 0

    lax.fori_loop(0, _CHS, zrow, 0)

    rbase = sid * _RA
    for k in range(9):
        pltpu.sync_copy(r0, acc.at[pl.ds(rbase + k * _CHS, _CHS)])
    pltpu.sync_copy(r0.at[pl.ds(0, _RA - 9 * _CHS)],
                    acc.at[pl.ds(rbase + 9 * _CHS, _RA - 9 * _CHS)])

    @pl.when(sid == _NS - 1)
    def _():
        pltpu.sync_copy(r0.at[pl.ds(0, _RLAST_EXTRA)],
                        acc.at[pl.ds(_NS * _RA, _RLAST_EXTRA)])

    isd.wait()
    plsc.subcore_barrier()

    def rnd(r, _):
        gdescs = []
        ddescs = []
        for b in range(_NB4):
            i = r * _NB4 + b

            @pl.when(r > 0)
            def _():
                pltpu.make_async_copy(rows[b], acc.at[dcur[b]],
                                      ssem[b]).wait()

            ddescs.append(pltpu.async_copy(
                dst_hbm.at[pl.ds(base0 + i * _CHS, _CHS)], dcur[b], dsem[b]))
            gdescs.append(pltpu.async_copy(
                u_hbm.at[sidx_all.at[pl.ds(i * _CHS, _CHS)]], rows[b],
                gsem[b]))
        for b in range(_NB4):
            ddescs[b].wait()
            gdescs[b].wait()
            pltpu.async_copy(rows[b], acc.at[dcur[b]], ssem[b], add=True)
        return 0

    lax.fori_loop(0, _NRS, rnd, 0)
    for b in range(_NB4):
        pltpu.make_async_copy(rows[b], acc.at[dcur[b]], ssem[b]).wait()

    sidx16[pl.ds(0, _REMS)] = sidx_all[pl.ds(_NFULLS * _CHS, _REMS)]
    pltpu.async_copy(dst_hbm.at[pl.ds(base0 + _NFULLS * _CHS, _REMS)],
                     didx16, ds0).wait()
    pltpu.async_copy(u_hbm.at[sidx16], rows16, gs0).wait()
    pltpu.sync_copy(rows16, acc.at[didx16], add=True)

    plsc.subcore_barrier()

    for k in range(9):
        pltpu.sync_copy(acc.at[pl.ds(rbase + k * _CHS, _CHS)],
                        out_hbm.at[cid, pl.ds(rbase + k * _CHS, _CHS)])
    pltpu.sync_copy(acc.at[pl.ds(rbase + 9 * _CHS, _RA - 9 * _CHS)],
                    out_hbm.at[cid, pl.ds(rbase + 9 * _CHS, _RA - 9 * _CHS)])

    @pl.when(sid == _NS - 1)
    def _():
        pltpu.sync_copy(acc.at[pl.ds(_NS * _RA, _RLAST_EXTRA)],
                        out_hbm.at[cid, pl.ds(_NS * _RA, _RLAST_EXTRA)])


_scat_call = pl.kernel(
    _scat_body,
    out_type=jax.ShapeDtypeStruct((_NC, _N, _D), jnp.float32),
    mesh=_mesh,
    scratch_types=[
        pltpu.VMEM_SHARED((_N, _D), jnp.float32),
        pltpu.VMEM((_EPW,), jnp.int32),
        pltpu.VMEM((_CHS, _D), jnp.float32),
        pltpu.VMEM((_CHS, _D), jnp.float32),
        pltpu.VMEM((_CHS, _D), jnp.float32),
        pltpu.VMEM((_CHS, _D), jnp.float32),
        pltpu.VMEM((_CHS,), jnp.int32),
        pltpu.VMEM((_CHS,), jnp.int32),
        pltpu.VMEM((_CHS,), jnp.int32),
        pltpu.VMEM((_CHS,), jnp.int32),
        pltpu.VMEM((_REMS, _D), jnp.float32),
        pltpu.VMEM((_REMS,), jnp.int32),
        pltpu.VMEM((_REMS,), jnp.int32),
        pltpu.SemaphoreType.DMA,
        pltpu.SemaphoreType.DMA,
        pltpu.SemaphoreType.DMA,
        pltpu.SemaphoreType.DMA,
        pltpu.SemaphoreType.DMA,
        pltpu.SemaphoreType.DMA,
        pltpu.SemaphoreType.DMA,
        pltpu.SemaphoreType.DMA,
        pltpu.SemaphoreType.DMA,
        pltpu.SemaphoreType.DMA,
        pltpu.SemaphoreType.DMA,
        pltpu.SemaphoreType.DMA,
        pltpu.SemaphoreType.DMA,
    ],
)


def _tc1_body(x_ref, w1_ref, degp_ref, u1_ref, dis_ref):
    deg = degp_ref[0] + degp_ref[1] + 1.0
    dis = lax.rsqrt(deg)
    h = jnp.dot(x_ref[...], w1_ref[...], preferred_element_type=jnp.float32)
    u1_ref[...] = h * dis
    dis_ref[...] = dis


_tc1 = pl.pallas_call(
    _tc1_body,
    out_shape=(
        jax.ShapeDtypeStruct((_N, _D), jnp.float32),
        jax.ShapeDtypeStruct((_N, 1), jnp.float32),
    ),
)


def _tc2_body(scatp_ref, u1_ref, dis_ref, w2_ref, b1_ref, u2_ref):
    s = scatp_ref[0] + scatp_ref[1] + u1_ref[...]
    z1 = jnp.maximum(dis_ref[...] * s + b1_ref[...], 0.0)
    u2_ref[...] = jnp.dot(z1, w2_ref[...],
                          preferred_element_type=jnp.float32) * dis_ref[...]


_tc2 = pl.pallas_call(
    _tc2_body,
    out_shape=jax.ShapeDtypeStruct((_N, _D), jnp.float32),
)


def _tc3_body(scatp_ref, u2_ref, dis_ref, b2_ref, batch_ref, wc_ref, bc_ref,
              out_ref):
    s = scatp_ref[0] + scatp_ref[1] + u2_ref[...]
    z2 = jnp.maximum(dis_ref[...] * s + b2_ref[...], 0.0)
    bvec = batch_ref[...]
    gids = lax.broadcasted_iota(jnp.int32, (_G, _N), 0)
    pmat = (gids == bvec).astype(jnp.float32)
    cnt = jnp.sum(pmat, axis=1, keepdims=True)
    g = jnp.dot(pmat, z2, preferred_element_type=jnp.float32)
    g = g / jnp.maximum(cnt, 1.0)
    logits = jnp.dot(g, wc_ref[...],
                     preferred_element_type=jnp.float32) + bc_ref[...]
    m = jnp.max(logits, axis=1, keepdims=True)
    e = logits - m
    out_ref[...] = e - jnp.log(jnp.sum(jnp.exp(e), axis=1, keepdims=True))


_tc3 = pl.pallas_call(
    _tc3_body,
    out_shape=jax.ShapeDtypeStruct((_G, _C), jnp.float32),
)


def kernel(x, edge_index, batch, W1, b1, W2, b2, Wc, bc):
    src = edge_index[0].astype(jnp.int32)
    dst = edge_index[1].astype(jnp.int32)
    batch2 = batch.astype(jnp.int32).reshape(1, _N)
    degp = _deg_call(dst)
    degp3 = degp.reshape(_NC, _N, 1)
    u1, dis = _tc1(x, W1, degp3)
    scat1 = _scat_call(u1, src, dst)
    u2 = _tc2(scat1, u1, dis, W2, b1.reshape(1, _D))
    scat2 = _scat_call(u2, src, dst)
    return _tc3(scat2, u2, dis, b2.reshape(1, _D), batch2, Wc,
                bc.reshape(1, _C))

# --- scband reference (transcript-rebuilt; emitter-appended) ---
"""Pipeline reference for scband-skeleton-classifier-33964601377213 (READ-ONLY COPY).

The authoritative reference and input builder live on the scoring server;
editing this copy changes nothing except your own understanding.
"""

import jax, jax.numpy as jnp
import numpy as np

N_NODES = 10000
N_EDGES = 320000
D_IN = 128
D_H1 = 128
D_H2 = 128
D_OUT = 60
N_GRAPHS = 256


def setup_inputs(seed: int = 0) -> dict:
    key = jax.random.key(seed)
    ks = jax.random.split(key, 10)
    x = jax.random.normal(ks[0], (N_NODES, D_IN), dtype=jnp.float32)
    edge_index = jax.random.randint(ks[1], (2, N_EDGES), 0, N_NODES, dtype=jnp.int64)
    batch = jnp.sort(jax.random.randint(ks[2], (N_NODES,), 0, N_GRAPHS, dtype=jnp.int64))
    W1 = jax.random.normal(ks[3], (D_IN, D_H1), dtype=jnp.float32) * (1.0 / np.sqrt(D_IN))
    b1 = jnp.zeros((D_H1,), dtype=jnp.float32)
    W2 = jax.random.normal(ks[4], (D_H1, D_H2), dtype=jnp.float32) * (1.0 / np.sqrt(D_H1))
    b2 = jnp.zeros((D_H2,), dtype=jnp.float32)
    Wc = jax.random.normal(ks[5], (D_H2, D_OUT), dtype=jnp.float32) * (1.0 / np.sqrt(D_H2))
    bc = jnp.zeros((D_OUT,), dtype=jnp.float32)
    return {"x": x, "edge_index": edge_index, "batch": batch,
            "W1": W1, "b1": b1, "W2": W2, "b2": b2, "Wc": Wc, "bc": bc}


def gcn_conv(x, edge_index, W, b, num_nodes):
    # GCNConv: add self-loops, symmetric normalization, message passing
    src = edge_index[0]
    dst = edge_index[1]
    loop = jnp.arange(num_nodes, dtype=src.dtype)
    src = jnp.concatenate([src, loop])
    dst = jnp.concatenate([dst, loop])
    ones = jnp.ones(src.shape[0], dtype=jnp.float32)
    deg = jnp.zeros((num_nodes,), dtype=jnp.float32).at[dst].add(ones)
    deg_inv_sqrt = jnp.where(deg > 0, jax.lax.rsqrt(jnp.maximum(deg, 1e-12)), 0.0)
    norm = deg_inv_sqrt[src] * deg_inv_sqrt[dst]
    h = x @ W
    msg = jnp.take(h, src, axis=0) * norm[:, None]
    out = jnp.zeros((num_nodes, W.shape[1]), dtype=jnp.float32).at[dst].add(msg)
    return out + b


def global_mean_pool(x, batch, num_graphs):
    summed = jax.ops.segment_sum(x, batch, num_segments=num_graphs)
    counts = jax.ops.segment_sum(jnp.ones((x.shape[0],), dtype=jnp.float32), batch, num_segments=num_graphs)
    counts = jnp.maximum(counts, 1.0)
    return summed / counts[:, None]


def reference(x, edge_index, batch, W1, b1, W2, b2, Wc, bc):
    h = gcn_conv(x, edge_index, W1, b1, N_NODES)
    h = jax.nn.relu(h)
    h = gcn_conv(h, edge_index, W2, b2, N_NODES)
    h = jax.nn.relu(h)
    g = global_mean_pool(h, batch, N_GRAPHS)
    logits = g @ Wc + bc
    return jax.nn.log_softmax(logits, axis=1)

if __name__ == "__main__":
    import jax
    _d = setup_inputs()
    print(jax.jit(kernel)(*tuple(_d.values())))

</pallas_src>

<mosaic_0001>
#map = affine_map<(d0, d1) -> (0, 0)>
#map1 = affine_map<(d0, d1) -> (0)>
#map2 = affine_map<(d0, d1) -> (0, 0, 0)>
module attributes {stable_mosaic.version = 14 : i64} {
  func.func @_scat_body(%arg0: i32, %arg1: i32, %arg2: memref<10000x128xf32, #tpu.memory_space<hbm>>, %arg3: memref<320000xi32, #tpu.memory_space<hbm>>, %arg4: memref<320000xi32, #tpu.memory_space<hbm>>, %arg5: memref<2x10000x128xf32, #tpu.memory_space<hbm>>, %arg6: memref<10000x128xf32, #tpu.memory_space<vmem_shared>>, %arg7: memref<10000xi32, #tpu.memory_space<vmem>>, %arg8: memref<64x128xf32, #tpu.memory_space<vmem>>, %arg9: memref<64x128xf32, #tpu.memory_space<vmem>>, %arg10: memref<64x128xf32, #tpu.memory_space<vmem>>, %arg11: memref<64x128xf32, #tpu.memory_space<vmem>>, %arg12: memref<64xi32, #tpu.memory_space<vmem>>, %arg13: memref<64xi32, #tpu.memory_space<vmem>>, %arg14: memref<64xi32, #tpu.memory_space<vmem>>, %arg15: memref<64xi32, #tpu.memory_space<vmem>>, %arg16: memref<16x128xf32, #tpu.memory_space<vmem>>, %arg17: memref<16xi32, #tpu.memory_space<vmem>>, %arg18: memref<16xi32, #tpu.memory_space<vmem>>, %arg19: memref<!tpu.dma_semaphore, #tpu.memory_space<semaphore_mem>>, %arg20: memref<!tpu.dma_semaphore, #tpu.memory_space<semaphore_mem>>, %arg21: memref<!tpu.dma_semaphore, #tpu.memory_space<semaphore_mem>>, %arg22: memref<!tpu.dma_semaphore, #tpu.memory_space<semaphore_mem>>, %arg23: memref<!tpu.dma_semaphore, #tpu.memory_space<semaphore_mem>>, %arg24: memref<!tpu.dma_semaphore, #tpu.memory_space<semaphore_mem>>, %arg25: memref<!tpu.dma_semaphore, #tpu.memory_space<semaphore_mem>>, %arg26: memref<!tpu.dma_semaphore, #tpu.memory_space<semaphore_mem>>, %arg27: memref<!tpu.dma_semaphore, #tpu.memory_space<semaphore_mem>>, %arg28: memref<!tpu.dma_semaphore, #tpu.memory_space<semaphore_mem>>, %arg29: memref<!tpu.dma_semaphore, #tpu.memory_space<semaphore_mem>>, %arg30: memref<!tpu.dma_semaphore, #tpu.memory_space<semaphore_mem>>, %arg31: memref<!tpu.dma_semaphore, #tpu.memory_space<semaphore_mem>>) attributes {dimension_semantics = [#tpu.dimension_semantics<core_parallel>, #tpu.dimension_semantics<subcore_parallel>], iteration_bounds = array<i64: 2, 16>, scalar_prefetch = 0 : i64, scratch_operands = 26 : i64, tpu.core_type = #tpu.core_type<sc_vector_subcore>, window_params = [{transform_indices = #map}, {transform_indices = #map1}, {transform_indices = #map1}, {transform_indices = #map2}]} {
    %mul3A = arith.constant 2 : i32
    %mul3A_0 = arith.muli %arg1, %mul3A : i32
    %add3A = arith.addi %mul3A_0, %arg0 : i32
    %mul3A_1 = arith.constant 10000 : i32
    %mul3A_2 = arith.muli %add3A, %mul3A_1 : i32
    %dma_start3A = tpu.memref_slice %arg3[%mul3A_2] : memref<320000xi32, #tpu.memory_space<hbm>> -> memref<10000xi32, #tpu.memory_space<hbm>>
    %dma_start3A_3 = tpu.memref_slice %arg3[%mul3A_2] : memref<320000xi32, #tpu.memory_space<hbm>> -> memref<10000xi32, #tpu.memory_space<hbm>>
    tpu.enqueue_dma source(%dma_start3A_3 : memref<10000xi32, #tpu.memory_space<hbm>>) target(%arg7 : memref<10000xi32, #tpu.memory_space<vmem>>) target_semaphore(%arg19 : memref<!tpu.dma_semaphore, #tpu.memory_space<semaphore_mem>>)
    %scan3A = arith.constant 0 : i32
    %scan3A_4 = arith.constant 0 : i32
    %scan3A_5 = arith.constant 64 : i32
    %scan3A_6 = arith.addi %scan3A_4, %scan3A_5 : i32
    %scan3A_7 = arith.constant 1 : i32
    %scan3A_8 = scf.for %scan3A_117 = %scan3A_4 to %scan3A_6 step %scan3A_7 iter_args(%scan3A_118 = %scan3A) -> (i32)  : i32 {
      %broadcast_in_dim3A = arith.constant 0.000000e+00 : f32
      %broadcast_in_dim3A_119 = vector.broadcast %broadcast_in_dim3A : f32 to vector<16xf32>
      %swap3A_120 = arith.index_cast %scan3A_117 : i32 to index
      %swap3A_121 = arith.constant 0 : index
      %swap3A_122 = tpu.vector_load %arg8[%swap3A_120, %swap3A_121] {strides = array<i32>} : memref<64x128xf32, #tpu.memory_space<vmem>>, vector<1x16xf32>,
      %swap3A_123 = vector.shape_cast %swap3A_122 : vector<1x16xf32> to vector<16xf32>
      %swap3A_124 = vector.shape_cast %broadcast_in_dim3A_119 : vector<16xf32> to vector<1x16xf32>
      tpu.vector_store %arg8[%swap3A_120, %swap3A_121], %swap3A_124 {strides = array<i32>} : memref<64x128xf32, #tpu.memory_space<vmem>>, vector<1x16xf32>,
      %broadcast_in_dim3A_125 = arith.constant 0.000000e+00 : f32
      %broadcast_in_dim3A_126 = vector.broadcast %broadcast_in_dim3A_125 : f32 to vector<16xf32>
      %swap3A_127 = arith.index_cast %scan3A_117 : i32 to index
      %swap3A_128 = arith.constant 16 : index
      %swap3A_129 = tpu.vector_load %arg8[%swap3A_127, %swap3A_128] {strides = array<i32>} : memref<64x128xf32, #tpu.memory_space<vmem>>, vector<1x16xf32>,
      %swap3A_130 = vector.shape_cast %swap3A_129 : vector<1x16xf32> to vector<16xf32>
      %swap3A_131 = vector.shape_cast %broadcast_in_dim3A_126 : vector<16xf32> to vector<1x16xf32>
      tpu.vector_store %arg8[%swap3A_127, %swap3A_128], %swap3A_131 {strides = array<i32>} : memref<64x128xf32, #tpu.memory_space<vmem>>, vector<1x16xf32>,
      %broadcast_in_dim3A_132 = arith.constant 0.000000e+00 : f32
      %broadcast_in_dim3A_133 = vector.broadcast %broadcast_in_dim3A_132 : f32 to vector<16xf32>
      %swap3A_134 = arith.index_cast %scan3A_117 : i32 to index
      %swap3A_135 = arith.constant 32 : index
      %swap3A_136 = tpu.vector_load %arg8[%swap3A_134, %swap3A_135] {strides = array<i32>} : memref<64x128xf32, #tpu.memory_space<vmem>>, vector<1x16xf32>,
      %swap3A_137 = vector.shape_cast %swap3A_136 : vector<1x16xf32> to vector<16xf32>
      %swap3A_138 = vector.shape_cast %broadcast_in_dim3A_133 : vector<16xf32> to vector<1x16xf32>
      tpu.vector_store %arg8[%swap3A_134, %swap3A_135], %swap3A_138 {strides = array<i32>} : memref<64x128xf32, #tpu.memory_space<vmem>>, vector<1x16xf32>,
      %broadcast_in_dim3A_139 = arith.constant 0.000000e+00 : f32
      %broadcast_in_dim3A_140 = vector.broadcast %broadcast_in_dim3A_139 : f32 to vector<16xf32>
      %swap3A_141 = arith.index_cast %scan3A_117 : i32 to index
      %swap3A_142 = arith.constant 48 : index
      %swap3A_143 = tpu.vector_load %arg8[%swap3A_141, %swap3A_142] {strides = array<i32>} : memref<64x128xf32, #tpu.memory_space<vmem>>, vector<1x16xf32>,
      %swap3A_144 = vector.shape_cast %swap3A_143 : vector<1x16xf32> to vector<16xf32>
      %swap3A_145 = vector.shape_cast %broadcast_in_dim3A_140 : vector<16xf32> to vector<1x16xf32>
      tpu.vector_store %arg8[%swap3A_141, %swap3A_142], %swap3A_145 {strides = array<i32>} : memref<64x128xf32, #tpu.memory_space<vmem>>, vector<1x16xf32>,
      %broadcast_in_dim3A_146 = arith.constant 0.000000e+00 : f32
      %broadcast_in_dim3A_147 = vector.broadcast %broadcast_in_dim3A_146 : f32 to vector<16xf32>
      %swap3A_148 = arith.index_cast %scan3A_117 : i32 to index
      %swap3A_149 = arith.constant 64 : index
      %swap3A_150 = tpu.vector_load %arg8[%swap3A_148, %swap3A_149] {strides = array<i32>} : memref<64x128xf32, #tpu.memory_space<vmem>>, vector<1x16xf32>,
      %swap3A_151 = vector.shape_cast %swap3A_150 : vector<1x16xf32> to vector<16xf32>
      %swap3A_152 = vector.shape_cast %broadcast_in_dim3A_147 : vector<16xf32> to vector<1x16xf32>
      tpu.vector_store %arg8[%swap3A_148, %swap3A_149], %swap3A_152 {strides = array<i32>} : memref<64x128xf32, #tpu.memory_space<vmem>>, vector<1x16xf32>,
      %broadcast_in_dim3A_153 = arith.constant 0.000000e+00 : f32
      %broadcast_in_dim3A_154 = vector.broadcast %broadcast_in_dim3A_153 : f32 to vector<16xf32>
      %swap3A_155 = arith.index_cast %scan3A_117 : i32 to index
      %swap3A_156 = arith.constant 80 : index
      %swap3A_157 = tpu.vector_load %arg8[%swap3A_155, %swap3A_156] {strides = array<i32>} : memref<64x128xf32, #tpu.memory_space<vmem>>, vector<1x16xf32>,
      %swap3A_158 = vector.shape_cast %swap3A_157 : vector<1x16xf32> to vector<16xf32>
      %swap3A_159 = vector.shape_cast %broadcast_in_dim3A_154 : vector<16xf32> to vector<1x16xf32>
      tpu.vector_store %arg8[%swap3A_155, %swap3A_156], %swap3A_159 {strides = array<i32>} : memref<64x128xf32, #tpu.memory_space<vmem>>, vector<1x16xf32>,
      %broadcast_in_dim3A_160 = arith.constant 0.000000e+00 : f32
      %broadcast_in_dim3A_161 = vector.broadcast %broadcast_in_dim3A_160 : f32 to vector<16xf32>
      %swap3A_162 = arith.index_cast %scan3A_117 : i32 to index
      %swap3A_163 = arith.constant 96 : index
      %swap3A_164 = tpu.vector_load %arg8[%swap3A_162, %swap3A_163] {strides = array<i32>} : memref<64x128xf32, #tpu.memory_space<vmem>>, vector<1x16xf32>,
      %swap3A_165 = vector.shape_cast %swap3A_164 : vector<1x16xf32> to vector<16xf32>
      %swap3A_166 = vector.shape_cast %broadcast_in_dim3A_161 : vector<16xf32> to vector<1x16xf32>
      tpu.vector_store %arg8[%swap3A_162, %swap3A_163], %swap3A_166 {strides = array<i32>} : memref<64x128xf32, #tpu.memory_space<vmem>>, vector<1x16xf32>,
      %broadcast_in_dim3A_167 = arith.constant 0.000000e+00 : f32
      %broadcast_in_dim3A_168 = vector.broadcast %broadcast_in_dim3A_167 : f32 to vector<16xf32>
      %swap3A_169 = arith.index_cast %scan3A_117 : i32 to index
      %swap3A_170 = arith.constant 112 : index
      %swap3A_171 = tpu.vector_load %arg8[%swap3A_169, %swap3A_170] {strides = array<i32>} : memref<64x128xf32, #tpu.memory_space<vmem>>, vector<1x16xf32>,
      %swap3A_172 = vector.shape_cast %swap3A_171 : vector<1x16xf32> to vector<16xf32>
      %swap3A_173 = vector.shape_cast %broadcast_in_dim3A_168 : vector<16xf32> to vector<1x16xf32>
      tpu.vector_store %arg8[%swap3A_169, %swap3A_170], %swap3A_173 {strides = array<i32>} : memref<64x128xf32, #tpu.memory_space<vmem>>, vector<1x16xf32>,
      %scan3A_174 = arith.constant 0 : i32
      scf.yield %scan3A_174 : i32
    }
    %scan3A_9 = arith.constant 64 : i32
    %mul3A_10 = arith.constant 624 : i32
    %mul3A_11 = arith.muli %arg1, %mul3A_10 : i32
    %add3A_12 = arith.constant 0 : i32
    %add3A_13 = arith.addi %mul3A_11, %add3A_12 : i32
    "tpu.region"() ({
      %run_scoped3A = tpu.sem_alloc : memref<!tpu.dma_semaphore, #tpu.memory_space<semaphore_mem>>
      %dma_start3A_117 = arith.constant 0 : i32
      %dma_start3A_118 = tpu.memref_slice %arg6[%add3A_13, %dma_start3A_117] : memref<10000x128xf32, #tpu.memory_space<vmem_shared>> -> memref<64x128xf32, #tpu.memory_space<vmem_shared>>
      %dma_start3A_119 = arith.constant 0 : i32
      %dma_start3A_120 = tpu.memref_slice %arg6[%add3A_13, %dma_start3A_119] : memref<10000x128xf32, #tpu.memory_space<vmem_shared>> -> memref<64x128xf32, #tpu.memory_space<vmem_shared>>
      tpu.enqueue_dma source(%arg8 : memref<64x128xf32, #tpu.memory_space<vmem>>) target(%dma_start3A_120 : memref<64x128xf32, #tpu.memory_space<vmem_shared>>) target_semaphore(%run_scoped3A : memref<!tpu.dma_semaphore, #tpu.memory_space<semaphore_mem>>)
      %dma_wait3A_121 = arith.constant 0 : i32
      %dma_wait3A_122 = tpu.memref_slice %arg6[%add3A_13, %dma_wait3A_121] : memref<10000x128xf32, #tpu.memory_space<vmem_shared>> -> memref<64x128xf32, #tpu.memory_space<vmem_shared>>
      %dma_wait3A_123 = arith.constant 0 : i32
      %dma_wait3A_124 = tpu.memref_slice %arg6[%add3A_13, %dma_wait3A_123] : memref<10000x128xf32, #tpu.memory_space<vmem_shared>> -> memref<64x128xf32, #tpu.memory_space<vmem_shared>>
      tpu.wait_dma2 semaphore(%run_scoped3A : memref<!tpu.dma_semaphore, #tpu.memory_space<semaphore_mem>>) src(%arg8 : memref<64x128xf32, #tpu.memory_space<vmem>>) dst(%dma_wait3A_124 : memref<64x128xf32, #tpu.memory_space<vmem_shared>>)
      tpu.yield
    }) : () -> ()
    %add3A_14 = arith.constant 64 : i32
    %add3A_15 = arith.addi %mul3A_11, %add3A_14 : i32
    "tpu.region"() ({
      %run_scoped3A = tpu.sem_alloc : memref<!tpu.dma_semaphore, #tpu.memory_space<semaphore_mem>>
      %dma_start3A_117 = arith.constant 0 : i32
      %dma_start3A_118 = tpu.memref_slice %arg6[%add3A_15, %dma_start3A_117] : memref<10000x128xf32, #tpu.memory_space<vmem_shared>> -> memref<64x128xf32, #tpu.memory_space<vmem_shared>>
      %dma_start3A_119 = arith.constant 0 : i32
      %dma_start3A_120 = tpu.memref_slice %arg6[%add3A_15, %dma_start3A_119] : memref<10000x128xf32, #tpu.memory_space<vmem_shared>> -> memref<64x128xf32, #tpu.memory_space<vmem_shared>>
      tpu.enqueue_dma source(%arg8 : memref<64x128xf32, #tpu.memory_space<vmem>>) target(%dma_start3A_120 : memref<64x128xf32, #tpu.memory_space<vmem_shared>>) target_semaphore(%run_scoped3A : memref<!tpu.dma_semaphore, #tpu.memory_space<semaphore_mem>>)
      %dma_wait3A_121 = arith.constant 0 : i32
      %dma_wait3A_122 = tpu.memref_slice %arg6[%add3A_15, %dma_wait3A_121] : memref<10000x128xf32, #tpu.memory_space<vmem_shared>> -> memref<64x128xf32, #tpu.memory_space<vmem_shared>>
      %dma_wait3A_123 = arith.constant 0 : i32
      %dma_wait3A_124 = tpu.memref_slice %arg6[%add3A_15, %dma_wait3A_123] : memref<10000x128xf32, #tpu.memory_space<vmem_shared>> -> memref<64x128xf32, #tpu.memory_space<vmem_shared>>
      tpu.wait_dma2 semaphore(%run_scoped3A : memref<!tpu.dma_semaphore, #tpu.memory_space<semaphore_mem>>) src(%arg8 : memref<64x128xf32, #tpu.memory_space<vmem>>) dst(%dma_wait3A_124 : memref<64x128xf32, #tpu.memory_space<vmem_shared>>)
      tpu.yield
    }) : () -> ()
    %add3A_16 = arith.constant 128 : i32
    %add3A_17 = arith.addi %mul3A_11, %add3A_16 : i32
    "tpu.region"() ({
      %run_scoped3A = tpu.sem_alloc : memref<!tpu.dma_semaphore, #tpu.memory_space<semaphore_mem>>
      %dma_start3A_117 = arith.constant 0 : i32
      %dma_start3A_118 = tpu.memref_slice %arg6[%add3A_17, %dma_start3A_117] : memref<10000x128xf32, #tpu.memory_space<vmem_shared>> -> memref<64x128xf32, #tpu.memory_space<vmem_shared>>
      %dma_start3A_119 = arith.constant 0 : i32
      %dma_start3A_120 = tpu.memref_slice %arg6[%add3A_17, %dma_start3A_119] : memref<10000x128xf32, #tpu.memory_space<vmem_shared>> -> memref<64x128xf32, #tpu.memory_space<vmem_shared>>
      tpu.enqueue_dma source(%arg8 : memref<64x128xf32, #tpu.memory_space<vmem>>) target(%dma_start3A_120 : memref<64x128xf32, #tpu.memory_space<vmem_shared>>) target_semaphore(%run_scoped3A : memref<!tpu.dma_semaphore, #tpu.memory_space<semaphore_mem>>)
      %dma_wait3A_121 = arith.constant 0 : i32
      %dma_wait3A_122 = tpu.memref_slice %arg6[%add3A_17, %dma_wait3A_121] : memref<10000x128xf32, #tpu.memory_space<vmem_shared>> -> memref<64x128xf32, #tpu.memory_space<vmem_shared>>
      %dma_wait3A_123 = arith.constant 0 : i32
      %dma_wait3A_124 = tpu.memref_slice %arg6[%add3A_17, %dma_wait3A_123] : memref<10000x128xf32, #tpu.memory_space<vmem_shared>> -> memref<64x128xf32, #tpu.memory_space<vmem_shared>>
      tpu.wait_dma2 semaphore(%run_scoped3A : memref<!tpu.dma_semaphore, #tpu.memory_space<semaphore_mem>>) src(%arg8 : memref<64x128xf32, #tpu.memory_space<vmem>>) dst(%dma_wait3A_124 : memref<64x128xf32, #tpu.memory_space<vmem_shared>>)
      tpu.yield
    }) : () -> ()
    %add3A_18 = arith.constant 192 : i32
    %add3A_19 = arith.addi %mul3A_11, %add3A_18 : i32
    "tpu.region"() ({
      %run_scoped3A = tpu.sem_alloc : memref<!tpu.dma_semaphore, #tpu.memory_space<semaphore_mem>>
      %dma_start3A_117 = arith.constant 0 : i32
      %dma_start3A_118 = tpu.memref_slice %arg6[%add3A_19, %dma_start3A_117] : memref<10000x128xf32, #tpu.memory_space<vmem_shared>> -> memref<64x128xf32, #tpu.memory_space<vmem_shared>>
      %dma_start3A_119 = arith.constant 0 : i32
      %dma_start3A_120 = tpu.memref_slice %arg6[%add3A_19, %dma_start3A_119] : memref<10000x128xf32, #tpu.memory_space<vmem_shared>> -> memref<64x128xf32, #tpu.memory_space<vmem_shared>>
      tpu.enqueue_dma source(%arg8 : memref<64x128xf32, #tpu.memory_space<vmem>>) target(%dma_start3A_120 : memref<64x128xf32, #tpu.memory_space<vmem_shared>>) target_semaphore(%run_scoped3A : memref<!tpu.dma_semaphore, #tpu.memory_space<semaphore_mem>>)
      %dma_wait3A_121 = arith.constant 0 : i32
      %dma_wait3A_122 = tpu.memref_slice %arg6[%add3A_19, %dma_wait3A_121] : memref<10000x128xf32, #tpu.memory_space<vmem_shared>> -> memref<64x128xf32, #tpu.memory_space<vmem_shared>>
      %dma_wait3A_123 = arith.constant 0 : i32
      %dma_wait3A_124 = tpu.memref_slice %arg6[%add3A_19, %dma_wait3A_123] : memref<10000x128xf32, #tpu.memory_space<vmem_shared>> -> memref<64x128xf32, #tpu.memory_space<vmem_shared>>
      tpu.wait_dma2 semaphore(%run_scoped3A : memref<!tpu.dma_semaphore, #tpu.memory_space<semaphore_mem>>) src(%arg8 : memref<64x128xf32, #tpu.memory_space<vmem>>) dst(%dma_wait3A_124 : memref<64x128xf32, #tpu.memory_space<vmem_shared>>)
      tpu.yield
    }) : () -> ()
    %add3A_20 = arith.constant 256 : i32
    %add3A_21 = arith.addi %mul3A_11, %add3A_20 : i32
    "tpu.region"() ({
      %run_scoped3A = tpu.sem_alloc : memref<!tpu.dma_semaphore, #tpu.memory_space<semaphore_mem>>
      %dma_start3A_117 = arith.constant 0 : i32
      %dma_start3A_118 = tpu.memref_slice %arg6[%add3A_21, %dma_start3A_117] : memref<10000x128xf32, #tpu.memory_space<vmem_shared>> -> memref<64x128xf32, #tpu.memory_space<vmem_shared>>
      %dma_start3A_119 = arith.constant 0 : i32
      %dma_start3A_120 = tpu.memref_slice %arg6[%add3A_21, %dma_start3A_119] : memref<10000x128xf32, #tpu.memory_space<vmem_shared>> -> memref<64x128xf32, #tpu.memory_space<vmem_shared>>
      tpu.enqueue_dma source(%arg8 : memref<64x128xf32, #tpu.memory_space<vmem>>) target(%dma_start3A_120 : memref<64x128xf32, #tpu.memory_space<vmem_shared>>) target_semaphore(%run_scoped3A : memref<!tpu.dma_semaphore, #tpu.memory_space<semaphore_mem>>)
      %dma_wait3A_121 = arith.constant 0 : i32
      %dma_wait3A_122 = tpu.memref_slice %arg6[%add3A_21, %dma_wait3A_121] : memref<10000x128xf32, #tpu.memory_space<vmem_shared>> -> memref<64x128xf32, #tpu.memory_space<vmem_shared>>
      %dma_wait3A_123 = arith.constant 0 : i32
      %dma_wait3A_124 = tpu.memref_slice %arg6[%add3A_21, %dma_wait3A_123] : memref<10000x128xf32, #tpu.memory_space<vmem_shared>> -> memref<64x128xf32, #tpu.memory_space<vmem_shared>>
      tpu.wait_dma2 semaphore(%run_scoped3A : memref<!tpu.dma_semaphore, #tpu.memory_space<semaphore_mem>>) src(%arg8 : memref<64x128xf32, #tpu.memory_space<vmem>>) dst(%dma_wait3A_124 : memref<64x128xf32, #tpu.memory_space<vmem_shared>>)
      tpu.yield
    }) : () -> ()
    %add3A_22 = arith.constant 320 : i32
    %add3A_23 = arith.addi %mul3A_11, %add3A_22 : i32
    "tpu.region"() ({
      %run_scoped3A = tpu.sem_alloc : memref<!tpu.dma_semaphore, #tpu.memory_space<semaphore_mem>>
      %dma_start3A_117 = arith.constant 0 : i32
      %dma_start3A_118 = tpu.memref_slice %arg6[%add3A_23, %dma_start3A_117] : memref<10000x128xf32, #tpu.memory_space<vmem_shared>> -> memref<64x128xf32, #tpu.memory_space<vmem_shared>>
      %dma_start3A_119 = arith.constant 0 : i32
      %dma_start3A_120 = tpu.memref_slice %arg6[%add3A_23, %dma_start3A_119] : memref<10000x128xf32, #tpu.memory_space<vmem_shared>> -> memref<64x128xf32, #tpu.memory_space<vmem_shared>>
      tpu.enqueue_dma source(%arg8 : memref<64x128xf32, #tpu.memory_space<vmem>>) target(%dma_start3A_120 : memref<64x128xf32, #tpu.memory_space<vmem_shared>>) target_semaphore(%run_scoped3A : memref<!tpu.dma_semaphore, #tpu.memory_space<semaphore_mem>>)
      %dma_wait3A_121 = arith.constant 0 : i32
      %dma_wait3A_122 = tpu.memref_slice %arg6[%add3A_23, %dma_wait3A_121] : memref<10000x128xf32, #tpu.memory_space<vmem_shared>> -> memref<64x128xf32, #tpu.memory_space<vmem_shared>>
      %dma_wait3A_123 = arith.constant 0 : i32
      %dma_wait3A_124 = tpu.memref_slice %arg6[%add3A_23, %dma_wait3A_123] : memref<10000x128xf32, #tpu.memory_space<vmem_shared>> -> memref<64x128xf32, #tpu.memory_space<vmem_shared>>
      tpu.wait_dma2 semaphore(%run_scoped3A : memref<!tpu.dma_semaphore, #tpu.memory_space<semaphore_mem>>) src(%arg8 : memref<64x128xf32, #tpu.memory_space<vmem>>) dst(%dma_wait3A_124 : memref<64x128xf32, #tpu.memory_space<vmem_shared>>)
      tpu.yield
    }) : () -> ()
    %add3A_24 = arith.constant 384 : i32
    %add3A_25 = arith.addi %mul3A_11, %add3A_24 : i32
    "tpu.region"() ({
      %run_scoped3A = tpu.sem_alloc : memref<!tpu.dma_semaphore, #tpu.memory_space<semaphore_mem>>
      %dma_start3A_117 = arith.constant 0 : i32
      %dma_start3A_118 = tpu.memref_slice %arg6[%add3A_25, %dma_start3A_117] : memref<10000x128xf32, #tpu.memory_space<vmem_shared>> -> memref<64x128xf32, #tpu.memory_space<vmem_shared>>
      %dma_start3A_119 = arith.constant 0 : i32
      %dma_start3A_120 = tpu.memref_slice %arg6[%add3A_25, %dma_start3A_119] : memref<10000x128xf32, #tpu.memory_space<vmem_shared>> -> memref<64x128xf32, #tpu.memory_space<vmem_shared>>
      tpu.enqueue_dma source(%arg8 : memref<64x128xf32, #tpu.memory_space<vmem>>) target(%dma_start3A_120 : memref<64x128xf32, #tpu.memory_space<vmem_shared>>) target_semaphore(%run_scoped3A : memref<!tpu.dma_semaphore, #tpu.memory_space<semaphore_mem>>)
      %dma_wait3A_121 = arith.constant 0 : i32
      %dma_wait3A_122 = tpu.memref_slice %arg6[%add3A_25, %dma_wait3A_121] : memref<10000x128xf32, #tpu.memory_space<vmem_shared>> -> memref<64x128xf32, #tpu.memory_space<vmem_shared>>
      %dma_wait3A_123 = arith.constant 0 : i32
      %dma_wait3A_124 = tpu.memref_slice %arg6[%add3A_25, %dma_wait3A_123] : memref<10000x128xf32, #tpu.memory_space<vmem_shared>> -> memref<64x128xf32, #tpu.memory_space<vmem_shared>>
      tpu.wait_dma2 semaphore(%run_scoped3A : memref<!tpu.dma_semaphore, #tpu.memory_space<semaphore_mem>>) src(%arg8 : memref<64x128xf32, #tpu.memory_space<vmem>>) dst(%dma_wait3A_124 : memref<64x128xf32, #tpu.memory_space<vmem_shared>>)
      tpu.yield
    }) : () -> ()
    %add3A_26 = arith.constant 448 : i32
    %add3A_27 = arith.addi %mul3A_11, %add3A_26 : i32
    "tpu.region"() ({
      %run_scoped3A = tpu.sem_alloc : memref<!tpu.dma_semaphore, #tpu.memory_space<semaphore_mem>>
      %dma_start3A_117 = arith.constant 0 : i32
      %dma_start3A_118 = tpu.memref_slice %arg6[%add3A_27, %dma_start3A_117] : memref<10000x128xf32, #tpu.memory_space<vmem_shared>> -> memref<64x128xf32, #tpu.memory_space<vmem_shared>>
      %dma_start3A_119 = arith.constant 0 : i32
      %dma_start3A_120 = tpu.memref_slice %arg6[%add3A_27, %dma_start3A_119] : memref<10000x128xf32, #tpu.memory_space<vmem_shared>> -> memref<64x128xf32, #tpu.memory_space<vmem_shared>>
      tpu.enqueue_dma source(%arg8 : memref<64x128xf32, #tpu.memory_space<vmem>>) target(%dma_start3A_120 : memref<64x128xf32, #tpu.memory_space<vmem_shared>>) target_semaphore(%run_scoped3A : memref<!tpu.dma_semaphore, #tpu.memory_space<semaphore_mem>>)
      %dma_wait3A_121 = arith.constant 0 : i32
      %dma_wait3A_122 = tpu.memref_slice %arg6[%add3A_27, %dma_wait3A_121] : memref<10000x128xf32, #tpu.memory_space<vmem_shared>> -> memref<64x128xf32, #tpu.memory_space<vmem_shared>>
      %dma_wait3A_123 = arith.constant 0 : i32
      %dma_wait3A_124 = tpu.memref_slice %arg6[%add3A_27, %dma_wait3A_123] : memref<10000x128xf32, #tpu.memory_space<vmem_shared>> -> memref<64x128xf32, #tpu.memory_space<vmem_shared>>
      tpu.wait_dma2 semaphore(%run_scoped3A : memref<!tpu.dma_semaphore, #tpu.memory_space<semaphore_mem>>) src(%arg8 : memref<64x128xf32, #tpu.memory_space<vmem>>) dst(%dma_wait3A_124 : memref<64x128xf32, #tpu.memory_space<vmem_shared>>)
      tpu.yield
    }) : () -> ()
    %add3A_28 = arith.constant 512 : i32
    %add3A_29 = arith.addi %mul3A_11, %add3A_28 : i32
    "tpu.region"() ({
      %run_scoped3A = tpu.sem_alloc : memref<!tpu.dma_semaphore, #tpu.memory_space<semaphore_mem>>
      %dma_start3A_117 = arith.constant 0 : i32
      %dma_start3A_118 = tpu.memref_slice %arg6[%add3A_29, %dma_start3A_117] : memref<10000x128xf32, #tpu.memory_space<vmem_shared>> -> memref<64x128xf32, #tpu.memory_space<vmem_shared>>
      %dma_start3A_119 = arith.constant 0 : i32
      %dma_start3A_120 = tpu.memref_slice %arg6[%add3A_29, %dma_start3A_119] : memref<10000x128xf32, #tpu.memory_space<vmem_shared>> -> memref<64x128xf32, #tpu.memory_space<vmem_shared>>
      tpu.enqueue_dma source(%arg8 : memref<64x128xf32, #tpu.memory_space<vmem>>) target(%dma_start3A_120 : memref<64x128xf32, #tpu.memory_space<vmem_shared>>) target_semaphore(%run_scoped3A : memref<!tpu.dma_semaphore, #tpu.memory_space<semaphore_mem>>)
      %dma_wait3A_121 = arith.constant 0 : i32
      %dma_wait3A_122 = tpu.memref_slice %arg6[%add3A_29, %dma_wait3A_121] : memref<10000x128xf32, #tpu.memory_space<vmem_shared>> -> memref<64x128xf32, #tpu.memory_space<vmem_shared>>
      %dma_wait3A_123 = arith.constant 0 : i32
      %dma_wait3A_124 = tpu.memref_slice %arg6[%add3A_29, %dma_wait3A_123] : memref<10000x128xf32, #tpu.memory_space<vmem_shared>> -> memref<64x128xf32, #tpu.memory_space<vmem_shared>>
      tpu.wait_dma2 semaphore(%run_scoped3A : memref<!tpu.dma_semaphore, #tpu.memory_space<semaphore_mem>>) src(%arg8 : memref<64x128xf32, #tpu.memory_space<vmem>>) dst(%dma_wait3A_124 : memref<64x128xf32, #tpu.memory_space<vmem_shared>>)
      tpu.yield
    }) : () -> ()
    %add3A_30 = arith.constant 576 : i32
    %add3A_31 = arith.addi %mul3A_11, %add3A_30 : i32
    "tpu.region"() ({
      %run_scoped3A = tpu.sem_alloc : memref<!tpu.dma_semaphore, #tpu.memory_space<semaphore_mem>>
      %dma_start3A_117 = arith.constant 0 : i32
      %dma_start3A_118 = arith.constant 0 : i32
      %dma_start3A_119 = tpu.memref_slice %arg8[%dma_start3A_117, %dma_start3A_118] : memref<64x128xf32, #tpu.memory_space<vmem>> -> memref<48x128xf32, #tpu.memory_space<vmem>>
      %dma_start3A_120 = arith.constant 0 : i32
      %dma_start3A_121 = tpu.memref_slice %arg6[%add3A_31, %dma_start3A_120] : memref<10000x128xf32, #tpu.memory_space<vmem_shared>> -> memref<48x128xf32, #tpu.memory_space<vmem_shared>>
      %dma_start3A_122 = arith.constant 0 : i32
      %dma_start3A_123 = tpu.memref_slice %arg6[%add3A_31, %dma_start3A_122] : memref<10000x128xf32, #tpu.memory_space<vmem_shared>> -> memref<48x128xf32, #tpu.memory_space<vmem_shared>>
      %dma_start3A_124 = arith.constant 0 : i32
      %dma_start3A_125 = arith.constant 0 : i32
      %dma_start3A_126 = tpu.memref_slice %arg8[%dma_start3A_124, %dma_start3A_125] : memref<64x128xf32, #tpu.memory_space<vmem>> -> memref<48x128xf32, #tpu.memory_space<vmem>>
      tpu.enqueue_dma source(%dma_start3A_126 : memref<48x128xf32, #tpu.memory_space<vmem>>) target(%dma_start3A_123 : memref<48x128xf32, #tpu.memory_space<vmem_shared>>) target_semaphore(%run_scoped3A : memref<!tpu.dma_semaphore, #tpu.memory_space<semaphore_mem>>)
      %dma_wait3A_127 = arith.constant 0 : i32
      %dma_wait3A_128 = arith.constant 0 : i32
      %dma_wait3A_129 = tpu.memref_slice %arg8[%dma_wait3A_127, %dma_wait3A_128] : memref<64x128xf32, #tpu.memory_space<vmem>> -> memref<48x128xf32, #tpu.memory_space<vmem>>
      %dma_wait3A_130 = arith.constant 0 : i32
      %dma_wait3A_131 = tpu.memref_slice %arg6[%add3A_31, %dma_wait3A_130] : memref<10000x128xf32, #tpu.memory_space<vmem_shared>> -> memref<48x128xf32, #tpu.memory_space<vmem_shared>>
      %dma_wait3A_132 = arith.constant 0 : i32
      %dma_wait3A_133 = tpu.memref_slice %arg6[%add3A_31, %dma_wait3A_132] : memref<10000x128xf32, #tpu.memory_space<vmem_shared>> -> memref<48x128xf32, #tpu.memory_space<vmem_shared>>
      %dma_wait3A_134 = arith.constant 0 : i32
      %dma_wait3A_135 = arith.constant 0 : i32
      %dma_wait3A_136 = tpu.memref_slice %arg8[%dma_wait3A_134, %dma_wait3A_135] : memref<64x128xf32, #tpu.memory_space<vmem>> -> memref<48x128xf32, #tpu.memory_space<vmem>>
      tpu.wait_dma2 semaphore(%run_scoped3A : memref<!tpu.dma_semaphore, #tpu.memory_space<semaphore_mem>>) src(%dma_wait3A_136 : memref<48x128xf32, #tpu.memory_space<vmem>>) dst(%dma_wait3A_133 : memref<48x128xf32, #tpu.memory_space<vmem_shared>>)
      tpu.yield
    }) : () -> ()
    %eq3A = arith.constant 15 : i32
    %eq3A_32 = arith.cmpi eq, %arg1, %eq3A : i32
    %convert_element_type3A = arith.extui %eq3A_32 : i1 to i32
    %cond3A = arith.constant 0 : i32
    %cond3A_33 = arith.cmpi ne, %convert_element_type3A, %cond3A : i32
    scf.if %cond3A_33 {
      "tpu.region"() ({
        %run_scoped3A = tpu.sem_alloc : memref<!tpu.dma_semaphore, #tpu.memory_space<semaphore_mem>>
        %dma_start3A_117 = arith.constant 0 : i32
        %dma_start3A_118 = arith.constant 0 : i32
        %dma_start3A_119 = tpu.memref_slice %arg8[%dma_start3A_117, %dma_start3A_118] : memref<64x128xf32, #tpu.memory_space<vmem>> -> memref<16x128xf32, #tpu.memory_space<vmem>>
        %dma_start3A_120 = arith.constant 9984 : i32
        %dma_start3A_121 = arith.constant 0 : i32
        %dma_start3A_122 = tpu.memref_slice %arg6[%dma_start3A_120, %dma_start3A_121] : memref<10000x128xf32, #tpu.memory_space<vmem_shared>> -> memref<16x128xf32, #tpu.memory_space<vmem_shared>>
        %dma_start3A_123 = arith.constant 9984 : i32
        %dma_start3A_124 = arith.constant 0 : i32
        %dma_start3A_125 = tpu.memref_slice %arg6[%dma_start3A_123, %dma_start3A_124] : memref<10000x128xf32, #tpu.memory_space<vmem_shared>> -> memref<16x128xf32, #tpu.memory_space<vmem_shared>>
        %dma_start3A_126 = arith.constant 0 : i32
        %dma_start3A_127 = arith.constant 0 : i32
        %dma_start3A_128 = tpu.memref_slice %arg8[%dma_start3A_126, %dma_start3A_127] : memref<64x128xf32, #tpu.memory_space<vmem>> -> memref<16x128xf32, #tpu.memory_space<vmem>>
        tpu.enqueue_dma source(%dma_start3A_128 : memref<16x128xf32, #tpu.memory_space<vmem>>) target(%dma_start3A_125 : memref<16x128xf32, #tpu.memory_space<vmem_shared>>) target_semaphore(%run_scoped3A : memref<!tpu.dma_semaphore, #tpu.memory_space<semaphore_mem>>)
        %dma_wait3A_129 = arith.constant 0 : i32
        %dma_wait3A_130 = arith.constant 0 : i32
        %dma_wait3A_131 = tpu.memref_slice %arg8[%dma_wait3A_129, %dma_wait3A_130] : memref<64x128xf32, #tpu.memory_space<vmem>> -> memref<16x128xf32, #tpu.memory_space<vmem>>
        %dma_wait3A_132 = arith.constant 9984 : i32
        %dma_wait3A_133 = arith.constant 0 : i32
        %dma_wait3A_134 = tpu.memref_slice %arg6[%dma_wait3A_132, %dma_wait3A_133] : memref<10000x128xf32, #tpu.memory_space<vmem_shared>> -> memref<16x128xf32, #tpu.memory_space<vmem_shared>>
        %dma_wait3A_135 = arith.constant 9984 : i32
        %dma_wait3A_136 = arith.constant 0 : i32
        %dma_wait3A_137 = tpu.memref_slice %arg6[%dma_wait3A_135, %dma_wait3A_136] : memref<10000x128xf32, #tpu.memory_space<vmem_shared>> -> memref<16x128xf32, #tpu.memory_space<vmem_shared>>
        %dma_wait3A_138 = arith.constant 0 : i32
        %dma_wait3A_139 = arith.constant 0 : i32
        %dma_wait3A_140 = tpu.memref_slice %arg8[%dma_wait3A_138, %dma_wait3A_139] : memref<64x128xf32, #tpu.memory_space<vmem>> -> memref<16x128xf32, #tpu.memory_space<vmem>>
        tpu.wait_dma2 semaphore(%run_scoped3A : memref<!tpu.dma_semaphore, #tpu.memory_space<semaphore_mem>>) src(%dma_wait3A_140 : memref<16x128xf32, #tpu.memory_space<vmem>>) dst(%dma_wait3A_137 : memref<16x128xf32, #tpu.memory_space<vmem_shared>>)
        tpu.yield
      }) : () -> ()
    } else {
    }
    %dma_wait3A = tpu.memref_slice %arg3[%mul3A_2] : memref<320000xi32, #tpu.memory_space<hbm>> -> memref<10000xi32, #tpu.memory_space<hbm>>
    %dma_wait3A_34 = tpu.memref_slice %arg3[%mul3A_2] : memref<320000xi32, #tpu.memory_space<hbm>> -> memref<10000xi32, #tpu.memory_space<hbm>>
    tpu.wait_dma2 semaphore(%arg19 : memref<!tpu.dma_semaphore, #tpu.memory_space<semaphore_mem>>) src(%dma_wait3A_34 : memref<10000xi32, #tpu.memory_space<hbm>>) dst(%arg7 : memref<10000xi32, #tpu.memory_space<vmem>>)
    %barrier3A = arith.constant 0 : index
    tpu.barrier barrier_id(%barrier3A)
    %scan3A_35 = arith.constant 0 : i32
    %scan3A_36 = arith.constant 0 : i32
    %scan3A_37 = arith.constant 39 : i32
    %scan3A_38 = arith.addi %scan3A_36, %scan3A_37 : i32
    %scan3A_39 = arith.constant 1 : i32
    %scan3A_40 = scf.for %scan3A_117 = %scan3A_36 to %scan3A_38 step %scan3A_39 iter_args(%scan3A_118 = %scan3A_35) -> (i32)  : i32 {
      %mul3A_119 = arith.constant 4 : i32
      %mul3A_120 = arith.muli %scan3A_117, %mul3A_119 : i32
      %add3A_121 = arith.constant 0 : i32
      %add3A_122 = arith.addi %mul3A_120, %add3A_121 : i32
      %gt3A = arith.constant 0 : i32
      %gt3A_123 = arith.cmpi sgt, %scan3A_117, %gt3A : i32
      %convert_element_type3A_124 = arith.extui %gt3A_123 : i1 to i32
      %cond3A_125 = arith.constant 0 : i32
      %cond3A_126 = arith.cmpi ne, %convert_element_type3A_124, %cond3A_125 : i32
      scf.if %cond3A_126 {
        %dma_wait3A_235 = arith.constant 0 : i32
        %dma_wait3A_236 = arith.constant 0 : i32
        %dma_wait3A_237 = tpu.memref_slice %arg6[%dma_wait3A_235, %dma_wait3A_236] : memref<10000x128xf32, #tpu.memory_space<vmem_shared>> -> memref<10000x128xf32, #tpu.memory_space<vmem_shared>>
        tpu.wait_indirect_dma semaphore(%arg24 : memref<!tpu.dma_semaphore, #tpu.memory_space<semaphore_mem>>) src(%arg8 : memref<64x128xf32, #tpu.memory_space<vmem>>) dst(%dma_wait3A_237 : memref<10000x128xf32, #tpu.memory_space<vmem_shared>>)
      } else {
      }
      %mul3A_127 = arith.constant 64 : i32
      %mul3A_128 = arith.muli %add3A_122, %mul3A_127 : i32
      %add3A_129 = arith.addi %mul3A_2, %mul3A_128 : i32
      %dma_start3A_130 = tpu.memref_slice %arg4[%add3A_129] : memref<320000xi32, #tpu.memory_space<hbm>> -> memref<64xi32, #tpu.memory_space<hbm>>
      %dma_start3A_131 = tpu.memref_slice %arg4[%add3A_129] : memref<320000xi32, #tpu.memory_space<hbm>> -> memref<64xi32, #tpu.memory_space<hbm>>
      tpu.enqueue_dma source(%dma_start3A_131 : memref<64xi32, #tpu.memory_space<hbm>>) target(%arg12 : memref<64xi32, #tpu.memory_space<vmem>>) target_semaphore(%arg28 : memref<!tpu.dma_semaphore, #tpu.memory_space<semaphore_mem>>)
      %mul3A_132 = arith.constant 64 : i32
      %mul3A_133 = arith.muli %add3A_122, %mul3A_132 : i32
      %dma_start3A_134 = tpu.memref_slice %arg7[%mul3A_133] : memref<10000xi32, #tpu.memory_space<vmem>> -> memref<64xi32, #tpu.memory_space<vmem>>
      %dma_start3A_135 = arith.constant 0 : i32
      %dma_start3A_136 = arith.constant 0 : i32
      %dma_start3A_137 = tpu.memref_slice %arg2[%dma_start3A_135, %dma_start3A_136] : memref<10000x128xf32, #tpu.memory_space<hbm>> -> memref<10000x128xf32, #tpu.memory_space<hbm>>
      tpu.enqueue_indirect_dma source(%dma_start3A_137 : memref<10000x128xf32, #tpu.memory_space<hbm>>) target(%arg8 : memref<64x128xf32, #tpu.memory_space<vmem>>) offsets(%dma_start3A_134 : memref<64xi32, #tpu.memory_space<vmem>>) semaphore(%arg20 : memref<!tpu.dma_semaphore, #tpu.memory_space<semaphore_mem>>)
      %mul3A_138 = arith.constant 4 : i32
      %mul3A_139 = arith.muli %scan3A_117, %mul3A_138 : i32
      %add3A_140 = arith.constant 1 : i32
      %add3A_141 = arith.addi %mul3A_139, %add3A_140 : i32
      %gt3A_142 = arith.constant 0 : i32
      %gt3A_143 = arith.cmpi sgt, %scan3A_117, %gt3A_142 : i32
      %convert_element_type3A_144 = arith.extui %gt3A_143 : i1 to i32
      %cond3A_145 = arith.constant 0 : i32
      %cond3A_146 = arith.cmpi ne, %convert_element_type3A_144, %cond3A_145 : i32
      scf.if %cond3A_146 {
        %dma_wait3A_235 = arith.constant 0 : i32
        %dma_wait3A_236 = arith.constant 0 : i32
        %dma_wait3A_237 = tpu.memref_slice %arg6[%dma_wait3A_235, %dma_wait3A_236] : memref<10000x128xf32, #tpu.memory_space<vmem_shared>> -> memref<10000x128xf32, #tpu.memory_space<vmem_shared>>
        tpu.wait_indirect_dma semaphore(%arg25 : memref<!tpu.dma_semaphore, #tpu.memory_space<semaphore_mem>>) src(%arg9 : memref<64x128xf32, #tpu.memory_space<vmem>>) dst(%dma_wait3A_237 : memref<10000x128xf32, #tpu.memory_space<vmem_shared>>)
      } else {
      }
      %mul3A_147 = arith.constant 64 : i32
      %mul3A_148 = arith.muli %add3A_141, %mul3A_147 : i32
      %add3A_149 = arith.addi %mul3A_2, %mul3A_148 : i32
      %dma_start3A_150 = tpu.memref_slice %arg4[%add3A_149] : memref<320000xi32, #tpu.memory_space<hbm>> -> memref<64xi32, #tpu.memory_space<hbm>>
      %dma_start3A_151 = tpu.memref_slice %arg4[%add3A_149] : memref<320000xi32, #tpu.memory_space<hbm>> -> memref<64xi32, #tpu.memory_space<hbm>>
      tpu.enqueue_dma source(%dma_start3A_151 : memref<64xi32, #tpu.memory_space<hbm>>) target(%arg13 : memref<64xi32, #tpu.memory_space<vmem>>) target_semaphore(%arg29 : memref<!tpu.dma_semaphore, #tpu.memory_space<semaphore_mem>>)
      %mul3A_152 = arith.constant 64 : i32
      %mul3A_153 = arith.muli %add3A_141, %mul3A_152 : i32
      %dma_start3A_154 = tpu.memref_slice %arg7[%mul3A_153] : memref<10000xi32, #tpu.memory_space<vmem>> -> memref<64xi32, #tpu.memory_space<vmem>>
      %dma_start3A_155 = arith.constant 0 : i32
      %dma_start3A_156 = arith.constant 0 : i32
      %dma_start3A_157 = tpu.memref_slice %arg2[%dma_start3A_155, %dma_start3A_156] : memref<10000x128xf32, #tpu.memory_space<hbm>> -> memref<10000x128xf32, #tpu.memory_space<hbm>>
      tpu.enqueue_indirect_dma source(%dma_start3A_157 : memref<10000x128xf32, #tpu.memory_space<hbm>>) target(%arg9 : memref<64x128xf32, #tpu.memory_space<vmem>>) offsets(%dma_start3A_154 : memref<64xi32, #tpu.memory_space<vmem>>) semaphore(%arg21 : memref<!tpu.dma_semaphore, #tpu.memory_space<semaphore_mem>>)
      %mul3A_158 = arith.constant 4 : i32
      %mul3A_159 = arith.muli %scan3A_117, %mul3A_158 : i32
      %add3A_160 = arith.constant 2 : i32
      %add3A_161 = arith.addi %mul3A_159, %add3A_160 : i32
      %gt3A_162 = arith.constant 0 : i32
      %gt3A_163 = arith.cmpi sgt, %scan3A_117, %gt3A_162 : i32
      %convert_element_type3A_164 = arith.extui %gt3A_163 : i1 to i32
      %cond3A_165 = arith.constant 0 : i32
      %cond3A_166 = arith.cmpi ne, %convert_element_type3A_164, %cond3A_165 : i32
      scf.if %cond3A_166 {
        %dma_wait3A_235 = arith.constant 0 : i32
        %dma_wait3A_236 = arith.constant 0 : i32
        %dma_wait3A_237 = tpu.memref_slice %arg6[%dma_wait3A_235, %dma_wait3A_236] : memref<10000x128xf32, #tpu.memory_space<vmem_shared>> -> memref<10000x128xf32, #tpu.memory_space<vmem_shared>>
        tpu.wait_indirect_dma semaphore(%arg26 : memref<!tpu.dma_semaphore, #tpu.memory_space<semaphore_mem>>) src(%arg10 : memref<64x128xf32, #tpu.memory_space<vmem>>) dst(%dma_wait3A_237 : memref<10000x128xf32, #tpu.memory_space<vmem_shared>>)
      } else {
      }
      %mul3A_167 = arith.constant 64 : i32
      %mul3A_168 = arith.muli %add3A_161, %mul3A_167 : i32
      %add3A_169 = arith.addi %mul3A_2, %mul3A_168 : i32
      %dma_start3A_170 = tpu.memref_slice %arg4[%add3A_169] : memref<320000xi32, #tpu.memory_space<hbm>> -> memref<64xi32, #tpu.memory_space<hbm>>
      %dma_start3A_171 = tpu.memref_slice %arg4[%add3A_169] : memref<320000xi32, #tpu.memory_space<hbm>> -> memref<64xi32, #tpu.memory_space<hbm>>
      tpu.enqueue_dma source(%dma_start3A_171 : memref<64xi32, #tpu.memory_space<hbm>>) target(%arg14 : memref<64xi32, #tpu.memory_space<vmem>>) target_semaphore(%arg30 : memref<!tpu.dma_semaphore, #tpu.memory_space<semaphore_mem>>)
      %mul3A_172 = arith.constant 64 : i32
      %mul3A_173 = arith.muli %add3A_161, %mul3A_172 : i32
      %dma_start3A_174 = tpu.memref_slice %arg7[%mul3A_173] : memref<10000xi32, #tpu.memory_space<vmem>> -> memref<64xi32, #tpu.memory_space<vmem>>
      %dma_start3A_175 = arith.constant 0 : i32
      %dma_start3A_176 = arith.constant 0 : i32
      %dma_start3A_177 = tpu.memref_slice %arg2[%dma_start3A_175, %dma_start3A_176] : memref<10000x128xf32, #tpu.memory_space<hbm>> -> memref<10000x128xf32, #tpu.memory_space<hbm>>
      tpu.enqueue_indirect_dma source(%dma_start3A_177 : memref<10000x128xf32, #tpu.memory_space<hbm>>) target(%arg10 : memref<64x128xf32, #tpu.memory_space<vmem>>) offsets(%dma_start3A_174 : memref<64xi32, #tpu.memory_space<vmem>>) semaphore(%arg22 : memref<!tpu.dma_semaphore, #tpu.memory_space<semaphore_mem>>)
      %mul3A_178 = arith.constant 4 : i32
      %mul3A_179 = arith.muli %scan3A_117, %mul3A_178 : i32
      %add3A_180 = arith.constant 3 : i32
      %add3A_181 = arith.addi %mul3A_179, %add3A_180 : i32
      %gt3A_182 = arith.constant 0 : i32
      %gt3A_183 = arith.cmpi sgt, %scan3A_117, %gt3A_182 : i32
      %convert_element_type3A_184 = arith.extui %gt3A_183 : i1 to i32
      %cond3A_185 = arith.constant 0 : i32
      %cond3A_186 = arith.cmpi ne, %convert_element_type3A_184, %cond3A_185 : i32
      scf.if %cond3A_186 {
        %dma_wait3A_235 = arith.constant 0 : i32
        %dma_wait3A_236 = arith.constant 0 : i32
        %dma_wait3A_237 = tpu.memref_slice %arg6[%dma_wait3A_235, %dma_wait3A_236] : memref<10000x128xf32, #tpu.memory_space<vmem_shared>> -> memref<10000x128xf32, #tpu.memory_space<vmem_shared>>
        tpu.wait_indirect_dma semaphore(%arg27 : memref<!tpu.dma_semaphore, #tpu.memory_space<semaphore_mem>>) src(%arg11 : memref<64x128xf32, #tpu.memory_space<vmem>>) dst(%dma_wait3A_237 : memref<10000x128xf32, #tpu.memory_space<vmem_shared>>)
      } else {
      }
      %mul3A_187 = arith.constant 64 : i32
      %mul3A_188 = arith.muli %add3A_181, %mul3A_187 : i32
      %add3A_189 = arith.addi %mul3A_2, %mul3A_188 : i32
      %dma_start3A_190 = tpu.memref_slice %arg4[%add3A_189] : memref<320000xi32, #tpu.memory_space<hbm>> -> memref<64xi32, #tpu.memory_space<hbm>>
      %dma_start3A_191 = tpu.memref_slice %arg4[%add3A_189] : memref<320000xi32, #tpu.memory_space<hbm>> -> memref<64xi32, #tpu.memory_space<hbm>>
      tpu.enqueue_dma source(%dma_start3A_191 : memref<64xi32, #tpu.memory_space<hbm>>) target(%arg15 : memref<64xi32, #tpu.memory_space<vmem>>) target_semaphore(%arg31 : memref<!tpu.dma_semaphore, #tpu.memory_space<semaphore_mem>>)
      %mul3A_192 = arith.constant 64 : i32
      %mul3A_193 = arith.muli %add3A_181, %mul3A_192 : i32
      %dma_start3A_194 = tpu.memref_slice %arg7[%mul3A_193] : memref<10000xi32, #tpu.memory_space<vmem>> -> memref<64xi32, #tpu.memory_space<vmem>>
      %dma_start3A_195 = arith.constant 0 : i32
      %dma_start3A_196 = arith.constant 0 : i32
      %dma_start3A_197 = tpu.memref_slice %arg2[%dma_start3A_195, %dma_start3A_196] : memref<10000x128xf32, #tpu.memory_space<hbm>> -> memref<10000x128xf32, #tpu.memory_space<hbm>>
      tpu.enqueue_indirect_dma source(%dma_start3A_197 : memref<10000x128xf32, #tpu.memory_space<hbm>>) target(%arg11 : memref<64x128xf32, #tpu.memory_space<vmem>>) offsets(%dma_start3A_194 : memref<64xi32, #tpu.memory_space<vmem>>) semaphore(%arg23 : memref<!tpu.dma_semaphore, #tpu.memory_space<semaphore_mem>>)
      %dma_wait3A_198 = tpu.memref_slice %arg4[%add3A_129] : memref<320000xi32, #tpu.memory_space<hbm>> -> memref<64xi32, #tpu.memory_space<hbm>>
      %dma_wait3A_199 = tpu.memref_slice %arg4[%add3A_129] : memref<320000xi32, #tpu.memory_space<hbm>> -> memref<64xi32, #tpu.memory_space<hbm>>
      tpu.wait_dma2 semaphore(%arg28 : memref<!tpu.dma_semaphore, #tpu.memory_space<semaphore_mem>>) src(%dma_wait3A_199 : memref<64xi32, #tpu.memory_space<hbm>>) dst(%arg12 : memref<64xi32, #tpu.memory_space<vmem>>)
      %dma_wait3A_200 = tpu.memref_slice %arg7[%mul3A_133] : memref<10000xi32, #tpu.memory_space<vmem>> -> memref<64xi32, #tpu.memory_space<vmem>>
      %dma_wait3A_201 = arith.constant 0 : i32
      %dma_wait3A_202 = arith.constant 0 : i32
      %dma_wait3A_203 = tpu.memref_slice %arg2[%dma_wait3A_201, %dma_wait3A_202] : memref<10000x128xf32, #tpu.memory_space<hbm>> -> memref<10000x128xf32, #tpu.memory_space<hbm>>
      tpu.wait_indirect_dma semaphore(%arg20 : memref<!tpu.dma_semaphore, #tpu.memory_space<semaphore_mem>>) src(%dma_wait3A_203 : memref<10000x128xf32, #tpu.memory_space<hbm>>) dst(%arg8 : memref<64x128xf32, #tpu.memory_space<vmem>>)
      %dma_start3A_204 = arith.constant 0 : i32
      %dma_start3A_205 = arith.constant 0 : i32
      %dma_start3A_206 = tpu.memref_slice %arg6[%dma_start3A_204, %dma_start3A_205] : memref<10000x128xf32, #tpu.memory_space<vmem_shared>> -> memref<10000x128xf32, #tpu.memory_space<vmem_shared>>
      tpu.enqueue_indirect_dma source(%arg8 : memref<64x128xf32, #tpu.memory_space<vmem>>) target(%dma_start3A_206 : memref<10000x128xf32, #tpu.memory_space<vmem_shared>>) offsets(%arg12 : memref<64xi32, #tpu.memory_space<vmem>>) semaphore(%arg24 : memref<!tpu.dma_semaphore, #tpu.memory_space<semaphore_mem>>) {add = true}
      %dma_wait3A_207 = tpu.memref_slice %arg4[%add3A_149] : memref<320000xi32, #tpu.memory_space<hbm>> -> memref<64xi32, #tpu.memory_space<hbm>>
      %dma_wait3A_208 = tpu.memref_slice %arg4[%add3A_149] : memref<320000xi32, #tpu.memory_space<hbm>> -> memref<64xi32, #tpu.memory_space<hbm>>
      tpu.wait_dma2 semaphore(%arg29 : memref<!tpu.dma_semaphore, #tpu.memory_space<semaphore_mem>>) src(%dma_wait3A_208 : memref<64xi32, #tpu.memory_space<hbm>>) dst(%arg13 : memref<64xi32, #tpu.memory_space<vmem>>)
      %dma_wait3A_209 = tpu.memref_slice %arg7[%mul3A_153] : memref<10000xi32, #tpu.memory_space<vmem>> -> memref<64xi32, #tpu.memory_space<vmem>>
      %dma_wait3A_210 = arith.constant 0 : i32
      %dma_wait3A_211 = arith.constant 0 : i32
      %dma_wait3A_212 = tpu.memref_slice %arg2[%dma_wait3A_210, %dma_wait3A_211] : memref<10000x128xf32, #tpu.memory_space<hbm>> -> memref<10000x128xf32, #tpu.memory_space<hbm>>
      tpu.wait_indirect_dma semaphore(%arg21 : memref<!tpu.dma_semaphore, #tpu.memory_space<semaphore_mem>>) src(%dma_wait3A_212 : memref<10000x128xf32, #tpu.memory_space<hbm>>) dst(%arg9 : memref<64x128xf32, #tpu.memory_space<vmem>>)
      %dma_start3A_213 = arith.constant 0 : i32
      %dma_start3A_214 = arith.constant 0 : i32
      %dma_start3A_215 = tpu.memref_slice %arg6[%dma_start3A_213, %dma_start3A_214] : memref<10000x128xf32, #tpu.memory_space<vmem_shared>> -> memref<10000x128xf32, #tpu.memory_space<vmem_shared>>
      tpu.enqueue_indirect_dma source(%arg9 : memref<64x128xf32, #tpu.memory_space<vmem>>) target(%dma_start3A_215 : memref<10000x128xf32, #tpu.memory_space<vmem_shared>>) offsets(%arg13 : memref<64xi32, #tpu.memory_space<vmem>>) semaphore(%arg25 : memref<!tpu.dma_semaphore, #tpu.memory_space<semaphore_mem>>) {add = true}
      %dma_wait3A_216 = tpu.memref_slice %arg4[%add3A_169] : memref<320000xi32, #tpu.memory_space<hbm>> -> memref<64xi32, #tpu.memory_space<hbm>>
      %dma_wait3A_217 = tpu.memref_slice %arg4[%add3A_169] : memref<320000xi32, #tpu.memory_space<hbm>> -> memref<64xi32, #tpu.memory_space<hbm>>
      tpu.wait_dma2 semaphore(%arg30 : memref<!tpu.dma_semaphore, #tpu.memory_space<semaphore_mem>>) src(%dma_wait3A_217 : memref<64xi32, #tpu.memory_space<hbm>>) dst(%arg14 : memref<64xi32, #tpu.memory_space<vmem>>)
      %dma_wait3A_218 = tpu.memref_slice %arg7[%mul3A_173] : memref<10000xi32, #tpu.memory_space<vmem>> -> memref<64xi32, #tpu.memory_space<vmem>>
      %dma_wait3A_219 = arith.constant 0 : i32
      %dma_wait3A_220 = arith.constant 0 : i32
      %dma_wait3A_221 = tpu.memref_slice %arg2[%dma_wait3A_219, %dma_wait3A_220] : memref<10000x128xf32, #tpu.memory_space<hbm>> -> memref<10000x128xf32, #tpu.memory_space<hbm>>
      tpu.wait_indirect_dma semaphore(%arg22 : memref<!tpu.dma_semaphore, #tpu.memory_space<semaphore_mem>>) src(%dma_wait3A_221 : memref<10000x128xf32, #tpu.memory_space<hbm>>) dst(%arg10 : memref<64x128xf32, #tpu.memory_space<vmem>>)
      %dma_start3A_222 = arith.constant 0 : i32
      %dma_start3A_223 = arith.constant 0 : i32
      %dma_start3A_224 = tpu.memref_slice %arg6[%dma_start3A_222, %dma_start3A_223] : memref<10000x128xf32, #tpu.memory_space<vmem_shared>> -> memref<10000x128xf32, #tpu.memory_space<vmem_shared>>
      tpu.enqueue_indirect_dma source(%arg10 : memref<64x128xf32, #tpu.memory_space<vmem>>) target(%dma_start3A_224 : memref<10000x128xf32, #tpu.memory_space<vmem_shared>>) offsets(%arg14 : memref<64xi32, #tpu.memory_space<vmem>>) semaphore(%arg26 : memref<!tpu.dma_semaphore, #tpu.memory_space<semaphore_mem>>) {add = true}
      %dma_wait3A_225 = tpu.memref_slice %arg4[%add3A_189] : memref<320000xi32, #tpu.memory_space<hbm>> -> memref<64xi32, #tpu.memory_space<hbm>>
      %dma_wait3A_226 = tpu.memref_slice %arg4[%add3A_189] : memref<320000xi32, #tpu.memory_space<hbm>> -> memref<64xi32, #tpu.memory_space<hbm>>
      tpu.wait_dma2 semaphore(%arg31 : memref<!tpu.dma_semaphore, #tpu.memory_space<semaphore_mem>>) src(%dma_wait3A_226 : memref<64xi32, #tpu.memory_space<hbm>>) dst(%arg15 : memref<64xi32, #tpu.memory_space<vmem>>)
      %dma_wait3A_227 = tpu.memref_slice %arg7[%mul3A_193] : memref<10000xi32, #tpu.memory_space<vmem>> -> memref<64xi32, #tpu.memory_space<vmem>>
      %dma_wait3A_228 = arith.constant 0 : i32
      %dma_wait3A_229 = arith.constant 0 : i32
      %dma_wait3A_230 = tpu.memref_slice %arg2[%dma_wait3A_228, %dma_wait3A_229] : memref<10000x128xf32, #tpu.memory_space<hbm>> -> memref<10000x128xf32, #tpu.memory_space<hbm>>
      tpu.wait_indirect_dma semaphore(%arg23 : memref<!tpu.dma_semaphore, #tpu.memory_space<semaphore_mem>>) src(%dma_wait3A_230 : memref<10000x128xf32, #tpu.memory_space<hbm>>) dst(%arg11 : memref<64x128xf32, #tpu.memory_space<vmem>>)
      %dma_start3A_231 = arith.constant 0 : i32
      %dma_start3A_232 = arith.constant 0 : i32
      %dma_start3A_233 = tpu.memref_slice %arg6[%dma_start3A_231, %dma_start3A_232] : memref<10000x128xf32, #tpu.memory_space<vmem_shared>> -> memref<10000x128xf32, #tpu.memory_space<vmem_shared>>
      tpu.enqueue_indirect_dma source(%arg11 : memref<64x128xf32, #tpu.memory_space<vmem>>) target(%dma_start3A_233 : memref<10000x128xf32, #tpu.memory_space<vmem_shared>>) offsets(%arg15 : memref<64xi32, #tpu.memory_space<vmem>>) semaphore(%arg27 : memref<!tpu.dma_semaphore, #tpu.memory_space<semaphore_mem>>) {add = true}
      %scan3A_234 = arith.constant 0 : i32
      scf.yield %scan3A_234 : i32
    }
    %scan3A_41 = arith.constant 39 : i32
    %dma_wait3A_42 = arith.constant 0 : i32
    %dma_wait3A_43 = arith.constant 0 : i32
    %dma_wait3A_44 = tpu.memref_slice %arg6[%dma_wait3A_42, %dma_wait3A_43] : memref<10000x128xf32, #tpu.memory_space<vmem_shared>> -> memref<10000x128xf32, #tpu.memory_space<vmem_shared>>
    tpu.wait_indirect_dma semaphore(%arg24 : memref<!tpu.dma_semaphore, #tpu.memory_space<semaphore_mem>>) src(%arg8 : memref<64x128xf32, #tpu.memory_space<vmem>>) dst(%dma_wait3A_44 : memref<10000x128xf32, #tpu.memory_space<vmem_shared>>)
    %dma_wait3A_45 = arith.constant 0 : i32
    %dma_wait3A_46 = arith.constant 0 : i32
    %dma_wait3A_47 = tpu.memref_slice %arg6[%dma_wait3A_45, %dma_wait3A_46] : memref<10000x128xf32, #tpu.memory_space<vmem_shared>> -> memref<10000x128xf32, #tpu.memory_space<vmem_shared>>
    tpu.wait_indirect_dma semaphore(%arg25 : memref<!tpu.dma_semaphore, #tpu.memory_space<semaphore_mem>>) src(%arg9 : memref<64x128xf32, #tpu.memory_space<vmem>>) dst(%dma_wait3A_47 : memref<10000x128xf32, #tpu.memory_space<vmem_shared>>)
    %dma_wait3A_48 = arith.constant 0 : i32
    %dma_wait3A_49 = arith.constant 0 : i32
    %dma_wait3A_50 = tpu.memref_slice %arg6[%dma_wait3A_48, %dma_wait3A_49] : memref<10000x128xf32, #tpu.memory_space<vmem_shared>> -> memref<10000x128xf32, #tpu.memory_space<vmem_shared>>
    tpu.wait_indirect_dma semaphore(%arg26 : memref<!tpu.dma_semaphore, #tpu.memory_space<semaphore_mem>>) src(%arg10 : memref<64x128xf32, #tpu.memory_space<vmem>>) dst(%dma_wait3A_50 : memref<10000x128xf32, #tpu.memory_space<vmem_shared>>)
    %dma_wait3A_51 = arith.constant 0 : i32
    %dma_wait3A_52 = arith.constant 0 : i32
    %dma_wait3A_53 = tpu.memref_slice %arg6[%dma_wait3A_51, %dma_wait3A_52] : memref<10000x128xf32, #tpu.memory_space<vmem_shared>> -> memref<10000x128xf32, #tpu.memory_space<vmem_shared>>
    tpu.wait_indirect_dma semaphore(%arg27 : memref<!tpu.dma_semaphore, #tpu.memory_space<semaphore_mem>>) src(%arg11 : memref<64x128xf32, #tpu.memory_space<vmem>>) dst(%dma_wait3A_53 : memref<10000x128xf32, #tpu.memory_space<vmem_shared>>)
    %get3A = arith.constant 9984 : index
    %get3A_54 = tpu.vector_load %arg7[%get3A] {strides = array<i32>} : memref<10000xi32, #tpu.memory_space<vmem>>, vector<16xi32>,
    %get3A_55 = vector.shape_cast %get3A_54 : vector<16xi32> to vector<16xi32>
    %swap3A = arith.constant 0 : index
    %swap3A_56 = tpu.vector_load %arg17[%swap3A] {strides = array<i32>} : memref<16xi32, #tpu.memory_space<vmem>>, vector<16xi32>,
    %swap3A_57 = vector.shape_cast %swap3A_56 : vector<16xi32> to vector<16xi32>
    %swap3A_58 = vector.shape_cast %get3A_55 : vector<16xi32> to vector<16xi32>
    tpu.vector_store %arg17[%swap3A], %swap3A_58 {strides = array<i32>} : memref<16xi32, #tpu.memory_space<vmem>>, vector<16xi32>,
    %add3A_59 = arith.constant 9984 : i32
    %add3A_60 = arith.addi %mul3A_2, %add3A_59 : i32
    %dma_start3A_61 = tpu.memref_slice %arg4[%add3A_60] : memref<320000xi32, #tpu.memory_space<hbm>> -> memref<16xi32, #tpu.memory_space<hbm>>
    %dma_start3A_62 = tpu.memref_slice %arg4[%add3A_60] : memref<320000xi32, #tpu.memory_space<hbm>> -> memref<16xi32, #tpu.memory_space<hbm>>
    tpu.enqueue_dma source(%dma_start3A_62 : memref<16xi32, #tpu.memory_space<hbm>>) target(%arg18 : memref<16xi32, #tpu.memory_space<vmem>>) target_semaphore(%arg28 : memref<!tpu.dma_semaphore, #tpu.memory_space<semaphore_mem>>)
    %dma_wait3A_63 = tpu.memref_slice %arg4[%add3A_60] : memref<320000xi32, #tpu.memory_space<hbm>> -> memref<16xi32, #tpu.memory_space<hbm>>
    %dma_wait3A_64 = tpu.memref_slice %arg4[%add3A_60] : memref<320000xi32, #tpu.memory_space<hbm>> -> memref<16xi32, #tpu.memory_space<hbm>>
    tpu.wait_dma2 semaphore(%arg28 : memref<!tpu.dma_semaphore, #tpu.memory_space<semaphore_mem>>) src(%dma_wait3A_64 : memref<16xi32, #tpu.memory_space<hbm>>) dst(%arg18 : memref<16xi32, #tpu.memory_space<vmem>>)
    %dma_start3A_65 = arith.constant 0 : i32
    %dma_start3A_66 = arith.constant 0 : i32
    %dma_start3A_67 = tpu.memref_slice %arg2[%dma_start3A_65, %dma_start3A_66] : memref<10000x128xf32, #tpu.memory_space<hbm>> -> memref<10000x128xf32, #tpu.memory_space<hbm>>
    tpu.enqueue_indirect_dma source(%dma_start3A_67 : memref<10000x128xf32, #tpu.memory_space<hbm>>) target(%arg16 : memref<16x128xf32, #tpu.memory_space<vmem>>) offsets(%arg17 : memref<16xi32, #tpu.memory_space<vmem>>) semaphore(%arg20 : memref<!tpu.dma_semaphore, #tpu.memory_space<semaphore_mem>>)
    %dma_wait3A_68 = arith.constant 0 : i32
    %dma_wait3A_69 = arith.constant 0 : i32
    %dma_wait3A_70 = tpu.memref_slice %arg2[%dma_wait3A_68, %dma_wait3A_69] : memref<10000x128xf32, #tpu.memory_space<hbm>> -> memref<10000x128xf32, #tpu.memory_space<hbm>>
    tpu.wait_indirect_dma semaphore(%arg20 : memref<!tpu.dma_semaphore, #tpu.memory_space<semaphore_mem>>) src(%dma_wait3A_70 : memref<10000x128xf32, #tpu.memory_space<hbm>>) dst(%arg16 : memref<16x128xf32, #tpu.memory_space<vmem>>)
    "tpu.region"() ({
      %run_scoped3A = tpu.sem_alloc : memref<!tpu.dma_semaphore, #tpu.memory_space<semaphore_mem>>
      %dma_start3A_117 = arith.constant 0 : i32
      %dma_start3A_118 = arith.constant 0 : i32
      %dma_start3A_119 = tpu.memref_slice %arg6[%dma_start3A_117, %dma_start3A_118] : memref<10000x128xf32, #tpu.memory_space<vmem_shared>> -> memref<10000x128xf32, #tpu.memory_space<vmem_shared>>
      tpu.enqueue_indirect_dma source(%arg16 : memref<16x128xf32, #tpu.memory_space<vmem>>) target(%dma_start3A_119 : memref<10000x128xf32, #tpu.memory_space<vmem_shared>>) offsets(%arg18 : memref<16xi32, #tpu.memory_space<vmem>>) semaphore(%run_scoped3A : memref<!tpu.dma_semaphore, #tpu.memory_space<semaphore_mem>>) {add = true}
      %dma_wait3A_120 = arith.constant 0 : i32
      %dma_wait3A_121 = arith.constant 0 : i32
      %dma_wait3A_122 = tpu.memref_slice %arg6[%dma_wait3A_120, %dma_wait3A_121] : memref<10000x128xf32, #tpu.memory_space<vmem_shared>> -> memref<10000x128xf32, #tpu.memory_space<vmem_shared>>
      tpu.wait_indirect_dma semaphore(%run_scoped3A : memref<!tpu.dma_semaphore, #tpu.memory_space<semaphore_mem>>) src(%arg16 : memref<16x128xf32, #tpu.memory_space<vmem>>) dst(%dma_wait3A_122 : memref<10000x128xf32, #tpu.memory_space<vmem_shared>>)
      tpu.yield
    }) : () -> ()
    %barrier3A_71 = arith.constant 0 : index
    tpu.barrier barrier_id(%barrier3A_71)
    %add3A_72 = arith.constant 0 : i32
    %add3A_73 = arith.addi %mul3A_11, %add3A_72 : i32
    %add3A_74 = arith.constant 0 : i32
    %add3A_75 = arith.addi %mul3A_11, %add3A_74 : i32
    "tpu.region"() ({
      %run_scoped3A = tpu.sem_alloc : memref<!tpu.dma_semaphore, #tpu.memory_space<semaphore_mem>>
      %dma_start3A_117 = arith.constant 0 : i32
      %dma_start3A_118 = tpu.memref_slice %arg5[%arg0, %add3A_75, %dma_start3A_117] : memref<2x10000x128xf32, #tpu.memory_space<hbm>> -> memref<1x64x128xf32, #tpu.memory_space<hbm>>
      %dma_start3A_119 = tpu.memref_squeeze %dma_start3A_118 : memref<1x64x128xf32, #tpu.memory_space<hbm>> -> memref<64x128xf32, #tpu.memory_space<hbm>>
      %dma_start3A_120 = arith.constant 0 : i32
      %dma_start3A_121 = tpu.memref_slice %arg6[%add3A_73, %dma_start3A_120] : memref<10000x128xf32, #tpu.memory_space<vmem_shared>> -> memref<64x128xf32, #tpu.memory_space<vmem_shared>>
      tpu.enqueue_dma source(%dma_start3A_121 : memref<64x128xf32, #tpu.memory_space<vmem_shared>>) target(%dma_start3A_119 : memref<64x128xf32, #tpu.memory_space<hbm>>) target_semaphore(%run_scoped3A : memref<!tpu.dma_semaphore, #tpu.memory_space<semaphore_mem>>)
      %dma_wait3A_122 = arith.constant 0 : i32
      %dma_wait3A_123 = tpu.memref_slice %arg5[%arg0, %add3A_75, %dma_wait3A_122] : memref<2x10000x128xf32, #tpu.memory_space<hbm>> -> memref<1x64x128xf32, #tpu.memory_space<hbm>>
      %dma_wait3A_124 = tpu.memref_squeeze %dma_wait3A_123 : memref<1x64x128xf32, #tpu.memory_space<hbm>> -> memref<64x128xf32, #tpu.memory_space<hbm>>
      %dma_wait3A_125 = arith.constant 0 : i32
      %dma_wait3A_126 = tpu.memref_slice %arg6[%add3A_73, %dma_wait3A_125] : memref<10000x128xf32, #tpu.memory_space<vmem_shared>> -> memref<64x128xf32, #tpu.memory_space<vmem_shared>>
      tpu.wait_dma2 semaphore(%run_scoped3A : memref<!tpu.dma_semaphore, #tpu.memory_space<semaphore_mem>>) src(%dma_wait3A_126 : memref<64x128xf32, #tpu.memory_space<vmem_shared>>) dst(%dma_wait3A_124 : memref<64x128xf32, #tpu.memory_space<hbm>>)
      tpu.yield
    }) : () -> ()
    %add3A_76 = arith.constant 64 : i32
    %add3A_77 = arith.addi %mul3A_11, %add3A_76 : i32
    %add3A_78 = arith.constant 64 : i32
    %add3A_79 = arith.addi %mul3A_11, %add3A_78 : i32
    "tpu.region"() ({
      %run_scoped3A = tpu.sem_alloc : memref<!tpu.dma_semaphore, #tpu.memory_space<semaphore_mem>>
      %dma_start3A_117 = arith.constant 0 : i32
      %dma_start3A_118 = tpu.memref_slice %arg5[%arg0, %add3A_79, %dma_start3A_117] : memref<2x10000x128xf32, #tpu.memory_space<hbm>> -> memref<1x64x128xf32, #tpu.memory_space<hbm>>
      %dma_start3A_119 = tpu.memref_squeeze %dma_start3A_118 : memref<1x64x128xf32, #tpu.memory_space<hbm>> -> memref<64x128xf32, #tpu.memory_space<hbm>>
      %dma_start3A_120 = arith.constant 0 : i32
      %dma_start3A_121 = tpu.memref_slice %arg6[%add3A_77, %dma_start3A_120] : memref<10000x128xf32, #tpu.memory_space<vmem_shared>> -> memref<64x128xf32, #tpu.memory_space<vmem_shared>>
      tpu.enqueue_dma source(%dma_start3A_121 : memref<64x128xf32, #tpu.memory_space<vmem_shared>>) target(%dma_start3A_119 : memref<64x128xf32, #tpu.memory_space<hbm>>) target_semaphore(%run_scoped3A : memref<!tpu.dma_semaphore, #tpu.memory_space<semaphore_mem>>)
      %dma_wait3A_122 = arith.constant 0 : i32
      %dma_wait3A_123 = tpu.memref_slice %arg5[%arg0, %add3A_79, %dma_wait3A_122] : memref<2x10000x128xf32, #tpu.memory_space<hbm>> -> memref<1x64x128xf32, #tpu.memory_space<hbm>>
      %dma_wait3A_124 = tpu.memref_squeeze %dma_wait3A_123 : memref<1x64x128xf32, #tpu.memory_space<hbm>> -> memref<64x128xf32, #tpu.memory_space<hbm>>
      %dma_wait3A_125 = arith.constant 0 : i32
      %dma_wait3A_126 = tpu.memref_slice %arg6[%add3A_77, %dma_wait3A_125] : memref<10000x128xf32, #tpu.memory_space<vmem_shared>> -> memref<64x128xf32, #tpu.memory_space<vmem_shared>>
      tpu.wait_dma2 semaphore(%run_scoped3A : memref<!tpu.dma_semaphore, #tpu.memory_space<semaphore_mem>>) src(%dma_wait3A_126 : memref<64x128xf32, #tpu.memory_space<vmem_shared>>) dst(%dma_wait3A_124 : memref<64x128xf32, #tpu.memory_space<hbm>>)
      tpu.yield
    }) : () -> ()
    %add3A_80 = arith.constant 128 : i32
    %add3A_81 = arith.addi %mul3A_11, %add3A_80 : i32
    %add3A_82 = arith.constant 128 : i32
    %add3A_83 = arith.addi %mul3A_11, %add3A_82 : i32
    "tpu.region"() ({
      %run_scoped3A = tpu.sem_alloc : memref<!tpu.dma_semaphore, #tpu.memory_space<semaphore_mem>>
      %dma_start3A_117 = arith.constant 0 : i32
      %dma_start3A_118 = tpu.memref_slice %arg5[%arg0, %add3A_83, %dma_start3A_117] : memref<2x10000x128xf32, #tpu.memory_space<hbm>> -> memref<1x64x128xf32, #tpu.memory_space<hbm>>
      %dma_start3A_119 = tpu.memref_squeeze %dma_start3A_118 : memref<1x64x128xf32, #tpu.memory_space<hbm>> -> memref<64x128xf32, #tpu.memory_space<hbm>>
      %dma_start3A_120 = arith.constant 0 : i32
      %dma_start3A_121 = tpu.memref_slice %arg6[%add3A_81, %dma_start3A_120] : memref<10000x128xf32, #tpu.memory_space<vmem_shared>> -> memref<64x128xf32, #tpu.memory_space<vmem_shared>>
      tpu.enqueue_dma source(%dma_start3A_121 : memref<64x128xf32, #tpu.memory_space<vmem_shared>>) target(%dma_start3A_119 : memref<64x128xf32, #tpu.memory_space<hbm>>) target_semaphore(%run_scoped3A : memref<!tpu.dma_semaphore, #tpu.memory_space<semaphore_mem>>)
      %dma_wait3A_122 = arith.constant 0 : i32
      %dma_wait3A_123 = tpu.memref_slice %arg5[%arg0, %add3A_83, %dma_wait3A_122] : memref<2x10000x128xf32, #tpu.memory_space<hbm>> -> memref<1x64x128xf32, #tpu.memory_space<hbm>>
      %dma_wait3A_124 = tpu.memref_squeeze %dma_wait3A_123 : memref<1x64x128xf32, #tpu.memory_space<hbm>> -> memref<64x128xf32, #tpu.memory_space<hbm>>
      %dma_wait3A_125 = arith.constant 0 : i32
      %dma_wait3A_126 = tpu.memref_slice %arg6[%add3A_81, %dma_wait3A_125] : memref<10000x128xf32, #tpu.memory_space<vmem_shared>> -> memref<64x128xf32, #tpu.memory_space<vmem_shared>>
      tpu.wait_dma2 semaphore(%run_scoped3A : memref<!tpu.dma_semaphore, #tpu.memory_space<semaphore_mem>>) src(%dma_wait3A_126 : memref<64x128xf32, #tpu.memory_space<vmem_shared>>) dst(%dma_wait3A_124 : memref<64x128xf32, #tpu.memory_space<hbm>>)
      tpu.yield
    }) : () -> ()
    %add3A_84 = arith.constant 192 : i32
    %add3A_85 = arith.addi %mul3A_11, %add3A_84 : i32
    %add3A_86 = arith.constant 192 : i32
    %add3A_87 = arith.addi %mul3A_11, %add3A_86 : i32
    "tpu.region"() ({
      %run_scoped3A = tpu.sem_alloc : memref<!tpu.dma_semaphore, #tpu.memory_space<semaphore_mem>>
      %dma_start3A_117 = arith.constant 0 : i32
      %dma_start3A_118 = tpu.memref_slice %arg5[%arg0, %add3A_87, %dma_start3A_117] : memref<2x10000x128xf32, #tpu.memory_space<hbm>> -> memref<1x64x128xf32, #tpu.memory_space<hbm>>
      %dma_start3A_119 = tpu.memref_squeeze %dma_start3A_118 : memref<1x64x128xf32, #tpu.memory_space<hbm>> -> memref<64x128xf32, #tpu.memory_space<hbm>>
      %dma_start3A_120 = arith.constant 0 : i32
      %dma_start3A_121 = tpu.memref_slice %arg6[%add3A_85, %dma_start3A_120] : memref<10000x128xf32, #tpu.memory_space<vmem_shared>> -> memref<64x128xf32, #tpu.memory_space<vmem_shared>>
      tpu.enqueue_dma source(%dma_start3A_121 : memref<64x128xf32, #tpu.memory_space<vmem_shared>>) target(%dma_start3A_119 : memref<64x128xf32, #tpu.memory_space<hbm>>) target_semaphore(%run_scoped3A : memref<!tpu.dma_semaphore, #tpu.memory_space<semaphore_mem>>)
      %dma_wait3A_122 = arith.constant 0 : i32
      %dma_wait3A_123 = tpu.memref_slice %arg5[%arg0, %add3A_87, %dma_wait3A_122] : memref<2x10000x128xf32, #tpu.memory_space<hbm>> -> memref<1x64x128xf32, #tpu.memory_space<hbm>>
      %dma_wait3A_124 = tpu.memref_squeeze %dma_wait3A_123 : memref<1x64x128xf32, #tpu.memory_space<hbm>> -> memref<64x128xf32, #tpu.memory_space<hbm>>
      %dma_wait3A_125 = arith.constant 0 : i32
      %dma_wait3A_126 = tpu.memref_slice %arg6[%add3A_85, %dma_wait3A_125] : memref<10000x128xf32, #tpu.memory_space<vmem_shared>> -> memref<64x128xf32, #tpu.memory_space<vmem_shared>>
      tpu.wait_dma2 semaphore(%run_scoped3A : memref<!tpu.dma_semaphore, #tpu.memory_space<semaphore_mem>>) src(%dma_wait3A_126 : memref<64x128xf32, #tpu.memory_space<vmem_shared>>) dst(%dma_wait3A_124 : memref<64x128xf32, #tpu.memory_space<hbm>>)
      tpu.yield
    }) : () -> ()
    %add3A_88 = arith.constant 256 : i32
    %add3A_89 = arith.addi %mul3A_11, %add3A_88 : i32
    %add3A_90 = arith.constant 256 : i32
    %add3A_91 = arith.addi %mul3A_11, %add3A_90 : i32
    "tpu.region"() ({
      %run_scoped3A = tpu.sem_alloc : memref<!tpu.dma_semaphore, #tpu.memory_space<semaphore_mem>>
      %dma_start3A_117 = arith.constant 0 : i32
      %dma_start3A_118 = tpu.memref_slice %arg5[%arg0, %add3A_91, %dma_start3A_117] : memref<2x10000x128xf32, #tpu.memory_space<hbm>> -> memref<1x64x128xf32, #tpu.memory_space<hbm>>
      %dma_start3A_119 = tpu.memref_squeeze %dma_start3A_118 : memref<1x64x128xf32, #tpu.memory_space<hbm>> -> memref<64x128xf32, #tpu.memory_space<hbm>>
      %dma_start3A_120 = arith.constant 0 : i32
      %dma_start3A_121 = tpu.memref_slice %arg6[%add3A_89, %dma_start3A_120] : memref<10000x128xf32, #tpu.memory_space<vmem_shared>> -> memref<64x128xf32, #tpu.memory_space<vmem_shared>>
      tpu.enqueue_dma source(%dma_start3A_121 : memref<64x128xf32, #tpu.memory_space<vmem_shared>>) target(%dma_start3A_119 : memref<64x128xf32, #tpu.memory_space<hbm>>) target_semaphore(%run_scoped3A : memref<!tpu.dma_semaphore, #tpu.memory_space<semaphore_mem>>)
      %dma_wait3A_122 = arith.constant 0 : i32
      %dma_wait3A_123 = tpu.memref_slice %arg5[%arg0, %add3A_91, %dma_wait3A_122] : memref<2x10000x128xf32, #tpu.memory_space<hbm>> -> memref<1x64x128xf32, #tpu.memory_space<hbm>>
      %dma_wait3A_124 = tpu.memref_squeeze %dma_wait3A_123 : memref<1x64x128xf32, #tpu.memory_space<hbm>> -> memref<64x128xf32, #tpu.memory_space<hbm>>
      %dma_wait3A_125 = arith.constant 0 : i32
      %dma_wait3A_126 = tpu.memref_slice %arg6[%add3A_89, %dma_wait3A_125] : memref<10000x128xf32, #tpu.memory_space<vmem_shared>> -> memref<64x128xf32, #tpu.memory_space<vmem_shared>>
      tpu.wait_dma2 semaphore(%run_scoped3A : memref<!tpu.dma_semaphore, #tpu.memory_space<semaphore_mem>>) src(%dma_wait3A_126 : memref<64x128xf32, #tpu.memory_space<vmem_shared>>) dst(%dma_wait3A_124 : memref<64x128xf32, #tpu.memory_space<hbm>>)
      tpu.yield
    }) : () -> ()
    %add3A_92 = arith.constant 320 : i32
    %add3A_93 = arith.addi %mul3A_11, %add3A_92 : i32
    %add3A_94 = arith.constant 320 : i32
    %add3A_95 = arith.addi %mul3A_11, %add3A_94 : i32
    "tpu.region"() ({
      %run_scoped3A = tpu.sem_alloc : memref<!tpu.dma_semaphore, #tpu.memory_space<semaphore_mem>>
      %dma_start3A_117 = arith.constant 0 : i32
      %dma_start3A_118 = tpu.memref_slice %arg5[%arg0, %add3A_95, %dma_start3A_117] : memref<2x10000x128xf32, #tpu.memory_space<hbm>> -> memref<1x64x128xf32, #tpu.memory_space<hbm>>
      %dma_start3A_119 = tpu.memref_squeeze %dma_start3A_118 : memref<1x64x128xf32, #tpu.memory_space<hbm>> -> memref<64x128xf32, #tpu.memory_space<hbm>>
      %dma_start3A_120 = arith.constant 0 : i32
      %dma_start3A_121 = tpu.memref_slice %arg6[%add3A_93, %dma_start3A_120] : memref<10000x128xf32, #tpu.memory_space<vmem_shared>> -> memref<64x128xf32, #tpu.memory_space<vmem_shared>>
      tpu.enqueue_dma source(%dma_start3A_121 : memref<64x128xf32, #tpu.memory_space<vmem_shared>>) target(%dma_start3A_119 : memref<64x128xf32, #tpu.memory_space<hbm>>) target_semaphore(%run_scoped3A : memref<!tpu.dma_semaphore, #tpu.memory_space<semaphore_mem>>)
      %dma_wait3A_122 = arith.constant 0 : i32
      %dma_wait3A_123 = tpu.memref_slice %arg5[%arg0, %add3A_95, %dma_wait3A_122] : memref<2x10000x128xf32, #tpu.memory_space<hbm>> -> memref<1x64x128xf32, #tpu.memory_space<hbm>>
      %dma_wait3A_124 = tpu.memref_squeeze %dma_wait3A_123 : memref<1x64x128xf32, #tpu.memory_space<hbm>> -> memref<64x128xf32, #tpu.memory_space<hbm>>
      %dma_wait3A_125 = arith.constant 0 : i32
      %dma_wait3A_126 = tpu.memref_slice %arg6[%add3A_93, %dma_wait3A_125] : memref<10000x128xf32, #tpu.memory_space<vmem_shared>> -> memref<64x128xf32, #tpu.memory_space<vmem_shared>>
      tpu.wait_dma2 semaphore(%run_scoped3A : memref<!tpu.dma_semaphore, #tpu.memory_space<semaphore_mem>>) src(%dma_wait3A_126 : memref<64x128xf32, #tpu.memory_space<vmem_shared>>) dst(%dma_wait3A_124 : memref<64x128xf32, #tpu.memory_space<hbm>>)
      tpu.yield
    }) : () -> ()
    %add3A_96 = arith.constant 384 : i32
    %add3A_97 = arith.addi %mul3A_11, %add3A_96 : i32
    %add3A_98 = arith.constant 384 : i32
    %add3A_99 = arith.addi %mul3A_11, %add3A_98 : i32
    "tpu.region"() ({
      %run_scoped3A = tpu.sem_alloc : memref<!tpu.dma_semaphore, #tpu.memory_space<semaphore_mem>>
      %dma_start3A_117 = arith.constant 0 : i32
      %dma_start3A_118 = tpu.memref_slice %arg5[%arg0, %add3A_99, %dma_start3A_117] : memref<2x10000x128xf32, #tpu.memory_space<hbm>> -> memref<1x64x128xf32, #tpu.memory_space<hbm>>
      %dma_start3A_119 = tpu.memref_squeeze %dma_start3A_118 : memref<1x64x128xf32, #tpu.memory_space<hbm>> -> memref<64x128xf32, #tpu.memory_space<hbm>>
      %dma_start3A_120 = arith.constant 0 : i32
      %dma_start3A_121 = tpu.memref_slice %arg6[%add3A_97, %dma_start3A_120] : memref<10000x128xf32, #tpu.memory_space<vmem_shared>> -> memref<64x128xf32, #tpu.memory_space<vmem_shared>>
      tpu.enqueue_dma source(%dma_start3A_121 : memref<64x128xf32, #tpu.memory_space<vmem_shared>>) target(%dma_start3A_119 : memref<64x128xf32, #tpu.memory_space<hbm>>) target_semaphore(%run_scoped3A : memref<!tpu.dma_semaphore, #tpu.memory_space<semaphore_mem>>)
      %dma_wait3A_122 = arith.constant 0 : i32
      %dma_wait3A_123 = tpu.memref_slice %arg5[%arg0, %add3A_99, %dma_wait3A_122] : memref<2x10000x128xf32, #tpu.memory_space<hbm>> -> memref<1x64x128xf32, #tpu.memory_space<hbm>>
      %dma_wait3A_124 = tpu.memref_squeeze %dma_wait3A_123 : memref<1x64x128xf32, #tpu.memory_space<hbm>> -> memref<64x128xf32, #tpu.memory_space<hbm>>
      %dma_wait3A_125 = arith.constant 0 : i32
      %dma_wait3A_126 = tpu.memref_slice %arg6[%add3A_97, %dma_wait3A_125] : memref<10000x128xf32, #tpu.memory_space<vmem_shared>> -> memref<64x128xf32, #tpu.memory_space<vmem_shared>>
      tpu.wait_dma2 semaphore(%run_scoped3A : memref<!tpu.dma_semaphore, #tpu.memory_space<semaphore_mem>>) src(%dma_wait3A_126 : memref<64x128xf32, #tpu.memory_space<vmem_shared>>) dst(%dma_wait3A_124 : memref<64x128xf32, #tpu.memory_space<hbm>>)
      tpu.yield
    }) : () -> ()
    %add3A_100 = arith.constant 448 : i32
    %add3A_101 = arith.addi %mul3A_11, %add3A_100 : i32
    %add3A_102 = arith.constant 448 : i32
    %add3A_103 = arith.addi %mul3A_11, %add3A_102 : i32
    "tpu.region"() ({
      %run_scoped3A = tpu.sem_alloc : memref<!tpu.dma_semaphore, #tpu.memory_space<semaphore_mem>>
      %dma_start3A_117 = arith.constant 0 : i32
      %dma_start3A_118 = tpu.memref_slice %arg5[%arg0, %add3A_103, %dma_start3A_117] : memref<2x10000x128xf32, #tpu.memory_space<hbm>> -> memref<1x64x128xf32, #tpu.memory_space<hbm>>
      %dma_start3A_119 = tpu.memref_squeeze %dma_start3A_118 : memref<1x64x128xf32, #tpu.memory_space<hbm>> -> memref<64x128xf32, #tpu.memory_space<hbm>>
      %dma_start3A_120 = arith.constant 0 : i32
      %dma_start3A_121 = tpu.memref_slice %arg6[%add3A_101, %dma_start3A_120] : memref<10000x128xf32, #tpu.memory_space<vmem_shared>> -> memref<64x128xf32, #tpu.memory_space<vmem_shared>>
      tpu.enqueue_dma source(%dma_start3A_121 : memref<64x128xf32, #tpu.memory_space<vmem_shared>>) target(%dma_start3A_119 : memref<64x128xf32, #tpu.memory_space<hbm>>) target_semaphore(%run_scoped3A : memref<!tpu.dma_semaphore, #tpu.memory_space<semaphore_mem>>)
      %dma_wait3A_122 = arith.constant 0 : i32
      %dma_wait3A_123 = tpu.memref_slice %arg5[%arg0, %add3A_103, %dma_wait3A_122] : memref<2x10000x128xf32, #tpu.memory_space<hbm>> -> memref<1x64x128xf32, #tpu.memory_space<hbm>>
      %dma_wait3A_124 = tpu.memref_squeeze %dma_wait3A_123 : memref<1x64x128xf32, #tpu.memory_space<hbm>> -> memref<64x128xf32, #tpu.memory_space<hbm>>
      %dma_wait3A_125 = arith.constant 0 : i32
      %dma_wait3A_126 = tpu.memref_slice %arg6[%add3A_101, %dma_wait3A_125] : memref<10000x128xf32, #tpu.memory_space<vmem_shared>> -> memref<64x128xf32, #tpu.memory_space<vmem_shared>>
      tpu.wait_dma2 semaphore(%run_scoped3A : memref<!tpu.dma_semaphore, #tpu.memory_space<semaphore_mem>>) src(%dma_wait3A_126 : memref<64x128xf32, #tpu.memory_space<vmem_shared>>) dst(%dma_wait3A_124 : memref<64x128xf32, #tpu.memory_space<hbm>>)
      tpu.yield
    }) : () -> ()
    %add3A_104 = arith.constant 512 : i32
    %add3A_105 = arith.addi %mul3A_11, %add3A_104 : i32
    %add3A_106 = arith.constant 512 : i32
    %add3A_107 = arith.addi %mul3A_11, %add3A_106 : i32
    "tpu.region"() ({
      %run_scoped3A = tpu.sem_alloc : memref<!tpu.dma_semaphore, #tpu.memory_space<semaphore_mem>>
      %dma_start3A_117 = arith.constant 0 : i32
      %dma_start3A_118 = tpu.memref_slice %arg5[%arg0, %add3A_107, %dma_start3A_117] : memref<2x10000x128xf32, #tpu.memory_space<hbm>> -> memref<1x64x128xf32, #tpu.memory_space<hbm>>
      %dma_start3A_119 = tpu.memref_squeeze %dma_start3A_118 : memref<1x64x128xf32, #tpu.memory_space<hbm>> -> memref<64x128xf32, #tpu.memory_space<hbm>>
      %dma_start3A_120 = arith.constant 0 : i32
      %dma_start3A_121 = tpu.memref_slice %arg6[%add3A_105, %dma_start3A_120] : memref<10000x128xf32, #tpu.memory_space<vmem_shared>> -> memref<64x128xf32, #tpu.memory_space<vmem_shared>>
      tpu.enqueue_dma source(%dma_start3A_121 : memref<64x128xf32, #tpu.memory_space<vmem_shared>>) target(%dma_start3A_119 : memref<64x128xf32, #tpu.memory_space<hbm>>) target_semaphore(%run_scoped3A : memref<!tpu.dma_semaphore, #tpu.memory_space<semaphore_mem>>)
      %dma_wait3A_122 = arith.constant 0 : i32
      %dma_wait3A_123 = tpu.memref_slice %arg5[%arg0, %add3A_107, %dma_wait3A_122] : memref<2x10000x128xf32, #tpu.memory_space<hbm>> -> memref<1x64x128xf32, #tpu.memory_space<hbm>>
      %dma_wait3A_124 = tpu.memref_squeeze %dma_wait3A_123 : memref<1x64x128xf32, #tpu.memory_space<hbm>> -> memref<64x128xf32, #tpu.memory_space<hbm>>
      %dma_wait3A_125 = arith.constant 0 : i32
      %dma_wait3A_126 = tpu.memref_slice %arg6[%add3A_105, %dma_wait3A_125] : memref<10000x128xf32, #tpu.memory_space<vmem_shared>> -> memref<64x128xf32, #tpu.memory_space<vmem_shared>>
      tpu.wait_dma2 semaphore(%run_scoped3A : memref<!tpu.dma_semaphore, #tpu.memory_space<semaphore_mem>>) src(%dma_wait3A_126 : memref<64x128xf32, #tpu.memory_space<vmem_shared>>) dst(%dma_wait3A_124 : memref<64x128xf32, #tpu.memory_space<hbm>>)
      tpu.yield
    }) : () -> ()
    %add3A_108 = arith.constant 576 : i32
    %add3A_109 = arith.addi %mul3A_11, %add3A_108 : i32
    %add3A_110 = arith.constant 576 : i32
    %add3A_111 = arith.addi %mul3A_11, %add3A_110 : i32
    "tpu.region"() ({
      %run_scoped3A = tpu.sem_alloc : memref<!tpu.dma_semaphore, #tpu.memory_space<semaphore_mem>>
      %dma_start3A_117 = arith.constant 0 : i32
      %dma_start3A_118 = tpu.memref_slice %arg5[%arg0, %add3A_111, %dma_start3A_117] : memref<2x10000x128xf32, #tpu.memory_space<hbm>> -> memref<1x48x128xf32, #tpu.memory_space<hbm>>
      %dma_start3A_119 = tpu.memref_squeeze %dma_start3A_118 : memref<1x48x128xf32, #tpu.memory_space<hbm>> -> memref<48x128xf32, #tpu.memory_space<hbm>>
      %dma_start3A_120 = arith.constant 0 : i32
      %dma_start3A_121 = tpu.memref_slice %arg6[%add3A_109, %dma_start3A_120] : memref<10000x128xf32, #tpu.memory_space<vmem_shared>> -> memref<48x128xf32, #tpu.memory_space<vmem_shared>>
      tpu.enqueue_dma source(%dma_start3A_121 : memref<48x128xf32, #tpu.memory_space<vmem_shared>>) target(%dma_start3A_119 : memref<48x128xf32, #tpu.memory_space<hbm>>) target_semaphore(%run_scoped3A : memref<!tpu.dma_semaphore, #tpu.memory_space<semaphore_mem>>)
      %dma_wait3A_122 = arith.constant 0 : i32
      %dma_wait3A_123 = tpu.memref_slice %arg5[%arg0, %add3A_111, %dma_wait3A_122] : memref<2x10000x128xf32, #tpu.memory_space<hbm>> -> memref<1x48x128xf32, #tpu.memory_space<hbm>>
      %dma_wait3A_124 = tpu.memref_squeeze %dma_wait3A_123 : memref<1x48x128xf32, #tpu.memory_space<hbm>> -> memref<48x128xf32, #tpu.memory_space<hbm>>
      %dma_wait3A_125 = arith.constant 0 : i32
      %dma_wait3A_126 = tpu.memref_slice %arg6[%add3A_109, %dma_wait3A_125] : memref<10000x128xf32, #tpu.memory_space<vmem_shared>> -> memref<48x128xf32, #tpu.memory_space<vmem_shared>>
      tpu.wait_dma2 semaphore(%run_scoped3A : memref<!tpu.dma_semaphore, #tpu.memory_space<semaphore_mem>>) src(%dma_wait3A_126 : memref<48x128xf32, #tpu.memory_space<vmem_shared>>) dst(%dma_wait3A_124 : memref<48x128xf32, #tpu.memory_space<hbm>>)
      tpu.yield
    }) : () -> ()
    %eq3A_112 = arith.constant 15 : i32
    %eq3A_113 = arith.cmpi eq, %arg1, %eq3A_112 : i32
    %convert_element_type3A_114 = arith.extui %eq3A_113 : i1 to i32
    %cond3A_115 = arith.constant 0 : i32
    %cond3A_116 = arith.cmpi ne, %convert_element_type3A_114, %cond3A_115 : i32
    scf.if %cond3A_116 {
      "tpu.region"() ({
        %run_scoped3A = tpu.sem_alloc : memref<!tpu.dma_semaphore, #tpu.memory_space<semaphore_mem>>
        %dma_start3A_117 = arith.constant 9984 : i32
        %dma_start3A_118 = arith.constant 0 : i32
        %dma_start3A_119 = tpu.memref_slice %arg5[%arg0, %dma_start3A_117, %dma_start3A_118] : memref<2x10000x128xf32, #tpu.memory_space<hbm>> -> memref<1x16x128xf32, #tpu.memory_space<hbm>>
        %dma_start3A_120 = tpu.memref_squeeze %dma_start3A_119 : memref<1x16x128xf32, #tpu.memory_space<hbm>> -> memref<16x128xf32, #tpu.memory_space<hbm>>
        %dma_start3A_121 = arith.constant 9984 : i32
        %dma_start3A_122 = arith.constant 0 : i32
        %dma_start3A_123 = tpu.memref_slice %arg6[%dma_start3A_121, %dma_start3A_122] : memref<10000x128xf32, #tpu.memory_space<vmem_shared>> -> memref<16x128xf32, #tpu.memory_space<vmem_shared>>
        tpu.enqueue_dma source(%dma_start3A_123 : memref<16x128xf32, #tpu.memory_space<vmem_shared>>) target(%dma_start3A_120 : memref<16x128xf32, #tpu.memory_space<hbm>>) target_semaphore(%run_scoped3A : memref<!tpu.dma_semaphore, #tpu.memory_space<semaphore_mem>>)
        %dma_wait3A_124 = arith.constant 9984 : i32
        %dma_wait3A_125 = arith.constant 0 : i32
        %dma_wait3A_126 = tpu.memref_slice %arg5[%arg0, %dma_wait3A_124, %dma_wait3A_125] : memref<2x10000x128xf32, #tpu.memory_space<hbm>> -> memref<1x16x128xf32, #tpu.memory_space<hbm>>
        %dma_wait3A_127 = tpu.memref_squeeze %dma_wait3A_126 : memref<1x16x128xf32, #tpu.memory_space<hbm>> -> memref<16x128xf32, #tpu.memory_space<hbm>>
        %dma_wait3A_128 = arith.constant 9984 : i32
        %dma_wait3A_129 = arith.constant 0 : i32
        %dma_wait3A_130 = tpu.memref_slice %arg6[%dma_wait3A_128, %dma_wait3A_129] : memref<10000x128xf32, #tpu.memory_space<vmem_shared>> -> memref<16x128xf32, #tpu.memory_space<vmem_shared>>
        tpu.wait_dma2 semaphore(%run_scoped3A : memref<!tpu.dma_semaphore, #tpu.memory_space<semaphore_mem>>) src(%dma_wait3A_130 : memref<16x128xf32, #tpu.memory_space<vmem_shared>>) dst(%dma_wait3A_127 : memref<16x128xf32, #tpu.memory_space<hbm>>)
        tpu.yield
      }) : () -> ()
    } else {
    }
    return
  }
}

#map = affine_map<(d0, d1) -> (0)>
#map1 = affine_map<(d0, d1) -> (0, 0)>
module attributes {stable_mosaic.version = 14 : i64} {
  func.func @_deg_body(%arg0: i32, %arg1: i32, %arg2: memref<320000xi32, #tpu.memory_space<hbm>>, %arg3: memref<2x10000xf32, #tpu.memory_space<hbm>>, %arg4: memref<10000xf32, #tpu.memory_space<vmem_shared>>, %arg5: memref<10000xi32, #tpu.memory_space<vmem>>, %arg6: memref<640xf32, #tpu.memory_space<vmem>>, %arg7: memref<128xf32, #tpu.memory_space<vmem>>, %arg8: memref<16xi32, #tpu.memory_space<vmem>>, %arg9: memref<16xf32, #tpu.memory_space<vmem>>, %arg10: memref<128xi32, #tpu.memory_space<vmem>>, %arg11: memref<128xi32, #tpu.memory_space<vmem>>, %arg12: memref<128xi32, #tpu.memory_space<vmem>>, %arg13: memref<!tpu.dma_semaphore, #tpu.memory_space<semaphore_mem>>, %arg14: memref<!tpu.dma_semaphore, #tpu.memory_space<semaphore_mem>>, %arg15: memref<!tpu.dma_semaphore, #tpu.memory_space<semaphore_mem>>, %arg16: memref<!tpu.dma_semaphore, #tpu.memory_space<semaphore_mem>>) attributes {dimension_semantics = [#tpu.dimension_semantics<core_parallel>, #tpu.dimension_semantics<subcore_parallel>], iteration_bounds = array<i64: 2, 16>, scalar_prefetch = 0 : i64, scratch_operands = 13 : i64, tpu.core_type = #tpu.core_type<sc_vector_subcore>, window_params = [{transform_indices = #map}, {transform_indices = #map1}]} {
    %mul3A = arith.constant 2 : i32
    %mul3A_0 = arith.muli %arg1, %mul3A : i32
    %add3A = arith.addi %mul3A_0, %arg0 : i32
    %mul3A_1 = arith.constant 10000 : i32
    %mul3A_2 = arith.muli %add3A, %mul3A_1 : i32
    %dma_start3A = tpu.memref_slice %arg2[%mul3A_2] : memref<320000xi32, #tpu.memory_space<hbm>> -> memref<10000xi32, #tpu.memory_space<hbm>>
    %dma_start3A_3 = tpu.memref_slice %arg2[%mul3A_2] : memref<320000xi32, #tpu.memory_space<hbm>> -> memref<10000xi32, #tpu.memory_space<hbm>>
    tpu.enqueue_dma source(%dma_start3A_3 : memref<10000xi32, #tpu.memory_space<hbm>>) target(%arg5 : memref<10000xi32, #tpu.memory_space<vmem>>) target_semaphore(%arg13 : memref<!tpu.dma_semaphore, #tpu.memory_space<semaphore_mem>>)
    %scan3A = arith.constant 0 : i32
    %scan3A_4 = arith.constant 0 : i32
    %scan3A_5 = arith.constant 40 : i32
    %scan3A_6 = arith.addi %scan3A_4, %scan3A_5 : i32
    %scan3A_7 = arith.constant 1 : i32
    %scan3A_8 = scf.for %scan3A_53 = %scan3A_4 to %scan3A_6 step %scan3A_7 iter_args(%scan3A_54 = %scan3A) -> (i32)  : i32 {
      %broadcast_in_dim3A_55 = arith.constant 0.000000e+00 : f32
      %broadcast_in_dim3A_56 = vector.broadcast %broadcast_in_dim3A_55 : f32 to vector<16xf32>
      %mul3A_57 = arith.constant 16 : i32
      %mul3A_58 = arith.muli %scan3A_53, %mul3A_57 : i32
      %swap3A_59 = arith.index_cast %mul3A_58 : i32 to index
      %swap3A_60 = tpu.vector_load %arg6[%swap3A_59] {strides = array<i32>} : memref<640xf32, #tpu.memory_space<vmem>>, vector<16xf32>,
      %swap3A_61 = vector.shape_cast %swap3A_60 : vector<16xf32> to vector<16xf32>
      %swap3A_62 = vector.shape_cast %broadcast_in_dim3A_56 : vector<16xf32> to vector<16xf32>
      tpu.vector_store %arg6[%swap3A_59], %swap3A_62 {strides = array<i32>} : memref<640xf32, #tpu.memory_space<vmem>>, vector<16xf32>,
      %scan3A_63 = arith.constant 0 : i32
      scf.yield %scan3A_63 : i32
    }
    %scan3A_9 = arith.constant 40 : i32
    %scan3A_10 = arith.constant 0 : i32
    %scan3A_11 = arith.constant 0 : i32
    %scan3A_12 = arith.constant 8 : i32
    %scan3A_13 = arith.addi %scan3A_11, %scan3A_12 : i32
    %scan3A_14 = arith.constant 1 : i32
    %scan3A_15 = scf.for %scan3A_53 = %scan3A_11 to %scan3A_13 step %scan3A_14 iter_args(%scan3A_54 = %scan3A_10) -> (i32)  : i32 {
      %broadcast_in_dim3A_55 = arith.constant 1.000000e+00 : f32
      %broadcast_in_dim3A_56 = vector.broadcast %broadcast_in_dim3A_55 : f32 to vector<16xf32>
      %mul3A_57 = arith.constant 16 : i32
      %mul3A_58 = arith.muli %scan3A_53, %mul3A_57 : i32
      %swap3A_59 = arith.index_cast %mul3A_58 : i32 to index
      %swap3A_60 = tpu.vector_load %arg7[%swap3A_59] {strides = array<i32>} : memref<128xf32, #tpu.memory_space<vmem>>, vector<16xf32>,
      %swap3A_61 = vector.shape_cast %swap3A_60 : vector<16xf32> to vector<16xf32>
      %swap3A_62 = vector.shape_cast %broadcast_in_dim3A_56 : vector<16xf32> to vector<16xf32>
      tpu.vector_store %arg7[%swap3A_59], %swap3A_62 {strides = array<i32>} : memref<128xf32, #tpu.memory_space<vmem>>, vector<16xf32>,
      %scan3A_63 = arith.constant 0 : i32
      scf.yield %scan3A_63 : i32
    }
    %scan3A_16 = arith.constant 8 : i32
    %broadcast_in_dim3A = arith.constant 1.000000e+00 : f32
    %broadcast_in_dim3A_17 = vector.broadcast %broadcast_in_dim3A : f32 to vector<16xf32>
    %swap3A = arith.constant 0 : index
    %swap3A_18 = tpu.vector_load %arg9[%swap3A] {strides = array<i32>} : memref<16xf32, #tpu.memory_space<vmem>>, vector<16xf32>,
    %swap3A_19 = vector.shape_cast %swap3A_18 : vector<16xf32> to vector<16xf32>
    %swap3A_20 = vector.shape_cast %broadcast_in_dim3A_17 : vector<16xf32> to vector<16xf32>
    tpu.vector_store %arg9[%swap3A], %swap3A_20 {strides = array<i32>} : memref<16xf32, #tpu.memory_space<vmem>>, vector<16xf32>,
    %lt3A = arith.constant 15 : i32
    %lt3A_21 = arith.cmpi slt, %arg1, %lt3A : i32
    %convert_element_type3A = arith.extui %lt3A_21 : i1 to i32
    %cond3A = arith.constant 0 : i32
    %cond3A_22 = arith.cmpi ne, %convert_element_type3A, %cond3A : i32
    scf.if %cond3A_22 {
      %mul3A_53 = arith.constant 624 : i32
      %mul3A_54 = arith.muli %arg1, %mul3A_53 : i32
      "tpu.region"() ({
        %run_scoped3A = tpu.sem_alloc : memref<!tpu.dma_semaphore, #tpu.memory_space<semaphore_mem>>
        %dma_start3A_55 = arith.constant 0 : i32
        %dma_start3A_56 = tpu.memref_slice %arg6[%dma_start3A_55] : memref<640xf32, #tpu.memory_space<vmem>> -> memref<624xf32, #tpu.memory_space<vmem>>
        %dma_start3A_57 = tpu.memref_slice %arg4[%mul3A_54] : memref<10000xf32, #tpu.memory_space<vmem_shared>> -> memref<624xf32, #tpu.memory_space<vmem_shared>>
        %dma_start3A_58 = tpu.memref_slice %arg4[%mul3A_54] : memref<10000xf32, #tpu.memory_space<vmem_shared>> -> memref<624xf32, #tpu.memory_space<vmem_shared>>
        %dma_start3A_59 = arith.constant 0 : i32
        %dma_start3A_60 = tpu.memref_slice %arg6[%dma_start3A_59] : memref<640xf32, #tpu.memory_space<vmem>> -> memref<624xf32, #tpu.memory_space<vmem>>
        tpu.enqueue_dma source(%dma_start3A_60 : memref<624xf32, #tpu.memory_space<vmem>>) target(%dma_start3A_58 : memref<624xf32, #tpu.memory_space<vmem_shared>>) target_semaphore(%run_scoped3A : memref<!tpu.dma_semaphore, #tpu.memory_space<semaphore_mem>>)
        %dma_wait3A_61 = arith.constant 0 : i32
        %dma_wait3A_62 = tpu.memref_slice %arg6[%dma_wait3A_61] : memref<640xf32, #tpu.memory_space<vmem>> -> memref<624xf32, #tpu.memory_space<vmem>>
        %dma_wait3A_63 = tpu.memref_slice %arg4[%mul3A_54] : memref<10000xf32, #tpu.memory_space<vmem_shared>> -> memref<624xf32, #tpu.memory_space<vmem_shared>>
        %dma_wait3A_64 = tpu.memref_slice %arg4[%mul3A_54] : memref<10000xf32, #tpu.memory_space<vmem_shared>> -> memref<624xf32, #tpu.memory_space<vmem_shared>>
        %dma_wait3A_65 = arith.constant 0 : i32
        %dma_wait3A_66 = tpu.memref_slice %arg6[%dma_wait3A_65] : memref<640xf32, #tpu.memory_space<vmem>> -> memref<624xf32, #tpu.memory_space<vmem>>
        tpu.wait_dma2 semaphore(%run_scoped3A : memref<!tpu.dma_semaphore, #tpu.memory_space<semaphore_mem>>) src(%dma_wait3A_66 : memref<624xf32, #tpu.memory_space<vmem>>) dst(%dma_wait3A_64 : memref<624xf32, #tpu.memory_space<vmem_shared>>)
        tpu.yield
      }) : () -> ()
    } else {
    }
    %eq3A = arith.constant 15 : i32
    %eq3A_23 = arith.cmpi eq, %arg1, %eq3A : i32
    %convert_element_type3A_24 = arith.extui %eq3A_23 : i1 to i32
    %cond3A_25 = arith.constant 0 : i32
    %cond3A_26 = arith.cmpi ne, %convert_element_type3A_24, %cond3A_25 : i32
    scf.if %cond3A_26 {
      "tpu.region"() ({
        %run_scoped3A = tpu.sem_alloc : memref<!tpu.dma_semaphore, #tpu.memory_space<semaphore_mem>>
        %dma_start3A_53 = arith.constant 9360 : i32
        %dma_start3A_54 = tpu.memref_slice %arg4[%dma_start3A_53] : memref<10000xf32, #tpu.memory_space<vmem_shared>> -> memref<640xf32, #tpu.memory_space<vmem_shared>>
        %dma_start3A_55 = arith.constant 9360 : i32
        %dma_start3A_56 = tpu.memref_slice %arg4[%dma_start3A_55] : memref<10000xf32, #tpu.memory_space<vmem_shared>> -> memref<640xf32, #tpu.memory_space<vmem_shared>>
        tpu.enqueue_dma source(%arg6 : memref<640xf32, #tpu.memory_space<vmem>>) target(%dma_start3A_56 : memref<640xf32, #tpu.memory_space<vmem_shared>>) target_semaphore(%run_scoped3A : memref<!tpu.dma_semaphore, #tpu.memory_space<semaphore_mem>>)
        %dma_wait3A_57 = arith.constant 9360 : i32
        %dma_wait3A_58 = tpu.memref_slice %arg4[%dma_wait3A_57] : memref<10000xf32, #tpu.memory_space<vmem_shared>> -> memref<640xf32, #tpu.memory_space<vmem_shared>>
        %dma_wait3A_59 = arith.constant 9360 : i32
        %dma_wait3A_60 = tpu.memref_slice %arg4[%dma_wait3A_59] : memref<10000xf32, #tpu.memory_space<vmem_shared>> -> memref<640xf32, #tpu.memory_space<vmem_shared>>
        tpu.wait_dma2 semaphore(%run_scoped3A : memref<!tpu.dma_semaphore, #tpu.memory_space<semaphore_mem>>) src(%arg6 : memref<640xf32, #tpu.memory_space<vmem>>) dst(%dma_wait3A_60 : memref<640xf32, #tpu.memory_space<vmem_shared>>)
        tpu.yield
      }) : () -> ()
    } else {
    }
    %dma_wait3A = tpu.memref_slice %arg2[%mul3A_2] : memref<320000xi32, #tpu.memory_space<hbm>> -> memref<10000xi32, #tpu.memory_space<hbm>>
    %dma_wait3A_27 = tpu.memref_slice %arg2[%mul3A_2] : memref<320000xi32, #tpu.memory_space<hbm>> -> memref<10000xi32, #tpu.memory_space<hbm>>
    tpu.wait_dma2 semaphore(%arg13 : memref<!tpu.dma_semaphore, #tpu.memory_space<semaphore_mem>>) src(%dma_wait3A_27 : memref<10000xi32, #tpu.memory_space<hbm>>) dst(%arg5 : memref<10000xi32, #tpu.memory_space<vmem>>)
    %barrier3A = arith.constant 0 : index
    tpu.barrier barrier_id(%barrier3A)
    %scan3A_28 = arith.constant 0 : i32
    %scan3A_29 = arith.constant 0 : i32
    %scan3A_30 = arith.constant 26 : i32
    %scan3A_31 = arith.addi %scan3A_29, %scan3A_30 : i32
    %scan3A_32 = arith.constant 1 : i32
    %scan3A_33 = scf.for %scan3A_53 = %scan3A_29 to %scan3A_31 step %scan3A_32 iter_args(%scan3A_54 = %scan3A_28) -> (i32)  : i32 {
      %mul3A_55 = arith.constant 3 : i32
      %mul3A_56 = arith.muli %scan3A_53, %mul3A_55 : i32
      %add3A_57 = arith.constant 0 : i32
      %add3A_58 = arith.addi %mul3A_56, %add3A_57 : i32
      %gt3A = arith.constant 0 : i32
      %gt3A_59 = arith.cmpi sgt, %scan3A_53, %gt3A : i32
      %convert_element_type3A_60 = arith.extui %gt3A_59 : i1 to i32
      %cond3A_61 = arith.constant 0 : i32
      %cond3A_62 = arith.cmpi ne, %convert_element_type3A_60, %cond3A_61 : i32
      scf.if %cond3A_62 {
        %dma_wait3A_310 = arith.constant 0 : i32
        %dma_wait3A_311 = tpu.memref_slice %arg4[%dma_wait3A_310] : memref<10000xf32, #tpu.memory_space<vmem_shared>> -> memref<10000xf32, #tpu.memory_space<vmem_shared>>
        tpu.wait_indirect_dma semaphore(%arg14 : memref<!tpu.dma_semaphore, #tpu.memory_space<semaphore_mem>>) src(%arg7 : memref<128xf32, #tpu.memory_space<vmem>>) dst(%dma_wait3A_311 : memref<10000xf32, #tpu.memory_space<vmem_shared>>)
      } else {
      }
      %mul3A_63 = arith.constant 128 : i32
      %mul3A_64 = arith.muli %add3A_58, %mul3A_63 : i32
      %add3A_65 = arith.constant 0 : i32
      %add3A_66 = arith.addi %mul3A_64, %add3A_65 : i32
      %get3A_67 = arith.index_cast %add3A_66 : i32 to index
      %get3A_68 = tpu.vector_load %arg5[%get3A_67] {strides = array<i32>} : memref<10000xi32, #tpu.memory_space<vmem>>, vector<16xi32>,
      %get3A_69 = vector.shape_cast %get3A_68 : vector<16xi32> to vector<16xi32>
      %swap3A_70 = arith.constant 0 : index
      %swap3A_71 = tpu.vector_load %arg10[%swap3A_70] {strides = array<i32>} : memref<128xi32, #tpu.memory_space<vmem>>, vector<16xi32>,
      %swap3A_72 = vector.shape_cast %swap3A_71 : vector<16xi32> to vector<16xi32>
      %swap3A_73 = vector.shape_cast %get3A_69 : vector<16xi32> to vector<16xi32>
      tpu.vector_store %arg10[%swap3A_70], %swap3A_73 {strides = array<i32>} : memref<128xi32, #tpu.memory_space<vmem>>, vector<16xi32>,
      %add3A_74 = arith.constant 16 : i32
      %add3A_75 = arith.addi %mul3A_64, %add3A_74 : i32
      %get3A_76 = arith.index_cast %add3A_75 : i32 to index
      %get3A_77 = tpu.vector_load %arg5[%get3A_76] {strides = array<i32>} : memref<10000xi32, #tpu.memory_space<vmem>>, vector<16xi32>,
      %get3A_78 = vector.shape_cast %get3A_77 : vector<16xi32> to vector<16xi32>
      %swap3A_79 = arith.constant 16 : index
      %swap3A_80 = tpu.vector_load %arg10[%swap3A_79] {strides = array<i32>} : memref<128xi32, #tpu.memory_space<vmem>>, vector<16xi32>,
      %swap3A_81 = vector.shape_cast %swap3A_80 : vector<16xi32> to vector<16xi32>
      %swap3A_82 = vector.shape_cast %get3A_78 : vector<16xi32> to vector<16xi32>
      tpu.vector_store %arg10[%swap3A_79], %swap3A_82 {strides = array<i32>} : memref<128xi32, #tpu.memory_space<vmem>>, vector<16xi32>,
      %add3A_83 = arith.constant 32 : i32
      %add3A_84 = arith.addi %mul3A_64, %add3A_83 : i32
      %get3A_85 = arith.index_cast %add3A_84 : i32 to index
      %get3A_86 = tpu.vector_load %arg5[%get3A_85] {strides = array<i32>} : memref<10000xi32, #tpu.memory_space<vmem>>, vector<16xi32>,
      %get3A_87 = vector.shape_cast %get3A_86 : vector<16xi32> to vector<16xi32>
      %swap3A_88 = arith.constant 32 : index
      %swap3A_89 = tpu.vector_load %arg10[%swap3A_88] {strides = array<i32>} : memref<128xi32, #tpu.memory_space<vmem>>, vector<16xi32>,
      %swap3A_90 = vector.shape_cast %swap3A_89 : vector<16xi32> to vector<16xi32>
      %swap3A_91 = vector.shape_cast %get3A_87 : vector<16xi32> to vector<16xi32>
      tpu.vector_store %arg10[%swap3A_88], %swap3A_91 {strides = array<i32>} : memref<128xi32, #tpu.memory_space<vmem>>, vector<16xi32>,
      %add3A_92 = arith.constant 48 : i32
      %add3A_93 = arith.addi %mul3A_64, %add3A_92 : i32
      %get3A_94 = arith.index_cast %add3A_93 : i32 to index
      %get3A_95 = tpu.vector_load %arg5[%get3A_94] {strides = array<i32>} : memref<10000xi32, #tpu.memory_space<vmem>>, vector<16xi32>,
      %get3A_96 = vector.shape_cast %get3A_95 : vector<16xi32> to vector<16xi32>
      %swap3A_97 = arith.constant 48 : index
      %swap3A_98 = tpu.vector_load %arg10[%swap3A_97] {strides = array<i32>} : memref<128xi32, #tpu.memory_space<vmem>>, vector<16xi32>,
      %swap3A_99 = vector.shape_cast %swap3A_98 : vector<16xi32> to vector<16xi32>
      %swap3A_100 = vector.shape_cast %get3A_96 : vector<16xi32> to vector<16xi32>
      tpu.vector_store %arg10[%swap3A_97], %swap3A_100 {strides = array<i32>} : memref<128xi32, #tpu.memory_space<vmem>>, vector<16xi32>,
      %add3A_101 = arith.constant 64 : i32
      %add3A_102 = arith.addi %mul3A_64, %add3A_101 : i32
      %get3A_103 = arith.index_cast %add3A_102 : i32 to index
      %get3A_104 = tpu.vector_load %arg5[%get3A_103] {strides = array<i32>} : memref<10000xi32, #tpu.memory_space<vmem>>, vector<16xi32>,
      %get3A_105 = vector.shape_cast %get3A_104 : vector<16xi32> to vector<16xi32>
      %swap3A_106 = arith.constant 64 : index
      %swap3A_107 = tpu.vector_load %arg10[%swap3A_106] {strides = array<i32>} : memref<128xi32, #tpu.memory_space<vmem>>, vector<16xi32>,
      %swap3A_108 = vector.shape_cast %swap3A_107 : vector<16xi32> to vector<16xi32>
      %swap3A_109 = vector.shape_cast %get3A_105 : vector<16xi32> to vector<16xi32>
      tpu.vector_store %arg10[%swap3A_106], %swap3A_109 {strides = array<i32>} : memref<128xi32, #tpu.memory_space<vmem>>, vector<16xi32>,
      %add3A_110 = arith.constant 80 : i32
      %add3A_111 = arith.addi %mul3A_64, %add3A_110 : i32
      %get3A_112 = arith.index_cast %add3A_111 : i32 to index
      %get3A_113 = tpu.vector_load %arg5[%get3A_112] {strides = array<i32>} : memref<10000xi32, #tpu.memory_space<vmem>>, vector<16xi32>,
      %get3A_114 = vector.shape_cast %get3A_113 : vector<16xi32> to vector<16xi32>
      %swap3A_115 = arith.constant 80 : index
      %swap3A_116 = tpu.vector_load %arg10[%swap3A_115] {strides = array<i32>} : memref<128xi32, #tpu.memory_space<vmem>>, vector<16xi32>,
      %swap3A_117 = vector.shape_cast %swap3A_116 : vector<16xi32> to vector<16xi32>
      %swap3A_118 = vector.shape_cast %get3A_114 : vector<16xi32> to vector<16xi32>
      tpu.vector_store %arg10[%swap3A_115], %swap3A_118 {strides = array<i32>} : memref<128xi32, #tpu.memory_space<vmem>>, vector<16xi32>,
      %add3A_119 = arith.constant 96 : i32
      %add3A_120 = arith.addi %mul3A_64, %add3A_119 : i32
      %get3A_121 = arith.index_cast %add3A_120 : i32 to index
      %get3A_122 = tpu.vector_load %arg5[%get3A_121] {strides = array<i32>} : memref<10000xi32, #tpu.memory_space<vmem>>, vector<16xi32>,
      %get3A_123 = vector.shape_cast %get3A_122 : vector<16xi32> to vector<16xi32>
      %swap3A_124 = arith.constant 96 : index
      %swap3A_125 = tpu.vector_load %arg10[%swap3A_124] {strides = array<i32>} : memref<128xi32, #tpu.memory_space<vmem>>, vector<16xi32>,
      %swap3A_126 = vector.shape_cast %swap3A_125 : vector<16xi32> to vector<16xi32>
      %swap3A_127 = vector.shape_cast %get3A_123 : vector<16xi32> to vector<16xi32>
      tpu.vector_store %arg10[%swap3A_124], %swap3A_127 {strides = array<i32>} : memref<128xi32, #tpu.memory_space<vmem>>, vector<16xi32>,
      %add3A_128 = arith.constant 112 : i32
      %add3A_129 = arith.addi %mul3A_64, %add3A_128 : i32
      %get3A_130 = arith.index_cast %add3A_129 : i32 to index
      %get3A_131 = tpu.vector_load %arg5[%get3A_130] {strides = array<i32>} : memref<10000xi32, #tpu.memory_space<vmem>>, vector<16xi32>,
      %get3A_132 = vector.shape_cast %get3A_131 : vector<16xi32> to vector<16xi32>
      %swap3A_133 = arith.constant 112 : index
      %swap3A_134 = tpu.vector_load %arg10[%swap3A_133] {strides = array<i32>} : memref<128xi32, #tpu.memory_space<vmem>>, vector<16xi32>,
      %swap3A_135 = vector.shape_cast %swap3A_134 : vector<16xi32> to vector<16xi32>
      %swap3A_136 = vector.shape_cast %get3A_132 : vector<16xi32> to vector<16xi32>
      tpu.vector_store %arg10[%swap3A_133], %swap3A_136 {strides = array<i32>} : memref<128xi32, #tpu.memory_space<vmem>>, vector<16xi32>,
      %dma_start3A_137 = arith.constant 0 : i32
      %dma_start3A_138 = tpu.memref_slice %arg4[%dma_start3A_137] : memref<10000xf32, #tpu.memory_space<vmem_shared>> -> memref<10000xf32, #tpu.memory_space<vmem_shared>>
      tpu.enqueue_indirect_dma source(%arg7 : memref<128xf32, #tpu.memory_space<vmem>>) target(%dma_start3A_138 : memref<10000xf32, #tpu.memory_space<vmem_shared>>) offsets(%arg10 : memref<128xi32, #tpu.memory_space<vmem>>) semaphore(%arg14 : memref<!tpu.dma_semaphore, #tpu.memory_space<semaphore_mem>>) {add = true}
      %mul3A_139 = arith.constant 3 : i32
      %mul3A_140 = arith.muli %scan3A_53, %mul3A_139 : i32
      %add3A_141 = arith.constant 1 : i32
      %add3A_142 = arith.addi %mul3A_140, %add3A_141 : i32
      %gt3A_143 = arith.constant 0 : i32
      %gt3A_144 = arith.cmpi sgt, %scan3A_53, %gt3A_143 : i32
      %convert_element_type3A_145 = arith.extui %gt3A_144 : i1 to i32
      %cond3A_146 = arith.constant 0 : i32
      %cond3A_147 = arith.cmpi ne, %convert_element_type3A_145, %cond3A_146 : i32
      scf.if %cond3A_147 {
        %dma_wait3A_310 = arith.constant 0 : i32
        %dma_wait3A_311 = tpu.memref_slice %arg4[%dma_wait3A_310] : memref<10000xf32, #tpu.memory_space<vmem_shared>> -> memref<10000xf32, #tpu.memory_space<vmem_shared>>
        tpu.wait_indirect_dma semaphore(%arg15 : memref<!tpu.dma_semaphore, #tpu.memory_space<semaphore_mem>>) src(%arg7 : memref<128xf32, #tpu.memory_space<vmem>>) dst(%dma_wait3A_311 : memref<10000xf32, #tpu.memory_space<vmem_shared>>)
      } else {
      }
      %mul3A_148 = arith.constant 128 : i32
      %mul3A_149 = arith.muli %add3A_142, %mul3A_148 : i32
      %add3A_150 = arith.constant 0 : i32
      %add3A_151 = arith.addi %mul3A_149, %add3A_150 : i32
      %get3A_152 = arith.index_cast %add3A_151 : i32 to index
      %get3A_153 = tpu.vector_load %arg5[%get3A_152] {strides = array<i32>} : memref<10000xi32, #tpu.memory_space<vmem>>, vector<16xi32>,
      %get3A_154 = vector.shape_cast %get3A_153 : vector<16xi32> to vector<16xi32>
      %swap3A_155 = arith.constant 0 : index
      %swap3A_156 = tpu.vector_load %arg11[%swap3A_155] {strides = array<i32>} : memref<128xi32, #tpu.memory_space<vmem>>, vector<16xi32>,
      %swap3A_157 = vector.shape_cast %swap3A_156 : vector<16xi32> to vector<16xi32>
      %swap3A_158 = vector.shape_cast %get3A_154 : vector<16xi32> to vector<16xi32>
      tpu.vector_store %arg11[%swap3A_155], %swap3A_158 {strides = array<i32>} : memref<128xi32, #tpu.memory_space<vmem>>, vector<16xi32>,
      %add3A_159 = arith.constant 16 : i32
      %add3A_160 = arith.addi %mul3A_149, %add3A_159 : i32
      %get3A_161 = arith.index_cast %add3A_160 : i32 to index
      %get3A_162 = tpu.vector_load %arg5[%get3A_161] {strides = array<i32>} : memref<10000xi32, #tpu.memory_space<vmem>>, vector<16xi32>,
      %get3A_163 = vector.shape_cast %get3A_162 : vector<16xi32> to vector<16xi32>
      %swap3A_164 = arith.constant 16 : index
      %swap3A_165 = tpu.vector_load %arg11[%swap3A_164] {strides = array<i32>} : memref<128xi32, #tpu.memory_space<vmem>>, vector<16xi32>,
      %swap3A_166 = vector.shape_cast %swap3A_165 : vector<16xi32> to vector<16xi32>
      %swap3A_167 = vector.shape_cast %get3A_163 : vector<16xi32> to vector<16xi32>
      tpu.vector_store %arg11[%swap3A_164], %swap3A_167 {strides = array<i32>} : memref<128xi32, #tpu.memory_space<vmem>>, vector<16xi32>,
      %add3A_168 = arith.constant 32 : i32
      %add3A_169 = arith.addi %mul3A_149, %add3A_168 : i32
      %get3A_170 = arith.index_cast %add3A_169 : i32 to index
      %get3A_171 = tpu.vector_load %arg5[%get3A_170] {strides = array<i32>} : memref<10000xi32, #tpu.memory_space<vmem>>, vector<16xi32>,
      %get3A_172 = vector.shape_cast %get3A_171 : vector<16xi32> to vector<16xi32>
      %swap3A_173 = arith.constant 32 : index
      %swap3A_174 = tpu.vector_load %arg11[%swap3A_173] {strides = array<i32>} : memref<128xi32, #tpu.memory_space<vmem>>, vector<16xi32>,
      %swap3A_175 = vector.shape_cast %swap3A_174 : vector<16xi32> to vector<16xi32>
      %swap3A_176 = vector.shape_cast %get3A_172 : vector<16xi32> to vector<16xi32>
      tpu.vector_store %arg11[%swap3A_173], %swap3A_176 {strides = array<i32>} : memref<128xi32, #tpu.memory_space<vmem>>, vector<16xi32>,
      %add3A_177 = arith.constant 48 : i32
      %add3A_178 = arith.addi %mul3A_149, %add3A_177 : i32
      %get3A_179 = arith.index_cast %add3A_178 : i32 to index
      %get3A_180 = tpu.vector_load %arg5[%get3A_179] {strides = array<i32>} : memref<10000xi32, #tpu.memory_space<vmem>>, vector<16xi32>,
      %get3A_181 = vector.shape_cast %get3A_180 : vector<16xi32> to vector<16xi32>
      %swap3A_182 = arith.constant 48 : index
      %swap3A_183 = tpu.vector_load %arg11[%swap3A_182] {strides = array<i32>} : memref<128xi32, #tpu.memory_space<vmem>>, vector<16xi32>,
      %swap3A_184 = vector.shape_cast %swap3A_183 : vector<16xi32> to vector<16xi32>
      %swap3A_185 = vector.shape_cast %get3A_181 : vector<16xi32> to vector<16xi32>
      tpu.vector_store %arg11[%swap3A_182], %swap3A_185 {strides = array<i32>} : memref<128xi32, #tpu.memory_space<vmem>>, vector<16xi32>,
      %add3A_186 = arith.constant 64 : i32
      %add3A_187 = arith.addi %mul3A_149, %add3A_186 : i32
      %get3A_188 = arith.index_cast %add3A_187 : i32 to index
      %get3A_189 = tpu.vector_load %arg5[%get3A_188] {strides = array<i32>} : memref<10000xi32, #tpu.memory_space<vmem>>, vector<16xi32>,
      %get3A_190 = vector.shape_cast %get3A_189 : vector<16xi32> to vector<16xi32>
      %swap3A_191 = arith.constant 64 : index
      %swap3A_192 = tpu.vector_load %arg11[%swap3A_191] {strides = array<i32>} : memref<128xi32, #tpu.memory_space<vmem>>, vector<16xi32>,
      %swap3A_193 = vector.shape_cast %swap3A_192 : vector<16xi32> to vector<16xi32>
      %swap3A_194 = vector.shape_cast %get3A_190 : vector<16xi32> to vector<16xi32>
      tpu.vector_store %arg11[%swap3A_191], %swap3A_194 {strides = array<i32>} : memref<128xi32, #tpu.memory_space<vmem>>, vector<16xi32>,
      %add3A_195 = arith.constant 80 : i32
      %add3A_196 = arith.addi %mul3A_149, %add3A_195 : i32
      %get3A_197 = arith.index_cast %add3A_196 : i32 to index
      %get3A_198 = tpu.vector_load %arg5[%get3A_197] {strides = array<i32>} : memref<10000xi32, #tpu.memory_space<vmem>>, vector<16xi32>,
      %get3A_199 = vector.shape_cast %get3A_198 : vector<16xi32> to vector<16xi32>
      %swap3A_200 = arith.constant 80 : index
      %swap3A_201 = tpu.vector_load %arg11[%swap3A_200] {strides = array<i32>} : memref<128xi32, #tpu.memory_space<vmem>>, vector<16xi32>,
      %swap3A_202 = vector.shape_cast %swap3A_201 : vector<16xi32> to vector<16xi32>
      %swap3A_203 = vector.shape_cast %get3A_199 : vector<16xi32> to vector<16xi32>
      tpu.vector_store %arg11[%swap3A_200], %swap3A_203 {strides = array<i32>} : memref<128xi32, #tpu.memory_space<vmem>>, vector<16xi32>,
      %add3A_204 = arith.constant 96 : i32
      %add3A_205 = arith.addi %mul3A_149, %add3A_204 : i32
      %get3A_206 = arith.index_cast %add3A_205 : i32 to index
      %get3A_207 = tpu.vector_load %arg5[%get3A_206] {strides = array<i32>} : memref<10000xi32, #tpu.memory_space<vmem>>, vector<16xi32>,
      %get3A_208 = vector.shape_cast %get3A_207 : vector<16xi32> to vector<16xi32>
      %swap3A_209 = arith.constant 96 : index
      %swap3A_210 = tpu.vector_load %arg11[%swap3A_209] {strides = array<i32>} : memref<128xi32, #tpu.memory_space<vmem>>, vector<16xi32>,
      %swap3A_211 = vector.shape_cast %swap3A_210 : vector<16xi32> to vector<16xi32>
      %swap3A_212 = vector.shape_cast %get3A_208 : vector<16xi32> to vector<16xi32>
      tpu.vector_store %arg11[%swap3A_209], %swap3A_212 {strides = array<i32>} : memref<128xi32, #tpu.memory_space<vmem>>, vector<16xi32>,
      %add3A_213 = arith.constant 112 : i32
      %add3A_214 = arith.addi %mul3A_149, %add3A_213 : i32
      %get3A_215 = arith.index_cast %add3A_214 : i32 to index
      %get3A_216 = tpu.vector_load %arg5[%get3A_215] {strides = array<i32>} : memref<10000xi32, #tpu.memory_space<vmem>>, vector<16xi32>,
      %get3A_217 = vector.shape_cast %get3A_216 : vector<16xi32> to vector<16xi32>
      %swap3A_218 = arith.constant 112 : index
      %swap3A_219 = tpu.vector_load %arg11[%swap3A_218] {strides = array<i32>} : memref<128xi32, #tpu.memory_space<vmem>>, vector<16xi32>,
      %swap3A_220 = vector.shape_cast %swap3A_219 : vector<16xi32> to vector<16xi32>
      %swap3A_221 = vector.shape_cast %get3A_217 : vector<16xi32> to vector<16xi32>
      tpu.vector_store %arg11[%swap3A_218], %swap3A_221 {strides = array<i32>} : memref<128xi32, #tpu.memory_space<vmem>>, vector<16xi32>,
      %dma_start3A_222 = arith.constant 0 : i32
      %dma_start3A_223 = tpu.memref_slice %arg4[%dma_start3A_222] : memref<10000xf32, #tpu.memory_space<vmem_shared>> -> memref<10000xf32, #tpu.memory_space<vmem_shared>>
      tpu.enqueue_indirect_dma source(%arg7 : memref<128xf32, #tpu.memory_space<vmem>>) target(%dma_start3A_223 : memref<10000xf32, #tpu.memory_space<vmem_shared>>) offsets(%arg11 : memref<128xi32, #tpu.memory_space<vmem>>) semaphore(%arg15 : memref<!tpu.dma_semaphore, #tpu.memory_space<semaphore_mem>>) {add = true}
      %mul3A_224 = arith.constant 3 : i32
      %mul3A_225 = arith.muli %scan3A_53, %mul3A_224 : i32
      %add3A_226 = arith.constant 2 : i32
      %add3A_227 = arith.addi %mul3A_225, %add3A_226 : i32
      %gt3A_228 = arith.constant 0 : i32
      %gt3A_229 = arith.cmpi sgt, %scan3A_53, %gt3A_228 : i32
      %convert_element_type3A_230 = arith.extui %gt3A_229 : i1 to i32
      %cond3A_231 = arith.constant 0 : i32
      %cond3A_232 = arith.cmpi ne, %convert_element_type3A_230, %cond3A_231 : i32
      scf.if %cond3A_232 {
        %dma_wait3A_310 = arith.constant 0 : i32
        %dma_wait3A_311 = tpu.memref_slice %arg4[%dma_wait3A_310] : memref<10000xf32, #tpu.memory_space<vmem_shared>> -> memref<10000xf32, #tpu.memory_space<vmem_shared>>
        tpu.wait_indirect_dma semaphore(%arg16 : memref<!tpu.dma_semaphore, #tpu.memory_space<semaphore_mem>>) src(%arg7 : memref<128xf32, #tpu.memory_space<vmem>>) dst(%dma_wait3A_311 : memref<10000xf32, #tpu.memory_space<vmem_shared>>)
      } else {
      }
      %mul3A_233 = arith.constant 128 : i32
      %mul3A_234 = arith.muli %add3A_227, %mul3A_233 : i32
      %add3A_235 = arith.constant 0 : i32
      %add3A_236 = arith.addi %mul3A_234, %add3A_235 : i32
      %get3A_237 = arith.index_cast %add3A_236 : i32 to index
      %get3A_238 = tpu.vector_load %arg5[%get3A_237] {strides = array<i32>} : memref<10000xi32, #tpu.memory_space<vmem>>, vector<16xi32>,
      %get3A_239 = vector.shape_cast %get3A_238 : vector<16xi32> to vector<16xi32>
      %swap3A_240 = arith.constant 0 : index
      %swap3A_241 = tpu.vector_load %arg12[%swap3A_240] {strides = array<i32>} : memref<128xi32, #tpu.memory_space<vmem>>, vector<16xi32>,
      %swap3A_242 = vector.shape_cast %swap3A_241 : vector<16xi32> to vector<16xi32>
      %swap3A_243 = vector.shape_cast %get3A_239 : vector<16xi32> to vector<16xi32>
      tpu.vector_store %arg12[%swap3A_240], %swap3A_243 {strides = array<i32>} : memref<128xi32, #tpu.memory_space<vmem>>, vector<16xi32>,
      %add3A_244 = arith.constant 16 : i32
      %add3A_245 = arith.addi %mul3A_234, %add3A_244 : i32
      %get3A_246 = arith.index_cast %add3A_245 : i32 to index
      %get3A_247 = tpu.vector_load %arg5[%get3A_246] {strides = array<i32>} : memref<10000xi32, #tpu.memory_space<vmem>>, vector<16xi32>,
      %get3A_248 = vector.shape_cast %get3A_247 : vector<16xi32> to vector<16xi32>
      %swap3A_249 = arith.constant 16 : index
      %swap3A_250 = tpu.vector_load %arg12[%swap3A_249] {strides = array<i32>} : memref<128xi32, #tpu.memory_space<vmem>>, vector<16xi32>,
      %swap3A_251 = vector.shape_cast %swap3A_250 : vector<16xi32> to vector<16xi32>
      %swap3A_252 = vector.shape_cast %get3A_248 : vector<16xi32> to vector<16xi32>
      tpu.vector_store %arg12[%swap3A_249], %swap3A_252 {strides = array<i32>} : memref<128xi32, #tpu.memory_space<vmem>>, vector<16xi32>,
      %add3A_253 = arith.constant 32 : i32
      %add3A_254 = arith.addi %mul3A_234, %add3A_253 : i32
      %get3A_255 = arith.index_cast %add3A_254 : i32 to index
      %get3A_256 = tpu.vector_load %arg5[%get3A_255] {strides = array<i32>} : memref<10000xi32, #tpu.memory_space<vmem>>, vector<16xi32>,
      %get3A_257 = vector.shape_cast %get3A_256 : vector<16xi32> to vector<16xi32>
      %swap3A_258 = arith.constant 32 : index
      %swap3A_259 = tpu.vector_load %arg12[%swap3A_258] {strides = array<i32>} : memref<128xi32, #tpu.memory_space<vmem>>, vector<16xi32>,
      %swap3A_260 = vector.shape_cast %swap3A_259 : vector<16xi32> to vector<16xi32>
      %swap3A_261 = vector.shape_cast %get3A_257 : vector<16xi32> to vector<16xi32>
      tpu.vector_store %arg12[%swap3A_258], %swap3A_261 {strides = array<i32>} : memref<128xi32, #tpu.memory_space<vmem>>, vector<16xi32>,
      %add3A_262 = arith.constant 48 : i32
      %add3A_263 = arith.addi %mul3A_234, %add3A_262 : i32
      %get3A_264 = arith.index_cast %add3A_263 : i32 to index
      %get3A_265 = tpu.vector_load %arg5[%get3A_264] {strides = array<i32>} : memref<10000xi32, #tpu.memory_space<vmem>>, vector<16xi32>,
      %get3A_266 = vector.shape_cast %get3A_265 : vector<16xi32> to vector<16xi32>
      %swap3A_267 = arith.constant 48 : index
      %swap3A_268 = tpu.vector_load %arg12[%swap3A_267] {strides = array<i32>} : memref<128xi32, #tpu.memory_space<vmem>>, vector<16xi32>,
      %swap3A_269 = vector.shape_cast %swap3A_268 : vector<16xi32> to vector<16xi32>
      %swap3A_270 = vector.shape_cast %get3A_266 : vector<16xi32> to vector<16xi32>
      tpu.vector_store %arg12[%swap3A_267], %swap3A_270 {strides = array<i32>} : memref<128xi32, #tpu.memory_space<vmem>>, vector<16xi32>,
      %add3A_271 = arith.constant 64 : i32
      %add3A_272 = arith.addi %mul3A_234, %add3A_271 : i32
      %get3A_273 = arith.index_cast %add3A_272 : i32 to index
      %get3A_274 = tpu.vector_load %arg5[%get3A_273] {strides = array<i32>} : memref<10000xi32, #tpu.memory_space<vmem>>, vector<16xi32>,
      %get3A_275 = vector.shape_cast %get3A_274 : vector<16xi32> to vector<16xi32>
      %swap3A_276 = arith.constant 64 : index
      %swap3A_277 = tpu.vector_load %arg12[%swap3A_276] {strides = array<i32>} : memref<128xi32, #tpu.memory_space<vmem>>, vector<16xi32>,
      %swap3A_278 = vector.shape_cast %swap3A_277 : vector<16xi32> to vector<16xi32>
      %swap3A_279 = vector.shape_cast %get3A_275 : vector<16xi32> to vector<16xi32>
      tpu.vector_store %arg12[%swap3A_276], %swap3A_279 {strides = array<i32>} : memref<128xi32, #tpu.memory_space<vmem>>, vector<16xi32>,
      %add3A_280 = arith.constant 80 : i32
      %add3A_281 = arith.addi %mul3A_234, %add3A_280 : i32
      %get3A_282 = arith.index_cast %add3A_281 : i32 to index
      %get3A_283 = tpu.vector_load %arg5[%get3A_282] {strides = array<i32>} : memref<10000xi32, #tpu.memory_space<vmem>>, vector<16xi32>,
      %get3A_284 = vector.shape_cast %get3A_283 : vector<16xi32> to vector<16xi32>
      %swap3A_285 = arith.constant 80 : index
      %swap3A_286 = tpu.vector_load %arg12[%swap3A_285] {strides = array<i32>} : memref<128xi32, #tpu.memory_space<vmem>>, vector<16xi32>,
      %swap3A_287 = vector.shape_cast %swap3A_286 : vector<16xi32> to vector<16xi32>
      %swap3A_288 = vector.shape_cast %get3A_284 : vector<16xi32> to vector<16xi32>
      tpu.vector_store %arg12[%swap3A_285], %swap3A_288 {strides = array<i32>} : memref<128xi32, #tpu.memory_space<vmem>>, vector<16xi32>,
      %add3A_289 = arith.constant 96 : i32
      %add3A_290 = arith.addi %mul3A_234, %add3A_289 : i32
      %get3A_291 = arith.index_cast %add3A_290 : i32 to index
      %get3A_292 = tpu.vector_load %arg5[%get3A_291] {strides = array<i32>} : memref<10000xi32, #tpu.memory_space<vmem>>, vector<16xi32>,
      %get3A_293 = vector.shape_cast %get3A_292 : vector<16xi32> to vector<16xi32>
      %swap3A_294 = arith.constant 96 : index
      %swap3A_295 = tpu.vector_load %arg12[%swap3A_294] {strides = array<i32>} : memref<128xi32, #tpu.memory_space<vmem>>, vector<16xi32>,
      %swap3A_296 = vector.shape_cast %swap3A_295 : vector<16xi32> to vector<16xi32>
      %swap3A_297 = vector.shape_cast %get3A_293 : vector<16xi32> to vector<16xi32>
      tpu.vector_store %arg12[%swap3A_294], %swap3A_297 {strides = array<i32>} : memref<128xi32, #tpu.memory_space<vmem>>, vector<16xi32>,
      %add3A_298 = arith.constant 112 : i32
      %add3A_299 = arith.addi %mul3A_234, %add3A_298 : i32
      %get3A_300 = arith.index_cast %add3A_299 : i32 to index
      %get3A_301 = tpu.vector_load %arg5[%get3A_300] {strides = array<i32>} : memref<10000xi32, #tpu.memory_space<vmem>>, vector<16xi32>,
      %get3A_302 = vector.shape_cast %get3A_301 : vector<16xi32> to vector<16xi32>
      %swap3A_303 = arith.constant 112 : index
      %swap3A_304 = tpu.vector_load %arg12[%swap3A_303] {strides = array<i32>} : memref<128xi32, #tpu.memory_space<vmem>>, vector<16xi32>,
      %swap3A_305 = vector.shape_cast %swap3A_304 : vector<16xi32> to vector<16xi32>
      %swap3A_306 = vector.shape_cast %get3A_302 : vector<16xi32> to vector<16xi32>
      tpu.vector_store %arg12[%swap3A_303], %swap3A_306 {strides = array<i32>} : memref<128xi32, #tpu.memory_space<vmem>>, vector<16xi32>,
      %dma_start3A_307 = arith.constant 0 : i32
      %dma_start3A_308 = tpu.memref_slice %arg4[%dma_start3A_307] : memref<10000xf32, #tpu.memory_space<vmem_shared>> -> memref<10000xf32, #tpu.memory_space<vmem_shared>>
      tpu.enqueue_indirect_dma source(%arg7 : memref<128xf32, #tpu.memory_space<vmem>>) target(%dma_start3A_308 : memref<10000xf32, #tpu.memory_space<vmem_shared>>) offsets(%arg12 : memref<128xi32, #tpu.memory_space<vmem>>) semaphore(%arg16 : memref<!tpu.dma_semaphore, #tpu.memory_space<semaphore_mem>>) {add = true}
      %scan3A_309 = arith.constant 0 : i32
      scf.yield %scan3A_309 : i32
    }
    %scan3A_34 = arith.constant 26 : i32
    %dma_wait3A_35 = arith.constant 0 : i32
    %dma_wait3A_36 = tpu.memref_slice %arg4[%dma_wait3A_35] : memref<10000xf32, #tpu.memory_space<vmem_shared>> -> memref<10000xf32, #tpu.memory_space<vmem_shared>>
    tpu.wait_indirect_dma semaphore(%arg14 : memref<!tpu.dma_semaphore, #tpu.memory_space<semaphore_mem>>) src(%arg7 : memref<128xf32, #tpu.memory_space<vmem>>) dst(%dma_wait3A_36 : memref<10000xf32, #tpu.memory_space<vmem_shared>>)
    %dma_wait3A_37 = arith.constant 0 : i32
    %dma_wait3A_38 = tpu.memref_slice %arg4[%dma_wait3A_37] : memref<10000xf32, #tpu.memory_space<vmem_shared>> -> memref<10000xf32, #tpu.memory_space<vmem_shared>>
    tpu.wait_indirect_dma semaphore(%arg15 : memref<!tpu.dma_semaphore, #tpu.memory_space<semaphore_mem>>) src(%arg7 : memref<128xf32, #tpu.memory_space<vmem>>) dst(%dma_wait3A_38 : memref<10000xf32, #tpu.memory_space<vmem_shared>>)
    %dma_wait3A_39 = arith.constant 0 : i32
    %dma_wait3A_40 = tpu.memref_slice %arg4[%dma_wait3A_39] : memref<10000xf32, #tpu.memory_space<vmem_shared>> -> memref<10000xf32, #tpu.memory_space<vmem_shared>>
    tpu.wait_indirect_dma semaphore(%arg16 : memref<!tpu.dma_semaphore, #tpu.memory_space<semaphore_mem>>) src(%arg7 : memref<128xf32, #tpu.memory_space<vmem>>) dst(%dma_wait3A_40 : memref<10000xf32, #tpu.memory_space<vmem_shared>>)
    %get3A = arith.constant 9984 : index
    %get3A_41 = tpu.vector_load %arg5[%get3A] {strides = array<i32>} : memref<10000xi32, #tpu.memory_space<vmem>>, vector<16xi32>,
    %get3A_42 = vector.shape_cast %get3A_41 : vector<16xi32> to vector<16xi32>
    %swap3A_43 = arith.constant 0 : index
    %swap3A_44 = tpu.vector_load %arg8[%swap3A_43] {strides = array<i32>} : memref<16xi32, #tpu.memory_space<vmem>>, vector<16xi32>,
    %swap3A_45 = vector.shape_cast %swap3A_44 : vector<16xi32> to vector<16xi32>
    %swap3A_46 = vector.shape_cast %get3A_42 : vector<16xi32> to vector<16xi32>
    tpu.vector_store %arg8[%swap3A_43], %swap3A_46 {strides = array<i32>} : memref<16xi32, #tpu.memory_space<vmem>>, vector<16xi32>,
    "tpu.region"() ({
      %run_scoped3A = tpu.sem_alloc : memref<!tpu.dma_semaphore, #tpu.memory_space<semaphore_mem>>
      %dma_start3A_53 = arith.constant 0 : i32
      %dma_start3A_54 = tpu.memref_slice %arg4[%dma_start3A_53] : memref<10000xf32, #tpu.memory_space<vmem_shared>> -> memref<10000xf32, #tpu.memory_space<vmem_shared>>
      tpu.enqueue_indirect_dma source(%arg9 : memref<16xf32, #tpu.memory_space<vmem>>) target(%dma_start3A_54 : memref<10000xf32, #tpu.memory_space<vmem_shared>>) offsets(%arg8 : memref<16xi32, #tpu.memory_space<vmem>>) semaphore(%run_scoped3A : memref<!tpu.dma_semaphore, #tpu.memory_space<semaphore_mem>>) {add = true}
      %dma_wait3A_55 = arith.constant 0 : i32
      %dma_wait3A_56 = tpu.memref_slice %arg4[%dma_wait3A_55] : memref<10000xf32, #tpu.memory_space<vmem_shared>> -> memref<10000xf32, #tpu.memory_space<vmem_shared>>
      tpu.wait_indirect_dma semaphore(%run_scoped3A : memref<!tpu.dma_semaphore, #tpu.memory_space<semaphore_mem>>) src(%arg9 : memref<16xf32, #tpu.memory_space<vmem>>) dst(%dma_wait3A_56 : memref<10000xf32, #tpu.memory_space<vmem_shared>>)
      tpu.yield
    }) : () -> ()
    %barrier3A_47 = arith.constant 0 : index
    tpu.barrier barrier_id(%barrier3A_47)
    %eq3A_48 = arith.constant 0 : i32
    %eq3A_49 = arith.cmpi eq, %arg1, %eq3A_48 : i32
    %convert_element_type3A_50 = arith.extui %eq3A_49 : i1 to i32
    %cond3A_51 = arith.constant 0 : i32
    %cond3A_52 = arith.cmpi ne, %convert_element_type3A_50, %cond3A_51 : i32
    scf.if %cond3A_52 {
      "tpu.region"() ({
        %run_scoped3A = tpu.sem_alloc : memref<!tpu.dma_semaphore, #tpu.memory_space<semaphore_mem>>
        %dma_start3A_53 = arith.constant 0 : i32
        %dma_start3A_54 = tpu.memref_slice %arg3[%arg0, %dma_start3A_53] : memref<2x10000xf32, #tpu.memory_space<hbm>> -> memref<1x10000xf32, #tpu.memory_space<hbm>>
        %dma_start3A_55 = tpu.memref_squeeze %dma_start3A_54 : memref<1x10000xf32, #tpu.memory_space<hbm>> -> memref<10000xf32, #tpu.memory_space<hbm>>
        tpu.enqueue_dma source(%arg4 : memref<10000xf32, #tpu.memory_space<vmem_shared>>) target(%dma_start3A_55 : memref<10000xf32, #tpu.memory_space<hbm>>) target_semaphore(%run_scoped3A : memref<!tpu.dma_semaphore, #tpu.memory_space<semaphore_mem>>)
        %dma_wait3A_56 = arith.constant 0 : i32
        %dma_wait3A_57 = tpu.memref_slice %arg3[%arg0, %dma_wait3A_56] : memref<2x10000xf32, #tpu.memory_space<hbm>> -> memref<1x10000xf32, #tpu.memory_space<hbm>>
        %dma_wait3A_58 = tpu.memref_squeeze %dma_wait3A_57 : memref<1x10000xf32, #tpu.memory_space<hbm>> -> memref<10000xf32, #tpu.memory_space<hbm>>
        tpu.wait_dma2 semaphore(%run_scoped3A : memref<!tpu.dma_semaphore, #tpu.memory_space<semaphore_mem>>) src(%arg4 : memref<10000xf32, #tpu.memory_space<vmem_shared>>) dst(%dma_wait3A_58 : memref<10000xf32, #tpu.memory_space<hbm>>)
        tpu.yield
      }) : () -> ()
    } else {
    }
    return
  }
}

#map = affine_map<(d0, d1) -> (0, 0)>
#map1 = affine_map<(d0, d1) -> (0)>
#map2 = affine_map<(d0, d1) -> (0, 0, 0)>
module attributes {stable_mosaic.version = 14 : i64} {
  func.func @_scat_body(%arg0: i32, %arg1: i32, %arg2: memref<10000x128xf32, #tpu.memory_space<hbm>>, %arg3: memref<320000xi32, #tpu.memory_space<hbm>>, %arg4: memref<320000xi32, #tpu.memory_space<hbm>>, %arg5: memref<2x10000x128xf32, #tpu.memory_space<hbm>>, %arg6: memref<10000x128xf32, #tpu.memory_space<vmem_shared>>, %arg7: memref<10000xi32, #tpu.memory_space<vmem>>, %arg8: memref<64x128xf32, #tpu.memory_space<vmem>>, %arg9: memref<64x128xf32, #tpu.memory_space<vmem>>, %arg10: memref<64x128xf32, #tpu.memory_space<vmem>>, %arg11: memref<64x128xf32, #tpu.memory_space<vmem>>, %arg12: memref<64xi32, #tpu.memory_space<vmem>>, %arg13: memref<64xi32, #tpu.memory_space<vmem>>, %arg14: memref<64xi32, #tpu.memory_space<vmem>>, %arg15: memref<64xi32, #tpu.memory_space<vmem>>, %arg16: memref<16x128xf32, #tpu.memory_space<vmem>>, %arg17: memref<16xi32, #tpu.memory_space<vmem>>, %arg18: memref<16xi32, #tpu.memory_space<vmem>>, %arg19: memref<!tpu.dma_semaphore, #tpu.memory_space<semaphore_mem>>, %arg20: memref<!tpu.dma_semaphore, #tpu.memory_space<semaphore_mem>>, %arg21: memref<!tpu.dma_semaphore, #tpu.memory_space<semaphore_mem>>, %arg22: memref<!tpu.dma_semaphore, #tpu.memory_space<semaphore_mem>>, %arg23: memref<!tpu.dma_semaphore, #tpu.memory_space<semaphore_mem>>, %arg24: memref<!tpu.dma_semaphore, #tpu.memory_space<semaphore_mem>>, %arg25: memref<!tpu.dma_semaphore, #tpu.memory_space<semaphore_mem>>, %arg26: memref<!tpu.dma_semaphore, #tpu.memory_space<semaphore_mem>>, %arg27: memref<!tpu.dma_semaphore, #tpu.memory_space<semaphore_mem>>, %arg28: memref<!tpu.dma_semaphore, #tpu.memory_space<semaphore_mem>>, %arg29: memref<!tpu.dma_semaphore, #tpu.memory_space<semaphore_mem>>, %arg30: memref<!tpu.dma_semaphore, #tpu.memory_space<semaphore_mem>>, %arg31: memref<!tpu.dma_semaphore, #tpu.memory_space<semaphore_mem>>) attributes {dimension_semantics = [#tpu.dimension_semantics<core_parallel>, #tpu.dimension_semantics<subcore_parallel>], iteration_bounds = array<i64: 2, 16>, scalar_prefetch = 0 : i64, scratch_operands = 26 : i64, tpu.core_type = #tpu.core_type<sc_vector_subcore>, window_params = [{transform_indices = #map}, {transform_indices = #map1}, {transform_indices = #map1}, {transform_indices = #map2}]} {
    %mul3A = arith.constant 2 : i32
    %mul3A_0 = arith.muli %arg1, %mul3A : i32
    %add3A = arith.addi %mul3A_0, %arg0 : i32
    %mul3A_1 = arith.constant 10000 : i32
    %mul3A_2 = arith.muli %add3A, %mul3A_1 : i32
    %dma_start3A = tpu.memref_slice %arg3[%mul3A_2] : memref<320000xi32, #tpu.memory_space<hbm>> -> memref<10000xi32, #tpu.memory_space<hbm>>
    %dma_start3A_3 = tpu.memref_slice %arg3[%mul3A_2] : memref<320000xi32, #tpu.memory_space<hbm>> -> memref<10000xi32, #tpu.memory_space<hbm>>
    tpu.enqueue_dma source(%dma_start3A_3 : memref<10000xi32, #tpu.memory_space<hbm>>) target(%arg7 : memref<10000xi32, #tpu.memory_space<vmem>>) target_semaphore(%arg19 : memref<!tpu.dma_semaphore, #tpu.memory_space<semaphore_mem>>)
    %scan3A = arith.constant 0 : i32
    %scan3A_4 = arith.constant 0 : i32
    %scan3A_5 = arith.constant 64 : i32
    %scan3A_6 = arith.addi %scan3A_4, %scan3A_5 : i32
    %scan3A_7 = arith.constant 1 : i32
    %scan3A_8 = scf.for %scan3A_117 = %scan3A_4 to %scan3A_6 step %scan3A_7 iter_args(%scan3A_118 = %scan3A) -> (i32)  : i32 {
      %broadcast_in_dim3A = arith.constant 0.000000e+00 : f32
      %broadcast_in_dim3A_119 = vector.broadcast %broadcast_in_dim3A : f32 to vector<16xf32>
      %swap3A_120 = arith.index_cast %scan3A_117 : i32 to index
      %swap3A_121 = arith.constant 0 : index
      %swap3A_122 = tpu.vector_load %arg8[%swap3A_120, %swap3A_121] {strides = array<i32>} : memref<64x128xf32, #tpu.memory_space<vmem>>, vector<1x16xf32>,
      %swap3A_123 = vector.shape_cast %swap3A_122 : vector<1x16xf32> to vector<16xf32>
      %swap3A_124 = vector.shape_cast %broadcast_in_dim3A_119 : vector<16xf32> to vector<1x16xf32>
      tpu.vector_store %arg8[%swap3A_120, %swap3A_121], %swap3A_124 {strides = array<i32>} : memref<64x128xf32, #tpu.memory_space<vmem>>, vector<1x16xf32>,
      %broadcast_in_dim3A_125 = arith.constant 0.000000e+00 : f32
      %broadcast_in_dim3A_126 = vector.broadcast %broadcast_in_dim3A_125 : f32 to vector<16xf32>
      %swap3A_127 = arith.index_cast %scan3A_117 : i32 to index
      %swap3A_128 = arith.constant 16 : index
      %swap3A_129 = tpu.vector_load %arg8[%swap3A_127, %swap3A_128] {strides = array<i32>} : memref<64x128xf32, #tpu.memory_space<vmem>>, vector<1x16xf32>,
      %swap3A_130 = vector.shape_cast %swap3A_129 : vector<1x16xf32> to vector<16xf32>
      %swap3A_131 = vector.shape_cast %broadcast_in_dim3A_126 : vector<16xf32> to vector<1x16xf32>
      tpu.vector_store %arg8[%swap3A_127, %swap3A_128], %swap3A_131 {strides = array<i32>} : memref<64x128xf32, #tpu.memory_space<vmem>>, vector<1x16xf32>,
      %broadcast_in_dim3A_132 = arith.constant 0.000000e+00 : f32
      %broadcast_in_dim3A_133 = vector.broadcast %broadcast_in_dim3A_132 : f32 to vector<16xf32>
      %swap3A_134 = arith.index_cast %scan3A_117 : i32 to index
      %swap3A_135 = arith.constant 32 : index
      %swap3A_136 = tpu.vector_load %arg8[%swap3A_134, %swap3A_135] {strides = array<i32>} : memref<64x128xf32, #tpu.memory_space<vmem>>, vector<1x16xf32>,
      %swap3A_137 = vector.shape_cast %swap3A_136 : vector<1x16xf32> to vector<16xf32>
      %swap3A_138 = vector.shape_cast %broadcast_in_dim3A_133 : vector<16xf32> to vector<1x16xf32>
      tpu.vector_store %arg8[%swap3A_134, %swap3A_135], %swap3A_138 {strides = array<i32>} : memref<64x128xf32, #tpu.memory_space<vmem>>, vector<1x16xf32>,
      %broadcast_in_dim3A_139 = arith.constant 0.000000e+00 : f32
      %broadcast_in_dim3A_140 = vector.broadcast %broadcast_in_dim3A_139 : f32 to vector<16xf32>
      %swap3A_141 = arith.index_cast %scan3A_117 : i32 to index
      %swap3A_142 = arith.constant 48 : index
      %swap3A_143 = tpu.vector_load %arg8[%swap3A_141, %swap3A_142] {strides = array<i32>} : memref<64x128xf32, #tpu.memory_space<vmem>>, vector<1x16xf32>,
      %swap3A_144 = vector.shape_cast %swap3A_143 : vector<1x16xf32> to vector<16xf32>
      %swap3A_145 = vector.shape_cast %broadcast_in_dim3A_140 : vector<16xf32> to vector<1x16xf32>
      tpu.vector_store %arg8[%swap3A_141, %swap3A_142], %swap3A_145 {strides = array<i32>} : memref<64x128xf32, #tpu.memory_space<vmem>>, vector<1x16xf32>,
      %broadcast_in_dim3A_146 = arith.constant 0.000000e+00 : f32
      %broadcast_in_dim3A_147 = vector.broadcast %broadcast_in_dim3A_146 : f32 to vector<16xf32>
      %swap3A_148 = arith.index_cast %scan3A_117 : i32 to index
      %swap3A_149 = arith.constant 64 : index
      %swap3A_150 = tpu.vector_load %arg8[%swap3A_148, %swap3A_149] {strides = array<i32>} : memref<64x128xf32, #tpu.memory_space<vmem>>, vector<1x16xf32>,
      %swap3A_151 = vector.shape_cast %swap3A_150 : vector<1x16xf32> to vector<16xf32>
      %swap3A_152 = vector.shape_cast %broadcast_in_dim3A_147 : vector<16xf32> to vector<1x16xf32>
      tpu.vector_store %arg8[%swap3A_148, %swap3A_149], %swap3A_152 {strides = array<i32>} : memref<64x128xf32, #tpu.memory_space<vmem>>, vector<1x16xf32>,
      %broadcast_in_dim3A_153 = arith.constant 0.000000e+00 : f32
      %broadcast_in_dim3A_154 = vector.broadcast %broadcast_in_dim3A_153 : f32 to vector<16xf32>
      %swap3A_155 = arith.index_cast %scan3A_117 : i32 to index
      %swap3A_156 = arith.constant 80 : index
      %swap3A_157 = tpu.vector_load %arg8[%swap3A_155, %swap3A_156] {strides = array<i32>} : memref<64x128xf32, #tpu.memory_space<vmem>>, vector<1x16xf32>,
      %swap3A_158 = vector.shape_cast %swap3A_157 : vector<1x16xf32> to vector<16xf32>
      %swap3A_159 = vector.shape_cast %broadcast_in_dim3A_154 : vector<16xf32> to vector<1x16xf32>
      tpu.vector_store %arg8[%swap3A_155, %swap3A_156], %swap3A_159 {strides = array<i32>} : memref<64x128xf32, #tpu.memory_space<vmem>>, vector<1x16xf32>,
      %broadcast_in_dim3A_160 = arith.constant 0.000000e+00 : f32
      %broadcast_in_dim3A_161 = vector.broadcast %broadcast_in_dim3A_160 : f32 to vector<16xf32>
      %swap3A_162 = arith.index_cast %scan3A_117 : i32 to index
      %swap3A_163 = arith.constant 96 : index
      %swap3A_164 = tpu.vector_load %arg8[%swap3A_162, %swap3A_163] {strides = array<i32>} : memref<64x128xf32, #tpu.memory_space<vmem>>, vector<1x16xf32>,
      %swap3A_165 = vector.shape_cast %swap3A_164 : vector<1x16xf32> to vector<16xf32>
      %swap3A_166 = vector.shape_cast %broadcast_in_dim3A_161 : vector<16xf32> to vector<1x16xf32>
      tpu.vector_store %arg8[%swap3A_162, %swap3A_163], %swap3A_166 {strides = array<i32>} : memref<64x128xf32, #tpu.memory_space<vmem>>, vector<1x16xf32>,
      %broadcast_in_dim3A_167 = arith.constant 0.000000e+00 : f32
      %broadcast_in_dim3A_168 = vector.broadcast %broadcast_in_dim3A_167 : f32 to vector<16xf32>
      %swap3A_169 = arith.index_cast %scan3A_117 : i32 to index
      %swap3A_170 = arith.constant 112 : index
      %swap3A_171 = tpu.vector_load %arg8[%swap3A_169, %swap3A_170] {strides = array<i32>} : memref<64x128xf32, #tpu.memory_space<vmem>>, vector<1x16xf32>,
      %swap3A_172 = vector.shape_cast %swap3A_171 : vector<1x16xf32> to vector<16xf32>
      %swap3A_173 = vector.shape_cast %broadcast_in_dim3A_168 : vector<16xf32> to vector<1x16xf32>
      tpu.vector_store %arg8[%swap3A_169, %swap3A_170], %swap3A_173 {strides = array<i32>} : memref<64x128xf32, #tpu.memory_space<vmem>>, vector<1x16xf32>,
      %scan3A_174 = arith.constant 0 : i32
      scf.yield %scan3A_174 : i32
    }
    %scan3A_9 = arith.constant 64 : i32
    %mul3A_10 = arith.constant 624 : i32
    %mul3A_11 = arith.muli %arg1, %mul3A_10 : i32
    %add3A_12 = arith.constant 0 : i32
    %add3A_13 = arith.addi %mul3A_11, %add3A_12 : i32
    "tpu.region"() ({
      %run_scoped3A = tpu.sem_alloc : memref<!tpu.dma_semaphore, #tpu.memory_space<semaphore_mem>>
      %dma_start3A_117 = arith.constant 0 : i32
      %dma_start3A_118 = tpu.memref_slice %arg6[%add3A_13, %dma_start3A_117] : memref<10000x128xf32, #tpu.memory_space<vmem_shared>> -> memref<64x128xf32, #tpu.memory_space<vmem_shared>>
      %dma_start3A_119 = arith.constant 0 : i32
      %dma_start3A_120 = tpu.memref_slice %arg6[%add3A_13, %dma_start3A_119] : memref<10000x128xf32, #tpu.memory_space<vmem_shared>> -> memref<64x128xf32, #tpu.memory_space<vmem_shared>>
      tpu.enqueue_dma source(%arg8 : memref<64x128xf32, #tpu.memory_space<vmem>>) target(%dma_start3A_120 : memref<64x128xf32, #tpu.memory_space<vmem_shared>>) target_semaphore(%run_scoped3A : memref<!tpu.dma_semaphore, #tpu.memory_space<semaphore_mem>>)
      %dma_wait3A_121 = arith.constant 0 : i32
      %dma_wait3A_122 = tpu.memref_slice %arg6[%add3A_13, %dma_wait3A_121] : memref<10000x128xf32, #tpu.memory_space<vmem_shared>> -> memref<64x128xf32, #tpu.memory_space<vmem_shared>>
      %dma_wait3A_123 = arith.constant 0 : i32
      %dma_wait3A_124 = tpu.memref_slice %arg6[%add3A_13, %dma_wait3A_123] : memref<10000x128xf32, #tpu.memory_space<vmem_shared>> -> memref<64x128xf32, #tpu.memory_space<vmem_shared>>
      tpu.wait_dma2 semaphore(%run_scoped3A : memref<!tpu.dma_semaphore, #tpu.memory_space<semaphore_mem>>) src(%arg8 : memref<64x128xf32, #tpu.memory_space<vmem>>) dst(%dma_wait3A_124 : memref<64x128xf32, #tpu.memory_space<vmem_shared>>)
      tpu.yield
    }) : () -> ()
    %add3A_14 = arith.constant 64 : i32
    %add3A_15 = arith.addi %mul3A_11, %add3A_14 : i32
    "tpu.region"() ({
      %run_scoped3A = tpu.sem_alloc : memref<!tpu.dma_semaphore, #tpu.memory_space<semaphore_mem>>
      %dma_start3A_117 = arith.constant 0 : i32
      %dma_start3A_118 = tpu.memref_slice %arg6[%add3A_15, %dma_start3A_117] : memref<10000x128xf32, #tpu.memory_space<vmem_shared>> -> memref<64x128xf32, #tpu.memory_space<vmem_shared>>
      %dma_start3A_119 = arith.constant 0 : i32
      %dma_start3A_120 = tpu.memref_slice %arg6[%add3A_15, %dma_start3A_119] : memref<10000x128xf32, #tpu.memory_space<vmem_shared>> -> memref<64x128xf32, #tpu.memory_space<vmem_shared>>
      tpu.enqueue_dma source(%arg8 : memref<64x128xf32, #tpu.memory_space<vmem>>) target(%dma_start3A_120 : memref<64x128xf32, #tpu.memory_space<vmem_shared>>) target_semaphore(%run_scoped3A : memref<!tpu.dma_semaphore, #tpu.memory_space<semaphore_mem>>)
      %dma_wait3A_121 = arith.constant 0 : i32
      %dma_wait3A_122 = tpu.memref_slice %arg6[%add3A_15, %dma_wait3A_121] : memref<10000x128xf32, #tpu.memory_space<vmem_shared>> -> memref<64x128xf32, #tpu.memory_space<vmem_shared>>
      %dma_wait3A_123 = arith.constant 0 : i32
      %dma_wait3A_124 = tpu.memref_slice %arg6[%add3A_15, %dma_wait3A_123] : memref<10000x128xf32, #tpu.memory_space<vmem_shared>> -> memref<64x128xf32, #tpu.memory_space<vmem_shared>>
      tpu.wait_dma2 semaphore(%run_scoped3A : memref<!tpu.dma_semaphore, #tpu.memory_space<semaphore_mem>>) src(%arg8 : memref<64x128xf32, #tpu.memory_space<vmem>>) dst(%dma_wait3A_124 : memref<64x128xf32, #tpu.memory_space<vmem_shared>>)
      tpu.yield
    }) : () -> ()
    %add3A_16 = arith.constant 128 : i32
    %add3A_17 = arith.addi %mul3A_11, %add3A_16 : i32
    "tpu.region"() ({
      %run_scoped3A = tpu.sem_alloc : memref<!tpu.dma_semaphore, #tpu.memory_space<semaphore_mem>>
      %dma_start3A_117 = arith.constant 0 : i32
      %dma_start3A_118 = tpu.memref_slice %arg6[%add3A_17, %dma_start3A_117] : memref<10000x128xf32, #tpu.memory_space<vmem_shared>> -> memref<64x128xf32, #tpu.memory_space<vmem_shared>>
      %dma_start3A_119 = arith.constant 0 : i32
      %dma_start3A_120 = tpu.memref_slice %arg6[%add3A_17, %dma_start3A_119] : memref<10000x128xf32, #tpu.memory_space<vmem_shared>> -> memref<64x128xf32, #tpu.memory_space<vmem_shared>>
      tpu.enqueue_dma source(%arg8 : memref<64x128xf32, #tpu.memory_space<vmem>>) target(%dma_start3A_120 : memref<64x128xf32, #tpu.memory_space<vmem_shared>>) target_semaphore(%run_scoped3A : memref<!tpu.dma_semaphore, #tpu.memory_space<semaphore_mem>>)
      %dma_wait3A_121 = arith.constant 0 : i32
      %dma_wait3A_122 = tpu.memref_slice %arg6[%add3A_17, %dma_wait3A_121] : memref<10000x128xf32, #tpu.memory_space<vmem_shared>> -> memref<64x128xf32, #tpu.memory_space<vmem_shared>>
      %dma_wait3A_123 = arith.constant 0 : i32
      %dma_wait3A_124 = tpu.memref_slice %arg6[%add3A_17, %dma_wait3A_123] : memref<10000x128xf32, #tpu.memory_space<vmem_shared>> -> memref<64x128xf32, #tpu.memory_space<vmem_shared>>
      tpu.wait_dma2 semaphore(%run_scoped3A : memref<!tpu.dma_semaphore, #tpu.memory_space<semaphore_mem>>) src(%arg8 : memref<64x128xf32, #tpu.memory_space<vmem>>) dst(%dma_wait3A_124 : memref<64x128xf32, #tpu.memory_space<vmem_shared>>)
      tpu.yield
    }) : () -> ()
    %add3A_18 = arith.constant 192 : i32
    %add3A_19 = arith.addi %mul3A_11, %add3A_18 : i32
    "tpu.region"() ({
      %run_scoped3A = tpu.sem_alloc : memref<!tpu.dma_semaphore, #tpu.memory_space<semaphore_mem>>
      %dma_start3A_117 = arith.constant 0 : i32
      %dma_start3A_118 = tpu.memref_slice %arg6[%add3A_19, %dma_start3A_117] : memref<10000x128xf32, #tpu.memory_space<vmem_shared>> -> memref<64x128xf32, #tpu.memory_space<vmem_shared>>
      %dma_start3A_119 = arith.constant 0 : i32
      %dma_start3A_120 = tpu.memref_slice %arg6[%add3A_19, %dma_start3A_119] : memref<10000x128xf32, #tpu.memory_space<vmem_shared>> -> memref<64x128xf32, #tpu.memory_space<vmem_shared>>
      tpu.enqueue_dma source(%arg8 : memref<64x128xf32, #tpu.memory_space<vmem>>) target(%dma_start3A_120 : memref<64x128xf32, #tpu.memory_space<vmem_shared>>) target_semaphore(%run_scoped3A : memref<!tpu.dma_semaphore, #tpu.memory_space<semaphore_mem>>)
      %dma_wait3A_121 = arith.constant 0 : i32
      %dma_wait3A_122 = tpu.memref_slice %arg6[%add3A_19, %dma_wait3A_121] : memref<10000x128xf32, #tpu.memory_space<vmem_shared>> -> memref<64x128xf32, #tpu.memory_space<vmem_shared>>
      %dma_wait3A_123 = arith.constant 0 : i32
      %dma_wait3A_124 = tpu.memref_slice %arg6[%add3A_19, %dma_wait3A_123] : memref<10000x128xf32, #tpu.memory_space<vmem_shared>> -> memref<64x128xf32, #tpu.memory_space<vmem_shared>>
      tpu.wait_dma2 semaphore(%run_scoped3A : memref<!tpu.dma_semaphore, #tpu.memory_space<semaphore_mem>>) src(%arg8 : memref<64x128xf32, #tpu.memory_space<vmem>>) dst(%dma_wait3A_124 : memref<64x128xf32, #tpu.memory_space<vmem_shared>>)
      tpu.yield
    }) : () -> ()
    %add3A_20 = arith.constant 256 : i32
    %add3A_21 = arith.addi %mul3A_11, %add3A_20 : i32
    "tpu.region"() ({
      %run_scoped3A = tpu.sem_alloc : memref<!tpu.dma_semaphore, #tpu.memory_space<semaphore_mem>>
      %dma_start3A_117 = arith.constant 0 : i32
      %dma_start3A_118 = tpu.memref_slice %arg6[%add3A_21, %dma_start3A_117] : memref<10000x128xf32, #tpu.memory_space<vmem_shared>> -> memref<64x128xf32, #tpu.memory_space<vmem_shared>>
      %dma_start3A_119 = arith.constant 0 : i32
      %dma_start3A_120 = tpu.memref_slice %arg6[%add3A_21, %dma_start3A_119] : memref<10000x128xf32, #tpu.memory_space<vmem_shared>> -> memref<64x128xf32, #tpu.memory_space<vmem_shared>>
      tpu.enqueue_dma source(%arg8 : memref<64x128xf32, #tpu.memory_space<vmem>>) target(%dma_start3A_120 : memref<64x128xf32, #tpu.memory_space<vmem_shared>>) target_semaphore(%run_scoped3A : memref<!tpu.dma_semaphore, #tpu.memory_space<semaphore_mem>>)
      %dma_wait3A_121 = arith.constant 0 : i32
      %dma_wait3A_122 = tpu.memref_slice %arg6[%add3A_21, %dma_wait3A_121] : memref<10000x128xf32, #tpu.memory_space<vmem_shared>> -> memref<64x128xf32, #tpu.memory_space<vmem_shared>>
      %dma_wait3A_123 = arith.constant 0 : i32
      %dma_wait3A_124 = tpu.memref_slice %arg6[%add3A_21, %dma_wait3A_123] : memref<10000x128xf32, #tpu.memory_space<vmem_shared>> -> memref<64x128xf32, #tpu.memory_space<vmem_shared>>
      tpu.wait_dma2 semaphore(%run_scoped3A : memref<!tpu.dma_semaphore, #tpu.memory_space<semaphore_mem>>) src(%arg8 : memref<64x128xf32, #tpu.memory_space<vmem>>) dst(%dma_wait3A_124 : memref<64x128xf32, #tpu.memory_space<vmem_shared>>)
      tpu.yield
    }) : () -> ()
    %add3A_22 = arith.constant 320 : i32
    %add3A_23 = arith.addi %mul3A_11, %add3A_22 : i32
    "tpu.region"() ({
      %run_scoped3A = tpu.sem_alloc : memref<!tpu.dma_semaphore, #tpu.memory_space<semaphore_mem>>
      %dma_start3A_117 = arith.constant 0 : i32
      %dma_start3A_118 = tpu.memref_slice %arg6[%add3A_23, %dma_start3A_117] : memref<10000x128xf32, #tpu.memory_space<vmem_shared>> -> memref<64x128xf32, #tpu.memory_space<vmem_shared>>
      %dma_start3A_119 = arith.constant 0 : i32
      %dma_start3A_120 = tpu.memref_slice %arg6[%add3A_23, %dma_start3A_119] : memref<10000x128xf32, #tpu.memory_space<vmem_shared>> -> memref<64x128xf32, #tpu.memory_space<vmem_shared>>
      tpu.enqueue_dma source(%arg8 : memref<64x128xf32, #tpu.memory_space<vmem>>) target(%dma_start3A_120 : memref<64x128xf32, #tpu.memory_space<vmem_shared>>) target_semaphore(%run_scoped3A : memref<!tpu.dma_semaphore, #tpu.memory_space<semaphore_mem>>)
      %dma_wait3A_121 = arith.constant 0 : i32
      %dma_wait3A_122 = tpu.memref_slice %arg6[%add3A_23, %dma_wait3A_121] : memref<10000x128xf32, #tpu.memory_space<vmem_shared>> -> memref<64x128xf32, #tpu.memory_space<vmem_shared>>
      %dma_wait3A_123 = arith.constant 0 : i32
      %dma_wait3A_124 = tpu.memref_slice %arg6[%add3A_23, %dma_wait3A_123] : memref<10000x128xf32, #tpu.memory_space<vmem_shared>> -> memref<64x128xf32, #tpu.memory_space<vmem_shared>>
      tpu.wait_dma2 semaphore(%run_scoped3A : memref<!tpu.dma_semaphore, #tpu.memory_space<semaphore_mem>>) src(%arg8 : memref<64x128xf32, #tpu.memory_space<vmem>>) dst(%dma_wait3A_124 : memref<64x128xf32, #tpu.memory_space<vmem_shared>>)
      tpu.yield
    }) : () -> ()
    %add3A_24 = arith.constant 384 : i32
    %add3A_25 = arith.addi %mul3A_11, %add3A_24 : i32
    "tpu.region"() ({
      %run_scoped3A = tpu.sem_alloc : memref<!tpu.dma_semaphore, #tpu.memory_space<semaphore_mem>>
      %dma_start3A_117 = arith.constant 0 : i32
      %dma_start3A_118 = tpu.memref_slice %arg6[%add3A_25, %dma_start3A_117] : memref<10000x128xf32, #tpu.memory_space<vmem_shared>> -> memref<64x128xf32, #tpu.memory_space<vmem_shared>>
      %dma_start3A_119 = arith.constant 0 : i32
      %dma_start3A_120 = tpu.memref_slice %arg6[%add3A_25, %dma_start3A_119] : memref<10000x128xf32, #tpu.memory_space<vmem_shared>> -> memref<64x128xf32, #tpu.memory_space<vmem_shared>>
      tpu.enqueue_dma source(%arg8 : memref<64x128xf32, #tpu.memory_space<vmem>>) target(%dma_start3A_120 : memref<64x128xf32, #tpu.memory_space<vmem_shared>>) target_semaphore(%run_scoped3A : memref<!tpu.dma_semaphore, #tpu.memory_space<semaphore_mem>>)
      %dma_wait3A_121 = arith.constant 0 : i32
      %dma_wait3A_122 = tpu.memref_slice %arg6[%add3A_25, %dma_wait3A_121] : memref<10000x128xf32, #tpu.memory_space<vmem_shared>> -> memref<64x128xf32, #tpu.memory_space<vmem_shared>>
      %dma_wait3A_123 = arith.constant 0 : i32
      %dma_wait3A_124 = tpu.memref_slice %arg6[%add3A_25, %dma_wait3A_123] : memref<10000x128xf32, #tpu.memory_space<vmem_shared>> -> memref<64x128xf32, #tpu.memory_space<vmem_shared>>
      tpu.wait_dma2 semaphore(%run_scoped3A : memref<!tpu.dma_semaphore, #tpu.memory_space<semaphore_mem>>) src(%arg8 : memref<64x128xf32, #tpu.memory_space<vmem>>) dst(%dma_wait3A_124 : memref<64x128xf32, #tpu.memory_space<vmem_shared>>)
      tpu.yield
    }) : () -> ()
    %add3A_26 = arith.constant 448 : i32
    %add3A_27 = arith.addi %mul3A_11, %add3A_26 : i32
    "tpu.region"() ({
      %run_scoped3A = tpu.sem_alloc : memref<!tpu.dma_semaphore, #tpu.memory_space<semaphore_mem>>
      %dma_start3A_117 = arith.constant 0 : i32
      %dma_start3A_118 = tpu.memref_slice %arg6[%add3A_27, %dma_start3A_117] : memref<10000x128xf32, #tpu.memory_space<vmem_shared>> -> memref<64x128xf32, #tpu.memory_space<vmem_shared>>
      %dma_start3A_119 = arith.constant 0 : i32
      %dma_start3A_120 = tpu.memref_slice %arg6[%add3A_27, %dma_start3A_119] : memref<10000x128xf32, #tpu.memory_space<vmem_shared>> -> memref<64x128xf32, #tpu.memory_space<vmem_shared>>
      tpu.enqueue_dma source(%arg8 : memref<64x128xf32, #tpu.memory_space<vmem>>) target(%dma_start3A_120 : memref<64x128xf32, #tpu.memory_space<vmem_shared>>) target_semaphore(%run_scoped3A : memref<!tpu.dma_semaphore, #tpu.memory_space<semaphore_mem>>)
      %dma_wait3A_121 = arith.constant 0 : i32
      %dma_wait3A_122 = tpu.memref_slice %arg6[%add3A_27, %dma_wait3A_121] : memref<10000x128xf32, #tpu.memory_space<vmem_shared>> -> memref<64x128xf32, #tpu.memory_space<vmem_shared>>
      %dma_wait3A_123 = arith.constant 0 : i32
      %dma_wait3A_124 = tpu.memref_slice %arg6[%add3A_27, %dma_wait3A_123] : memref<10000x128xf32, #tpu.memory_space<vmem_shared>> -> memref<64x128xf32, #tpu.memory_space<vmem_shared>>
      tpu.wait_dma2 semaphore(%run_scoped3A : memref<!tpu.dma_semaphore, #tpu.memory_space<semaphore_mem>>) src(%arg8 : memref<64x128xf32, #tpu.memory_space<vmem>>) dst(%dma_wait3A_124 : memref<64x128xf32, #tpu.memory_space<vmem_shared>>)
      tpu.yield
    }) : () -> ()
    %add3A_28 = arith.constant 512 : i32
    %add3A_29 = arith.addi %mul3A_11, %add3A_28 : i32
    "tpu.region"() ({
      %run_scoped3A = tpu.sem_alloc : memref<!tpu.dma_semaphore, #tpu.memory_space<semaphore_mem>>
      %dma_start3A_117 = arith.constant 0 : i32
      %dma_start3A_118 = tpu.memref_slice %arg6[%add3A_29, %dma_start3A_117] : memref<10000x128xf32, #tpu.memory_space<vmem_shared>> -> memref<64x128xf32, #tpu.memory_space<vmem_shared>>
      %dma_start3A_119 = arith.constant 0 : i32
      %dma_start3A_120 = tpu.memref_slice %arg6[%add3A_29, %dma_start3A_119] : memref<10000x128xf32, #tpu.memory_space<vmem_shared>> -> memref<64x128xf32, #tpu.memory_space<vmem_shared>>
      tpu.enqueue_dma source(%arg8 : memref<64x128xf32, #tpu.memory_space<vmem>>) target(%dma_start3A_120 : memref<64x128xf32, #tpu.memory_space<vmem_shared>>) target_semaphore(%run_scoped3A : memref<!tpu.dma_semaphore, #tpu.memory_space<semaphore_mem>>)
      %dma_wait3A_121 = arith.constant 0 : i32
      %dma_wait3A_122 = tpu.memref_slice %arg6[%add3A_29, %dma_wait3A_121] : memref<10000x128xf32, #tpu.memory_space<vmem_shared>> -> memref<64x128xf32, #tpu.memory_space<vmem_shared>>
      %dma_wait3A_123 = arith.constant 0 : i32
      %dma_wait3A_124 = tpu.memref_slice %arg6[%add3A_29, %dma_wait3A_123] : memref<10000x128xf32, #tpu.memory_space<vmem_shared>> -> memref<64x128xf32, #tpu.memory_space<vmem_shared>>
      tpu.wait_dma2 semaphore(%run_scoped3A : memref<!tpu.dma_semaphore, #tpu.memory_space<semaphore_mem>>) src(%arg8 : memref<64x128xf32, #tpu.memory_space<vmem>>) dst(%dma_wait3A_124 : memref<64x128xf32, #tpu.memory_space<vmem_shared>>)
      tpu.yield
    }) : () -> ()
    %add3A_30 = arith.constant 576 : i32
    %add3A_31 = arith.addi %mul3A_11, %add3A_30 : i32
    "tpu.region"() ({
      %run_scoped3A = tpu.sem_alloc : memref<!tpu.dma_semaphore, #tpu.memory_space<semaphore_mem>>
      %dma_start3A_117 = arith.constant 0 : i32
      %dma_start3A_118 = arith.constant 0 : i32
      %dma_start3A_119 = tpu.memref_slice %arg8[%dma_start3A_117, %dma_start3A_118] : memref<64x128xf32, #tpu.memory_space<vmem>> -> memref<48x128xf32, #tpu.memory_space<vmem>>
      %dma_start3A_120 = arith.constant 0 : i32
      %dma_start3A_121 = tpu.memref_slice %arg6[%add3A_31, %dma_start3A_120] : memref<10000x128xf32, #tpu.memory_space<vmem_shared>> -> memref<48x128xf32, #tpu.memory_space<vmem_shared>>
      %dma_start3A_122 = arith.constant 0 : i32
      %dma_start3A_123 = tpu.memref_slice %arg6[%add3A_31, %dma_start3A_122] : memref<10000x128xf32, #tpu.memory_space<vmem_shared>> -> memref<48x128xf32, #tpu.memory_space<vmem_shared>>
      %dma_start3A_124 = arith.constant 0 : i32
      %dma_start3A_125 = arith.constant 0 : i32
      %dma_start3A_126 = tpu.memref_slice %arg8[%dma_start3A_124, %dma_start3A_125] : memref<64x128xf32, #tpu.memory_space<vmem>> -> memref<48x128xf32, #tpu.memory_space<vmem>>
      tpu.enqueue_dma source(%dma_start3A_126 : memref<48x128xf32, #tpu.memory_space<vmem>>) target(%dma_start3A_123 : memref<48x128xf32, #tpu.memory_space<vmem_shared>>) target_semaphore(%run_scoped3A : memref<!tpu.dma_semaphore, #tpu.memory_space<semaphore_mem>>)
      %dma_wait3A_127 = arith.constant 0 : i32
      %dma_wait3A_128 = arith.constant 0 : i32
      %dma_wait3A_129 = tpu.memref_slice %arg8[%dma_wait3A_127, %dma_wait3A_128] : memref<64x128xf32, #tpu.memory_space<vmem>> -> memref<48x128xf32, #tpu.memory_space<vmem>>
      %dma_wait3A_130 = arith.constant 0 : i32
      %dma_wait3A_131 = tpu.memref_slice %arg6[%add3A_31, %dma_wait3A_130] : memref<10000x128xf32, #tpu.memory_space<vmem_shared>> -> memref<48x128xf32, #tpu.memory_space<vmem_shared>>
      %dma_wait3A_132 = arith.constant 0 : i32
      %dma_wait3A_133 = tpu.memref_slice %arg6[%add3A_31, %dma_wait3A_132] : memref<10000x128xf32, #tpu.memory_space<vmem_shared>> -> memref<48x128xf32, #tpu.memory_space<vmem_shared>>
      %dma_wait3A_134 = arith.constant 0 : i32
      %dma_wait3A_135 = arith.constant 0 : i32
      %dma_wait3A_136 = tpu.memref_slice %arg8[%dma_wait3A_134, %dma_wait3A_135] : memref<64x128xf32, #tpu.memory_space<vmem>> -> memref<48x128xf32, #tpu.memory_space<vmem>>
      tpu.wait_dma2 semaphore(%run_scoped3A : memref<!tpu.dma_semaphore, #tpu.memory_space<semaphore_mem>>) src(%dma_wait3A_136 : memref<48x128xf32, #tpu.memory_space<vmem>>) dst(%dma_wait3A_133 : memref<48x128xf32, #tpu.memory_space<vmem_shared>>)
      tpu.yield
    }) : () -> ()
    %eq3A = arith.constant 15 : i32
    %eq3A_32 = arith.cmpi eq, %arg1, %eq3A : i32
    %convert_element_type3A = arith.extui %eq3A_32 : i1 to i32
    %cond3A = arith.constant 0 : i32
    %cond3A_33 = arith.cmpi ne, %convert_element_type3A, %cond3A : i32
    scf.if %cond3A_33 {
      "tpu.region"() ({
        %run_scoped3A = tpu.sem_alloc : memref<!tpu.dma_semaphore, #tpu.memory_space<semaphore_mem>>
        %dma_start3A_117 = arith.constant 0 : i32
        %dma_start3A_118 = arith.constant 0 : i32
        %dma_start3A_119 = tpu.memref_slice %arg8[%dma_start3A_117, %dma_start3A_118] : memref<64x128xf32, #tpu.memory_space<vmem>> -> memref<16x128xf32, #tpu.memory_space<vmem>>
        %dma_start3A_120 = arith.constant 9984 : i32
        %dma_start3A_121 = arith.constant 0 : i32
        %dma_start3A_122 = tpu.memref_slice %arg6[%dma_start3A_120, %dma_start3A_121] : memref<10000x128xf32, #tpu.memory_space<vmem_shared>> -> memref<16x128xf32, #tpu.memory_space<vmem_shared>>
        %dma_start3A_123 = arith.constant 9984 : i32
        %dma_start3A_124 = arith.constant 0 : i32
        %dma_start3A_125 = tpu.memref_slice %arg6[%dma_start3A_123, %dma_start3A_124] : memref<10000x128xf32, #tpu.memory_space<vmem_shared>> -> memref<16x128xf32, #tpu.memory_space<vmem_shared>>
        %dma_start3A_126 = arith.constant 0 : i32
        %dma_start3A_127 = arith.constant 0 : i32
        %dma_start3A_128 = tpu.memref_slice %arg8[%dma_start3A_126, %dma_start3A_127] : memref<64x128xf32, #tpu.memory_space<vmem>> -> memref<16x128xf32, #tpu.memory_space<vmem>>
        tpu.enqueue_dma source(%dma_start3A_128 : memref<16x128xf32, #tpu.memory_space<vmem>>) target(%dma_start3A_125 : memref<16x128xf32, #tpu.memory_space<vmem_shared>>) target_semaphore(%run_scoped3A : memref<!tpu.dma_semaphore, #tpu.memory_space<semaphore_mem>>)
        %dma_wait3A_129 = arith.constant 0 : i32
        %dma_wait3A_130 = arith.constant 0 : i32
        %dma_wait3A_131 = tpu.memref_slice %arg8[%dma_wait3A_129, %dma_wait3A_130] : memref<64x128xf32, #tpu.memory_space<vmem>> -> memref<16x128xf32, #tpu.memory_space<vmem>>
        %dma_wait3A_132 = arith.constant 9984 : i32
        %dma_wait3A_133 = arith.constant 0 : i32
        %dma_wait3A_134 = tpu.memref_slice %arg6[%dma_wait3A_132, %dma_wait3A_133] : memref<10000x128xf32, #tpu.memory_space<vmem_shared>> -> memref<16x128xf32, #tpu.memory_space<vmem_shared>>
        %dma_wait3A_135 = arith.constant 9984 : i32
        %dma_wait3A_136 = arith.constant 0 : i32
        %dma_wait3A_137 = tpu.memref_slice %arg6[%dma_wait3A_135, %dma_wait3A_136] : memref<10000x128xf32, #tpu.memory_space<vmem_shared>> -> memref<16x128xf32, #tpu.memory_space<vmem_shared>>
        %dma_wait3A_138 = arith.constant 0 : i32
        %dma_wait3A_139 = arith.constant 0 : i32
        %dma_wait3A_140 = tpu.memref_slice %arg8[%dma_wait3A_138, %dma_wait3A_139] : memref<64x128xf32, #tpu.memory_space<vmem>> -> memref<16x128xf32, #tpu.memory_space<vmem>>
        tpu.wait_dma2 semaphore(%run_scoped3A : memref<!tpu.dma_semaphore, #tpu.memory_space<semaphore_mem>>) src(%dma_wait3A_140 : memref<16x128xf32, #tpu.memory_space<vmem>>) dst(%dma_wait3A_137 : memref<16x128xf32, #tpu.memory_space<vmem_shared>>)
        tpu.yield
      }) : () -> ()
    } else {
    }
    %dma_wait3A = tpu.memref_slice %arg3[%mul3A_2] : memref<320000xi32, #tpu.memory_space<hbm>> -> memref<10000xi32, #tpu.memory_space<hbm>>
    %dma_wait3A_34 = tpu.memref_slice %arg3[%mul3A_2] : memref<320000xi32, #tpu.memory_space<hbm>> -> memref<10000xi32, #tpu.memory_space<hbm>>
    tpu.wait_dma2 semaphore(%arg19 : memref<!tpu.dma_semaphore, #tpu.memory_space<semaphore_mem>>) src(%dma_wait3A_34 : memref<10000xi32, #tpu.memory_space<hbm>>) dst(%arg7 : memref<10000xi32, #tpu.memory_space<vmem>>)
    %barrier3A = arith.constant 0 : index
    tpu.barrier barrier_id(%barrier3A)
    %scan3A_35 = arith.constant 0 : i32
    %scan3A_36 = arith.constant 0 : i32
    %scan3A_37 = arith.constant 39 : i32
    %scan3A_38 = arith.addi %scan3A_36, %scan3A_37 : i32
    %scan3A_39 = arith.constant 1 : i32
    %scan3A_40 = scf.for %scan3A_117 = %scan3A_36 to %scan3A_38 step %scan3A_39 iter_args(%scan3A_118 = %scan3A_35) -> (i32)  : i32 {
      %mul3A_119 = arith.constant 4 : i32
      %mul3A_120 = arith.muli %scan3A_117, %mul3A_119 : i32
      %add3A_121 = arith.constant 0 : i32
      %add3A_122 = arith.addi %mul3A_120, %add3A_121 : i32
      %gt3A = arith.constant 0 : i32
      %gt3A_123 = arith.cmpi sgt, %scan3A_117, %gt3A : i32
      %convert_element_type3A_124 = arith.extui %gt3A_123 : i1 to i32
      %cond3A_125 = arith.constant 0 : i32
      %cond3A_126 = arith.cmpi ne, %convert_element_type3A_124, %cond3A_125 : i32
      scf.if %cond3A_126 {
        %dma_wait3A_235 = arith.constant 0 : i32
        %dma_wait3A_236 = arith.constant 0 : i32
        %dma_wait3A_237 = tpu.memref_slice %arg6[%dma_wait3A_235, %dma_wait3A_236] : memref<10000x128xf32, #tpu.memory_space<vmem_shared>> -> memref<10000x128xf32, #tpu.memory_space<vmem_shared>>
        tpu.wait_indirect_dma semaphore(%arg24 : memref<!tpu.dma_semaphore, #tpu.memory_space<semaphore_mem>>) src(%arg8 : memref<64x128xf32, #tpu.memory_space<vmem>>) dst(%dma_wait3A_237 : memref<10000x128xf32, #tpu.memory_space<vmem_shared>>)
      } else {
      }
      %mul3A_127 = arith.constant 64 : i32
      %mul3A_128 = arith.muli %add3A_122, %mul3A_127 : i32
      %add3A_129 = arith.addi %mul3A_2, %mul3A_128 : i32
      %dma_start3A_130 = tpu.memref_slice %arg4[%add3A_129] : memref<320000xi32, #tpu.memory_space<hbm>> -> memref<64xi32, #tpu.memory_space<hbm>>
      %dma_start3A_131 = tpu.memref_slice %arg4[%add3A_129] : memref<320000xi32, #tpu.memory_space<hbm>> -> memref<64xi32, #tpu.memory_space<hbm>>
      tpu.enqueue_dma source(%dma_start3A_131 : memref<64xi32, #tpu.memory_space<hbm>>) target(%arg12 : memref<64xi32, #tpu.memory_space<vmem>>) target_semaphore(%arg28 : memref<!tpu.dma_semaphore, #tpu.memory_space<semaphore_mem>>)
      %mul3A_132 = arith.constant 64 : i32
      %mul3A_133 = arith.muli %add3A_122, %mul3A_132 : i32
      %dma_start3A_134 = tpu.memref_slice %arg7[%mul3A_133] : memref<10000xi32, #tpu.memory_space<vmem>> -> memref<64xi32, #tpu.memory_space<vmem>>
      %dma_start3A_135 = arith.constant 0 : i32
      %dma_start3A_136 = arith.constant 0 : i32
      %dma_start3A_137 = tpu.memref_slice %arg2[%dma_start3A_135, %dma_start3A_136] : memref<10000x128xf32, #tpu.memory_space<hbm>> -> memref<10000x128xf32, #tpu.memory_space<hbm>>
      tpu.enqueue_indirect_dma source(%dma_start3A_137 : memref<10000x128xf32, #tpu.memory_space<hbm>>) target(%arg8 : memref<64x128xf32, #tpu.memory_space<vmem>>) offsets(%dma_start3A_134 : memref<64xi32, #tpu.memory_space<vmem>>) semaphore(%arg20 : memref<!tpu.dma_semaphore, #tpu.memory_space<semaphore_mem>>)
      %mul3A_138 = arith.constant 4 : i32
      %mul3A_139 = arith.muli %scan3A_117, %mul3A_138 : i32
      %add3A_140 = arith.constant 1 : i32
      %add3A_141 = arith.addi %mul3A_139, %add3A_140 : i32
      %gt3A_142 = arith.constant 0 : i32
      %gt3A_143 = arith.cmpi sgt, %scan3A_117, %gt3A_142 : i32
      %convert_element_type3A_144 = arith.extui %gt3A_143 : i1 to i32
      %cond3A_145 = arith.constant 0 : i32
      %cond3A_146 = arith.cmpi ne, %convert_element_type3A_144, %cond3A_145 : i32
      scf.if %cond3A_146 {
        %dma_wait3A_235 = arith.constant 0 : i32
        %dma_wait3A_236 = arith.constant 0 : i32
        %dma_wait3A_237 = tpu.memref_slice %arg6[%dma_wait3A_235, %dma_wait3A_236] : memref<10000x128xf32, #tpu.memory_space<vmem_shared>> -> memref<10000x128xf32, #tpu.memory_space<vmem_shared>>
        tpu.wait_indirect_dma semaphore(%arg25 : memref<!tpu.dma_semaphore, #tpu.memory_space<semaphore_mem>>) src(%arg9 : memref<64x128xf32, #tpu.memory_space<vmem>>) dst(%dma_wait3A_237 : memref<10000x128xf32, #tpu.memory_space<vmem_shared>>)
      } else {
      }
      %mul3A_147 = arith.constant 64 : i32
      %mul3A_148 = arith.muli %add3A_141, %mul3A_147 : i32
      %add3A_149 = arith.addi %mul3A_2, %mul3A_148 : i32
      %dma_start3A_150 = tpu.memref_slice %arg4[%add3A_149] : memref<320000xi32, #tpu.memory_space<hbm>> -> memref<64xi32, #tpu.memory_space<hbm>>
      %dma_start3A_151 = tpu.memref_slice %arg4[%add3A_149] : memref<320000xi32, #tpu.memory_space<hbm>> -> memref<64xi32, #tpu.memory_space<hbm>>
      tpu.enqueue_dma source(%dma_start3A_151 : memref<64xi32, #tpu.memory_space<hbm>>) target(%arg13 : memref<64xi32, #tpu.memory_space<vmem>>) target_semaphore(%arg29 : memref<!tpu.dma_semaphore, #tpu.memory_space<semaphore_mem>>)
      %mul3A_152 = arith.constant 64 : i32
      %mul3A_153 = arith.muli %add3A_141, %mul3A_152 : i32
      %dma_start3A_154 = tpu.memref_slice %arg7[%mul3A_153] : memref<10000xi32, #tpu.memory_space<vmem>> -> memref<64xi32, #tpu.memory_space<vmem>>
      %dma_start3A_155 = arith.constant 0 : i32
      %dma_start3A_156 = arith.constant 0 : i32
      %dma_start3A_157 = tpu.memref_slice %arg2[%dma_start3A_155, %dma_start3A_156] : memref<10000x128xf32, #tpu.memory_space<hbm>> -> memref<10000x128xf32, #tpu.memory_space<hbm>>
      tpu.enqueue_indirect_dma source(%dma_start3A_157 : memref<10000x128xf32, #tpu.memory_space<hbm>>) target(%arg9 : memref<64x128xf32, #tpu.memory_space<vmem>>) offsets(%dma_start3A_154 : memref<64xi32, #tpu.memory_space<vmem>>) semaphore(%arg21 : memref<!tpu.dma_semaphore, #tpu.memory_space<semaphore_mem>>)
      %mul3A_158 = arith.constant 4 : i32
      %mul3A_159 = arith.muli %scan3A_117, %mul3A_158 : i32
      %add3A_160 = arith.constant 2 : i32
      %add3A_161 = arith.addi %mul3A_159, %add3A_160 : i32
      %gt3A_162 = arith.constant 0 : i32
      %gt3A_163 = arith.cmpi sgt, %scan3A_117, %gt3A_162 : i32
      %convert_element_type3A_164 = arith.extui %gt3A_163 : i1 to i32
      %cond3A_165 = arith.constant 0 : i32
      %cond3A_166 = arith.cmpi ne, %convert_element_type3A_164, %cond3A_165 : i32
      scf.if %cond3A_166 {
        %dma_wait3A_235 = arith.constant 0 : i32
        %dma_wait3A_236 = arith.constant 0 : i32
        %dma_wait3A_237 = tpu.memref_slice %arg6[%dma_wait3A_235, %dma_wait3A_236] : memref<10000x128xf32, #tpu.memory_space<vmem_shared>> -> memref<10000x128xf32, #tpu.memory_space<vmem_shared>>
        tpu.wait_indirect_dma semaphore(%arg26 : memref<!tpu.dma_semaphore, #tpu.memory_space<semaphore_mem>>) src(%arg10 : memref<64x128xf32, #tpu.memory_space<vmem>>) dst(%dma_wait3A_237 : memref<10000x128xf32, #tpu.memory_space<vmem_shared>>)
      } else {
      }
      %mul3A_167 = arith.constant 64 : i32
      %mul3A_168 = arith.muli %add3A_161, %mul3A_167 : i32
      %add3A_169 = arith.addi %mul3A_2, %mul3A_168 : i32
      %dma_start3A_170 = tpu.memref_slice %arg4[%add3A_169] : memref<320000xi32, #tpu.memory_space<hbm>> -> memref<64xi32, #tpu.memory_space<hbm>>
      %dma_start3A_171 = tpu.memref_slice %arg4[%add3A_169] : memref<320000xi32, #tpu.memory_space<hbm>> -> memref<64xi32, #tpu.memory_space<hbm>>
      tpu.enqueue_dma source(%dma_start3A_171 : memref<64xi32, #tpu.memory_space<hbm>>) target(%arg14 : memref<64xi32, #tpu.memory_space<vmem>>) target_semaphore(%arg30 : memref<!tpu.dma_semaphore, #tpu.memory_space<semaphore_mem>>)
      %mul3A_172 = arith.constant 64 : i32
      %mul3A_173 = arith.muli %add3A_161, %mul3A_172 : i32
      %dma_start3A_174 = tpu.memref_slice %arg7[%mul3A_173] : memref<10000xi32, #tpu.memory_space<vmem>> -> memref<64xi32, #tpu.memory_space<vmem>>
      %dma_start3A_175 = arith.constant 0 : i32
      %dma_start3A_176 = arith.constant 0 : i32
      %dma_start3A_177 = tpu.memref_slice %arg2[%dma_start3A_175, %dma_start3A_176] : memref<10000x128xf32, #tpu.memory_space<hbm>> -> memref<10000x128xf32, #tpu.memory_space<hbm>>
      tpu.enqueue_indirect_dma source(%dma_start3A_177 : memref<10000x128xf32, #tpu.memory_space<hbm>>) target(%arg10 : memref<64x128xf32, #tpu.memory_space<vmem>>) offsets(%dma_start3A_174 : memref<64xi32, #tpu.memory_space<vmem>>) semaphore(%arg22 : memref<!tpu.dma_semaphore, #tpu.memory_space<semaphore_mem>>)
      %mul3A_178 = arith.constant 4 : i32
      %mul3A_179 = arith.muli %scan3A_117, %mul3A_178 : i32
      %add3A_180 = arith.constant 3 : i32
      %add3A_181 = arith.addi %mul3A_179, %add3A_180 : i32
      %gt3A_182 = arith.constant 0 : i32
      %gt3A_183 = arith.cmpi sgt, %scan3A_117, %gt3A_182 : i32
      %convert_element_type3A_184 = arith.extui %gt3A_183 : i1 to i32
      %cond3A_185 = arith.constant 0 : i32
      %cond3A_186 = arith.cmpi ne, %convert_element_type3A_184, %cond3A_185 : i32
      scf.if %cond3A_186 {
        %dma_wait3A_235 = arith.constant 0 : i32
        %dma_wait3A_236 = arith.constant 0 : i32
        %dma_wait3A_237 = tpu.memref_slice %arg6[%dma_wait3A_235, %dma_wait3A_236] : memref<10000x128xf32, #tpu.memory_space<vmem_shared>> -> memref<10000x128xf32, #tpu.memory_space<vmem_shared>>
        tpu.wait_indirect_dma semaphore(%arg27 : memref<!tpu.dma_semaphore, #tpu.memory_space<semaphore_mem>>) src(%arg11 : memref<64x128xf32, #tpu.memory_space<vmem>>) dst(%dma_wait3A_237 : memref<10000x128xf32, #tpu.memory_space<vmem_shared>>)
      } else {
      }
      %mul3A_187 = arith.constant 64 : i32
      %mul3A_188 = arith.muli %add3A_181, %mul3A_187 : i32
      %add3A_189 = arith.addi %mul3A_2, %mul3A_188 : i32
      %dma_start3A_190 = tpu.memref_slice %arg4[%add3A_189] : memref<320000xi32, #tpu.memory_space<hbm>> -> memref<64xi32, #tpu.memory_space<hbm>>
      %dma_start3A_191 = tpu.memref_slice %arg4[%add3A_189] : memref<320000xi32, #tpu.memory_space<hbm>> -> memref<64xi32, #tpu.memory_space<hbm>>
      tpu.enqueue_dma source(%dma_start3A_191 : memref<64xi32, #tpu.memory_space<hbm>>) target(%arg15 : memref<64xi32, #tpu.memory_space<vmem>>) target_semaphore(%arg31 : memref<!tpu.dma_semaphore, #tpu.memory_space<semaphore_mem>>)
      %mul3A_192 = arith.constant 64 : i32
      %mul3A_193 = arith.muli %add3A_181, %mul3A_192 : i32
      %dma_start3A_194 = tpu.memref_slice %arg7[%mul3A_193] : memref<10000xi32, #tpu.memory_space<vmem>> -> memref<64xi32, #tpu.memory_space<vmem>>
      %dma_start3A_195 = arith.constant 0 : i32
      %dma_start3A_196 = arith.constant 0 : i32
      %dma_start3A_197 = tpu.memref_slice %arg2[%dma_start3A_195, %dma_start3A_196] : memref<10000x128xf32, #tpu.memory_space<hbm>> -> memref<10000x128xf32, #tpu.memory_space<hbm>>
      tpu.enqueue_indirect_dma source(%dma_start3A_197 : memref<10000x128xf32, #tpu.memory_space<hbm>>) target(%arg11 : memref<64x128xf32, #tpu.memory_space<vmem>>) offsets(%dma_start3A_194 : memref<64xi32, #tpu.memory_space<vmem>>) semaphore(%arg23 : memref<!tpu.dma_semaphore, #tpu.memory_space<semaphore_mem>>)
      %dma_wait3A_198 = tpu.memref_slice %arg4[%add3A_129] : memref<320000xi32, #tpu.memory_space<hbm>> -> memref<64xi32, #tpu.memory_space<hbm>>
      %dma_wait3A_199 = tpu.memref_slice %arg4[%add3A_129] : memref<320000xi32, #tpu.memory_space<hbm>> -> memref<64xi32, #tpu.memory_space<hbm>>
      tpu.wait_dma2 semaphore(%arg28 : memref<!tpu.dma_semaphore, #tpu.memory_space<semaphore_mem>>) src(%dma_wait3A_199 : memref<64xi32, #tpu.memory_space<hbm>>) dst(%arg12 : memref<64xi32, #tpu.memory_space<vmem>>)
      %dma_wait3A_200 = tpu.memref_slice %arg7[%mul3A_133] : memref<10000xi32, #tpu.memory_space<vmem>> -> memref<64xi32, #tpu.memory_space<vmem>>
      %dma_wait3A_201 = arith.constant 0 : i32
      %dma_wait3A_202 = arith.constant 0 : i32
      %dma_wait3A_203 = tpu.memref_slice %arg2[%dma_wait3A_201, %dma_wait3A_202] : memref<10000x128xf32, #tpu.memory_space<hbm>> -> memref<10000x128xf32, #tpu.memory_space<hbm>>
      tpu.wait_indirect_dma semaphore(%arg20 : memref<!tpu.dma_semaphore, #tpu.memory_space<semaphore_mem>>) src(%dma_wait3A_203 : memref<10000x128xf32, #tpu.memory_space<hbm>>) dst(%arg8 : memref<64x128xf32, #tpu.memory_space<vmem>>)
      %dma_start3A_204 = arith.constant 0 : i32
      %dma_start3A_205 = arith.constant 0 : i32
      %dma_start3A_206 = tpu.memref_slice %arg6[%dma_start3A_204, %dma_start3A_205] : memref<10000x128xf32, #tpu.memory_space<vmem_shared>> -> memref<10000x128xf32, #tpu.memory_space<vmem_shared>>
      tpu.enqueue_indirect_dma source(%arg8 : memref<64x128xf32, #tpu.memory_space<vmem>>) target(%dma_start3A_206 : memref<10000x128xf32, #tpu.memory_space<vmem_shared>>) offsets(%arg12 : memref<64xi32, #tpu.memory_space<vmem>>) semaphore(%arg24 : memref<!tpu.dma_semaphore, #tpu.memory_space<semaphore_mem>>) {add = true}
      %dma_wait3A_207 = tpu.memref_slice %arg4[%add3A_149] : memref<320000xi32, #tpu.memory_space<hbm>> -> memref<64xi32, #tpu.memory_space<hbm>>
      %dma_wait3A_208 = tpu.memref_slice %arg4[%add3A_149] : memref<320000xi32, #tpu.memory_space<hbm>> -> memref<64xi32, #tpu.memory_space<hbm>>
      tpu.wait_dma2 semaphore(%arg29 : memref<!tpu.dma_semaphore, #tpu.memory_space<semaphore_mem>>) src(%dma_wait3A_208 : memref<64xi32, #tpu.memory_space<hbm>>) dst(%arg13 : memref<64xi32, #tpu.memory_space<vmem>>)
      %dma_wait3A_209 = tpu.memref_slice %arg7[%mul3A_153] : memref<10000xi32, #tpu.memory_space<vmem>> -> memref<64xi32, #tpu.memory_space<vmem>>
      %dma_wait3A_210 = arith.constant 0 : i32
      %dma_wait3A_211 = arith.constant 0 : i32
      %dma_wait3A_212 = tpu.memref_slice %arg2[%dma_wait3A_210, %dma_wait3A_211] : memref<10000x128xf32, #tpu.memory_space<hbm>> -> memref<10000x128xf32, #tpu.memory_space<hbm>>
      tpu.wait_indirect_dma semaphore(%arg21 : memref<!tpu.dma_semaphore, #tpu.memory_space<semaphore_mem>>) src(%dma_wait3A_212 : memref<10000x128xf32, #tpu.memory_space<hbm>>) dst(%arg9 : memref<64x128xf32, #tpu.memory_space<vmem>>)
      %dma_start3A_213 = arith.constant 0 : i32
      %dma_start3A_214 = arith.constant 0 : i32
      %dma_start3A_215 = tpu.memref_slice %arg6[%dma_start3A_213, %dma_start3A_214] : memref<10000x128xf32, #tpu.memory_space<vmem_shared>> -> memref<10000x128xf32, #tpu.memory_space<vmem_shared>>
      tpu.enqueue_indirect_dma source(%arg9 : memref<64x128xf32, #tpu.memory_space<vmem>>) target(%dma_start3A_215 : memref<10000x128xf32, #tpu.memory_space<vmem_shared>>) offsets(%arg13 : memref<64xi32, #tpu.memory_space<vmem>>) semaphore(%arg25 : memref<!tpu.dma_semaphore, #tpu.memory_space<semaphore_mem>>) {add = true}
      %dma_wait3A_216 = tpu.memref_slice %arg4[%add3A_169] : memref<320000xi32, #tpu.memory_space<hbm>> -> memref<64xi32, #tpu.memory_space<hbm>>
      %dma_wait3A_217 = tpu.memref_slice %arg4[%add3A_169] : memref<320000xi32, #tpu.memory_space<hbm>> -> memref<64xi32, #tpu.memory_space<hbm>>
      tpu.wait_dma2 semaphore(%arg30 : memref<!tpu.dma_semaphore, #tpu.memory_space<semaphore_mem>>) src(%dma_wait3A_217 : memref<64xi32, #tpu.memory_space<hbm>>) dst(%arg14 : memref<64xi32, #tpu.memory_space<vmem>>)
      %dma_wait3A_218 = tpu.memref_slice %arg7[%mul3A_173] : memref<10000xi32, #tpu.memory_space<vmem>> -> memref<64xi32, #tpu.memory_space<vmem>>
      %dma_wait3A_219 = arith.constant 0 : i32
      %dma_wait3A_220 = arith.constant 0 : i32
      %dma_wait3A_221 = tpu.memref_slice %arg2[%dma_wait3A_219, %dma_wait3A_220] : memref<10000x128xf32, #tpu.memory_space<hbm>> -> memref<10000x128xf32, #tpu.memory_space<hbm>>
      tpu.wait_indirect_dma semaphore(%arg22 : memref<!tpu.dma_semaphore, #tpu.memory_space<semaphore_mem>>) src(%dma_wait3A_221 : memref<10000x128xf32, #tpu.memory_space<hbm>>) dst(%arg10 : memref<64x128xf32, #tpu.memory_space<vmem>>)
      %dma_start3A_222 = arith.constant 0 : i32
      %dma_start3A_223 = arith.constant 0 : i32
      %dma_start3A_224 = tpu.memref_slice %arg6[%dma_start3A_222, %dma_start3A_223] : memref<10000x128xf32, #tpu.memory_space<vmem_shared>> -> memref<10000x128xf32, #tpu.memory_space<vmem_shared>>
      tpu.enqueue_indirect_dma source(%arg10 : memref<64x128xf32, #tpu.memory_space<vmem>>) target(%dma_start3A_224 : memref<10000x128xf32, #tpu.memory_space<vmem_shared>>) offsets(%arg14 : memref<64xi32, #tpu.memory_space<vmem>>) semaphore(%arg26 : memref<!tpu.dma_semaphore, #tpu.memory_space<semaphore_mem>>) {add = true}
      %dma_wait3A_225 = tpu.memref_slice %arg4[%add3A_189] : memref<320000xi32, #tpu.memory_space<hbm>> -> memref<64xi32, #tpu.memory_space<hbm>>
      %dma_wait3A_226 = tpu.memref_slice %arg4[%add3A_189] : memref<320000xi32, #tpu.memory_space<hbm>> -> memref<64xi32, #tpu.memory_space<hbm>>
      tpu.wait_dma2 semaphore(%arg31 : memref<!tpu.dma_semaphore, #tpu.memory_space<semaphore_mem>>) src(%dma_wait3A_226 : memref<64xi32, #tpu.memory_space<hbm>>) dst(%arg15 : memref<64xi32, #tpu.memory_space<vmem>>)
      %dma_wait3A_227 = tpu.memref_slice %arg7[%mul3A_193] : memref<10000xi32, #tpu.memory_space<vmem>> -> memref<64xi32, #tpu.memory_space<vmem>>
      %dma_wait3A_228 = arith.constant 0 : i32
      %dma_wait3A_229 = arith.constant 0 : i32
      %dma_wait3A_230 = tpu.memref_slice %arg2[%dma_wait3A_228, %dma_wait3A_229] : memref<10000x128xf32, #tpu.memory_space<hbm>> -> memref<10000x128xf32, #tpu.memory_space<hbm>>
      tpu.wait_indirect_dma semaphore(%arg23 : memref<!tpu.dma_semaphore, #tpu.memory_space<semaphore_mem>>) src(%dma_wait3A_230 : memref<10000x128xf32, #tpu.memory_space<hbm>>) dst(%arg11 : memref<64x128xf32, #tpu.memory_space<vmem>>)
      %dma_start3A_231 = arith.constant 0 : i32
      %dma_start3A_232 = arith.constant 0 : i32
      %dma_start3A_233 = tpu.memref_slice %arg6[%dma_start3A_231, %dma_start3A_232] : memref<10000x128xf32, #tpu.memory_space<vmem_shared>> -> memref<10000x128xf32, #tpu.memory_space<vmem_shared>>
      tpu.enqueue_indirect_dma source(%arg11 : memref<64x128xf32, #tpu.memory_space<vmem>>) target(%dma_start3A_233 : memref<10000x128xf32, #tpu.memory_space<vmem_shared>>) offsets(%arg15 : memref<64xi32, #tpu.memory_space<vmem>>) semaphore(%arg27 : memref<!tpu.dma_semaphore, #tpu.memory_space<semaphore_mem>>) {add = true}
      %scan3A_234 = arith.constant 0 : i32
      scf.yield %scan3A_234 : i32
    }
    %scan3A_41 = arith.constant 39 : i32
    %dma_wait3A_42 = arith.constant 0 : i32
    %dma_wait3A_43 = arith.constant 0 : i32
    %dma_wait3A_44 = tpu.memref_slice %arg6[%dma_wait3A_42, %dma_wait3A_43] : memref<10000x128xf32, #tpu.memory_space<vmem_shared>> -> memref<10000x128xf32, #tpu.memory_space<vmem_shared>>
    tpu.wait_indirect_dma semaphore(%arg24 : memref<!tpu.dma_semaphore, #tpu.memory_space<semaphore_mem>>) src(%arg8 : memref<64x128xf32, #tpu.memory_space<vmem>>) dst(%dma_wait3A_44 : memref<10000x128xf32, #tpu.memory_space<vmem_shared>>)
    %dma_wait3A_45 = arith.constant 0 : i32
    %dma_wait3A_46 = arith.constant 0 : i32
    %dma_wait3A_47 = tpu.memref_slice %arg6[%dma_wait3A_45, %dma_wait3A_46] : memref<10000x128xf32, #tpu.memory_space<vmem_shared>> -> memref<10000x128xf32, #tpu.memory_space<vmem_shared>>
    tpu.wait_indirect_dma semaphore(%arg25 : memref<!tpu.dma_semaphore, #tpu.memory_space<semaphore_mem>>) src(%arg9 : memref<64x128xf32, #tpu.memory_space<vmem>>) dst(%dma_wait3A_47 : memref<10000x128xf32, #tpu.memory_space<vmem_shared>>)
    %dma_wait3A_48 = arith.constant 0 : i32
    %dma_wait3A_49 = arith.constant 0 : i32
    %dma_wait3A_50 = tpu.memref_slice %arg6[%dma_wait3A_48, %dma_wait3A_49] : memref<10000x128xf32, #tpu.memory_space<vmem_shared>> -> memref<10000x128xf32, #tpu.memory_space<vmem_shared>>
    tpu.wait_indirect_dma semaphore(%arg26 : memref<!tpu.dma_semaphore, #tpu.memory_space<semaphore_mem>>) src(%arg10 : memref<64x128xf32, #tpu.memory_space<vmem>>) dst(%dma_wait3A_50 : memref<10000x128xf32, #tpu.memory_space<vmem_shared>>)
    %dma_wait3A_51 = arith.constant 0 : i32
    %dma_wait3A_52 = arith.constant 0 : i32
    %dma_wait3A_53 = tpu.memref_slice %arg6[%dma_wait3A_51, %dma_wait3A_52] : memref<10000x128xf32, #tpu.memory_space<vmem_shared>> -> memref<10000x128xf32, #tpu.memory_space<vmem_shared>>
    tpu.wait_indirect_dma semaphore(%arg27 : memref<!tpu.dma_semaphore, #tpu.memory_space<semaphore_mem>>) src(%arg11 : memref<64x128xf32, #tpu.memory_space<vmem>>) dst(%dma_wait3A_53 : memref<10000x128xf32, #tpu.memory_space<vmem_shared>>)
    %get3A = arith.constant 9984 : index
    %get3A_54 = tpu.vector_load %arg7[%get3A] {strides = array<i32>} : memref<10000xi32, #tpu.memory_space<vmem>>, vector<16xi32>,
    %get3A_55 = vector.shape_cast %get3A_54 : vector<16xi32> to vector<16xi32>
    %swap3A = arith.constant 0 : index
    %swap3A_56 = tpu.vector_load %arg17[%swap3A] {strides = array<i32>} : memref<16xi32, #tpu.memory_space<vmem>>, vector<16xi32>,
    %swap3A_57 = vector.shape_cast %swap3A_56 : vector<16xi32> to vector<16xi32>
    %swap3A_58 = vector.shape_cast %get3A_55 : vector<16xi32> to vector<16xi32>
    tpu.vector_store %arg17[%swap3A], %swap3A_58 {strides = array<i32>} : memref<16xi32, #tpu.memory_space<vmem>>, vector<16xi32>,
    %add3A_59 = arith.constant 9984 : i32
    %add3A_60 = arith.addi %mul3A_2, %add3A_59 : i32
    %dma_start3A_61 = tpu.memref_slice %arg4[%add3A_60] : memref<320000xi32, #tpu.memory_space<hbm>> -> memref<16xi32, #tpu.memory_space<hbm>>
    %dma_start3A_62 = tpu.memref_slice %arg4[%add3A_60] : memref<320000xi32, #tpu.memory_space<hbm>> -> memref<16xi32, #tpu.memory_space<hbm>>
    tpu.enqueue_dma source(%dma_start3A_62 : memref<16xi32, #tpu.memory_space<hbm>>) target(%arg18 : memref<16xi32, #tpu.memory_space<vmem>>) target_semaphore(%arg28 : memref<!tpu.dma_semaphore, #tpu.memory_space<semaphore_mem>>)
    %dma_wait3A_63 = tpu.memref_slice %arg4[%add3A_60] : memref<320000xi32, #tpu.memory_space<hbm>> -> memref<16xi32, #tpu.memory_space<hbm>>
    %dma_wait3A_64 = tpu.memref_slice %arg4[%add3A_60] : memref<320000xi32, #tpu.memory_space<hbm>> -> memref<16xi32, #tpu.memory_space<hbm>>
    tpu.wait_dma2 semaphore(%arg28 : memref<!tpu.dma_semaphore, #tpu.memory_space<semaphore_mem>>) src(%dma_wait3A_64 : memref<16xi32, #tpu.memory_space<hbm>>) dst(%arg18 : memref<16xi32, #tpu.memory_space<vmem>>)
    %dma_start3A_65 = arith.constant 0 : i32
    %dma_start3A_66 = arith.constant 0 : i32
    %dma_start3A_67 = tpu.memref_slice %arg2[%dma_start3A_65, %dma_start3A_66] : memref<10000x128xf32, #tpu.memory_space<hbm>> -> memref<10000x128xf32, #tpu.memory_space<hbm>>
    tpu.enqueue_indirect_dma source(%dma_start3A_67 : memref<10000x128xf32, #tpu.memory_space<hbm>>) target(%arg16 : memref<16x128xf32, #tpu.memory_space<vmem>>) offsets(%arg17 : memref<16xi32, #tpu.memory_space<vmem>>) semaphore(%arg20 : memref<!tpu.dma_semaphore, #tpu.memory_space<semaphore_mem>>)
    %dma_wait3A_68 = arith.constant 0 : i32
    %dma_wait3A_69 = arith.constant 0 : i32
    %dma_wait3A_70 = tpu.memref_slice %arg2[%dma_wait3A_68, %dma_wait3A_69] : memref<10000x128xf32, #tpu.memory_space<hbm>> -> memref<10000x128xf32, #tpu.memory_space<hbm>>
    tpu.wait_indirect_dma semaphore(%arg20 : memref<!tpu.dma_semaphore, #tpu.memory_space<semaphore_mem>>) src(%dma_wait3A_70 : memref<10000x128xf32, #tpu.memory_space<hbm>>) dst(%arg16 : memref<16x128xf32, #tpu.memory_space<vmem>>)
    "tpu.region"() ({
      %run_scoped3A = tpu.sem_alloc : memref<!tpu.dma_semaphore, #tpu.memory_space<semaphore_mem>>
      %dma_start3A_117 = arith.constant 0 : i32
      %dma_start3A_118 = arith.constant 0 : i32
      %dma_start3A_119 = tpu.memref_slice %arg6[%dma_start3A_117, %dma_start3A_118] : memref<10000x128xf32, #tpu.memory_space<vmem_shared>> -> memref<10000x128xf32, #tpu.memory_space<vmem_shared>>
      tpu.enqueue_indirect_dma source(%arg16 : memref<16x128xf32, #tpu.memory_space<vmem>>) target(%dma_start3A_119 : memref<10000x128xf32, #tpu.memory_space<vmem_shared>>) offsets(%arg18 : memref<16xi32, #tpu.memory_space<vmem>>) semaphore(%run_scoped3A : memref<!tpu.dma_semaphore, #tpu.memory_space<semaphore_mem>>) {add = true}
      %dma_wait3A_120 = arith.constant 0 : i32
      %dma_wait3A_121 = arith.constant 0 : i32
      %dma_wait3A_122 = tpu.memref_slice %arg6[%dma_wait3A_120, %dma_wait3A_121] : memref<10000x128xf32, #tpu.memory_space<vmem_shared>> -> memref<10000x128xf32, #tpu.memory_space<vmem_shared>>
      tpu.wait_indirect_dma semaphore(%run_scoped3A : memref<!tpu.dma_semaphore, #tpu.memory_space<semaphore_mem>>) src(%arg16 : memref<16x128xf32, #tpu.memory_space<vmem>>) dst(%dma_wait3A_122 : memref<10000x128xf32, #tpu.memory_space<vmem_shared>>)
      tpu.yield
    }) : () -> ()
    %barrier3A_71 = arith.constant 0 : index
    tpu.barrier barrier_id(%barrier3A_71)
    %add3A_72 = arith.constant 0 : i32
    %add3A_73 = arith.addi %mul3A_11, %add3A_72 : i32
    %add3A_74 = arith.constant 0 : i32
    %add3A_75 = arith.addi %mul3A_11, %add3A_74 : i32
    "tpu.region"() ({
      %run_scoped3A = tpu.sem_alloc : memref<!tpu.dma_semaphore, #tpu.memory_space<semaphore_mem>>
      %dma_start3A_117 = arith.constant 0 : i32
      %dma_start3A_118 = tpu.memref_slice %arg5[%arg0, %add3A_75, %dma_start3A_117] : memref<2x10000x128xf32, #tpu.memory_space<hbm>> -> memref<1x64x128xf32, #tpu.memory_space<hbm>>
      %dma_start3A_119 = tpu.memref_squeeze %dma_start3A_118 : memref<1x64x128xf32, #tpu.memory_space<hbm>> -> memref<64x128xf32, #tpu.memory_space<hbm>>
      %dma_start3A_120 = arith.constant 0 : i32
      %dma_start3A_121 = tpu.memref_slice %arg6[%add3A_73, %dma_start3A_120] : memref<10000x128xf32, #tpu.memory_space<vmem_shared>> -> memref<64x128xf32, #tpu.memory_space<vmem_shared>>
      tpu.enqueue_dma source(%dma_start3A_121 : memref<64x128xf32, #tpu.memory_space<vmem_shared>>) target(%dma_start3A_119 : memref<64x128xf32, #tpu.memory_space<hbm>>) target_semaphore(%run_scoped3A : memref<!tpu.dma_semaphore, #tpu.memory_space<semaphore_mem>>)
      %dma_wait3A_122 = arith.constant 0 : i32
      %dma_wait3A_123 = tpu.memref_slice %arg5[%arg0, %add3A_75, %dma_wait3A_122] : memref<2x10000x128xf32, #tpu.memory_space<hbm>> -> memref<1x64x128xf32, #tpu.memory_space<hbm>>
      %dma_wait3A_124 = tpu.memref_squeeze %dma_wait3A_123 : memref<1x64x128xf32, #tpu.memory_space<hbm>> -> memref<64x128xf32, #tpu.memory_space<hbm>>
      %dma_wait3A_125 = arith.constant 0 : i32
      %dma_wait3A_126 = tpu.memref_slice %arg6[%add3A_73, %dma_wait3A_125] : memref<10000x128xf32, #tpu.memory_space<vmem_shared>> -> memref<64x128xf32, #tpu.memory_space<vmem_shared>>
      tpu.wait_dma2 semaphore(%run_scoped3A : memref<!tpu.dma_semaphore, #tpu.memory_space<semaphore_mem>>) src(%dma_wait3A_126 : memref<64x128xf32, #tpu.memory_space<vmem_shared>>) dst(%dma_wait3A_124 : memref<64x128xf32, #tpu.memory_space<hbm>>)
      tpu.yield
    }) : () -> ()
    %add3A_76 = arith.constant 64 : i32
    %add3A_77 = arith.addi %mul3A_11, %add3A_76 : i32
    %add3A_78 = arith.constant 64 : i32
    %add3A_79 = arith.addi %mul3A_11, %add3A_78 : i32
    "tpu.region"() ({
      %run_scoped3A = tpu.sem_alloc : memref<!tpu.dma_semaphore, #tpu.memory_space<semaphore_mem>>
      %dma_start3A_117 = arith.constant 0 : i32
      %dma_start3A_118 = tpu.memref_slice %arg5[%arg0, %add3A_79, %dma_start3A_117] : memref<2x10000x128xf32, #tpu.memory_space<hbm>> -> memref<1x64x128xf32, #tpu.memory_space<hbm>>
      %dma_start3A_119 = tpu.memref_squeeze %dma_start3A_118 : memref<1x64x128xf32, #tpu.memory_space<hbm>> -> memref<64x128xf32, #tpu.memory_space<hbm>>
      %dma_start3A_120 = arith.constant 0 : i32
      %dma_start3A_121 = tpu.memref_slice %arg6[%add3A_77, %dma_start3A_120] : memref<10000x128xf32, #tpu.memory_space<vmem_shared>> -> memref<64x128xf32, #tpu.memory_space<vmem_shared>>
      tpu.enqueue_dma source(%dma_start3A_121 : memref<64x128xf32, #tpu.memory_space<vmem_shared>>) target(%dma_start3A_119 : memref<64x128xf32, #tpu.memory_space<hbm>>) target_semaphore(%run_scoped3A : memref<!tpu.dma_semaphore, #tpu.memory_space<semaphore_mem>>)
      %dma_wait3A_122 = arith.constant 0 : i32
      %dma_wait3A_123 = tpu.memref_slice %arg5[%arg0, %add3A_79, %dma_wait3A_122] : memref<2x10000x128xf32, #tpu.memory_space<hbm>> -> memref<1x64x128xf32, #tpu.memory_space<hbm>>
      %dma_wait3A_124 = tpu.memref_squeeze %dma_wait3A_123 : memref<1x64x128xf32, #tpu.memory_space<hbm>> -> memref<64x128xf32, #tpu.memory_space<hbm>>
      %dma_wait3A_125 = arith.constant 0 : i32
      %dma_wait3A_126 = tpu.memref_slice %arg6[%add3A_77, %dma_wait3A_125] : memref<10000x128xf32, #tpu.memory_space<vmem_shared>> -> memref<64x128xf32, #tpu.memory_space<vmem_shared>>
      tpu.wait_dma2 semaphore(%run_scoped3A : memref<!tpu.dma_semaphore, #tpu.memory_space<semaphore_mem>>) src(%dma_wait3A_126 : memref<64x128xf32, #tpu.memory_space<vmem_shared>>) dst(%dma_wait3A_124 : memref<64x128xf32, #tpu.memory_space<hbm>>)
      tpu.yield
    }) : () -> ()
    %add3A_80 = arith.constant 128 : i32
    %add3A_81 = arith.addi %mul3A_11, %add3A_80 : i32
    %add3A_82 = arith.constant 128 : i32
    %add3A_83 = arith.addi %mul3A_11, %add3A_82 : i32
    "tpu.region"() ({
      %run_scoped3A = tpu.sem_alloc : memref<!tpu.dma_semaphore, #tpu.memory_space<semaphore_mem>>
      %dma_start3A_117 = arith.constant 0 : i32
      %dma_start3A_118 = tpu.memref_slice %arg5[%arg0, %add3A_83, %dma_start3A_117] : memref<2x10000x128xf32, #tpu.memory_space<hbm>> -> memref<1x64x128xf32, #tpu.memory_space<hbm>>
      %dma_start3A_119 = tpu.memref_squeeze %dma_start3A_118 : memref<1x64x128xf32, #tpu.memory_space<hbm>> -> memref<64x128xf32, #tpu.memory_space<hbm>>
      %dma_start3A_120 = arith.constant 0 : i32
      %dma_start3A_121 = tpu.memref_slice %arg6[%add3A_81, %dma_start3A_120] : memref<10000x128xf32, #tpu.memory_space<vmem_shared>> -> memref<64x128xf32, #tpu.memory_space<vmem_shared>>
      tpu.enqueue_dma source(%dma_start3A_121 : memref<64x128xf32, #tpu.memory_space<vmem_shared>>) target(%dma_start3A_119 : memref<64x128xf32, #tpu.memory_space<hbm>>) target_semaphore(%run_scoped3A : memref<!tpu.dma_semaphore, #tpu.memory_space<semaphore_mem>>)
      %dma_wait3A_122 = arith.constant 0 : i32
      %dma_wait3A_123 = tpu.memref_slice %arg5[%arg0, %add3A_83, %dma_wait3A_122] : memref<2x10000x128xf32, #tpu.memory_space<hbm>> -> memref<1x64x128xf32, #tpu.memory_space<hbm>>
      %dma_wait3A_124 = tpu.memref_squeeze %dma_wait3A_123 : memref<1x64x128xf32, #tpu.memory_space<hbm>> -> memref<64x128xf32, #tpu.memory_space<hbm>>
      %dma_wait3A_125 = arith.constant 0 : i32
      %dma_wait3A_126 = tpu.memref_slice %arg6[%add3A_81, %dma_wait3A_125] : memref<10000x128xf32, #tpu.memory_space<vmem_shared>> -> memref<64x128xf32, #tpu.memory_space<vmem_shared>>
      tpu.wait_dma2 semaphore(%run_scoped3A : memref<!tpu.dma_semaphore, #tpu.memory_space<semaphore_mem>>) src(%dma_wait3A_126 : memref<64x128xf32, #tpu.memory_space<vmem_shared>>) dst(%dma_wait3A_124 : memref<64x128xf32, #tpu.memory_space<hbm>>)
      tpu.yield
    }) : () -> ()
    %add3A_84 = arith.constant 192 : i32
    %add3A_85 = arith.addi %mul3A_11, %add3A_84 : i32
    %add3A_86 = arith.constant 192 : i32
    %add3A_87 = arith.addi %mul3A_11, %add3A_86 : i32
    "tpu.region"() ({
      %run_scoped3A = tpu.sem_alloc : memref<!tpu.dma_semaphore, #tpu.memory_space<semaphore_mem>>
      %dma_start3A_117 = arith.constant 0 : i32
      %dma_start3A_118 = tpu.memref_slice %arg5[%arg0, %add3A_87, %dma_start3A_117] : memref<2x10000x128xf32, #tpu.memory_space<hbm>> -> memref<1x64x128xf32, #tpu.memory_space<hbm>>
      %dma_start3A_119 = tpu.memref_squeeze %dma_start3A_118 : memref<1x64x128xf32, #tpu.memory_space<hbm>> -> memref<64x128xf32, #tpu.memory_space<hbm>>
      %dma_start3A_120 = arith.constant 0 : i32
      %dma_start3A_121 = tpu.memref_slice %arg6[%add3A_85, %dma_start3A_120] : memref<10000x128xf32, #tpu.memory_space<vmem_shared>> -> memref<64x128xf32, #tpu.memory_space<vmem_shared>>
      tpu.enqueue_dma source(%dma_start3A_121 : memref<64x128xf32, #tpu.memory_space<vmem_shared>>) target(%dma_start3A_119 : memref<64x128xf32, #tpu.memory_space<hbm>>) target_semaphore(%run_scoped3A : memref<!tpu.dma_semaphore, #tpu.memory_space<semaphore_mem>>)
      %dma_wait3A_122 = arith.constant 0 : i32
      %dma_wait3A_123 = tpu.memref_slice %arg5[%arg0, %add3A_87, %dma_wait3A_122] : memref<2x10000x128xf32, #tpu.memory_space<hbm>> -> memref<1x64x128xf32, #tpu.memory_space<hbm>>
      %dma_wait3A_124 = tpu.memref_squeeze %dma_wait3A_123 : memref<1x64x128xf32, #tpu.memory_space<hbm>> -> memref<64x128xf32, #tpu.memory_space<hbm>>
      %dma_wait3A_125 = arith.constant 0 : i32
      %dma_wait3A_126 = tpu.memref_slice %arg6[%add3A_85, %dma_wait3A_125] : memref<10000x128xf32, #tpu.memory_space<vmem_shared>> -> memref<64x128xf32, #tpu.memory_space<vmem_shared>>
      tpu.wait_dma2 semaphore(%run_scoped3A : memref<!tpu.dma_semaphore, #tpu.memory_space<semaphore_mem>>) src(%dma_wait3A_126 : memref<64x128xf32, #tpu.memory_space<vmem_shared>>) dst(%dma_wait3A_124 : memref<64x128xf32, #tpu.memory_space<hbm>>)
      tpu.yield
    }) : () -> ()
    %add3A_88 = arith.constant 256 : i32
    %add3A_89 = arith.addi %mul3A_11, %add3A_88 : i32
    %add3A_90 = arith.constant 256 : i32
    %add3A_91 = arith.addi %mul3A_11, %add3A_90 : i32
    "tpu.region"() ({
      %run_scoped3A = tpu.sem_alloc : memref<!tpu.dma_semaphore, #tpu.memory_space<semaphore_mem>>
      %dma_start3A_117 = arith.constant 0 : i32
      %dma_start3A_118 = tpu.memref_slice %arg5[%arg0, %add3A_91, %dma_start3A_117] : memref<2x10000x128xf32, #tpu.memory_space<hbm>> -> memref<1x64x128xf32, #tpu.memory_space<hbm>>
      %dma_start3A_119 = tpu.memref_squeeze %dma_start3A_118 : memref<1x64x128xf32, #tpu.memory_space<hbm>> -> memref<64x128xf32, #tpu.memory_space<hbm>>
      %dma_start3A_120 = arith.constant 0 : i32
      %dma_start3A_121 = tpu.memref_slice %arg6[%add3A_89, %dma_start3A_120] : memref<10000x128xf32, #tpu.memory_space<vmem_shared>> -> memref<64x128xf32, #tpu.memory_space<vmem_shared>>
      tpu.enqueue_dma source(%dma_start3A_121 : memref<64x128xf32, #tpu.memory_space<vmem_shared>>) target(%dma_start3A_119 : memref<64x128xf32, #tpu.memory_space<hbm>>) target_semaphore(%run_scoped3A : memref<!tpu.dma_semaphore, #tpu.memory_space<semaphore_mem>>)
      %dma_wait3A_122 = arith.constant 0 : i32
      %dma_wait3A_123 = tpu.memref_slice %arg5[%arg0, %add3A_91, %dma_wait3A_122] : memref<2x10000x128xf32, #tpu.memory_space<hbm>> -> memref<1x64x128xf32, #tpu.memory_space<hbm>>
      %dma_wait3A_124 = tpu.memref_squeeze %dma_wait3A_123 : memref<1x64x128xf32, #tpu.memory_space<hbm>> -> memref<64x128xf32, #tpu.memory_space<hbm>>
      %dma_wait3A_125 = arith.constant 0 : i32
      %dma_wait3A_126 = tpu.memref_slice %arg6[%add3A_89, %dma_wait3A_125] : memref<10000x128xf32, #tpu.memory_space<vmem_shared>> -> memref<64x128xf32, #tpu.memory_space<vmem_shared>>
      tpu.wait_dma2 semaphore(%run_scoped3A : memref<!tpu.dma_semaphore, #tpu.memory_space<semaphore_mem>>) src(%dma_wait3A_126 : memref<64x128xf32, #tpu.memory_space<vmem_shared>>) dst(%dma_wait3A_124 : memref<64x128xf32, #tpu.memory_space<hbm>>)
      tpu.yield
    }) : () -> ()
    %add3A_92 = arith.constant 320 : i32
    %add3A_93 = arith.addi %mul3A_11, %add3A_92 : i32
    %add3A_94 = arith.constant 320 : i32
    %add3A_95 = arith.addi %mul3A_11, %add3A_94 : i32
    "tpu.region"() ({
      %run_scoped3A = tpu.sem_alloc : memref<!tpu.dma_semaphore, #tpu.memory_space<semaphore_mem>>
      %dma_start3A_117 = arith.constant 0 : i32
      %dma_start3A_118 = tpu.memref_slice %arg5[%arg0, %add3A_95, %dma_start3A_117] : memref<2x10000x128xf32, #tpu.memory_space<hbm>> -> memref<1x64x128xf32, #tpu.memory_space<hbm>>
      %dma_start3A_119 = tpu.memref_squeeze %dma_start3A_118 : memref<1x64x128xf32, #tpu.memory_space<hbm>> -> memref<64x128xf32, #tpu.memory_space<hbm>>
      %dma_start3A_120 = arith.constant 0 : i32
      %dma_start3A_121 = tpu.memref_slice %arg6[%add3A_93, %dma_start3A_120] : memref<10000x128xf32, #tpu.memory_space<vmem_shared>> -> memref<64x128xf32, #tpu.memory_space<vmem_shared>>
      tpu.enqueue_dma source(%dma_start3A_121 : memref<64x128xf32, #tpu.memory_space<vmem_shared>>) target(%dma_start3A_119 : memref<64x128xf32, #tpu.memory_space<hbm>>) target_semaphore(%run_scoped3A : memref<!tpu.dma_semaphore, #tpu.memory_space<semaphore_mem>>)
      %dma_wait3A_122 = arith.constant 0 : i32
      %dma_wait3A_123 = tpu.memref_slice %arg5[%arg0, %add3A_95, %dma_wait3A_122] : memref<2x10000x128xf32, #tpu.memory_space<hbm>> -> memref<1x64x128xf32, #tpu.memory_space<hbm>>
      %dma_wait3A_124 = tpu.memref_squeeze %dma_wait3A_123 : memref<1x64x128xf32, #tpu.memory_space<hbm>> -> memref<64x128xf32, #tpu.memory_space<hbm>>
      %dma_wait3A_125 = arith.constant 0 : i32
      %dma_wait3A_126 = tpu.memref_slice %arg6[%add3A_93, %dma_wait3A_125] : memref<10000x128xf32, #tpu.memory_space<vmem_shared>> -> memref<64x128xf32, #tpu.memory_space<vmem_shared>>
      tpu.wait_dma2 semaphore(%run_scoped3A : memref<!tpu.dma_semaphore, #tpu.memory_space<semaphore_mem>>) src(%dma_wait3A_126 : memref<64x128xf32, #tpu.memory_space<vmem_shared>>) dst(%dma_wait3A_124 : memref<64x128xf32, #tpu.memory_space<hbm>>)
      tpu.yield
    }) : () -> ()
    %add3A_96 = arith.constant 384 : i32
    %add3A_97 = arith.addi %mul3A_11, %add3A_96 : i32
    %add3A_98 = arith.constant 384 : i32
    %add3A_99 = arith.addi %mul3A_11, %add3A_98 : i32
    "tpu.region"() ({
      %run_scoped3A = tpu.sem_alloc : memref<!tpu.dma_semaphore, #tpu.memory_space<semaphore_mem>>
      %dma_start3A_117 = arith.constant 0 : i32
      %dma_start3A_118 = tpu.memref_slice %arg5[%arg0, %add3A_99, %dma_start3A_117] : memref<2x10000x128xf32, #tpu.memory_space<hbm>> -> memref<1x64x128xf32, #tpu.memory_space<hbm>>
      %dma_start3A_119 = tpu.memref_squeeze %dma_start3A_118 : memref<1x64x128xf32, #tpu.memory_space<hbm>> -> memref<64x128xf32, #tpu.memory_space<hbm>>
      %dma_start3A_120 = arith.constant 0 : i32
      %dma_start3A_121 = tpu.memref_slice %arg6[%add3A_97, %dma_start3A_120] : memref<10000x128xf32, #tpu.memory_space<vmem_shared>> -> memref<64x128xf32, #tpu.memory_space<vmem_shared>>
      tpu.enqueue_dma source(%dma_start3A_121 : memref<64x128xf32, #tpu.memory_space<vmem_shared>>) target(%dma_start3A_119 : memref<64x128xf32, #tpu.memory_space<hbm>>) target_semaphore(%run_scoped3A : memref<!tpu.dma_semaphore, #tpu.memory_space<semaphore_mem>>)
      %dma_wait3A_122 = arith.constant 0 : i32
      %dma_wait3A_123 = tpu.memref_slice %arg5[%arg0, %add3A_99, %dma_wait3A_122] : memref<2x10000x128xf32, #tpu.memory_space<hbm>> -> memref<1x64x128xf32, #tpu.memory_space<hbm>>
      %dma_wait3A_124 = tpu.memref_squeeze %dma_wait3A_123 : memref<1x64x128xf32, #tpu.memory_space<hbm>> -> memref<64x128xf32, #tpu.memory_space<hbm>>
      %dma_wait3A_125 = arith.constant 0 : i32
      %dma_wait3A_126 = tpu.memref_slice %arg6[%add3A_97, %dma_wait3A_125] : memref<10000x128xf32, #tpu.memory_space<vmem_shared>> -> memref<64x128xf32, #tpu.memory_space<vmem_shared>>
      tpu.wait_dma2 semaphore(%run_scoped3A : memref<!tpu.dma_semaphore, #tpu.memory_space<semaphore_mem>>) src(%dma_wait3A_126 : memref<64x128xf32, #tpu.memory_space<vmem_shared>>) dst(%dma_wait3A_124 : memref<64x128xf32, #tpu.memory_space<hbm>>)
      tpu.yield
    }) : () -> ()
    %add3A_100 = arith.constant 448 : i32
    %add3A_101 = arith.addi %mul3A_11, %add3A_100 : i32
    %add3A_102 = arith.constant 448 : i32
    %add3A_103 = arith.addi %mul3A_11, %add3A_102 : i32
    "tpu.region"() ({
      %run_scoped3A = tpu.sem_alloc : memref<!tpu.dma_semaphore, #tpu.memory_space<semaphore_mem>>
      %dma_start3A_117 = arith.constant 0 : i32
      %dma_start3A_118 = tpu.memref_slice %arg5[%arg0, %add3A_103, %dma_start3A_117] : memref<2x10000x128xf32, #tpu.memory_space<hbm>> -> memref<1x64x128xf32, #tpu.memory_space<hbm>>
      %dma_start3A_119 = tpu.memref_squeeze %dma_start3A_118 : memref<1x64x128xf32, #tpu.memory_space<hbm>> -> memref<64x128xf32, #tpu.memory_space<hbm>>
      %dma_start3A_120 = arith.constant 0 : i32
      %dma_start3A_121 = tpu.memref_slice %arg6[%add3A_101, %dma_start3A_120] : memref<10000x128xf32, #tpu.memory_space<vmem_shared>> -> memref<64x128xf32, #tpu.memory_space<vmem_shared>>
      tpu.enqueue_dma source(%dma_start3A_121 : memref<64x128xf32, #tpu.memory_space<vmem_shared>>) target(%dma_start3A_119 : memref<64x128xf32, #tpu.memory_space<hbm>>) target_semaphore(%run_scoped3A : memref<!tpu.dma_semaphore, #tpu.memory_space<semaphore_mem>>)
      %dma_wait3A_122 = arith.constant 0 : i32
      %dma_wait3A_123 = tpu.memref_slice %arg5[%arg0, %add3A_103, %dma_wait3A_122] : memref<2x10000x128xf32, #tpu.memory_space<hbm>> -> memref<1x64x128xf32, #tpu.memory_space<hbm>>
      %dma_wait3A_124 = tpu.memref_squeeze %dma_wait3A_123 : memref<1x64x128xf32, #tpu.memory_space<hbm>> -> memref<64x128xf32, #tpu.memory_space<hbm>>
      %dma_wait3A_125 = arith.constant 0 : i32
      %dma_wait3A_126 = tpu.memref_slice %arg6[%add3A_101, %dma_wait3A_125] : memref<10000x128xf32, #tpu.memory_space<vmem_shared>> -> memref<64x128xf32, #tpu.memory_space<vmem_shared>>
      tpu.wait_dma2 semaphore(%run_scoped3A : memref<!tpu.dma_semaphore, #tpu.memory_space<semaphore_mem>>) src(%dma_wait3A_126 : memref<64x128xf32, #tpu.memory_space<vmem_shared>>) dst(%dma_wait3A_124 : memref<64x128xf32, #tpu.memory_space<hbm>>)
      tpu.yield
    }) : () -> ()
    %add3A_104 = arith.constant 512 : i32
    %add3A_105 = arith.addi %mul3A_11, %add3A_104 : i32
    %add3A_106 = arith.constant 512 : i32
    %add3A_107 = arith.addi %mul3A_11, %add3A_106 : i32
    "tpu.region"() ({
      %run_scoped3A = tpu.sem_alloc : memref<!tpu.dma_semaphore, #tpu.memory_space<semaphore_mem>>
      %dma_start3A_117 = arith.constant 0 : i32
      %dma_start3A_118 = tpu.memref_slice %arg5[%arg0, %add3A_107, %dma_start3A_117] : memref<2x10000x128xf32, #tpu.memory_space<hbm>> -> memref<1x64x128xf32, #tpu.memory_space<hbm>>
      %dma_start3A_119 = tpu.memref_squeeze %dma_start3A_118 : memref<1x64x128xf32, #tpu.memory_space<hbm>> -> memref<64x128xf32, #tpu.memory_space<hbm>>
      %dma_start3A_120 = arith.constant 0 : i32
      %dma_start3A_121 = tpu.memref_slice %arg6[%add3A_105, %dma_start3A_120] : memref<10000x128xf32, #tpu.memory_space<vmem_shared>> -> memref<64x128xf32, #tpu.memory_space<vmem_shared>>
      tpu.enqueue_dma source(%dma_start3A_121 : memref<64x128xf32, #tpu.memory_space<vmem_shared>>) target(%dma_start3A_119 : memref<64x128xf32, #tpu.memory_space<hbm>>) target_semaphore(%run_scoped3A : memref<!tpu.dma_semaphore, #tpu.memory_space<semaphore_mem>>)
      %dma_wait3A_122 = arith.constant 0 : i32
      %dma_wait3A_123 = tpu.memref_slice %arg5[%arg0, %add3A_107, %dma_wait3A_122] : memref<2x10000x128xf32, #tpu.memory_space<hbm>> -> memref<1x64x128xf32, #tpu.memory_space<hbm>>
      %dma_wait3A_124 = tpu.memref_squeeze %dma_wait3A_123 : memref<1x64x128xf32, #tpu.memory_space<hbm>> -> memref<64x128xf32, #tpu.memory_space<hbm>>
      %dma_wait3A_125 = arith.constant 0 : i32
      %dma_wait3A_126 = tpu.memref_slice %arg6[%add3A_105, %dma_wait3A_125] : memref<10000x128xf32, #tpu.memory_space<vmem_shared>> -> memref<64x128xf32, #tpu.memory_space<vmem_shared>>
      tpu.wait_dma2 semaphore(%run_scoped3A : memref<!tpu.dma_semaphore, #tpu.memory_space<semaphore_mem>>) src(%dma_wait3A_126 : memref<64x128xf32, #tpu.memory_space<vmem_shared>>) dst(%dma_wait3A_124 : memref<64x128xf32, #tpu.memory_space<hbm>>)
      tpu.yield
    }) : () -> ()
    %add3A_108 = arith.constant 576 : i32
    %add3A_109 = arith.addi %mul3A_11, %add3A_108 : i32
    %add3A_110 = arith.constant 576 : i32
    %add3A_111 = arith.addi %mul3A_11, %add3A_110 : i32
    "tpu.region"() ({
      %run_scoped3A = tpu.sem_alloc : memref<!tpu.dma_semaphore, #tpu.memory_space<semaphore_mem>>
      %dma_start3A_117 = arith.constant 0 : i32
      %dma_start3A_118 = tpu.memref_slice %arg5[%arg0, %add3A_111, %dma_start3A_117] : memref<2x10000x128xf32, #tpu.memory_space<hbm>> -> memref<1x48x128xf32, #tpu.memory_space<hbm>>
      %dma_start3A_119 = tpu.memref_squeeze %dma_start3A_118 : memref<1x48x128xf32, #tpu.memory_space<hbm>> -> memref<48x128xf32, #tpu.memory_space<hbm>>
      %dma_start3A_120 = arith.constant 0 : i32
      %dma_start3A_121 = tpu.memref_slice %arg6[%add3A_109, %dma_start3A_120] : memref<10000x128xf32, #tpu.memory_space<vmem_shared>> -> memref<48x128xf32, #tpu.memory_space<vmem_shared>>
      tpu.enqueue_dma source(%dma_start3A_121 : memref<48x128xf32, #tpu.memory_space<vmem_shared>>) target(%dma_start3A_119 : memref<48x128xf32, #tpu.memory_space<hbm>>) target_semaphore(%run_scoped3A : memref<!tpu.dma_semaphore, #tpu.memory_space<semaphore_mem>>)
      %dma_wait3A_122 = arith.constant 0 : i32
      %dma_wait3A_123 = tpu.memref_slice %arg5[%arg0, %add3A_111, %dma_wait3A_122] : memref<2x10000x128xf32, #tpu.memory_space<hbm>> -> memref<1x48x128xf32, #tpu.memory_space<hbm>>
      %dma_wait3A_124 = tpu.memref_squeeze %dma_wait3A_123 : memref<1x48x128xf32, #tpu.memory_space<hbm>> -> memref<48x128xf32, #tpu.memory_space<hbm>>
      %dma_wait3A_125 = arith.constant 0 : i32
      %dma_wait3A_126 = tpu.memref_slice %arg6[%add3A_109, %dma_wait3A_125] : memref<10000x128xf32, #tpu.memory_space<vmem_shared>> -> memref<48x128xf32, #tpu.memory_space<vmem_shared>>
      tpu.wait_dma2 semaphore(%run_scoped3A : memref<!tpu.dma_semaphore, #tpu.memory_space<semaphore_mem>>) src(%dma_wait3A_126 : memref<48x128xf32, #tpu.memory_space<vmem_shared>>) dst(%dma_wait3A_124 : memref<48x128xf32, #tpu.memory_space<hbm>>)
      tpu.yield
    }) : () -> ()
    %eq3A_112 = arith.constant 15 : i32
    %eq3A_113 = arith.cmpi eq, %arg1, %eq3A_112 : i32
    %convert_element_type3A_114 = arith.extui %eq3A_113 : i1 to i32
    %cond3A_115 = arith.constant 0 : i32
    %cond3A_116 = arith.cmpi ne, %convert_element_type3A_114, %cond3A_115 : i32
    scf.if %cond3A_116 {
      "tpu.region"() ({
        %run_scoped3A = tpu.sem_alloc : memref<!tpu.dma_semaphore, #tpu.memory_space<semaphore_mem>>
        %dma_start3A_117 = arith.constant 9984 : i32
        %dma_start3A_118 = arith.constant 0 : i32
        %dma_start3A_119 = tpu.memref_slice %arg5[%arg0, %dma_start3A_117, %dma_start3A_118] : memref<2x10000x128xf32, #tpu.memory_space<hbm>> -> memref<1x16x128xf32, #tpu.memory_space<hbm>>
        %dma_start3A_120 = tpu.memref_squeeze %dma_start3A_119 : memref<1x16x128xf32, #tpu.memory_space<hbm>> -> memref<16x128xf32, #tpu.memory_space<hbm>>
        %dma_start3A_121 = arith.constant 9984 : i32
        %dma_start3A_122 = arith.constant 0 : i32
        %dma_start3A_123 = tpu.memref_slice %arg6[%dma_start3A_121, %dma_start3A_122] : memref<10000x128xf32, #tpu.memory_space<vmem_shared>> -> memref<16x128xf32, #tpu.memory_space<vmem_shared>>
        tpu.enqueue_dma source(%dma_start3A_123 : memref<16x128xf32, #tpu.memory_space<vmem_shared>>) target(%dma_start3A_120 : memref<16x128xf32, #tpu.memory_space<hbm>>) target_semaphore(%run_scoped3A : memref<!tpu.dma_semaphore, #tpu.memory_space<semaphore_mem>>)
        %dma_wait3A_124 = arith.constant 9984 : i32
        %dma_wait3A_125 = arith.constant 0 : i32
        %dma_wait3A_126 = tpu.memref_slice %arg5[%arg0, %dma_wait3A_124, %dma_wait3A_125] : memref<2x10000x128xf32, #tpu.memory_space<hbm>> -> memref<1x16x128xf32, #tpu.memory_space<hbm>>
        %dma_wait3A_127 = tpu.memref_squeeze %dma_wait3A_126 : memref<1x16x128xf32, #tpu.memory_space<hbm>> -> memref<16x128xf32, #tpu.memory_space<hbm>>
        %dma_wait3A_128 = arith.constant 9984 : i32
        %dma_wait3A_129 = arith.constant 0 : i32
        %dma_wait3A_130 = tpu.memref_slice %arg6[%dma_wait3A_128, %dma_wait3A_129] : memref<10000x128xf32, #tpu.memory_space<vmem_shared>> -> memref<16x128xf32, #tpu.memory_space<vmem_shared>>
        tpu.wait_dma2 semaphore(%run_scoped3A : memref<!tpu.dma_semaphore, #tpu.memory_space<semaphore_mem>>) src(%dma_wait3A_130 : memref<16x128xf32, #tpu.memory_space<vmem_shared>>) dst(%dma_wait3A_127 : memref<16x128xf32, #tpu.memory_space<hbm>>)
        tpu.yield
      }) : () -> ()
    } else {
    }
    return
  }
}

module attributes {stable_mosaic.version = 14 : i64} {
  func.func @_tc2_body(%arg0: memref<2x10000x128xf32, #tpu.memory_space<vmem>>, %arg1: memref<10000x128xf32, #tpu.memory_space<vmem>>, %arg2: memref<10000x1xf32, #tpu.memory_space<vmem>>, %arg3: memref<128x128xf32, #tpu.memory_space<vmem>>, %arg4: memref<1x128xf32, #tpu.memory_space<vmem>>, %arg5: memref<10000x128xf32, #tpu.memory_space<vmem>>) attributes {dimension_semantics = [], scalar_prefetch = 0 : i64, scratch_operands = 0 : i64, tpu.core_type = #tpu.core_type<tc>} {
    %get3A = arith.constant 0 : index
    %get3A_0 = arith.constant 0 : index
    %get3A_1 = arith.constant 0 : index
    %get3A_2 = vector.load %arg0[%get3A, %get3A_0, %get3A_1] : memref<2x10000x128xf32, #tpu.memory_space<vmem>>, vector<1x10000x128xf32>
    %get3A_3 = vector.shape_cast %get3A_2 : vector<1x10000x128xf32> to vector<10000x128xf32>
    %get3A_4 = arith.constant 1 : index
    %get3A_5 = arith.constant 0 : index
    %get3A_6 = arith.constant 0 : index
    %get3A_7 = vector.load %arg0[%get3A_4, %get3A_5, %get3A_6] : memref<2x10000x128xf32, #tpu.memory_space<vmem>>, vector<1x10000x128xf32>
    %get3A_8 = vector.shape_cast %get3A_7 : vector<1x10000x128xf32> to vector<10000x128xf32>
    %add3A = arith.addf %get3A_3, %get3A_8 : vector<10000x128xf32>
    %get3A_9 = arith.constant 0 : index
    %get3A_10 = arith.constant 0 : index
    %get3A_11 = vector.load %arg1[%get3A_9, %get3A_10] : memref<10000x128xf32, #tpu.memory_space<vmem>>, vector<10000x128xf32>
    %add3A_12 = arith.addf %add3A, %get3A_11 : vector<10000x128xf32>
    %get3A_13 = arith.constant 0 : index
    %get3A_14 = arith.constant 0 : index
    %get3A_15 = vector.load %arg2[%get3A_13, %get3A_14] : memref<10000x1xf32, #tpu.memory_space<vmem>>, vector<10000x1xf32>
    %mul3A = vector.broadcast %get3A_15 : vector<10000x1xf32> to vector<10000x128xf32>
    %mul3A_16 = arith.mulf %mul3A, %add3A_12 : vector<10000x128xf32>
    %get3A_17 = arith.constant 0 : index
    %get3A_18 = arith.constant 0 : index
    %get3A_19 = vector.load %arg4[%get3A_17, %get3A_18] : memref<1x128xf32, #tpu.memory_space<vmem>>, vector<1x128xf32>
    %add3A_20 = vector.broadcast %get3A_19 : vector<1x128xf32> to vector<10000x128xf32>
    %add3A_21 = arith.addf %mul3A_16, %add3A_20 : vector<10000x128xf32>
    %max3A = arith.constant 0.000000e+00 : f32
    %max3A_22 = vector.broadcast %max3A : f32 to vector<10000x128xf32>
    %max3A_23 = arith.maximumf %add3A_21, %max3A_22 : vector<10000x128xf32>
    %get3A_24 = arith.constant 0 : index
    %get3A_25 = arith.constant 0 : index
    %get3A_26 = vector.load %arg3[%get3A_24, %get3A_25] : memref<128x128xf32, #tpu.memory_space<vmem>>, vector<128x128xf32>
    %dot_general3A = arith.constant dense<0.000000e+00> : vector<10000x128xf32>
    %dot_general3A_27 = tpu.matmul %max3A_23, %get3A_26, %dot_general3A {dimension_numbers = #tpu.dot_dimension_numbers<[1], [0], [0], [1], [0, 0, 1, 1], [], []>, transpose_lhs_hint = false} : vector<10000x128xf32>, vector<128x128xf32>, vector<10000x128xf32> -> vector<10000x128xf32>
    %get3A_28 = arith.constant 0 : index
    %get3A_29 = arith.constant 0 : index
    %get3A_30 = vector.load %arg2[%get3A_28, %get3A_29] : memref<10000x1xf32, #tpu.memory_space<vmem>>, vector<10000x1xf32>
    %mul3A_31 = vector.broadcast %get3A_30 : vector<10000x1xf32> to vector<10000x128xf32>
    %mul3A_32 = arith.mulf %dot_general3A_27, %mul3A_31 : vector<10000x128xf32>
    %swap3A = arith.constant 0 : index
    %swap3A_33 = arith.constant 0 : index
    %swap3A_34 = vector.load %arg5[%swap3A, %swap3A_33] : memref<10000x128xf32, #tpu.memory_space<vmem>>, vector<10000x128xf32>
    tpu.vector_store %arg5[%swap3A, %swap3A_33], %mul3A_32 {strides = array<i32>} : memref<10000x128xf32, #tpu.memory_space<vmem>>, vector<10000x128xf32>,
    return
  }
}

module attributes {stable_mosaic.version = 14 : i64} {
  func.func @_tc1_body(%arg0: memref<10000x128xf32, #tpu.memory_space<vmem>>, %arg1: memref<128x128xf32, #tpu.memory_space<vmem>>, %arg2: memref<2x10000x1xf32, #tpu.memory_space<vmem>>, %arg3: memref<10000x128xf32, #tpu.memory_space<vmem>>, %arg4: memref<10000x1xf32, #tpu.memory_space<vmem>>) attributes {dimension_semantics = [], scalar_prefetch = 0 : i64, scratch_operands = 0 : i64, tpu.core_type = #tpu.core_type<tc>} {
    %get3A = arith.constant 0 : index
    %get3A_0 = arith.constant 0 : index
    %get3A_1 = arith.constant 0 : index
    %get3A_2 = vector.load %arg2[%get3A, %get3A_0, %get3A_1] : memref<2x10000x1xf32, #tpu.memory_space<vmem>>, vector<1x10000x1xf32>
    %get3A_3 = vector.shape_cast %get3A_2 : vector<1x10000x1xf32> to vector<10000x1xf32>
    %get3A_4 = arith.constant 1 : index
    %get3A_5 = arith.constant 0 : index
    %get3A_6 = arith.constant 0 : index
    %get3A_7 = vector.load %arg2[%get3A_4, %get3A_5, %get3A_6] : memref<2x10000x1xf32, #tpu.memory_space<vmem>>, vector<1x10000x1xf32>
    %get3A_8 = vector.shape_cast %get3A_7 : vector<1x10000x1xf32> to vector<10000x1xf32>
    %add3A = arith.addf %get3A_3, %get3A_8 : vector<10000x1xf32>
    %add3A_9 = arith.constant 1.000000e+00 : f32
    %add3A_10 = vector.broadcast %add3A_9 : f32 to vector<10000x1xf32>
    %add3A_11 = arith.addf %add3A, %add3A_10 : vector<10000x1xf32>
    %rsqrt3A = math.rsqrt %add3A_11 : vector<10000x1xf32>
    %get3A_12 = arith.constant 0 : index
    %get3A_13 = arith.constant 0 : index
    %get3A_14 = vector.load %arg0[%get3A_12, %get3A_13] : memref<10000x128xf32, #tpu.memory_space<vmem>>, vector<10000x128xf32>
    %get3A_15 = arith.constant 0 : index
    %get3A_16 = arith.constant 0 : index
    %get3A_17 = vector.load %arg1[%get3A_15, %get3A_16] : memref<128x128xf32, #tpu.memory_space<vmem>>, vector<128x128xf32>
    %dot_general3A = arith.constant dense<0.000000e+00> : vector<10000x128xf32>
    %dot_general3A_18 = tpu.matmul %get3A_14, %get3A_17, %dot_general3A {dimension_numbers = #tpu.dot_dimension_numbers<[1], [0], [0], [1], [0, 0, 1, 1], [], []>, transpose_lhs_hint = false} : vector<10000x128xf32>, vector<128x128xf32>, vector<10000x128xf32> -> vector<10000x128xf32>
    %mul3A = vector.broadcast %rsqrt3A : vector<10000x1xf32> to vector<10000x128xf32>
    %mul3A_19 = arith.mulf %dot_general3A_18, %mul3A : vector<10000x128xf32>
    %swap3A = arith.constant 0 : index
    %swap3A_20 = arith.constant 0 : index
    %swap3A_21 = vector.load %arg3[%swap3A, %swap3A_20] : memref<10000x128xf32, #tpu.memory_space<vmem>>, vector<10000x128xf32>
    tpu.vector_store %arg3[%swap3A, %swap3A_20], %mul3A_19 {strides = array<i32>} : memref<10000x128xf32, #tpu.memory_space<vmem>>, vector<10000x128xf32>,
    %swap3A_22 = arith.constant 0 : index
    %swap3A_23 = arith.constant 0 : index
    %swap3A_24 = vector.load %arg4[%swap3A_22, %swap3A_23] : memref<10000x1xf32, #tpu.memory_space<vmem>>, vector<10000x1xf32>
    tpu.vector_store %arg4[%swap3A_22, %swap3A_23], %rsqrt3A {strides = array<i32>} : memref<10000x1xf32, #tpu.memory_space<vmem>>, vector<10000x1xf32>,
    return
  }
}

module attributes {stable_mosaic.version = 14 : i64} {
  func.func @_tc3_body(%arg0: memref<2x10000x128xf32, #tpu.memory_space<vmem>>, %arg1: memref<10000x128xf32, #tpu.memory_space<vmem>>, %arg2: memref<10000x1xf32, #tpu.memory_space<vmem>>, %arg3: memref<1x128xf32, #tpu.memory_space<vmem>>, %arg4: memref<1x10000xi32, #tpu.memory_space<vmem>>, %arg5: memref<128x60xf32, #tpu.memory_space<vmem>>, %arg6: memref<1x60xf32, #tpu.memory_space<vmem>>, %arg7: memref<256x60xf32, #tpu.memory_space<vmem>>) attributes {dimension_semantics = [], scalar_prefetch = 0 : i64, scratch_operands = 0 : i64, tpu.core_type = #tpu.core_type<tc>} {
    %get3A = arith.constant 0 : index
    %get3A_0 = arith.constant 0 : index
    %get3A_1 = arith.constant 0 : index
    %get3A_2 = vector.load %arg0[%get3A, %get3A_0, %get3A_1] : memref<2x10000x128xf32, #tpu.memory_space<vmem>>, vector<1x10000x128xf32>
    %get3A_3 = vector.shape_cast %get3A_2 : vector<1x10000x128xf32> to vector<10000x128xf32>
    %get3A_4 = arith.constant 1 : index
    %get3A_5 = arith.constant 0 : index
    %get3A_6 = arith.constant 0 : index
    %get3A_7 = vector.load %arg0[%get3A_4, %get3A_5, %get3A_6] : memref<2x10000x128xf32, #tpu.memory_space<vmem>>, vector<1x10000x128xf32>
    %get3A_8 = vector.shape_cast %get3A_7 : vector<1x10000x128xf32> to vector<10000x128xf32>
    %add3A = arith.addf %get3A_3, %get3A_8 : vector<10000x128xf32>
    %get3A_9 = arith.constant 0 : index
    %get3A_10 = arith.constant 0 : index
    %get3A_11 = vector.load %arg1[%get3A_9, %get3A_10] : memref<10000x128xf32, #tpu.memory_space<vmem>>, vector<10000x128xf32>
    %add3A_12 = arith.addf %add3A, %get3A_11 : vector<10000x128xf32>
    %get3A_13 = arith.constant 0 : index
    %get3A_14 = arith.constant 0 : index
    %get3A_15 = vector.load %arg2[%get3A_13, %get3A_14] : memref<10000x1xf32, #tpu.memory_space<vmem>>, vector<10000x1xf32>
    %mul3A = vector.broadcast %get3A_15 : vector<10000x1xf32> to vector<10000x128xf32>
    %mul3A_16 = arith.mulf %mul3A, %add3A_12 : vector<10000x128xf32>
    %get3A_17 = arith.constant 0 : index
    %get3A_18 = arith.constant 0 : index
    %get3A_19 = vector.load %arg3[%get3A_17, %get3A_18] : memref<1x128xf32, #tpu.memory_space<vmem>>, vector<1x128xf32>
    %add3A_20 = vector.broadcast %get3A_19 : vector<1x128xf32> to vector<10000x128xf32>
    %add3A_21 = arith.addf %mul3A_16, %add3A_20 : vector<10000x128xf32>
    %max3A = arith.constant 0.000000e+00 : f32
    %max3A_22 = vector.broadcast %max3A : f32 to vector<10000x128xf32>
    %max3A_23 = arith.maximumf %add3A_21, %max3A_22 : vector<10000x128xf32>
    %get3A_24 = arith.constant 0 : index
    %get3A_25 = arith.constant 0 : index
    %get3A_26 = vector.load %arg4[%get3A_24, %get3A_25] : memref<1x10000xi32, #tpu.memory_space<vmem>>, vector<1x10000xi32>
    %iota3A = tpu.iota {dimensions = array<i32: 0>} : vector<256x10000xi32>
    %eq3A = vector.broadcast %get3A_26 : vector<1x10000xi32> to vector<256x10000xi32>
    %eq3A_27 = arith.cmpi eq, %iota3A, %eq3A : vector<256x10000xi32>
    %convert_element_type3A = arith.extui %eq3A_27 : vector<256x10000xi1> to vector<256x10000xi32>
    %convert_element_type3A_28 = arith.sitofp %convert_element_type3A : vector<256x10000xi32> to vector<256x10000xf32>
    %reduce_sum3A = arith.constant dense<0.000000e+00> : vector<256xf32>
    %reduce_sum3A_29 = vector.multi_reduction <add>, %convert_element_type3A_28, %reduce_sum3A [1] : vector<256x10000xf32> to vector<256xf32>
    %broadcast_in_dim3A = vector.shape_cast %reduce_sum3A_29 : vector<256xf32> to vector<256x1xf32>
    %dot_general3A = arith.constant dense<0.000000e+00> : vector<256x128xf32>
    %dot_general3A_30 = tpu.matmul %convert_element_type3A_28, %max3A_23, %dot_general3A {dimension_numbers = #tpu.dot_dimension_numbers<[1], [0], [0], [1], [0, 0, 1, 1], [], []>, transpose_lhs_hint = false} : vector<256x10000xf32>, vector<10000x128xf32>, vector<256x128xf32> -> vector<256x128xf32>
    %max3A_31 = arith.constant 1.000000e+00 : f32
    %max3A_32 = vector.broadcast %max3A_31 : f32 to vector<256x1xf32>
    %max3A_33 = arith.maximumf %broadcast_in_dim3A, %max3A_32 : vector<256x1xf32>
    %div3A = vector.broadcast %max3A_33 : vector<256x1xf32> to vector<256x128xf32>
    %div3A_34 = arith.divf %dot_general3A_30, %div3A : vector<256x128xf32>
    %get3A_35 = arith.constant 0 : index
    %get3A_36 = arith.constant 0 : index
    %get3A_37 = vector.load %arg5[%get3A_35, %get3A_36] : memref<128x60xf32, #tpu.memory_space<vmem>>, vector<128x60xf32>
    %dot_general3A_38 = arith.constant dense<0.000000e+00> : vector<256x60xf32>
    %dot_general3A_39 = tpu.matmul %div3A_34, %get3A_37, %dot_general3A_38 {dimension_numbers = #tpu.dot_dimension_numbers<[1], [0], [0], [1], [0, 0, 1, 1], [], []>, transpose_lhs_hint = false} : vector<256x128xf32>, vector<128x60xf32>, vector<256x60xf32> -> vector<256x60xf32>
    %get3A_40 = arith.constant 0 : index
    %get3A_41 = arith.constant 0 : index
    %get3A_42 = vector.load %arg6[%get3A_40, %get3A_41] : memref<1x60xf32, #tpu.memory_space<vmem>>, vector<1x60xf32>
    %add3A_43 = vector.broadcast %get3A_42 : vector<1x60xf32> to vector<256x60xf32>
    %add3A_44 = arith.addf %dot_general3A_39, %add3A_43 : vector<256x60xf32>
    %reduce_max3A = arith.constant dense<0xFF800000> : vector<256xf32>
    %reduce_max3A_45 = vector.multi_reduction <maximumf>, %add3A_44, %reduce_max3A [1] : vector<256x60xf32> to vector<256xf32>
    %broadcast_in_dim3A_46 = vector.shape_cast %reduce_max3A_45 : vector<256xf32> to vector<256x1xf32>
    %sub3A = vector.broadcast %broadcast_in_dim3A_46 : vector<256x1xf32> to vector<256x60xf32>
    %sub3A_47 = arith.subf %add3A_44, %sub3A : vector<256x60xf32>
    %exp3A = math.exp %sub3A_47 : vector<256x60xf32>
    %reduce_sum3A_48 = arith.constant dense<0.000000e+00> : vector<256xf32>
    %reduce_sum3A_49 = vector.multi_reduction <add>, %exp3A, %reduce_sum3A_48 [1] : vector<256x60xf32> to vector<256xf32>
    %broadcast_in_dim3A_50 = vector.shape_cast %reduce_sum3A_49 : vector<256xf32> to vector<256x1xf32>
    %log3A = math.log %broadcast_in_dim3A_50 : vector<256x1xf32>
    %sub3A_51 = vector.broadcast %log3A : vector<256x1xf32> to vector<256x60xf32>
    %sub3A_52 = arith.subf %sub3A_47, %sub3A_51 : vector<256x60xf32>
    %swap3A = arith.constant 0 : index
    %swap3A_53 = arith.constant 0 : index
    %swap3A_54 = vector.load %arg7[%swap3A, %swap3A_53] : memref<256x60xf32, #tpu.memory_space<vmem>>, vector<256x60xf32>
    tpu.vector_store %arg7[%swap3A, %swap3A_53], %sub3A_52 {strides = array<i32>} : memref<256x60xf32, #tpu.memory_space<vmem>>, vector<256x60xf32>,
    return
  }
}

</mosaic_0001>

<sc_bundles>
// kernel: kernel.11.cloned.1.call-start
scs
__scs_entry_jumppad:
0x0: {  	(pc) =	sbr.rel $0x88, $3  }
0x1: {  	(tag) =	ssettag $0x0;
	lr =	simm.s32 $0x1  }
0x2: {  	[smem:$0x3F98] =	sst lr;
	_ =	strace $0xD0000000  }
0x3: {  	_ = 	snop  }
0x4: {  	_ = 	snop  }
0x5: {  	_ = 	snop  }
0x6: {  	_ = 	snop  }
0x7: {  	_ = 	snop  }
__scs_overlays_trampoline_lowered:
0x8: {  	[smem:$0x3FA7] =	sst s0  }
0x9: {  	[smem:$0x3FA8] =	sst s1  }
0xa: {  	[smem:$0x3FA9] =	sst s2  }
0xb: {  	[smem:$0x3FAA] =	sst s3  }
0xc: {  	[smem:$0x3FAB] =	sst s4  }
0xd: {  	[smem:$0x3FAC] =	sst s5  }
0xe: {  	[smem:$0x3FAD] =	sst s6  }
0xf: {  	[smem:$0x3FAE] =	sst s7  }
0x10: {  	[smem:$0x3FAF] =	sst s8  }
0x11: {  	[smem:$0x3FB0] =	sst s9;
	s0 =	simm.s32 @!p0 $0x0  }
0x12: {  	s1 =	sld [smem:$0x3F96];
	s0 =	simm.s32 @p0 $0x1  }
0x13: {  	[smem:$0x3FB1] =	sst s0;
	s0 =	simm.s32 @!p1 $0x0  }
0x14: {  	s2 =	sld [smem:$0x3F95];
	s0 =	simm.s32 @p1 $0x1  }
0x15: {  	[smem:$0x3FB2] =	sst s0;
	s0 =	simm.s32 @!p2 $0x0  }
0x16: {  	s3 =	sld [smem:$0x3FDB];
	s0 =	simm.s32 @p2 $0x1  }
0x17: {  	s4 =	simm.s32 $0x1BF5;
	[smem:$0x3FB4] =	sst s0  }
0x18: {  	s0 =	sld [smem:$0x3F97];
	_ =	swait.ge [sflag:s4], $0x0  }
0x19: {  	s7 =	sld [smem:$0x3F98]  }
0x1a: {  	s8 =	sadd.s32 $0xFFFFE003, lr  }
0x1b: {  	s9 =	sadd.s32 $0xFFFFFEF7, lr;
	s5 =	simm.s32 $0xFFFFFFFF;
	p2 =	slt.u32 s8, $0xFFFFF086  }
0x1c: {  	p1 =	slt.u32 s9, $0xF7A;
	s5 =	simm.s32 @!p2 $0x0  }
0x1d: {  	s5 =	simm.s32 @p1 $0x1;
	p0 =	seq.s32 s7, s2  }
0x1e: {  	s7 =	smul.u32 @!p0 $0xF7A, s2;
	p2 =	seq.s32 @!p0 s5, $0x0  }
0x1f: {  	s9 =	smul.u32 $0xF7A, s1;
	s8 =	simm.s32 @!p0 $0x1BF5;
	p2 =	por !p2, p0  }
0x20: {  	[sflag:s8] =	ssyncset.s32 @!p0 $0xFFFFF086;
	s6 =	sadd.s32 @!p0 s3, s7;
	s7 =	simm.s32 @!p0 $0x108  }
0x21: {  	s3 =	sadd.s32 s3, s9;
	s6 =	sadd.s32 @!p0 $0x88, s6;
	s7 =	simm.s32 @p2 $0x1082  }
0x22: {  	[simem:s7], [sflag:s8] =	dma.local @!p0 [hbm:s6], $0xF7A  }
0x23: {  	s9 =	sor.u32 $0xD0000000, s2;
	s6 =	simm.s32 $0x108;
	_ =	swait.ge @!p0 [sflag:s8], $0x0  }
0x24: {  	s3 =	sadd.s32 $0x88, s3;
	s6 =	simm.s32 @!p1 $0x1082;
	[sflag:s4] =	ssyncset.s32 $0xFFFFF086  }
0x25: {  	[simem:s6], [sflag:s4] =	dma.local [hbm:s3], $0xF7A  }
0x26: {  	[smem:$0x3F98] =	sst s1;
	(tag) =	ssettag s2;
	_ =	strace s9  }
0x27: {  	s1 =	sld [smem:$0x3FA8]  }
0x28: {  	s2 =	sld [smem:$0x3FA9]  }
0x29: {  	s4 =	sld [smem:$0x3FAB]  }
0x2a: {  	p0 =	seq.s32 s5, $0x0;
	s5 =	sld [smem:$0x3FAC]  }
0x2b: {  	s6 =	sld [smem:$0x3FAD]  }
0x2c: {  	s7 =	sld [smem:$0x3FAE]  }
0x2d: {  	s3 =	simm.s32 $0x108;
	s8 =	sld [smem:$0x3FAF]  }
0x2e: {  	s3 =	simm.s32 @!p0 $0x1082;
	s9 =	sld [smem:$0x3FB0]  }
0x2f: {  	lr =	sadd.s32 s0, s3;
	s0 =	sld [smem:$0x3FA7]  }
0x30: {  	s3 =	sld [smem:$0x3FAA]  }
0x31: {  	[smem:$0x3FB3] =	sst s10  }
0x32: {  	s10 =	sld [smem:$0x3FB1];
	_ =	sdelay $0x3  }
0x33: {  	p0 =	seq.s32 s10, $0x1;
	s10 =	sld [smem:$0x3FB3];
	_ =	sdelay $0x3  }
0x34: {  	[smem:$0x3FB3] =	sst s10  }
0x35: {  	s10 =	sld [smem:$0x3FB2];
	_ =	sdelay $0x3  }
0x36: {  	p1 =	seq.s32 s10, $0x1;
	s10 =	sld [smem:$0x3FB3];
	_ =	sdelay $0x3  }
0x37: {  	[smem:$0x3FB3] =	sst s10  }
0x38: {  	s10 =	sld [smem:$0x3FB4]  }
0x39: {  	_ = 	snop;
	(pc) =	sbr.ind lr, $3  }
0x3a: {  	_ = 	snop  }
0x3b: {  	_ = 	snop  }
0x3c: {  	p2 =	seq.s32 s10, $0x1;
	s10 =	sld [smem:$0x3FB3]  }
0x3d: {  	_ =	shalt  }
0x3e: {  	_ =	shalt  }
0x3f: {  	_ =	shalt  }
0x40: {  	_ =	shalt  }
0x41: {  	_ =	shalt  }
0x42: {  	_ =	shalt  }
0x43: {  	_ =	shalt  }
0x44: {  	_ =	shalt  }
0x45: {  	_ =	shalt  }
0x46: {  	_ =	shalt  }
0x47: {  	_ =	shalt  }
0x48: {  	_ =	shalt  }
0x49: {  	_ =	shalt  }
0x4a: {  	_ =	shalt  }
0x4b: {  	_ =	shalt  }
0x4c: {  	_ =	shalt  }
0x4d: {  	_ =	shalt  }
0x4e: {  	_ =	shalt  }
0x4f: {  	_ =	shalt  }
0x50: {  	_ =	shalt  }
0x51: {  	_ =	shalt  }
0x52: {  	_ =	shalt  }
0x53: {  	_ =	shalt  }
0x54: {  	_ =	shalt  }
0x55: {  	_ =	shalt  }
0x56: {  	_ =	shalt  }
0x57: {  	_ =	shalt  }
0x58: {  	_ =	shalt  }
0x59: {  	_ =	shalt  }
0x5a: {  	_ =	shalt  }
0x5b: {  	_ =	shalt  }
0x5c: {  	_ =	shalt  }
0x5d: {  	_ =	shalt  }
0x5e: {  	_ =	shalt  }
0x5f: {  	_ =	shalt  }
0x60: {  	_ =	shalt  }
0x61: {  	_ =	shalt  }
0x62: {  	_ =	shalt  }
0x63: {  	_ =	shalt  }
0x64: {  	_ =	shalt  }
0x65: {  	_ =	shalt  }
0x66: {  	_ =	shalt  }
0x67: {  	_ =	shalt  }
0x68: {  	_ =	shalt  }
0x69: {  	_ =	shalt  }
0x6a: {  	_ =	shalt  }
0x6b: {  	_ =	shalt  }
0x6c: {  	_ =	shalt  }
0x6d: {  	_ =	shalt  }
0x6e: {  	_ =	shalt  }
0x6f: {  	_ =	shalt  }
0x70: {  	_ =	shalt  }
0x71: {  	_ =	shalt  }
0x72: {  	_ =	shalt  }
0x73: {  	_ =	shalt  }
0x74: {  	_ =	shalt  }
0x75: {  	_ =	shalt  }
0x76: {  	_ =	shalt  }
0x77: {  	_ =	shalt  }
0x78: {  	_ =	shalt  }
0x79: {  	_ =	shalt  }
0x7a: {  	_ =	shalt  }
0x7b: {  	_ =	shalt  }
0x7c: {  	_ =	shalt  }
0x7d: {  	_ =	shalt  }
0x7e: {  	_ =	shalt  }
0x7f: {  	_ =	shalt  }
0x80: {  	_ =	shalt  }
0x81: {  	_ =	shalt  }
0x82: {  	_ =	shalt  }
0x83: {  	_ =	shalt  }
0x84: {  	_ =	shalt  }
0x85: {  	_ =	shalt  }
0x86: {  	_ =	shalt  }
0x87: {  	_ =	shalt  }
.Lfunc_end0:
.L_simem_size_0:
called_computation.1_lowered:
.L_overlay_start_0:
0x88: {  	s2 =	sld [smem:$0x3FD9]  }
0x89: {  	s3 =	sld [smem:$0x3FFE];
	_ =	sdelay $0x1  }
0x8a: {  	s1 =	srdreg.scid  }
0x8b: {  	s0 =	sand.u32 $0x1, s1  }
0x8c: {  	s16 =	sshll.u32 s0, $0xA;
	s2 =	sadd.s32 s3, s2  }
0x8d: {  	s2 =	sadd.s32 s2, s16  }
0x8e: {  	[smem:$0x3FBF] =	sst s2  }
0x8f: {  	_ = 	snop  }
0x90: {  	(tm) =	ssettm $0x1  }
0x91: {  	s17 =	sld [smem:$0x3FFB];
	_ =	sdelay $0x3  }
0x92: {  	_ =	strace s17  }
0x93: {  	s2 =	sld [smem:$0x3FFC];
	_ =	sdelay $0x3  }
0x94: {  	_ =	strace s2  }
0x95: {  	s2 =	sld [smem:$0x3FFD];
	_ =	sdelay $0x3  }
0x96: {  	_ =	strace s2  }
0x97: {  	_ =	strace $0x8FFFFFFF  }
0x98: {  	s18 =	sld [smem:$0x3FDB];
	_ =	sdelay $0x1  }
0x99: {  	s19 =	simm.s32 $_scs_section_size  }
0x9a: {  	s4 =	simm.s32 $_size__tile_overlayer_lowered;
	s5 =	simm.s32 $_tile_overlayer_lowered  }
0x9b: {  	s22 =	simm.s32 $0x1BFF;
	s21 =	sshll.u32 s5, $0x1;
	s2 =	sadd.s32 s19, s18  }
0x9c: {  	s6 =	simm.s32 $0x0;
	s20 =	sshll.u32 s4, $0x1;
	s4 =	sadd.s32 s21, s2  }
0x9d: {  	[timem:s6], [sflag:s22] =	dma.local [hbm:s4], s20  }
0x9e: {  	_ =	swait.ge [sflag:s22], s20  }
0x9f: {  	s3 =	ssub.s32 $0x0, s20;
	[sflag:s22] =	ssyncset.done $0x0  }
0xa0: {  	[sflag:s22] =	ssyncadd.s32 s3;
	_ =	sdelay $0x1  }
0xa1: {  	s23 =	simm.s32 $0x1B8B  }
0xa2: {  	_ =	swait.ge [sflag:s23], $0x1  }
0xa3: {  	[sflag:s23] =	ssyncset.done $0x0  }
0xa4: {  	s25 =	simm.s32 $0x1B8E;
	s24 =	sld [smem:$0x3FFE];
	[sflag:s23] =	ssyncadd.s32 $0xFFFFFFFF  }
0xa5: {  	s26 =	simm.s32 $execute0_lowered;
	[smem:$0x3FD2] =	sst s25  }
0xa6: {  	s4 =	sshll.u32 s26, $0x1;
	_ =	strace $0x80000049;
	[dreg:$0x1] =	wrdreg $0xFFFFFFFF  }
0xa7: {  	s28 =	simm.s32 $_size_execute0_lowered;
	s2 =	sadd.s32 s2, s4;
	[dreg:$0x0] =	wrdreg $0x0  }
0xa8: {  	s4 =	sshll.u32 s28, $0x1;
	[dreg:$0x2] =	wrdreg s2  }
0xa9: {  	[dreg:$0x3] =	wrdreg s4  }
0xaa: {  	[dreg:$0x4] =	wrdreg $0xC0  }
0xab: {  	_ =	task [dreg:s6], $0x5FFFF  }
0xac: {  	[dreg:$0x1] =	wrdreg $0xFFFFFFFF  }
0xad: {  	[dreg:$0x0] =	wrdreg $0x60  }
0xae: {  	[dreg:$0x2] =	wrdreg s24  }
0xaf: {  	[dreg:$0x3] =	wrdreg $0x0  }
0xb0: {  	[dreg:$0x4] =	wrdreg $0x9  }
0xb1: {  	_ =	task.clear_ibuf [dreg:s6], $0x5FFFF;
	_ =	strace $0x90000049  }
0xb2: {  	s29 =	simm.s32 $0x9;
	_ =	strace $0x8000004B  }
0xb3: {  	_ =	swait.ge [sflag:s29], $0x1  }
0xb4: {  	[sflag:s29] =	ssyncadd.s32 $0xFFFFFFFF  }
0xb5: {  	_ =	strace $0x9000004B  }
0xb6: {  	_ =	sfence  }
0xb7: {  	s30 =	sld [smem:$0x0];
	_ =	sdelay $0x2  }
0xb8: {  	s31 =	sshll.u32 s1, $0xD;
	s1 =	sshrl.u32 s1, $0x2  }
0xb9: {  	s3 =	sand.u32 $0x4000, s31;
	s1 =	sadd.s32 s1, s30  }
0xba: {  	s0 =	sor.u32 s3, s0;
	s1 =	sshll.u32 s1, $0x11  }
0xbb: {  	s0 =	sor.u32 s1, s0  }
0xbc: {  	s0 =	sadd.s32 $0x8F2B, s0  }
0xbd: {  	[sflag:s0] =	ssyncadd.remote.s32 $0x1  }
0xbe: {  	_ =	sfence.sel $0xFFFF  }
0xbf: {  	[dreg:$0x0] =	wrdreg $0xFFFFFFFF;
	(pc) =	sbr.abs _section_cstart, $3  }
0xc0: {  	[dreg:$0x1] =	wrdreg $0xFFFFFFFF  }
0xc1: {  	_ =	task.clear_ibuf [dreg:s6], $0x2FFFF;
	_ =	strace $0x9FFFFFFF  }
0xc2: {  	(tm) =	ssettm $0x7FFFFFFF  }
0xc3: {  	_ =	shalt  }
tec
execute0_lowered:
.L_overlay_start_1:
0x0: {  	(tag) =	ssettag $0x1  }
0x1: {  	s0 =	rddreg [dreg:$0x0]  }
0x2: {  	s1 =	srdreg.scid;
	s22 =	stileid.u32  }
0x3: {  	s2 =	rddreg [dreg:$0x1];
	s3 =	simm.s32 $0x0;
	s31 =	simm.s32 $0x2  }
0x4: {  	s16 =	sand.u32 $0x1, s1;
	s19 =	sshll.u32 s22, $0x1;
	[smem:$0x7FF] =	sst s3  }
0x5: {  	s17 =	smul.u32 $0x13800, s22;
	s15 =	sadd.s32 $0xCA00, s0;
	s18 =	sadd.s32 $0x3DA00, s0  }
0x6: {  	p0 =	sne.s32 s22, $0xF;
	s1 =	sor.u32 s16, s19;
	s19 =	smul.u32 $0x138800, s16  }
0x7: {  	_ =	strace $0x8000004A;
	s20 =	ssub.s32 $0x2, s16;
	s16 =	smul.u32 $0x2710, s16  }
0x8: {  	s1 =	smul.u32 $0x2710, s1;
	s5 =	sshrl.u32 s20, $0x1;
	s6 =	sadd.s32 $0x4000, s17  }
0x9: {  	s7 =	sadd.s32 $0x6000, s17;
	s8 =	sadd.s32 $0x8000, s17;
	s9 =	sadd.s32 $0xA000, s17  }
0xa: {  	s10 =	sadd.s32 $0xC000, s17;
	s11 =	sadd.s32 $0xE000, s17;
	s12 =	sadd.s32 $0x10000, s17  }
0xb: {  	s13 =	sadd.s32 $0x12000, s17;
	s24 =	sadd.s32 s19, s6;
	s25 =	sadd.s32 s19, s7  }
0xc: {  	s26 =	sadd.s32 s19, s8;
	s28 =	sadd.s32 s8, s2;
	s29 =	sadd.s32 s9, s2  }
0xd: {  	s30 =	sadd.s32 s10, s2;
	s8 =	simm.s32 $0x1E000;
	s4 =	sshrl.u32 s1, $0x3  }
0xe: {  	s1 =	ssub.s32 s20, s5;
	s5 =	sadd.s32 $0x2000, s17;
	[dreg:$0x19] =	wrdreg s28  }
0xf: {  	s17 =	sadd.s32 s17, s19;
	[dreg:$0x1a] =	wrdreg s29;
	s14 =	sadd.s32 s15, s4  }
0x10: {  	[dreg:$0x1b] =	wrdreg s30;
	s17 =	sshrl.u32 s17, $0x3;
	s20 =	sadd.s32 $0x8, s14  }
0x11: {  	s21 =	sadd.s32 s19, s5;
	s17 =	sadd.s32 s18, s17;
	[dreg:$0x3] =	wrdreg s20  }
0x12: {  	s4 =	sadd.s32 s4, s0;
	s21 =	sshrl.u32 s21, $0x3;
	[dreg:$0x6] =	wrdreg s17  }
0x13: {  	s23 =	sadd.s32 s18, s21;
	s17 =	sshrl.u32 s24, $0x3;
	s20 =	sshrl.u32 s25, $0x3  }
0x14: {  	s21 =	sshrl.u32 s26, $0x3;
	s24 =	sadd.s32 s19, s9;
	s25 =	sadd.s32 s19, s10  }
0x15: {  	s26 =	sadd.s32 s19, s11;
	s11 =	sadd.s32 s11, s2;
	s9 =	simm.s32 $0x40  }
0x16: {  	s10 =	simm.s32 $0x1E100;
	[dreg:$0x7] =	wrdreg s23;
	s17 =	sadd.s32 s18, s17  }
0x17: {  	s23 =	sadd.s32 s18, s21;
	s21 =	smul.u32 $0x4E20, s22;
	[dreg:$0x1c] =	wrdreg s11  }
0x18: {  	s11 =	simm.s32 $0x1A000;
	[dreg:$0x8] =	wrdreg s17;
	s17 =	sadd.s32 s18, s20  }
0x19: {  	[dreg:$0xa] =	wrdreg s23;
	s20 =	sshrl.u32 s25, $0x3;
	s23 =	sshrl.u32 s26, $0x3  }
0x1a: {  	s25 =	sadd.s32 s19, s12;
	s26 =	sadd.s32 s19, s13;
	[dreg:$0x9] =	wrdreg s17  }
0x1b: {  	s17 =	sshrl.u32 s24, $0x3;
	s24 =	sadd.s32 s18, s23;
	s23 =	sshrl.u32 s19, $0x3  }
0x1c: {  	s16 =	sadd.s32 s16, s21;
	s17 =	sadd.s32 s18, s17;
	[dreg:$0xd] =	wrdreg s24  }
0x1d: {  	s24 =	simm.s32 $0x1E080;
	[dreg:$0xb] =	wrdreg s17;
	s17 =	sadd.s32 s18, s20  }
0x1e: {  	s20 =	sshrl.u32 s26, $0x3;
	[dreg:$0x4] =	wrdreg s24;
	s26 =	sadd.s32 $0x40, s16  }
0x1f: {  	s24 =	smul.u32 $0x4E000, s22;
	s22 =	sadd.s32 $0x138000, s2;
	[dreg:$0xc] =	wrdreg s17  }
0x20: {  	s17 =	sshrl.u32 s25, $0x3;
	s25 =	sadd.s32 $0x80, s16;
	s19 =	sshrl.u32 s26, $0x3  }
0x21: {  	s26 =	sadd.s32 $0x2C00, s4;
	[smem:$0x7FD] =	sst s22;
	s17 =	sadd.s32 s18, s17  }
0x22: {  	s21 =	sadd.s32 s19, s15;
	[dreg:$0x14] =	wrdreg s26;
	s4 =	sshrl.u32 s24, $0x2  }
0x23: {  	s24 =	sadd.s32 s5, s2;
	s26 =	sadd.s32 s7, s2;
	[dreg:$0xe] =	wrdreg s17  }
0x24: {  	s19 =	sadd.s32 $0x4E0, s14;
	s5 =	simm.s32 $0x16000;
	[dreg:$0x11] =	wrdreg s21  }
0x25: {  	s7 =	simm.s32 $0xC;
	s14 =	simm.s32 $0x4;
	[dreg:$0x1f] =	wrdreg s19  }
0x26: {  	s17 =	sadd.s32 s18, s20;
	s20 =	sadd.s32 $0xC0, s16;
	[dreg:$0x16] =	wrdreg s24  }
0x27: {  	s16 =	sshrl.u32 s16, $0x3;
	s21 =	smax.u32 s1, $0x1;
	[dreg:$0x18] =	wrdreg s26  }
0x28: {  	s19 =	simm.s32 $0xA;
	[dreg:$0xf] =	wrdreg s17;
	s17 =	sadd.s32 s18, s23  }
0x29: {  	s18 =	sshrl.u32 s25, $0x3;
	s25 =	simm.s32 $0x18000;
	[smem:$0x7FC] =	sst s21  }
0x2a: {  	s20 =	sshrl.u32 s20, $0x3;
	s18 =	sadd.s32 s18, s15;
	[dreg:$0x5] =	wrdreg s25  }
0x2b: {  	s1 =	simm.s32 $0xB;
	s23 =	sadd.s32 s20, s15;
	[dreg:$0x10] =	wrdreg s18  }
0x2c: {  	s15 =	sadd.s32 s16, s15;
	s25 =	sadd.s32 s6, s2;
	[dreg:$0x12] =	wrdreg s23  }
0x2d: {  	s16 =	sadd.s32 s13, s2;
	s20 =	sadd.s32 $0x27000, s17;
	[dreg:$0x13] =	wrdreg s15  }
0x2e: {  	s6 =	simm.s32 $0xE;
	s13 =	simm.s32 $0x1C000;
	[dreg:$0x1e] =	wrdreg s16  }
0x2f: {  	s18 =	sadd.s32 $0x16800, s0;
	s23 =	sadd.s32 s4, s2;
	[smem:$0x7FB] =	sst s20  }
0x30: {  	s15 =	sadd.s32 s12, s2;
	s12 =	simm.s32 $0x1E180;
	[dreg:$0x17] =	wrdreg s25  }
0x31: {  	s0 =	simm.s32 $0x3;
	s16 =	simm.s32 $0x5;
	[dreg:$0x1d] =	wrdreg s15  }
0x32: {  	v0 =	vimm.f32 $0.0e+00;
	s20 =	simm.s32 $0x0;
	s15 =	simm.s32 $0xD;
	[dreg:$0x15] =	wrdreg s23  }
.LBB2_1:
0x33: {  	[smem:$0x7FA] =	sst s20  }
0x34: {  	s4 =	rddreg [dreg:$0x14]  }
0x35: {  	s17 =	simm.s32 $0x13880;
	s20 =	simm.s32 $0x0;
	s21 =	simm.s32 $0x200  }
0x36: {  	[tilespmem:s17], [sflag:$0x1] =	stream.linear.gather [hbm4b:s4+s3], $0x2710, $0x38;
	[tilespmem:$0x1EB00] =	vst v63  }
.LBB2_2:
0x37: {  	p1 =	sne.s32 s21, $0x7E00;
	[tilespmem:s20+$0x16070] =	vst v0  }
0x38: {  	[tilespmem:s20+$0x16000] =	vst v0  }
0x39: {  	[tilespmem:s20+$0x16010] =	vst v0  }
.Ltmp0:
0x3a: {  	[tilespmem:s20+$0x16020] =	vst v0;
	(pc) =	sbr.rel @p1 .LBB2_2-.Ltmp0, $4  }
0x3b: {  	[tilespmem:s20+$0x16030] =	vst v0  }
0x3c: {  	[tilespmem:s20+$0x16040] =	vst v0  }
0x3d: {  	[tilespmem:s20+$0x16050] =	vst v0  }
0x3e: {  	[tilespmem:s20+$0x16060] =	vst v0;
	s20 =	sshra.s32 s21, $0x2;
	s21 =	sadd.s32 $0x200, s21  }
0x3f: {  	[tilespmem:s20+$0x16070] =	vst v0  }
0x40: {  	[tilespmem:s20+$0x16000] =	vst v0  }
0x41: {  	[tilespmem:s20+$0x16010] =	vst v0  }
0x42: {  	[tilespmem:s20+$0x16020] =	vst v0  }
0x43: {  	[tilespmem:s20+$0x16030] =	vst v0  }
0x44: {  	[tilespmem:s20+$0x16040] =	vst v0  }
0x45: {  	[tilespmem:s20+$0x16050] =	vst v0  }
0x46: {  	[tilespmem:s20+$0x16060] =	vst v0  }
0x47: {  	[spmem:s23] =	stream.linear.scatter [tilespmem:s5], [sflag:$0xE], $0x2000, $0x38;
	[tilespmem:$0x1EB00] =	vst v63  }
0x48: {  	_ =	swait.ge [sflag:s6], $0x2000  }
0x49: {  	[sflag:s6] =	ssyncset.done $0x0  }
0x4a: {  	[sflag:s6] =	ssyncadd.s32 $0xFFFFE000  }
0x4b: {  	[spmem:s24] =	stream.linear.scatter [tilespmem:s5], [sflag:$0xE], $0x2000, $0x38;
	[tilespmem:$0x1EB00] =	vst v63  }
0x4c: {  	_ =	swait.ge [sflag:s6], $0x2000  }
0x4d: {  	[sflag:s6] =	ssyncset.done $0x0  }
0x4e: {  	[sflag:s6] =	ssyncadd.s32 $0xFFFFE000  }
0x4f: {  	[spmem:s25] =	stream.linear.scatter [tilespmem:s5], [sflag:$0xE], $0x2000, $0x38;
	[tilespmem:$0x1EB00] =	vst v63  }
0x50: {  	_ =	swait.ge [sflag:s6], $0x2000  }
0x51: {  	[sflag:s6] =	ssyncset.done $0x0  }
0x52: {  	[sflag:s6] =	ssyncadd.s32 $0xFFFFE000  }
0x53: {  	[spmem:s26] =	stream.linear.scatter [tilespmem:s5], [sflag:$0xE], $0x2000, $0x38;
	[tilespmem:$0x1EB00] =	vst v63  }
0x54: {  	_ =	swait.ge [sflag:s6], $0x2000  }
0x55: {  	[sflag:s6] =	ssyncset.done $0x0  }
0x56: {  	[sflag:s6] =	ssyncadd.s32 $0xFFFFE000  }
0x57: {  	[spmem:s28] =	stream.linear.scatter [tilespmem:s5], [sflag:$0xE], $0x2000, $0x38;
	[tilespmem:$0x1EB00] =	vst v63  }
0x58: {  	_ =	swait.ge [sflag:s6], $0x2000  }
0x59: {  	[sflag:s6] =	ssyncset.done $0x0  }
0x5a: {  	[sflag:s6] =	ssyncadd.s32 $0xFFFFE000  }
0x5b: {  	[spmem:s29] =	stream.linear.scatter [tilespmem:s5], [sflag:$0xE], $0x2000, $0x38;
	[tilespmem:$0x1EB00] =	vst v63  }
0x5c: {  	_ =	swait.ge [sflag:s6], $0x2000  }
0x5d: {  	[sflag:s6] =	ssyncset.done $0x0  }
0x5e: {  	[sflag:s6] =	ssyncadd.s32 $0xFFFFE000  }
0x5f: {  	[spmem:s30] =	stream.linear.scatter [tilespmem:s5], [sflag:$0xE], $0x2000, $0x38;
	[tilespmem:$0x1EB00] =	vst v63  }
0x60: {  	_ =	swait.ge [sflag:s6], $0x2000  }
0x61: {  	[sflag:s6] =	ssyncset.done $0x0  }
0x62: {  	s4 =	rddreg [dreg:$0x1c];
	[sflag:s6] =	ssyncadd.s32 $0xFFFFE000  }
0x63: {  	[spmem:s4] =	stream.linear.scatter [tilespmem:s5], [sflag:$0xE], $0x2000, $0x38;
	[tilespmem:$0x1EB00] =	vst v63  }
0x64: {  	_ =	swait.ge [sflag:s6], $0x2000  }
0x65: {  	[sflag:s6] =	ssyncset.done $0x0  }
0x66: {  	s20 =	rddreg [dreg:$0x1d];
	[sflag:s6] =	ssyncadd.s32 $0xFFFFE000  }
0x67: {  	[spmem:s20] =	stream.linear.scatter [tilespmem:s5], [sflag:$0xE], $0x2000, $0x38;
	[tilespmem:$0x1EB00] =	vst v63  }
0x68: {  	_ =	swait.ge [sflag:s6], $0x2000  }
0x69: {  	[sflag:s6] =	ssyncset.done $0x0  }
0x6a: {  	s21 =	rddreg [dreg:$0x1e];
	[sflag:s6] =	ssyncadd.s32 $0xFFFFE000  }
0x6b: {  	[spmem:s21] =	stream.linear.scatter [tilespmem:s5], [sflag:$0xE], $0x1800, $0x38;
	[tilespmem:$0x1EB00] =	vst v63  }
0x6c: {  	_ =	swait.ge [sflag:s6], $0x1800  }
0x6d: {  	[sflag:s6] =	ssyncset.done $0x0  }
0x6e: {  	s20 =	simm.s32 @!p0 $0x16000;
	[sflag:s6] =	ssyncadd.s32 $0xFFFFE800  }
0x6f: {  	[spmem:s22] =	stream.linear.scatter @!p0 [tilespmem:s20], [sflag:$0xE], $0x800, $0x38;
	[tilespmem:$0x1EB00] =	vst v63  }
0x70: {  	s20 =	simm.s32 @!p0 $0xE  }
0x71: {  	_ =	swait.ge @!p0 [sflag:s20], $0x800  }
0x72: {  	[sflag:s20] =	ssyncset.done @!p0 $0x0  }
0x73: {  	s22 =	simm.s32 $0x1;
	[sflag:s20] =	ssyncadd.s32 @!p0 $0xFFFFF800  }
0x74: {  	_ =	swait.ge [sflag:s22], $0x2710  }
0x75: {  	[sflag:s22] =	ssyncset.done $0x0  }
0x76: {  	p1 =	por $0x1, $0x1;
	[sflag:s22] =	ssyncadd.s32 $0xFFFFD8F0  }
0x77: {  	s20 =	simm.s32 @!p1 $0x6;
	[bflag:$0x0] =	sbarrier.arrive $0xFFFF  }
0x78: {  	_ =	swait.ge @!p1 [sflag:s20], $0x2000  }
0x79: {  	[sflag:s20] =	ssyncset.done @!p1 $0x0  }
0x7a: {  	s24 =	rddreg [dreg:$0x13];
	[sflag:s20] =	ssyncadd.s32 @!p1 $0xFFFFE000  }
0x7b: {  	[tilespmem:s8], [sflag:$0xA] =	stream.linear.gather [hbm4b:s24+s3], $0x40, $0x38;
	[tilespmem:$0x1EB00] =	vst v63  }
0x7c: {  	s23 =	simm.s32 $0x13880;
	s22 =	simm.s32 @p1 $0x1E080  }
0x7d: {  	[tilespmem:s5], [sflag:$0x2] =	stream.indirect.gather [hbm4b:s18+s9], $0x80, s23, s9, $0xb8;
	[tilespmem:$0x1EB00] =	vst v63  }
0x7e: {  	s21 =	rddreg [dreg:$0x3];
	s20 =	simm.s32 @p1 $0x0;
	s23 =	simm.s32 @!p1 $0x7  }
0x7f: {  	[tilespmem:s22], [sflag:$0xB] =	stream.linear.gather @p1 [hbm4b:s21+s20], $0x40, $0x38;
	[tilespmem:$0x1EB00] =	vst v63  }
0x80: {  	s20 =	simm.s32 @p1 $0x40;
	s21 =	simm.s32 @p1 $0x138C0;
	s22 =	simm.s32 @p1 $0x18000  }
0x81: {  	[tilespmem:s22], [sflag:$0x3] =	stream.indirect.gather @p1 [hbm4b:s18+s20], $0x80, s21, s20, $0xb8;
	[tilespmem:$0x1EB00] =	vst v63  }
0x82: {  	_ =	swait.ge @!p1 [sflag:s23], $0x2000  }
0x83: {  	s20 =	simm.s32 @!p1 $0x138C0;
	s21 =	simm.s32 @!p1 $0x0;
	[sflag:s23] =	ssyncset.done @!p1 $0x0  }
0x84: {  	s22 =	simm.s32 @!p1 $0x1E080;
	s17 =	rddreg [dreg:$0x11];
	[sflag:s23] =	ssyncadd.s32 @!p1 $0xFFFFE000  }
0x85: {  	[tilespmem:s22], [sflag:$0xB] =	stream.linear.gather @!p1 [hbm4b:s17+s21], $0x40, $0x38;
	[tilespmem:$0x1EB00] =	vst v63  }
0x86: {  	s23 =	simm.s32 @!p1 $0x8;
	s21 =	simm.s32 @!p1 $0x40;
	s22 =	simm.s32 @!p1 $0x18000  }
0x87: {  	[tilespmem:s22], [sflag:$0x3] =	stream.indirect.gather @!p1 [hbm4b:s18+s21], $0x80, s20, s21, $0xb8;
	[tilespmem:$0x1EB00] =	vst v63  }
0x88: {  	_ =	swait.ge @!p1 [sflag:s23], $0x2000  }
0x89: {  	[sflag:s23] =	ssyncset.done @!p1 $0x0  }
0x8a: {  	s4 =	rddreg [dreg:$0x10];
	[sflag:s23] =	ssyncadd.s32 @!p1 $0xFFFFE000  }
0x8b: {  	[tilespmem:s10], [sflag:$0xC] =	stream.linear.gather [hbm4b:s4+s3], $0x40, $0x38;
	[tilespmem:$0x1EB00] =	vst v63  }
0x8c: {  	s25 =	simm.s32 $0x13900;
	s21 =	simm.s32 @!p1 $0x9  }
0x8d: {  	[tilespmem:s11], [sflag:$0x4] =	stream.indirect.gather [hbm4b:s18+s9], $0x80, s25, s9, $0xb8;
	[tilespmem:$0x1EB00] =	vst v63  }
0x8e: {  	_ =	swait.ge @!p1 [sflag:s21], $0x2000  }
0x8f: {  	[sflag:s21] =	ssyncset.done @!p1 $0x0  }
0x90: {  	s26 =	rddreg [dreg:$0x12];
	[sflag:s21] =	ssyncadd.s32 @!p1 $0xFFFFE000  }
0x91: {  	[tilespmem:s12], [sflag:$0xD] =	stream.linear.gather [hbm4b:s26+s3], $0x40, $0x38;
	[tilespmem:$0x1EB00] =	vst v63  }
0x92: {  	s28 =	simm.s32 $0x13940  }
0x93: {  	[tilespmem:s13], [sflag:$0x5] =	stream.indirect.gather [hbm4b:s18+s9], $0x80, s28, s9, $0xb8;
	[tilespmem:$0x1EB00] =	vst v63  }
0x94: {  	_ =	swait.ge [sflag:s19], $0x40  }
0x95: {  	[sflag:s19] =	ssyncset.done $0x0  }
0x96: {  	[sflag:s19] =	ssyncadd.s32 $0xFFFFFFC0  }
0x97: {  	_ =	swait.ge [sflag:s31], $0x2000  }
0x98: {  	[sflag:s31] =	ssyncset.done $0x0  }
0x99: {  	[sflag:s31] =	ssyncadd.s32 $0xFFFFE000  }
0x9a: {  	[spmem:s2] =	stream.indirect.scatter.add.f32 [tilespmem:s5], [sflag:$0x6], $0x80, s8, s9, $0xb8;
	[tilespmem:$0x1EB00] =	vst v63  }
0x9b: {  	_ =	swait.ge [sflag:s1], $0x40  }
0x9c: {  	[sflag:s1] =	ssyncset.done $0x0  }
0x9d: {  	[sflag:s1] =	ssyncadd.s32 $0xFFFFFFC0  }
0x9e: {  	_ =	swait.ge [sflag:s0], $0x2000  }
0x9f: {  	s29 =	rddreg [dreg:$0x4];
	[sflag:s0] =	ssyncset.done $0x0  }
0xa0: {  	s30 =	rddreg [dreg:$0x5];
	[sflag:s0] =	ssyncadd.s32 $0xFFFFE000  }
0xa1: {  	[spmem:s2] =	stream.indirect.scatter.add.f32 [tilespmem:s30], [sflag:$0x7], $0x80, s29, s9, $0xb8;
	[tilespmem:$0x1EB00] =	vst v63  }
0xa2: {  	_ =	swait.ge [sflag:s7], $0x40  }
0xa3: {  	[sflag:s7] =	ssyncset.done $0x0  }
0xa4: {  	[sflag:s7] =	ssyncadd.s32 $0xFFFFFFC0  }
0xa5: {  	_ =	swait.ge [sflag:s14], $0x2000  }
0xa6: {  	[sflag:s14] =	ssyncset.done $0x0  }
0xa7: {  	[sflag:s14] =	ssyncadd.s32 $0xFFFFE000  }
0xa8: {  	[spmem:s2] =	stream.indirect.scatter.add.f32 [tilespmem:s11], [sflag:$0x8], $0x80, s10, s9, $0xb8;
	[tilespmem:$0x1EB00] =	vst v63  }
0xa9: {  	_ =	swait.ge [sflag:s15], $0x40  }
0xaa: {  	s24 =	sadd.s32 $0x20, s24;
	s22 =	simm.s32 $0x400;
	[sflag:s15] =	ssyncset.done $0x0  }
0xab: {  	s23 =	sadd.s32 $0x20, s17;
	s25 =	simm.s32 $0x800;
	[sflag:s15] =	ssyncadd.s32 $0xFFFFFFC0  }
0xac: {  	s20 =	sadd.s32 $0x20, s26;
	s21 =	sadd.s32 $0x20, s4;
	_ =	swait.ge [sflag:s16], $0x2000  }
.LBB2_4:
0xad: {  	p2 =	seq.s32 s22, $0x0;
	[sflag:s16] =	ssyncset.done $0x0  }
0xae: {  	s28 =	simm.s32 @!p2 $0x6;
	[sflag:s16] =	ssyncadd.s32 $0xFFFFE000  }
0xaf: {  	[spmem:s2] =	stream.indirect.scatter.add.f32 [tilespmem:s13], [sflag:$0x9], $0x80, s12, s9, $0xb8;
	[tilespmem:$0x1EB00] =	vst v63  }
0xb0: {  	_ =	swait.ge @!p2 [sflag:s28], $0x2000  }
0xb1: {  	s26 =	smov.u32 s25;
	[sflag:s28] =	ssyncset.done @!p2 $0x0  }
0xb2: {  	s29 =	sshra.s32 @!p2 s22, $0x2;
	[sflag:s28] =	ssyncadd.s32 @!p2 $0xFFFFE000;
	s28 =	sshra.s32 s22, $0x2  }
0xb3: {  	[tilespmem:s8], [sflag:$0xA] =	stream.linear.gather [hbm4b:s24+s3], $0x40, $0x38;
	[tilespmem:$0x1EB00] =	vst v63  }
0xb4: {  	s4 =	simm.s32 @p2 $0x1E080;
	s30 =	rddreg [dreg:$0x3];
	s17 =	sadd.s32 $0x13880, s28  }
0xb5: {  	[tilespmem:s5], [sflag:$0x2] =	stream.indirect.gather [hbm4b:s18+s9], $0x80, s17, s9, $0xb8;
	[tilespmem:$0x1EB00] =	vst v63  }
0xb6: {  	s22 =	smov.u32 s26;
	s26 =	simm.s32 @p2 $0x0;
	s17 =	simm.s32 @!p2 $0x7  }
0xb7: {  	[tilespmem:s4], [sflag:$0xB] =	stream.linear.gather @p2 [hbm4b:s30+s26], $0x40, $0x38;
	[tilespmem:$0x1EB00] =	vst v63  }
0xb8: {  	s4 =	simm.s32 @p2 $0x40;
	s26 =	simm.s32 @p2 $0x138C0;
	s30 =	simm.s32 @p2 $0x18000  }
0xb9: {  	[tilespmem:s30], [sflag:$0x3] =	stream.indirect.gather @p2 [hbm4b:s18+s4], $0x80, s26, s4, $0xb8;
	[tilespmem:$0x1EB00] =	vst v63  }
0xba: {  	_ =	swait.ge @!p2 [sflag:s17], $0x2000  }
0xbb: {  	s29 =	sadd.s32 @!p2 $0x138C0, s29;
	[sflag:s17] =	ssyncset.done @!p2 $0x0  }
0xbc: {  	s4 =	simm.s32 @!p2 $0x0;
	[sflag:s17] =	ssyncadd.s32 @!p2 $0xFFFFE000;
	s17 =	simm.s32 @!p2 $0x1E080  }
0xbd: {  	[tilespmem:s17], [sflag:$0xB] =	stream.linear.gather @!p2 [hbm4b:s23+s4], $0x40, $0x38;
	[tilespmem:$0x1EB00] =	vst v63  }
0xbe: {  	s26 =	simm.s32 @!p2 $0x8;
	s4 =	simm.s32 @!p2 $0x40;
	s17 =	simm.s32 @!p2 $0x18000  }
0xbf: {  	[tilespmem:s17], [sflag:$0x3] =	stream.indirect.gather @!p2 [hbm4b:s18+s4], $0x80, s29, s4, $0xb8;
	[tilespmem:$0x1EB00] =	vst v63  }
0xc0: {  	_ =	swait.ge @!p2 [sflag:s26], $0x2000  }
0xc1: {  	[sflag:s26] =	ssyncset.done @!p2 $0x0  }
0xc2: {  	[sflag:s26] =	ssyncadd.s32 @!p2 $0xFFFFE000  }
0xc3: {  	[tilespmem:s10], [sflag:$0xC] =	stream.linear.gather [hbm4b:s21+s3], $0x40, $0x38;
	[tilespmem:$0x1EB00] =	vst v63  }
0xc4: {  	s17 =	simm.s32 @!p2 $0x9;
	s26 =	sadd.s32 $0x13900, s28  }
0xc5: {  	[tilespmem:s11], [sflag:$0x4] =	stream.indirect.gather [hbm4b:s18+s9], $0x80, s26, s9, $0xb8;
	[tilespmem:$0x1EB00] =	vst v63  }
0xc6: {  	_ =	swait.ge @!p2 [sflag:s17], $0x2000  }
0xc7: {  	[sflag:s17] =	ssyncset.done @!p2 $0x0  }
0xc8: {  	[sflag:s17] =	ssyncadd.s32 @!p2 $0xFFFFE000  }
0xc9: {  	[tilespmem:s12], [sflag:$0xD] =	stream.linear.gather [hbm4b:s20+s3], $0x40, $0x38;
	[tilespmem:$0x1EB00] =	vst v63  }
0xca: {  	s28 =	sadd.s32 $0x13940, s28  }
0xcb: {  	[tilespmem:s13], [sflag:$0x5] =	stream.indirect.gather [hbm4b:s18+s9], $0x80, s28, s9, $0xb8;
	[tilespmem:$0x1EB00] =	vst v63  }
0xcc: {  	_ =	swait.ge [sflag:s19], $0x40  }
0xcd: {  	[sflag:s19] =	ssyncset.done $0x0  }
0xce: {  	[sflag:s19] =	ssyncadd.s32 $0xFFFFFFC0  }
0xcf: {  	_ =	swait.ge [sflag:s31], $0x2000  }
0xd0: {  	[sflag:s31] =	ssyncset.done $0x0  }
0xd1: {  	[sflag:s31] =	ssyncadd.s32 $0xFFFFE000  }
0xd2: {  	[spmem:s2] =	stream.indirect.scatter.add.f32 [tilespmem:s5], [sflag:$0x6], $0x80, s8, s9, $0xb8;
	[tilespmem:$0x1EB00] =	vst v63  }
0xd3: {  	_ =	swait.ge [sflag:s1], $0x40  }
0xd4: {  	[sflag:s1] =	ssyncset.done $0x0  }
0xd5: {  	[sflag:s1] =	ssyncadd.s32 $0xFFFFFFC0  }
0xd6: {  	_ =	swait.ge [sflag:s0], $0x2000  }
0xd7: {  	[sflag:s0] =	ssyncset.done $0x0;
	s29 =	rddreg [dreg:$0x4]  }
0xd8: {  	s30 =	rddreg [dreg:$0x5];
	[sflag:s0] =	ssyncadd.s32 $0xFFFFE000  }
0xd9: {  	[spmem:s2] =	stream.indirect.scatter.add.f32 [tilespmem:s30], [sflag:$0x7], $0x80, s29, s9, $0xb8;
	[tilespmem:$0x1EB00] =	vst v63  }
0xda: {  	_ =	swait.ge [sflag:s7], $0x40  }
0xdb: {  	[sflag:s7] =	ssyncset.done $0x0  }
0xdc: {  	[sflag:s7] =	ssyncadd.s32 $0xFFFFFFC0  }
0xdd: {  	_ =	swait.ge [sflag:s14], $0x2000  }
0xde: {  	s25 =	sadd.s32 $0x400, s25;
	[sflag:s14] =	ssyncset.done $0x0  }
0xdf: {  	p1 =	sne.s32 s25, $0x9C00;
	[sflag:s14] =	ssyncadd.s32 $0xFFFFE000  }
0xe0: {  	[spmem:s2] =	stream.indirect.scatter.add.f32 [tilespmem:s11], [sflag:$0x8], $0x80, s10, s9, $0xb8;
	[tilespmem:$0x1EB00] =	vst v63  }
.Ltmp1:
0xe1: {  	_ = 	snop;
	(pc) =	sbr.rel @p1 .LBB2_4-.Ltmp1, $4  }
0xe2: {  	_ =	swait.ge [sflag:s15], $0x40  }
0xe3: {  	[sflag:s15] =	ssyncset.done $0x0  }
0xe4: {  	s24 =	sadd.s32 $0x20, s24;
	s23 =	sadd.s32 $0x20, s23;
	[sflag:s15] =	ssyncadd.s32 $0xFFFFFFC0  }
0xe5: {  	s21 =	sadd.s32 $0x20, s21;
	s20 =	sadd.s32 $0x20, s20;
	_ =	swait.ge [sflag:s16], $0x2000  }
0xe6: {  	p1 =	seq.s32 s22, $0x0;
	[sflag:s16] =	ssyncset.done $0x0  }
0xe7: {  	s4 =	simm.s32 @!p1 $0x6;
	[sflag:s16] =	ssyncadd.s32 $0xFFFFE000  }
0xe8: {  	[spmem:s2] =	stream.indirect.scatter.add.f32 [tilespmem:s13], [sflag:$0x9], $0x80, s12, s9, $0xb8;
	[tilespmem:$0x1EB00] =	vst v63  }
0xe9: {  	_ =	swait.ge @!p1 [sflag:s4], $0x2000  }
0xea: {  	[sflag:s4] =	ssyncset.done @!p1 $0x0  }
0xeb: {  	[sflag:s4] =	ssyncadd.s32 @!p1 $0xFFFFE000;
	s4 =	sshra.s32 s22, $0x2  }
0xec: {  	[tilespmem:s8], [sflag:$0xA] =	stream.linear.gather [hbm4b:s24+s3], $0x40, $0x38;
	[tilespmem:$0x1EB00] =	vst v63  }
0xed: {  	s17 =	sadd.s32 $0x13880, s4  }
0xee: {  	[tilespmem:s5], [sflag:$0x2] =	stream.indirect.gather [hbm4b:s18+s9], $0x80, s17, s9, $0xb8;
	[tilespmem:$0x1EB00] =	vst v63  }
0xef: {  	s25 =	simm.s32 @p1 $0x1E080;
	s24 =	rddreg [dreg:$0x3];
	s17 =	simm.s32 @p1 $0x0  }
0xf0: {  	[tilespmem:s25], [sflag:$0xB] =	stream.linear.gather @p1 [hbm4b:s24+s17], $0x40, $0x38;
	[tilespmem:$0x1EB00] =	vst v63  }
0xf1: {  	s17 =	simm.s32 @p1 $0x40;
	s24 =	simm.s32 @p1 $0x138C0;
	s25 =	simm.s32 @p1 $0x18000  }
0xf2: {  	[tilespmem:s25], [sflag:$0x3] =	stream.indirect.gather @p1 [hbm4b:s18+s17], $0x80, s24, s17, $0xb8;
	[tilespmem:$0x1EB00] =	vst v63  }
0xf3: {  	s17 =	simm.s32 @!p1 $0x7  }
0xf4: {  	_ =	swait.ge @!p1 [sflag:s17], $0x2000  }
0xf5: {  	[sflag:s17] =	ssyncset.done @!p1 $0x0  }
0xf6: {  	s24 =	simm.s32 @!p1 $0x1E080;
	[sflag:s17] =	ssyncadd.s32 @!p1 $0xFFFFE000;
	s17 =	simm.s32 @!p1 $0x0  }
0xf7: {  	[tilespmem:s24], [sflag:$0xB] =	stream.linear.gather @!p1 [hbm4b:s23+s17], $0x40, $0x38;
	[tilespmem:$0x1EB00] =	vst v63  }
0xf8: {  	s17 =	sshra.s32 @!p1 s22, $0x2  }
0xf9: {  	s22 =	simm.s32 @!p1 $0x40;
	s23 =	simm.s32 @!p1 $0x18000;
	s17 =	sadd.s32 @!p1 $0x138C0, s17  }
0xfa: {  	[tilespmem:s23], [sflag:$0x3] =	stream.indirect.gather @!p1 [hbm4b:s18+s22], $0x80, s17, s22, $0xb8;
	[tilespmem:$0x1EB00] =	vst v63  }
0xfb: {  	s17 =	simm.s32 @!p1 $0x8  }
0xfc: {  	_ =	swait.ge @!p1 [sflag:s17], $0x2000  }
0xfd: {  	[sflag:s17] =	ssyncset.done @!p1 $0x0  }
0xfe: {  	[sflag:s17] =	ssyncadd.s32 @!p1 $0xFFFFE000  }
0xff: {  	[tilespmem:s10], [sflag:$0xC] =	stream.linear.gather [hbm4b:s21+s3], $0x40, $0x38;
	[tilespmem:$0x1EB00] =	vst v63  }
0x100: {  	s26 =	sadd.s32 $0x13900, s4;
	s17 =	simm.s32 @!p1 $0x9  }
0x101: {  	[tilespmem:s11], [sflag:$0x4] =	stream.indirect.gather [hbm4b:s18+s9], $0x80, s26, s9, $0xb8;
	[tilespmem:$0x1EB00] =	vst v63  }
0x102: {  	_ =	swait.ge @!p1 [sflag:s17], $0x2000  }
0x103: {  	[sflag:s17] =	ssyncset.done @!p1 $0x0  }
0x104: {  	[sflag:s17] =	ssyncadd.s32 @!p1 $0xFFFFE000  }
0x105: {  	[tilespmem:s12], [sflag:$0xD] =	stream.linear.gather [hbm4b:s20+s3], $0x40, $0x38;
	[tilespmem:$0x1EB00] =	vst v63  }
0x106: {  	s4 =	sadd.s32 $0x13940, s4  }
0x107: {  	[tilespmem:s13], [sflag:$0x5] =	stream.indirect.gather [hbm4b:s18+s9], $0x80, s4, s9, $0xb8;
	[tilespmem:$0x1EB00] =	vst v63  }
0x108: {  	_ =	swait.ge [sflag:s19], $0x40  }
0x109: {  	[sflag:s19] =	ssyncset.done $0x0  }
0x10a: {  	[sflag:s19] =	ssyncadd.s32 $0xFFFFFFC0  }
0x10b: {  	_ =	swait.ge [sflag:s31], $0x2000  }
0x10c: {  	[sflag:s31] =	ssyncset.done $0x0  }
0x10d: {  	[sflag:s31] =	ssyncadd.s32 $0xFFFFE000  }
0x10e: {  	[spmem:s2] =	stream.indirect.scatter.add.f32 [tilespmem:s5], [sflag:$0x6], $0x80, s8, s9, $0xb8;
	[tilespmem:$0x1EB00] =	vst v63  }
0x10f: {  	_ =	swait.ge [sflag:s1], $0x40  }
0x110: {  	[sflag:s1] =	ssyncset.done $0x0  }
0x111: {  	[sflag:s1] =	ssyncadd.s32 $0xFFFFFFC0  }
0x112: {  	_ =	swait.ge [sflag:s0], $0x2000  }
0x113: {  	s17 =	rddreg [dreg:$0x4];
	[sflag:s0] =	ssyncset.done $0x0  }
0x114: {  	s20 =	rddreg [dreg:$0x5];
	[sflag:s0] =	ssyncadd.s32 $0xFFFFE000  }
0x115: {  	[spmem:s2] =	stream.indirect.scatter.add.f32 [tilespmem:s20], [sflag:$0x7], $0x80, s17, s9, $0xb8;
	[tilespmem:$0x1EB00] =	vst v63  }
0x116: {  	_ =	swait.ge [sflag:s7], $0x40  }
0x117: {  	[sflag:s7] =	ssyncset.done $0x0  }
0x118: {  	[sflag:s7] =	ssyncadd.s32 $0xFFFFFFC0  }
0x119: {  	_ =	swait.ge [sflag:s14], $0x2000  }
0x11a: {  	[sflag:s14] =	ssyncset.done $0x0  }
0x11b: {  	[sflag:s14] =	ssyncadd.s32 $0xFFFFE000  }
0x11c: {  	[spmem:s2] =	stream.indirect.scatter.add.f32 [tilespmem:s11], [sflag:$0x8], $0x80, s10, s9, $0xb8;
	[tilespmem:$0x1EB00] =	vst v63  }
0x11d: {  	_ =	swait.ge [sflag:s15], $0x40  }
0x11e: {  	[sflag:s15] =	ssyncset.done $0x0  }
0x11f: {  	[sflag:s15] =	ssyncadd.s32 $0xFFFFFFC0  }
0x120: {  	_ =	swait.ge [sflag:s16], $0x2000  }
0x121: {  	[sflag:s16] =	ssyncset.done $0x0  }
0x122: {  	s21 =	simm.s32 $0x6;
	[sflag:s16] =	ssyncadd.s32 $0xFFFFE000  }
0x123: {  	[spmem:s2] =	stream.indirect.scatter.add.f32 [tilespmem:s13], [sflag:$0x9], $0x80, s12, s9, $0xb8;
	[tilespmem:$0x1EB00] =	vst v63  }
0x124: {  	_ =	swait.ge [sflag:s21], $0x2000  }
0x125: {  	[sflag:s21] =	ssyncset.done $0x0  }
0x126: {  	s22 =	simm.s32 $0x7;
	[sflag:s21] =	ssyncadd.s32 $0xFFFFE000  }
0x127: {  	_ =	swait.ge [sflag:s22], $0x2000  }
0x128: {  	[sflag:s22] =	ssyncset.done $0x0  }
0x129: {  	s23 =	simm.s32 $0x8;
	[sflag:s22] =	ssyncadd.s32 $0xFFFFE000  }
0x12a: {  	_ =	swait.ge [sflag:s23], $0x2000  }
0x12b: {  	[sflag:s23] =	ssyncset.done $0x0  }
0x12c: {  	s24 =	simm.s32 $0x9;
	[sflag:s23] =	ssyncadd.s32 $0xFFFFE000  }
0x12d: {  	_ =	swait.ge [sflag:s24], $0x2000  }
0x12e: {  	[sflag:s24] =	ssyncset.done $0x0  }
0x12f: {  	[sflag:s24] =	ssyncadd.s32 $0xFFFFE000  }
0x130: {  	v1 =	vld [tilespmem:$0x15F80];
	_ =	sdelay $0x4  }
0x131: {  	s26 =	simm.s32 $0x1EA80;
	s25 =	rddreg [dreg:$0x1f];
	[tilespmem:$0x1EA00] =	vst v1  }
0x132: {  	[tilespmem:s26], [sflag:$0xA] =	stream.linear.gather [hbm4b:s25+s3], $0x10, $0x38;
	[tilespmem:$0x1EB00] =	vst v63  }
0x133: {  	_ =	swait.ge [sflag:s19], $0x10  }
0x134: {  	s21 =	simm.s32 $0x10;
	[sflag:s19] =	ssyncset.done $0x0  }
0x135: {  	s22 =	simm.s32 $0x1EA00;
	s23 =	simm.s32 $0x1E200;
	[sflag:s19] =	ssyncadd.s32 $0xFFFFFFF0  }
0x136: {  	[tilespmem:s23], [sflag:$0x2] =	stream.indirect.gather [hbm4b:s18+s21], $0x80, s22, s21, $0xb8;
	[tilespmem:$0x1EB00] =	vst v63  }
0x137: {  	_ =	swait.ge [sflag:s31], $0x800  }
0x138: {  	[sflag:s31] =	ssyncset.done $0x0  }
0x139: {  	[sflag:s31] =	ssyncadd.s32 $0xFFFFF800  }
0x13a: {  	[spmem:s2] =	stream.indirect.scatter.add.f32 [tilespmem:s23], [sflag:$0xE], $0x80, s26, s21, $0xb8;
	[tilespmem:$0x1EB00] =	vst v63  }
0x13b: {  	_ =	swait.ge [sflag:s6], $0x800  }
0x13c: {  	[sflag:s6] =	ssyncset.done $0x0  }
0x13d: {  	[sflag:s6] =	ssyncadd.s32 $0xFFFFF800  }
0x13e: {  	s24 =	stileid.u32;
	[bflag:$0x0] =	sbarrier.arrive $0xFFFF  }
0x13f: {  	s4 =	sshll.u32 s24, $0x6;
	s23 =	rddreg [dreg:$0x15]  }
0x140: {  	s4 =	sor.u32 $0x1C0E, s4;
	s26 =	rddreg [dreg:$0x6];
	s25 =	sshrl.u32 s23, $0x3  }
0x141: {  	[hbm:s26], [sflag:s4] =	dma.local [spmem:s25], $0x400  }
0x142: {  	_ =	swait.ge [sflag:s6], $0x400  }
0x143: {  	[sflag:s6] =	ssyncset.done $0x0;
	s24 =	rddreg [dreg:$0x16]  }
0x144: {  	s21 =	rddreg [dreg:$0x7];
	[sflag:s6] =	ssyncadd.s32 $0xFFFFFC00;
	s20 =	sshrl.u32 s24, $0x3  }
0x145: {  	[hbm:s21], [sflag:s4] =	dma.local [spmem:s20], $0x400  }
0x146: {  	_ =	swait.ge [sflag:s6], $0x400  }
0x147: {  	[sflag:s6] =	ssyncset.done $0x0;
	s25 =	rddreg [dreg:$0x17]  }
0x148: {  	s26 =	rddreg [dreg:$0x8];
	[sflag:s6] =	ssyncadd.s32 $0xFFFFFC00;
	s22 =	sshrl.u32 s25, $0x3  }
0x149: {  	[hbm:s26], [sflag:s4] =	dma.local [spmem:s22], $0x400  }
0x14a: {  	_ =	swait.ge [sflag:s6], $0x400  }
0x14b: {  	[sflag:s6] =	ssyncset.done $0x0;
	s26 =	rddreg [dreg:$0x18]  }
0x14c: {  	s22 =	rddreg [dreg:$0x9];
	[sflag:s6] =	ssyncadd.s32 $0xFFFFFC00;
	s21 =	sshrl.u32 s26, $0x3  }
0x14d: {  	[hbm:s22], [sflag:s4] =	dma.local [spmem:s21], $0x400  }
0x14e: {  	_ =	swait.ge [sflag:s6], $0x400  }
0x14f: {  	[sflag:s6] =	ssyncset.done $0x0;
	s28 =	rddreg [dreg:$0x19]  }
0x150: {  	s22 =	rddreg [dreg:$0xa];
	[sflag:s6] =	ssyncadd.s32 $0xFFFFFC00;
	s21 =	sshrl.u32 s28, $0x3  }
0x151: {  	[hbm:s22], [sflag:s4] =	dma.local [spmem:s21], $0x400  }
0x152: {  	_ =	swait.ge [sflag:s6], $0x400  }
0x153: {  	[sflag:s6] =	ssyncset.done $0x0;
	s29 =	rddreg [dreg:$0x1a]  }
0x154: {  	s22 =	rddreg [dreg:$0xb];
	[sflag:s6] =	ssyncadd.s32 $0xFFFFFC00;
	s21 =	sshrl.u32 s29, $0x3  }
0x155: {  	[hbm:s22], [sflag:s4] =	dma.local [spmem:s21], $0x400  }
0x156: {  	_ =	swait.ge [sflag:s6], $0x400  }
0x157: {  	[sflag:s6] =	ssyncset.done $0x0;
	s30 =	rddreg [dreg:$0x1b]  }
0x158: {  	s22 =	rddreg [dreg:$0xc];
	[sflag:s6] =	ssyncadd.s32 $0xFFFFFC00;
	s21 =	sshrl.u32 s30, $0x3  }
0x159: {  	[hbm:s22], [sflag:s4] =	dma.local [spmem:s21], $0x400  }
0x15a: {  	_ =	swait.ge [sflag:s6], $0x400  }
0x15b: {  	[sflag:s6] =	ssyncset.done $0x0;
	s21 =	rddreg [dreg:$0x1c]  }
0x15c: {  	s22 =	rddreg [dreg:$0xd];
	[sflag:s6] =	ssyncadd.s32 $0xFFFFFC00;
	s17 =	sshrl.u32 s21, $0x3  }
0x15d: {  	[hbm:s22], [sflag:s4] =	dma.local [spmem:s17], $0x400  }
0x15e: {  	_ =	swait.ge [sflag:s6], $0x400  }
0x15f: {  	[sflag:s6] =	ssyncset.done $0x0;
	s21 =	rddreg [dreg:$0x1d]  }
0x160: {  	s22 =	rddreg [dreg:$0xe];
	[sflag:s6] =	ssyncadd.s32 $0xFFFFFC00;
	s17 =	sshrl.u32 s21, $0x3  }
0x161: {  	[hbm:s22], [sflag:s4] =	dma.local [spmem:s17], $0x400  }
0x162: {  	_ =	swait.ge [sflag:s6], $0x400  }
0x163: {  	[sflag:s6] =	ssyncset.done $0x0;
	s21 =	rddreg [dreg:$0x1e]  }
0x164: {  	s22 =	rddreg [dreg:$0xf];
	[sflag:s6] =	ssyncadd.s32 $0xFFFFFC00;
	s17 =	sshrl.u32 s21, $0x3  }
0x165: {  	[hbm:s22], [sflag:s4] =	dma.local [spmem:s17], $0x300  }
0x166: {  	_ =	swait.ge [sflag:s6], $0x300  }
0x167: {  	s22 =	sld [smem:$0x7FD]  }
0x168: {  	s20 =	sld [smem:$0x7FB]  }
0x169: {  	[sflag:s6] =	ssyncset.done $0x0  }
0x16a: {  	[sflag:s6] =	ssyncadd.s32 $0xFFFFFD00;
	s17 =	sshrl.u32 @!p0 s22, $0x3  }
0x16b: {  	[hbm:s20], [sflag:s4] =	dma.local @!p0 [spmem:s17], $0x100  }
0x16c: {  	s4 =	simm.s32 @!p0 $0xE  }
0x16d: {  	_ =	swait.ge @!p0 [sflag:s4], $0x100  }
0x16e: {  	s17 =	sld [smem:$0x7FA]  }
0x16f: {  	s21 =	sld [smem:$0x7FC];
	_ =	sdelay $0x1  }
0x170: {  	s20 =	sadd.s32 $0x1, s17  }
0x171: {  	p1 =	sne.s32 s20, s21  }
.Ltmp2:
0x172: {  	_ = 	snop;
	(pc) =	sbr.rel @p1 .LBB2_1-.Ltmp2, $3  }
0x173: {  	_ =	sdelay $0x1  }
0x174: {  	[sflag:s4] =	ssyncset.done @!p0 $0x0  }
0x175: {  	[sflag:s4] =	ssyncadd.s32 @!p0 $0xFFFFFF00  }
0x176: {  	_ =	sfence.sel $0x180000  }
0x177: {  	[bflag:$0x0] =	sbarrier.arrive $0xFFFF  }
0x178: {  	_ =	strace $0x9000004A  }
0x179: {  	s0 =	stileid.u32;
	[bflag:$0x2] =	sbarrier.arrive $0xFFFF  }
0x17a: {  	p0 =	sne.s32 s0, $0x0;
	s0 =	rddreg [dreg:$0x2]  }
0x17b: {  	s0 =	sadd.s32 @!p0 $0x100000, s0  }
0x17c: {  	[sflag:s0] =	ssyncadd.tile.s32 @!p0 $0x1;
	_ =	shalt  }
.Lfunc_end2:
_tile_overlayer_lowered:
.L_overlay_start_2:
0x17d: {  	(tag) =	ssettag $0x2  }
0x17e: {  	s0 =	rddreg [dreg:$0x0];
	s2 =	stileid.u32  }
0x17f: {  	s1 =	rddreg [dreg:$0x1];
	p0 =	sne.s32 s2, $0x0  }
0x180: {  	s3 =	rddreg [dreg:$0x2];
	[bflag:$0x3] =	sbarrier.arrive $0xFFFF;
	s2 =	simm.s32 @!p0 $0x1C0E  }
0x181: {  	[timem:s3], [sflag:s2] =	dma.local @!p0 [hbm:s0], s1  }
0x182: {  	s0 =	simm.s32 @!p0 $0xE  }
0x183: {  	_ =	swait.ge @!p0 [sflag:s0], s1  }
0x184: {  	s1 =	ssub.s32 @!p0 $0x0, s1;
	[sflag:s0] =	ssyncset.done @!p0 $0x0  }
0x185: {  	[sflag:s0] =	ssyncadd.s32 @!p0 s1  }
0x186: {  	[bflag:$0x3] =	sbarrier.arrive $0xFFFF  }
0x187: {  	_ =	shalt  }

// kernel: kernel.14.cloned.1.call-start
scs
__scs_entry_jumppad:
0x0: {  	(pc) =	sbr.rel $0x88, $3  }
0x1: {  	(tag) =	ssettag $0x0;
	lr =	simm.s32 $0x1  }
0x2: {  	[smem:$0x3F98] =	sst lr;
	_ =	strace $0xD0000000  }
0x3: {  	_ = 	snop  }
0x4: {  	_ = 	snop  }
0x5: {  	_ = 	snop  }
0x6: {  	_ = 	snop  }
0x7: {  	_ = 	snop  }
__scs_overlays_trampoline_lowered:
0x8: {  	[smem:$0x3FA7] =	sst s0  }
0x9: {  	[smem:$0x3FA8] =	sst s1  }
0xa: {  	[smem:$0x3FA9] =	sst s2  }
0xb: {  	[smem:$0x3FAA] =	sst s3  }
0xc: {  	[smem:$0x3FAB] =	sst s4  }
0xd: {  	[smem:$0x3FAC] =	sst s5  }
0xe: {  	[smem:$0x3FAD] =	sst s6  }
0xf: {  	[smem:$0x3FAE] =	sst s7  }
0x10: {  	[smem:$0x3FAF] =	sst s8  }
0x11: {  	[smem:$0x3FB0] =	sst s9;
	s0 =	simm.s32 @!p0 $0x0  }
0x12: {  	s1 =	sld [smem:$0x3F96];
	s0 =	simm.s32 @p0 $0x1  }
0x13: {  	[smem:$0x3FB1] =	sst s0;
	s0 =	simm.s32 @!p1 $0x0  }
0x14: {  	s2 =	sld [smem:$0x3F95];
	s0 =	simm.s32 @p1 $0x1  }
0x15: {  	[smem:$0x3FB2] =	sst s0;
	s0 =	simm.s32 @!p2 $0x0  }
0x16: {  	s3 =	sld [smem:$0x3FDB];
	s0 =	simm.s32 @p2 $0x1  }
0x17: {  	s4 =	simm.s32 $0x1BF5;
	[smem:$0x3FB4] =	sst s0  }
0x18: {  	s0 =	sld [smem:$0x3F97];
	_ =	swait.ge [sflag:s4], $0x0  }
0x19: {  	s7 =	sld [smem:$0x3F98]  }
0x1a: {  	s8 =	sadd.s32 $0xFFFFE003, lr  }
0x1b: {  	s9 =	sadd.s32 $0xFFFFFEF7, lr;
	s5 =	simm.s32 $0xFFFFFFFF;
	p2 =	slt.u32 s8, $0xFFFFF086  }
0x1c: {  	p1 =	slt.u32 s9, $0xF7A;
	s5 =	simm.s32 @!p2 $0x0  }
0x1d: {  	s5 =	simm.s32 @p1 $0x1;
	p0 =	seq.s32 s7, s2  }
0x1e: {  	s7 =	smul.u32 @!p0 $0xF7A, s2;
	p2 =	seq.s32 @!p0 s5, $0x0  }
0x1f: {  	s9 =	smul.u32 $0xF7A, s1;
	s8 =	simm.s32 @!p0 $0x1BF5;
	p2 =	por !p2, p0  }
0x20: {  	[sflag:s8] =	ssyncset.s32 @!p0 $0xFFFFF086;
	s6 =	sadd.s32 @!p0 s3, s7;
	s7 =	simm.s32 @!p0 $0x108  }
0x21: {  	s3 =	sadd.s32 s3, s9;
	s6 =	sadd.s32 @!p0 $0x88, s6;
	s7 =	simm.s32 @p2 $0x1082  }
0x22: {  	[simem:s7], [sflag:s8] =	dma.local @!p0 [hbm:s6], $0xF7A  }
0x23: {  	s9 =	sor.u32 $0xD0000000, s2;
	s6 =	simm.s32 $0x108;
	_ =	swait.ge @!p0 [sflag:s8], $0x0  }
0x24: {  	s3 =	sadd.s32 $0x88, s3;
	s6 =	simm.s32 @!p1 $0x1082;
	[sflag:s4] =	ssyncset.s32 $0xFFFFF086  }
0x25: {  	[simem:s6], [sflag:s4] =	dma.local [hbm:s3], $0xF7A  }
0x26: {  	[smem:$0x3F98] =	sst s1;
	(tag) =	ssettag s2;
	_ =	strace s9  }
0x27: {  	s1 =	sld [smem:$0x3FA8]  }
0x28: {  	s2 =	sld [smem:$0x3FA9]  }
0x29: {  	s4 =	sld [smem:$0x3FAB]  }
0x2a: {  	p0 =	seq.s32 s5, $0x0;
	s5 =	sld [smem:$0x3FAC]  }
0x2b: {  	s6 =	sld [smem:$0x3FAD]  }
0x2c: {  	s7 =	sld [smem:$0x3FAE]  }
0x2d: {  	s3 =	simm.s32 $0x108;
	s8 =	sld [smem:$0x3FAF]  }
0x2e: {  	s3 =	simm.s32 @!p0 $0x1082;
	s9 =	sld [smem:$0x3FB0]  }
0x2f: {  	lr =	sadd.s32 s0, s3;
	s0 =	sld [smem:$0x3FA7]  }
0x30: {  	s3 =	sld [smem:$0x3FAA]  }
0x31: {  	[smem:$0x3FB3] =	sst s10  }
0x32: {  	s10 =	sld [smem:$0x3FB1];
	_ =	sdelay $0x3  }
0x33: {  	p0 =	seq.s32 s10, $0x1;
	s10 =	sld [smem:$0x3FB3];
	_ =	sdelay $0x3  }
0x34: {  	[smem:$0x3FB3] =	sst s10  }
0x35: {  	s10 =	sld [smem:$0x3FB2];
	_ =	sdelay $0x3  }
0x36: {  	p1 =	seq.s32 s10, $0x1;
	s10 =	sld [smem:$0x3FB3];
	_ =	sdelay $0x3  }
0x37: {  	[smem:$0x3FB3] =	sst s10  }
0x38: {  	s10 =	sld [smem:$0x3FB4]  }
0x39: {  	_ = 	snop;
	(pc) =	sbr.ind lr, $3  }
0x3a: {  	_ = 	snop  }
0x3b: {  	_ = 	snop  }
0x3c: {  	p2 =	seq.s32 s10, $0x1;
	s10 =	sld [smem:$0x3FB3]  }
0x3d: {  	_ =	shalt  }
0x3e: {  	_ =	shalt  }
0x3f: {  	_ =	shalt  }
0x40: {  	_ =	shalt  }
0x41: {  	_ =	shalt  }
0x42: {  	_ =	shalt  }
0x43: {  	_ =	shalt  }
0x44: {  	_ =	shalt  }
0x45: {  	_ =	shalt  }
0x46: {  	_ =	shalt  }
0x47: {  	_ =	shalt  }
0x48: {  	_ =	shalt  }
0x49: {  	_ =	shalt  }
0x4a: {  	_ =	shalt  }
0x4b: {  	_ =	shalt  }
0x4c: {  	_ =	shalt  }
0x4d: {  	_ =	shalt  }
0x4e: {  	_ =	shalt  }
0x4f: {  	_ =	shalt  }
0x50: {  	_ =	shalt  }
0x51: {  	_ =	shalt  }
0x52: {  	_ =	shalt  }
0x53: {  	_ =	shalt  }
0x54: {  	_ =	shalt  }
0x55: {  	_ =	shalt  }
0x56: {  	_ =	shalt  }
0x57: {  	_ =	shalt  }
0x58: {  	_ =	shalt  }
0x59: {  	_ =	shalt  }
0x5a: {  	_ =	shalt  }
0x5b: {  	_ =	shalt  }
0x5c: {  	_ =	shalt  }
0x5d: {  	_ =	shalt  }
0x5e: {  	_ =	shalt  }
0x5f: {  	_ =	shalt  }
0x60: {  	_ =	shalt  }
0x61: {  	_ =	shalt  }
0x62: {  	_ =	shalt  }
0x63: {  	_ =	shalt  }
0x64: {  	_ =	shalt  }
0x65: {  	_ =	shalt  }
0x66: {  	_ =	shalt  }
0x67: {  	_ =	shalt  }
0x68: {  	_ =	shalt  }
0x69: {  	_ =	shalt  }
0x6a: {  	_ =	shalt  }
0x6b: {  	_ =	shalt  }
0x6c: {  	_ =	shalt  }
0x6d: {  	_ =	shalt  }
0x6e: {  	_ =	shalt  }
0x6f: {  	_ =	shalt  }
0x70: {  	_ =	shalt  }
0x71: {  	_ =	shalt  }
0x72: {  	_ =	shalt  }
0x73: {  	_ =	shalt  }
0x74: {  	_ =	shalt  }
0x75: {  	_ =	shalt  }
0x76: {  	_ =	shalt  }
0x77: {  	_ =	shalt  }
0x78: {  	_ =	shalt  }
0x79: {  	_ =	shalt  }
0x7a: {  	_ =	shalt  }
0x7b: {  	_ =	shalt  }
0x7c: {  	_ =	shalt  }
0x7d: {  	_ =	shalt  }
0x7e: {  	_ =	shalt  }
0x7f: {  	_ =	shalt  }
0x80: {  	_ =	shalt  }
0x81: {  	_ =	shalt  }
0x82: {  	_ =	shalt  }
0x83: {  	_ =	shalt  }
0x84: {  	_ =	shalt  }
0x85: {  	_ =	shalt  }
0x86: {  	_ =	shalt  }
0x87: {  	_ =	shalt  }
.Lfunc_end0:
.L_simem_size_0:
called_computation.2_lowered:
.L_overlay_start_0:
0x88: {  	s2 =	sld [smem:$0x3FD9]  }
0x89: {  	s3 =	sld [smem:$0x3FFE];
	_ =	sdelay $0x1  }
0x8a: {  	s1 =	srdreg.scid  }
0x8b: {  	s0 =	sand.u32 $0x1, s1  }
0x8c: {  	s16 =	sshll.u32 s0, $0xA;
	s2 =	sadd.s32 s3, s2  }
0x8d: {  	s2 =	sadd.s32 s2, s16  }
0x8e: {  	[smem:$0x3FBF] =	sst s2  }
0x8f: {  	_ = 	snop  }
0x90: {  	(tm) =	ssettm $0x1  }
0x91: {  	s17 =	sld [smem:$0x3FFB];
	_ =	sdelay $0x3  }
0x92: {  	_ =	strace s17  }
0x93: {  	s2 =	sld [smem:$0x3FFC];
	_ =	sdelay $0x3  }
0x94: {  	_ =	strace s2  }
0x95: {  	s2 =	sld [smem:$0x3FFD];
	_ =	sdelay $0x3  }
0x96: {  	_ =	strace s2  }
0x97: {  	_ =	strace $0x8FFFFFFF  }
0x98: {  	s18 =	sld [smem:$0x3FDB];
	_ =	sdelay $0x1  }
0x99: {  	s19 =	simm.s32 $_scs_section_size  }
0x9a: {  	s4 =	simm.s32 $_size__tile_overlayer_lowered;
	s5 =	simm.s32 $_tile_overlayer_lowered  }
0x9b: {  	s22 =	simm.s32 $0x1BFF;
	s21 =	sshll.u32 s5, $0x1;
	s2 =	sadd.s32 s19, s18  }
0x9c: {  	s6 =	simm.s32 $0x0;
	s20 =	sshll.u32 s4, $0x1;
	s4 =	sadd.s32 s21, s2  }
0x9d: {  	[timem:s6], [sflag:s22] =	dma.local [hbm:s4], s20  }
0x9e: {  	_ =	swait.ge [sflag:s22], s20  }
0x9f: {  	s3 =	ssub.s32 $0x0, s20;
	[sflag:s22] =	ssyncset.done $0x0  }
0xa0: {  	[sflag:s22] =	ssyncadd.s32 s3;
	_ =	sdelay $0x1  }
0xa1: {  	s23 =	simm.s32 $0x1B8B  }
0xa2: {  	_ =	swait.ge [sflag:s23], $0x1  }
0xa3: {  	[sflag:s23] =	ssyncset.done $0x0  }
0xa4: {  	s25 =	simm.s32 $0x1B8E;
	s24 =	sld [smem:$0x3FFE];
	[sflag:s23] =	ssyncadd.s32 $0xFFFFFFFF  }
0xa5: {  	s26 =	simm.s32 $execute0_lowered;
	[smem:$0x3FD2] =	sst s25  }
0xa6: {  	s4 =	sshll.u32 s26, $0x1;
	_ =	strace $0x8000004C;
	[dreg:$0x1] =	wrdreg $0xFFFFFFFF  }
0xa7: {  	s28 =	simm.s32 $_size_execute0_lowered;
	s2 =	sadd.s32 s2, s4;
	[dreg:$0x0] =	wrdreg $0x0  }
0xa8: {  	s4 =	sshll.u32 s28, $0x1;
	[dreg:$0x2] =	wrdreg s2  }
0xa9: {  	[dreg:$0x3] =	wrdreg s4  }
0xaa: {  	[dreg:$0x4] =	wrdreg $0xC0  }
0xab: {  	_ =	task [dreg:s6], $0x5FFFF  }
0xac: {  	[dreg:$0x1] =	wrdreg $0xFFFFFFFF  }
0xad: {  	[dreg:$0x0] =	wrdreg $0x60  }
0xae: {  	[dreg:$0x2] =	wrdreg s24  }
0xaf: {  	[dreg:$0x3] =	wrdreg $0x0  }
0xb0: {  	[dreg:$0x4] =	wrdreg $0x9  }
0xb1: {  	_ =	task.clear_ibuf [dreg:s6], $0x5FFFF;
	_ =	strace $0x9000004C  }
0xb2: {  	s29 =	simm.s32 $0x9;
	_ =	strace $0x8000004E  }
0xb3: {  	_ =	swait.ge [sflag:s29], $0x1  }
0xb4: {  	[sflag:s29] =	ssyncadd.s32 $0xFFFFFFFF  }
0xb5: {  	_ =	strace $0x9000004E  }
0xb6: {  	_ =	sfence  }
0xb7: {  	s30 =	sld [smem:$0x0];
	_ =	sdelay $0x2  }
0xb8: {  	s31 =	sshll.u32 s1, $0xD;
	s1 =	sshrl.u32 s1, $0x2  }
0xb9: {  	s3 =	sand.u32 $0x4000, s31;
	s1 =	sadd.s32 s1, s30  }
0xba: {  	s0 =	sor.u32 s3, s0;
	s1 =	sshll.u32 s1, $0x11  }
0xbb: {  	s0 =	sor.u32 s1, s0  }
0xbc: {  	s0 =	sadd.s32 $0x8F2B, s0  }
0xbd: {  	[sflag:s0] =	ssyncadd.remote.s32 $0x1  }
0xbe: {  	_ =	sfence.sel $0xFFFF  }
0xbf: {  	[dreg:$0x0] =	wrdreg $0xFFFFFFFF;
	(pc) =	sbr.abs _section_cstart, $3  }
0xc0: {  	[dreg:$0x1] =	wrdreg $0xFFFFFFFF  }
0xc1: {  	_ =	task.clear_ibuf [dreg:s6], $0x2FFFF;
	_ =	strace $0x9FFFFFFF  }
0xc2: {  	(tm) =	ssettm $0x7FFFFFFF  }
0xc3: {  	_ =	shalt  }
tec
execute0_lowered:
.L_overlay_start_1:
0x0: {  	(tag) =	ssettag $0x1  }
0x1: {  	s0 =	rddreg [dreg:$0x0]  }
0x2: {  	s1 =	srdreg.scid;
	s22 =	stileid.u32  }
0x3: {  	s2 =	rddreg [dreg:$0x1];
	s3 =	simm.s32 $0x0;
	s31 =	simm.s32 $0x2  }
0x4: {  	s16 =	sand.u32 $0x1, s1;
	s19 =	sshll.u32 s22, $0x1;
	[smem:$0x7FF] =	sst s3  }
0x5: {  	s17 =	smul.u32 $0x13800, s22;
	s15 =	sadd.s32 $0xCA00, s0;
	s18 =	sadd.s32 $0x3DA00, s0  }
0x6: {  	p0 =	sne.s32 s22, $0xF;
	s1 =	sor.u32 s16, s19;
	s19 =	smul.u32 $0x138800, s16  }
0x7: {  	_ =	strace $0x8000004D;
	s20 =	ssub.s32 $0x2, s16;
	s16 =	smul.u32 $0x2710, s16  }
0x8: {  	s1 =	smul.u32 $0x2710, s1;
	s5 =	sshrl.u32 s20, $0x1;
	s6 =	sadd.s32 $0x4000, s17  }
0x9: {  	s7 =	sadd.s32 $0x6000, s17;
	s8 =	sadd.s32 $0x8000, s17;
	s9 =	sadd.s32 $0xA000, s17  }
0xa: {  	s10 =	sadd.s32 $0xC000, s17;
	s11 =	sadd.s32 $0xE000, s17;
	s12 =	sadd.s32 $0x10000, s17  }
0xb: {  	s13 =	sadd.s32 $0x12000, s17;
	s24 =	sadd.s32 s19, s6;
	s25 =	sadd.s32 s19, s7  }
0xc: {  	s26 =	sadd.s32 s19, s8;
	s28 =	sadd.s32 s8, s2;
	s29 =	sadd.s32 s9, s2  }
0xd: {  	s30 =	sadd.s32 s10, s2;
	s8 =	simm.s32 $0x1E000;
	s4 =	sshrl.u32 s1, $0x3  }
0xe: {  	s1 =	ssub.s32 s20, s5;
	s5 =	sadd.s32 $0x2000, s17;
	[dreg:$0x19] =	wrdreg s28  }
0xf: {  	s17 =	sadd.s32 s17, s19;
	[dreg:$0x1a] =	wrdreg s29;
	s14 =	sadd.s32 s15, s4  }
0x10: {  	[dreg:$0x1b] =	wrdreg s30;
	s17 =	sshrl.u32 s17, $0x3;
	s20 =	sadd.s32 $0x8, s14  }
0x11: {  	s21 =	sadd.s32 s19, s5;
	s17 =	sadd.s32 s18, s17;
	[dreg:$0x3] =	wrdreg s20  }
0x12: {  	s4 =	sadd.s32 s4, s0;
	s21 =	sshrl.u32 s21, $0x3;
	[dreg:$0x6] =	wrdreg s17  }
0x13: {  	s23 =	sadd.s32 s18, s21;
	s17 =	sshrl.u32 s24, $0x3;
	s20 =	sshrl.u32 s25, $0x3  }
0x14: {  	s21 =	sshrl.u32 s26, $0x3;
	s24 =	sadd.s32 s19, s9;
	s25 =	sadd.s32 s19, s10  }
0x15: {  	s26 =	sadd.s32 s19, s11;
	s11 =	sadd.s32 s11, s2;
	s9 =	simm.s32 $0x40  }
0x16: {  	s10 =	simm.s32 $0x1E100;
	[dreg:$0x7] =	wrdreg s23;
	s17 =	sadd.s32 s18, s17  }
0x17: {  	s23 =	sadd.s32 s18, s21;
	s21 =	smul.u32 $0x4E20, s22;
	[dreg:$0x1c] =	wrdreg s11  }
0x18: {  	s11 =	simm.s32 $0x1A000;
	[dreg:$0x8] =	wrdreg s17;
	s17 =	sadd.s32 s18, s20  }
0x19: {  	[dreg:$0xa] =	wrdreg s23;
	s20 =	sshrl.u32 s25, $0x3;
	s23 =	sshrl.u32 s26, $0x3  }
0x1a: {  	s25 =	sadd.s32 s19, s12;
	s26 =	sadd.s32 s19, s13;
	[dreg:$0x9] =	wrdreg s17  }
0x1b: {  	s17 =	sshrl.u32 s24, $0x3;
	s24 =	sadd.s32 s18, s23;
	s23 =	sshrl.u32 s19, $0x3  }
0x1c: {  	s16 =	sadd.s32 s16, s21;
	s17 =	sadd.s32 s18, s17;
	[dreg:$0xd] =	wrdreg s24  }
0x1d: {  	s24 =	simm.s32 $0x1E080;
	[dreg:$0xb] =	wrdreg s17;
	s17 =	sadd.s32 s18, s20  }
0x1e: {  	s20 =	sshrl.u32 s26, $0x3;
	[dreg:$0x4] =	wrdreg s24;
	s26 =	sadd.s32 $0x40, s16  }
0x1f: {  	s24 =	smul.u32 $0x4E000, s22;
	s22 =	sadd.s32 $0x138000, s2;
	[dreg:$0xc] =	wrdreg s17  }
0x20: {  	s17 =	sshrl.u32 s25, $0x3;
	s25 =	sadd.s32 $0x80, s16;
	s19 =	sshrl.u32 s26, $0x3  }
0x21: {  	s26 =	sadd.s32 $0x2C00, s4;
	[smem:$0x7FD] =	sst s22;
	s17 =	sadd.s32 s18, s17  }
0x22: {  	s21 =	sadd.s32 s19, s15;
	[dreg:$0x14] =	wrdreg s26;
	s4 =	sshrl.u32 s24, $0x2  }
0x23: {  	s24 =	sadd.s32 s5, s2;
	s26 =	sadd.s32 s7, s2;
	[dreg:$0xe] =	wrdreg s17  }
0x24: {  	s19 =	sadd.s32 $0x4E0, s14;
	s5 =	simm.s32 $0x16000;
	[dreg:$0x11] =	wrdreg s21  }
0x25: {  	s7 =	simm.s32 $0xC;
	s14 =	simm.s32 $0x4;
	[dreg:$0x1f] =	wrdreg s19  }
0x26: {  	s17 =	sadd.s32 s18, s20;
	s20 =	sadd.s32 $0xC0, s16;
	[dreg:$0x16] =	wrdreg s24  }
0x27: {  	s16 =	sshrl.u32 s16, $0x3;
	s21 =	smax.u32 s1, $0x1;
	[dreg:$0x18] =	wrdreg s26  }
0x28: {  	s19 =	simm.s32 $0xA;
	[dreg:$0xf] =	wrdreg s17;
	s17 =	sadd.s32 s18, s23  }
0x29: {  	s18 =	sshrl.u32 s25, $0x3;
	s25 =	simm.s32 $0x18000;
	[smem:$0x7FC] =	sst s21  }
0x2a: {  	s20 =	sshrl.u32 s20, $0x3;
	s18 =	sadd.s32 s18, s15;
	[dreg:$0x5] =	wrdreg s25  }
0x2b: {  	s1 =	simm.s32 $0xB;
	s23 =	sadd.s32 s20, s15;
	[dreg:$0x10] =	wrdreg s18  }
0x2c: {  	s15 =	sadd.s32 s16, s15;
	s25 =	sadd.s32 s6, s2;
	[dreg:$0x12] =	wrdreg s23  }
0x2d: {  	s16 =	sadd.s32 s13, s2;
	s20 =	sadd.s32 $0x27000, s17;
	[dreg:$0x13] =	wrdreg s15  }
0x2e: {  	s6 =	simm.s32 $0xE;
	s13 =	simm.s32 $0x1C000;
	[dreg:$0x1e] =	wrdreg s16  }
0x2f: {  	s18 =	sadd.s32 $0x16800, s0;
	s23 =	sadd.s32 s4, s2;
	[smem:$0x7FB] =	sst s20  }
0x30: {  	s15 =	sadd.s32 s12, s2;
	s12 =	simm.s32 $0x1E180;
	[dreg:$0x17] =	wrdreg s25  }
0x31: {  	s0 =	simm.s32 $0x3;
	s16 =	simm.s32 $0x5;
	[dreg:$0x1d] =	wrdreg s15  }
0x32: {  	v0 =	vimm.f32 $0.0e+00;
	s20 =	simm.s32 $0x0;
	s15 =	simm.s32 $0xD;
	[dreg:$0x15] =	wrdreg s23  }
.LBB2_1:
0x33: {  	[smem:$0x7FA] =	sst s20  }
0x34: {  	s4 =	rddreg [dreg:$0x14]  }
0x35: {  	s17 =	simm.s32 $0x13880;
	s20 =	simm.s32 $0x0;
	s21 =	simm.s32 $0x200  }
0x36: {  	[tilespmem:s17], [sflag:$0x1] =	stream.linear.gather [hbm4b:s4+s3], $0x2710, $0x38;
	[tilespmem:$0x1EB00] =	vst v63  }
.LBB2_2:
0x37: {  	p1 =	sne.s32 s21, $0x7E00;
	[tilespmem:s20+$0x16070] =	vst v0  }
0x38: {  	[tilespmem:s20+$0x16000] =	vst v0  }
0x39: {  	[tilespmem:s20+$0x16010] =	vst v0  }
.Ltmp0:
0x3a: {  	[tilespmem:s20+$0x16020] =	vst v0;
	(pc) =	sbr.rel @p1 .LBB2_2-.Ltmp0, $4  }
0x3b: {  	[tilespmem:s20+$0x16030] =	vst v0  }
0x3c: {  	[tilespmem:s20+$0x16040] =	vst v0  }
0x3d: {  	[tilespmem:s20+$0x16050] =	vst v0  }
0x3e: {  	[tilespmem:s20+$0x16060] =	vst v0;
	s20 =	sshra.s32 s21, $0x2;
	s21 =	sadd.s32 $0x200, s21  }
0x3f: {  	[tilespmem:s20+$0x16070] =	vst v0  }
0x40: {  	[tilespmem:s20+$0x16000] =	vst v0  }
0x41: {  	[tilespmem:s20+$0x16010] =	vst v0  }
0x42: {  	[tilespmem:s20+$0x16020] =	vst v0  }
0x43: {  	[tilespmem:s20+$0x16030] =	vst v0  }
0x44: {  	[tilespmem:s20+$0x16040] =	vst v0  }
0x45: {  	[tilespmem:s20+$0x16050] =	vst v0  }
0x46: {  	[tilespmem:s20+$0x16060] =	vst v0  }
0x47: {  	[spmem:s23] =	stream.linear.scatter [tilespmem:s5], [sflag:$0xE], $0x2000, $0x38;
	[tilespmem:$0x1EB00] =	vst v63  }
0x48: {  	_ =	swait.ge [sflag:s6], $0x2000  }
0x49: {  	[sflag:s6] =	ssyncset.done $0x0  }
0x4a: {  	[sflag:s6] =	ssyncadd.s32 $0xFFFFE000  }
0x4b: {  	[spmem:s24] =	stream.linear.scatter [tilespmem:s5], [sflag:$0xE], $0x2000, $0x38;
	[tilespmem:$0x1EB00] =	vst v63  }
0x4c: {  	_ =	swait.ge [sflag:s6], $0x2000  }
0x4d: {  	[sflag:s6] =	ssyncset.done $0x0  }
0x4e: {  	[sflag:s6] =	ssyncadd.s32 $0xFFFFE000  }
0x4f: {  	[spmem:s25] =	stream.linear.scatter [tilespmem:s5], [sflag:$0xE], $0x2000, $0x38;
	[tilespmem:$0x1EB00] =	vst v63  }
0x50: {  	_ =	swait.ge [sflag:s6], $0x2000  }
0x51: {  	[sflag:s6] =	ssyncset.done $0x0  }
0x52: {  	[sflag:s6] =	ssyncadd.s32 $0xFFFFE000  }
0x53: {  	[spmem:s26] =	stream.linear.scatter [tilespmem:s5], [sflag:$0xE], $0x2000, $0x38;
	[tilespmem:$0x1EB00] =	vst v63  }
0x54: {  	_ =	swait.ge [sflag:s6], $0x2000  }
0x55: {  	[sflag:s6] =	ssyncset.done $0x0  }
0x56: {  	[sflag:s6] =	ssyncadd.s32 $0xFFFFE000  }
0x57: {  	[spmem:s28] =	stream.linear.scatter [tilespmem:s5], [sflag:$0xE], $0x2000, $0x38;
	[tilespmem:$0x1EB00] =	vst v63  }
0x58: {  	_ =	swait.ge [sflag:s6], $0x2000  }
0x59: {  	[sflag:s6] =	ssyncset.done $0x0  }
0x5a: {  	[sflag:s6] =	ssyncadd.s32 $0xFFFFE000  }
0x5b: {  	[spmem:s29] =	stream.linear.scatter [tilespmem:s5], [sflag:$0xE], $0x2000, $0x38;
	[tilespmem:$0x1EB00] =	vst v63  }
0x5c: {  	_ =	swait.ge [sflag:s6], $0x2000  }
0x5d: {  	[sflag:s6] =	ssyncset.done $0x0  }
0x5e: {  	[sflag:s6] =	ssyncadd.s32 $0xFFFFE000  }
0x5f: {  	[spmem:s30] =	stream.linear.scatter [tilespmem:s5], [sflag:$0xE], $0x2000, $0x38;
	[tilespmem:$0x1EB00] =	vst v63  }
0x60: {  	_ =	swait.ge [sflag:s6], $0x2000  }
0x61: {  	[sflag:s6] =	ssyncset.done $0x0  }
0x62: {  	s4 =	rddreg [dreg:$0x1c];
	[sflag:s6] =	ssyncadd.s32 $0xFFFFE000  }
0x63: {  	[spmem:s4] =	stream.linear.scatter [tilespmem:s5], [sflag:$0xE], $0x2000, $0x38;
	[tilespmem:$0x1EB00] =	vst v63  }
0x64: {  	_ =	swait.ge [sflag:s6], $0x2000  }
0x65: {  	[sflag:s6] =	ssyncset.done $0x0  }
0x66: {  	s20 =	rddreg [dreg:$0x1d];
	[sflag:s6] =	ssyncadd.s32 $0xFFFFE000  }
0x67: {  	[spmem:s20] =	stream.linear.scatter [tilespmem:s5], [sflag:$0xE], $0x2000, $0x38;
	[tilespmem:$0x1EB00] =	vst v63  }
0x68: {  	_ =	swait.ge [sflag:s6], $0x2000  }
0x69: {  	[sflag:s6] =	ssyncset.done $0x0  }
0x6a: {  	s21 =	rddreg [dreg:$0x1e];
	[sflag:s6] =	ssyncadd.s32 $0xFFFFE000  }
0x6b: {  	[spmem:s21] =	stream.linear.scatter [tilespmem:s5], [sflag:$0xE], $0x1800, $0x38;
	[tilespmem:$0x1EB00] =	vst v63  }
0x6c: {  	_ =	swait.ge [sflag:s6], $0x1800  }
0x6d: {  	[sflag:s6] =	ssyncset.done $0x0  }
0x6e: {  	s20 =	simm.s32 @!p0 $0x16000;
	[sflag:s6] =	ssyncadd.s32 $0xFFFFE800  }
0x6f: {  	[spmem:s22] =	stream.linear.scatter @!p0 [tilespmem:s20], [sflag:$0xE], $0x800, $0x38;
	[tilespmem:$0x1EB00] =	vst v63  }
0x70: {  	s20 =	simm.s32 @!p0 $0xE  }
0x71: {  	_ =	swait.ge @!p0 [sflag:s20], $0x800  }
0x72: {  	[sflag:s20] =	ssyncset.done @!p0 $0x0  }
0x73: {  	s22 =	simm.s32 $0x1;
	[sflag:s20] =	ssyncadd.s32 @!p0 $0xFFFFF800  }
0x74: {  	_ =	swait.ge [sflag:s22], $0x2710  }
0x75: {  	[sflag:s22] =	ssyncset.done $0x0  }
0x76: {  	p1 =	por $0x1, $0x1;
	[sflag:s22] =	ssyncadd.s32 $0xFFFFD8F0  }
0x77: {  	s20 =	simm.s32 @!p1 $0x6;
	[bflag:$0x0] =	sbarrier.arrive $0xFFFF  }
0x78: {  	_ =	swait.ge @!p1 [sflag:s20], $0x2000  }
0x79: {  	[sflag:s20] =	ssyncset.done @!p1 $0x0  }
0x7a: {  	s24 =	rddreg [dreg:$0x13];
	[sflag:s20] =	ssyncadd.s32 @!p1 $0xFFFFE000  }
0x7b: {  	[tilespmem:s8], [sflag:$0xA] =	stream.linear.gather [hbm4b:s24+s3], $0x40, $0x38;
	[tilespmem:$0x1EB00] =	vst v63  }
0x7c: {  	s23 =	simm.s32 $0x13880;
	s22 =	simm.s32 @p1 $0x1E080  }
0x7d: {  	[tilespmem:s5], [sflag:$0x2] =	stream.indirect.gather [hbm4b:s18+s9], $0x80, s23, s9, $0xb8;
	[tilespmem:$0x1EB00] =	vst v63  }
0x7e: {  	s21 =	rddreg [dreg:$0x3];
	s20 =	simm.s32 @p1 $0x0;
	s23 =	simm.s32 @!p1 $0x7  }
0x7f: {  	[tilespmem:s22], [sflag:$0xB] =	stream.linear.gather @p1 [hbm4b:s21+s20], $0x40, $0x38;
	[tilespmem:$0x1EB00] =	vst v63  }
0x80: {  	s20 =	simm.s32 @p1 $0x40;
	s21 =	simm.s32 @p1 $0x138C0;
	s22 =	simm.s32 @p1 $0x18000  }
0x81: {  	[tilespmem:s22], [sflag:$0x3] =	stream.indirect.gather @p1 [hbm4b:s18+s20], $0x80, s21, s20, $0xb8;
	[tilespmem:$0x1EB00] =	vst v63  }
0x82: {  	_ =	swait.ge @!p1 [sflag:s23], $0x2000  }
0x83: {  	s20 =	simm.s32 @!p1 $0x138C0;
	s21 =	simm.s32 @!p1 $0x0;
	[sflag:s23] =	ssyncset.done @!p1 $0x0  }
0x84: {  	s22 =	simm.s32 @!p1 $0x1E080;
	s17 =	rddreg [dreg:$0x11];
	[sflag:s23] =	ssyncadd.s32 @!p1 $0xFFFFE000  }
0x85: {  	[tilespmem:s22], [sflag:$0xB] =	stream.linear.gather @!p1 [hbm4b:s17+s21], $0x40, $0x38;
	[tilespmem:$0x1EB00] =	vst v63  }
0x86: {  	s23 =	simm.s32 @!p1 $0x8;
	s21 =	simm.s32 @!p1 $0x40;
	s22 =	simm.s32 @!p1 $0x18000  }
0x87: {  	[tilespmem:s22], [sflag:$0x3] =	stream.indirect.gather @!p1 [hbm4b:s18+s21], $0x80, s20, s21, $0xb8;
	[tilespmem:$0x1EB00] =	vst v63  }
0x88: {  	_ =	swait.ge @!p1 [sflag:s23], $0x2000  }
0x89: {  	[sflag:s23] =	ssyncset.done @!p1 $0x0  }
0x8a: {  	s4 =	rddreg [dreg:$0x10];
	[sflag:s23] =	ssyncadd.s32 @!p1 $0xFFFFE000  }
0x8b: {  	[tilespmem:s10], [sflag:$0xC] =	stream.linear.gather [hbm4b:s4+s3], $0x40, $0x38;
	[tilespmem:$0x1EB00] =	vst v63  }
0x8c: {  	s25 =	simm.s32 $0x13900;
	s21 =	simm.s32 @!p1 $0x9  }
0x8d: {  	[tilespmem:s11], [sflag:$0x4] =	stream.indirect.gather [hbm4b:s18+s9], $0x80, s25, s9, $0xb8;
	[tilespmem:$0x1EB00] =	vst v63  }
0x8e: {  	_ =	swait.ge @!p1 [sflag:s21], $0x2000  }
0x8f: {  	[sflag:s21] =	ssyncset.done @!p1 $0x0  }
0x90: {  	s26 =	rddreg [dreg:$0x12];
	[sflag:s21] =	ssyncadd.s32 @!p1 $0xFFFFE000  }
0x91: {  	[tilespmem:s12], [sflag:$0xD] =	stream.linear.gather [hbm4b:s26+s3], $0x40, $0x38;
	[tilespmem:$0x1EB00] =	vst v63  }
0x92: {  	s28 =	simm.s32 $0x13940  }
0x93: {  	[tilespmem:s13], [sflag:$0x5] =	stream.indirect.gather [hbm4b:s18+s9], $0x80, s28, s9, $0xb8;
	[tilespmem:$0x1EB00] =	vst v63  }
0x94: {  	_ =	swait.ge [sflag:s19], $0x40  }
0x95: {  	[sflag:s19] =	ssyncset.done $0x0  }
0x96: {  	[sflag:s19] =	ssyncadd.s32 $0xFFFFFFC0  }
0x97: {  	_ =	swait.ge [sflag:s31], $0x2000  }
0x98: {  	[sflag:s31] =	ssyncset.done $0x0  }
0x99: {  	[sflag:s31] =	ssyncadd.s32 $0xFFFFE000  }
0x9a: {  	[spmem:s2] =	stream.indirect.scatter.add.f32 [tilespmem:s5], [sflag:$0x6], $0x80, s8, s9, $0xb8;
	[tilespmem:$0x1EB00] =	vst v63  }
0x9b: {  	_ =	swait.ge [sflag:s1], $0x40  }
0x9c: {  	[sflag:s1] =	ssyncset.done $0x0  }
0x9d: {  	[sflag:s1] =	ssyncadd.s32 $0xFFFFFFC0  }
0x9e: {  	_ =	swait.ge [sflag:s0], $0x2000  }
0x9f: {  	s29 =	rddreg [dreg:$0x4];
	[sflag:s0] =	ssyncset.done $0x0  }
0xa0: {  	s30 =	rddreg [dreg:$0x5];
	[sflag:s0] =	ssyncadd.s32 $0xFFFFE000  }
0xa1: {  	[spmem:s2] =	stream.indirect.scatter.add.f32 [tilespmem:s30], [sflag:$0x7], $0x80, s29, s9, $0xb8;
	[tilespmem:$0x1EB00] =	vst v63  }
0xa2: {  	_ =	swait.ge [sflag:s7], $0x40  }
0xa3: {  	[sflag:s7] =	ssyncset.done $0x0  }
0xa4: {  	[sflag:s7] =	ssyncadd.s32 $0xFFFFFFC0  }
0xa5: {  	_ =	swait.ge [sflag:s14], $0x2000  }
0xa6: {  	[sflag:s14] =	ssyncset.done $0x0  }
0xa7: {  	[sflag:s14] =	ssyncadd.s32 $0xFFFFE000  }
0xa8: {  	[spmem:s2] =	stream.indirect.scatter.add.f32 [tilespmem:s11], [sflag:$0x8], $0x80, s10, s9, $0xb8;
	[tilespmem:$0x1EB00] =	vst v63  }
0xa9: {  	_ =	swait.ge [sflag:s15], $0x40  }
0xaa: {  	s24 =	sadd.s32 $0x20, s24;
	s22 =	simm.s32 $0x400;
	[sflag:s15] =	ssyncset.done $0x0  }
0xab: {  	s23 =	sadd.s32 $0x20, s17;
	s25 =	simm.s32 $0x800;
	[sflag:s15] =	ssyncadd.s32 $0xFFFFFFC0  }
0xac: {  	s20 =	sadd.s32 $0x20, s26;
	s21 =	sadd.s32 $0x20, s4;
	_ =	swait.ge [sflag:s16], $0x2000  }
.LBB2_4:
0xad: {  	p2 =	seq.s32 s22, $0x0;
	[sflag:s16] =	ssyncset.done $0x0  }
0xae: {  	s28 =	simm.s32 @!p2 $0x6;
	[sflag:s16] =	ssyncadd.s32 $0xFFFFE000  }
0xaf: {  	[spmem:s2] =	stream.indirect.scatter.add.f32 [tilespmem:s13], [sflag:$0x9], $0x80, s12, s9, $0xb8;
	[tilespmem:$0x1EB00] =	vst v63  }
0xb0: {  	_ =	swait.ge @!p2 [sflag:s28], $0x2000  }
0xb1: {  	s26 =	smov.u32 s25;
	[sflag:s28] =	ssyncset.done @!p2 $0x0  }
0xb2: {  	s29 =	sshra.s32 @!p2 s22, $0x2;
	[sflag:s28] =	ssyncadd.s32 @!p2 $0xFFFFE000;
	s28 =	sshra.s32 s22, $0x2  }
0xb3: {  	[tilespmem:s8], [sflag:$0xA] =	stream.linear.gather [hbm4b:s24+s3], $0x40, $0x38;
	[tilespmem:$0x1EB00] =	vst v63  }
0xb4: {  	s4 =	simm.s32 @p2 $0x1E080;
	s30 =	rddreg [dreg:$0x3];
	s17 =	sadd.s32 $0x13880, s28  }
0xb5: {  	[tilespmem:s5], [sflag:$0x2] =	stream.indirect.gather [hbm4b:s18+s9], $0x80, s17, s9, $0xb8;
	[tilespmem:$0x1EB00] =	vst v63  }
0xb6: {  	s22 =	smov.u32 s26;
	s26 =	simm.s32 @p2 $0x0;
	s17 =	simm.s32 @!p2 $0x7  }
0xb7: {  	[tilespmem:s4], [sflag:$0xB] =	stream.linear.gather @p2 [hbm4b:s30+s26], $0x40, $0x38;
	[tilespmem:$0x1EB00] =	vst v63  }
0xb8: {  	s4 =	simm.s32 @p2 $0x40;
	s26 =	simm.s32 @p2 $0x138C0;
	s30 =	simm.s32 @p2 $0x18000  }
0xb9: {  	[tilespmem:s30], [sflag:$0x3] =	stream.indirect.gather @p2 [hbm4b:s18+s4], $0x80, s26, s4, $0xb8;
	[tilespmem:$0x1EB00] =	vst v63  }
0xba: {  	_ =	swait.ge @!p2 [sflag:s17], $0x2000  }
0xbb: {  	s29 =	sadd.s32 @!p2 $0x138C0, s29;
	[sflag:s17] =	ssyncset.done @!p2 $0x0  }
0xbc: {  	s4 =	simm.s32 @!p2 $0x0;
	[sflag:s17] =	ssyncadd.s32 @!p2 $0xFFFFE000;
	s17 =	simm.s32 @!p2 $0x1E080  }
0xbd: {  	[tilespmem:s17], [sflag:$0xB] =	stream.linear.gather @!p2 [hbm4b:s23+s4], $0x40, $0x38;
	[tilespmem:$0x1EB00] =	vst v63  }
0xbe: {  	s26 =	simm.s32 @!p2 $0x8;
	s4 =	simm.s32 @!p2 $0x40;
	s17 =	simm.s32 @!p2 $0x18000  }
0xbf: {  	[tilespmem:s17], [sflag:$0x3] =	stream.indirect.gather @!p2 [hbm4b:s18+s4], $0x80, s29, s4, $0xb8;
	[tilespmem:$0x1EB00] =	vst v63  }
0xc0: {  	_ =	swait.ge @!p2 [sflag:s26], $0x2000  }
0xc1: {  	[sflag:s26] =	ssyncset.done @!p2 $0x0  }
0xc2: {  	[sflag:s26] =	ssyncadd.s32 @!p2 $0xFFFFE000  }
0xc3: {  	[tilespmem:s10], [sflag:$0xC] =	stream.linear.gather [hbm4b:s21+s3], $0x40, $0x38;
	[tilespmem:$0x1EB00] =	vst v63  }
0xc4: {  	s17 =	simm.s32 @!p2 $0x9;
	s26 =	sadd.s32 $0x13900, s28  }
0xc5: {  	[tilespmem:s11], [sflag:$0x4] =	stream.indirect.gather [hbm4b:s18+s9], $0x80, s26, s9, $0xb8;
	[tilespmem:$0x1EB00] =	vst v63  }
0xc6: {  	_ =	swait.ge @!p2 [sflag:s17], $0x2000  }
0xc7: {  	[sflag:s17] =	ssyncset.done @!p2 $0x0  }
0xc8: {  	[sflag:s17] =	ssyncadd.s32 @!p2 $0xFFFFE000  }
0xc9: {  	[tilespmem:s12], [sflag:$0xD] =	stream.linear.gather [hbm4b:s20+s3], $0x40, $0x38;
	[tilespmem:$0x1EB00] =	vst v63  }
0xca: {  	s28 =	sadd.s32 $0x13940, s28  }
0xcb: {  	[tilespmem:s13], [sflag:$0x5] =	stream.indirect.gather [hbm4b:s18+s9], $0x80, s28, s9, $0xb8;
	[tilespmem:$0x1EB00] =	vst v63  }
0xcc: {  	_ =	swait.ge [sflag:s19], $0x40  }
0xcd: {  	[sflag:s19] =	ssyncset.done $0x0  }
0xce: {  	[sflag:s19] =	ssyncadd.s32 $0xFFFFFFC0  }
0xcf: {  	_ =	swait.ge [sflag:s31], $0x2000  }
0xd0: {  	[sflag:s31] =	ssyncset.done $0x0  }
0xd1: {  	[sflag:s31] =	ssyncadd.s32 $0xFFFFE000  }
0xd2: {  	[spmem:s2] =	stream.indirect.scatter.add.f32 [tilespmem:s5], [sflag:$0x6], $0x80, s8, s9, $0xb8;
	[tilespmem:$0x1EB00] =	vst v63  }
0xd3: {  	_ =	swait.ge [sflag:s1], $0x40  }
0xd4: {  	[sflag:s1] =	ssyncset.done $0x0  }
0xd5: {  	[sflag:s1] =	ssyncadd.s32 $0xFFFFFFC0  }
0xd6: {  	_ =	swait.ge [sflag:s0], $0x2000  }
0xd7: {  	[sflag:s0] =	ssyncset.done $0x0;
	s29 =	rddreg [dreg:$0x4]  }
0xd8: {  	s30 =	rddreg [dreg:$0x5];
	[sflag:s0] =	ssyncadd.s32 $0xFFFFE000  }
0xd9: {  	[spmem:s2] =	stream.indirect.scatter.add.f32 [tilespmem:s30], [sflag:$0x7], $0x80, s29, s9, $0xb8;
	[tilespmem:$0x1EB00] =	vst v63  }
0xda: {  	_ =	swait.ge [sflag:s7], $0x40  }
0xdb: {  	[sflag:s7] =	ssyncset.done $0x0  }
0xdc: {  	[sflag:s7] =	ssyncadd.s32 $0xFFFFFFC0  }
0xdd: {  	_ =	swait.ge [sflag:s14], $0x2000  }
0xde: {  	s25 =	sadd.s32 $0x400, s25;
	[sflag:s14] =	ssyncset.done $0x0  }
0xdf: {  	p1 =	sne.s32 s25, $0x9C00;
	[sflag:s14] =	ssyncadd.s32 $0xFFFFE000  }
0xe0: {  	[spmem:s2] =	stream.indirect.scatter.add.f32 [tilespmem:s11], [sflag:$0x8], $0x80, s10, s9, $0xb8;
	[tilespmem:$0x1EB00] =	vst v63  }
.Ltmp1:
0xe1: {  	_ = 	snop;
	(pc) =	sbr.rel @p1 .LBB2_4-.Ltmp1, $4  }
0xe2: {  	_ =	swait.ge [sflag:s15], $0x40  }
0xe3: {  	[sflag:s15] =	ssyncset.done $0x0  }
0xe4: {  	s24 =	sadd.s32 $0x20, s24;
	s23 =	sadd.s32 $0x20, s23;
	[sflag:s15] =	ssyncadd.s32 $0xFFFFFFC0  }
0xe5: {  	s21 =	sadd.s32 $0x20, s21;
	s20 =	sadd.s32 $0x20, s20;
	_ =	swait.ge [sflag:s16], $0x2000  }
0xe6: {  	p1 =	seq.s32 s22, $0x0;
	[sflag:s16] =	ssyncset.done $0x0  }
0xe7: {  	s4 =	simm.s32 @!p1 $0x6;
	[sflag:s16] =	ssyncadd.s32 $0xFFFFE000  }
0xe8: {  	[spmem:s2] =	stream.indirect.scatter.add.f32 [tilespmem:s13], [sflag:$0x9], $0x80, s12, s9, $0xb8;
	[tilespmem:$0x1EB00] =	vst v63  }
0xe9: {  	_ =	swait.ge @!p1 [sflag:s4], $0x2000  }
0xea: {  	[sflag:s4] =	ssyncset.done @!p1 $0x0  }
0xeb: {  	[sflag:s4] =	ssyncadd.s32 @!p1 $0xFFFFE000;
	s4 =	sshra.s32 s22, $0x2  }
0xec: {  	[tilespmem:s8], [sflag:$0xA] =	stream.linear.gather [hbm4b:s24+s3], $0x40, $0x38;
	[tilespmem:$0x1EB00] =	vst v63  }
0xed: {  	s17 =	sadd.s32 $0x13880, s4  }
0xee: {  	[tilespmem:s5], [sflag:$0x2] =	stream.indirect.gather [hbm4b:s18+s9], $0x80, s17, s9, $0xb8;
	[tilespmem:$0x1EB00] =	vst v63  }
0xef: {  	s25 =	simm.s32 @p1 $0x1E080;
	s24 =	rddreg [dreg:$0x3];
	s17 =	simm.s32 @p1 $0x0  }
0xf0: {  	[tilespmem:s25], [sflag:$0xB] =	stream.linear.gather @p1 [hbm4b:s24+s17], $0x40, $0x38;
	[tilespmem:$0x1EB00] =	vst v63  }
0xf1: {  	s17 =	simm.s32 @p1 $0x40;
	s24 =	simm.s32 @p1 $0x138C0;
	s25 =	simm.s32 @p1 $0x18000  }
0xf2: {  	[tilespmem:s25], [sflag:$0x3] =	stream.indirect.gather @p1 [hbm4b:s18+s17], $0x80, s24, s17, $0xb8;
	[tilespmem:$0x1EB00] =	vst v63  }
0xf3: {  	s17 =	simm.s32 @!p1 $0x7  }
0xf4: {  	_ =	swait.ge @!p1 [sflag:s17], $0x2000  }
0xf5: {  	[sflag:s17] =	ssyncset.done @!p1 $0x0  }
0xf6: {  	s24 =	simm.s32 @!p1 $0x1E080;
	[sflag:s17] =	ssyncadd.s32 @!p1 $0xFFFFE000;
	s17 =	simm.s32 @!p1 $0x0  }
0xf7: {  	[tilespmem:s24], [sflag:$0xB] =	stream.linear.gather @!p1 [hbm4b:s23+s17], $0x40, $0x38;
	[tilespmem:$0x1EB00] =	vst v63  }
0xf8: {  	s17 =	sshra.s32 @!p1 s22, $0x2  }
0xf9: {  	s22 =	simm.s32 @!p1 $0x40;
	s23 =	simm.s32 @!p1 $0x18000;
	s17 =	sadd.s32 @!p1 $0x138C0, s17  }
0xfa: {  	[tilespmem:s23], [sflag:$0x3] =	stream.indirect.gather @!p1 [hbm4b:s18+s22], $0x80, s17, s22, $0xb8;
	[tilespmem:$0x1EB00] =	vst v63  }
0xfb: {  	s17 =	simm.s32 @!p1 $0x8  }
0xfc: {  	_ =	swait.ge @!p1 [sflag:s17], $0x2000  }
0xfd: {  	[sflag:s17] =	ssyncset.done @!p1 $0x0  }
0xfe: {  	[sflag:s17] =	ssyncadd.s32 @!p1 $0xFFFFE000  }
0xff: {  	[tilespmem:s10], [sflag:$0xC] =	stream.linear.gather [hbm4b:s21+s3], $0x40, $0x38;
	[tilespmem:$0x1EB00] =	vst v63  }
0x100: {  	s26 =	sadd.s32 $0x13900, s4;
	s17 =	simm.s32 @!p1 $0x9  }
0x101: {  	[tilespmem:s11], [sflag:$0x4] =	stream.indirect.gather [hbm4b:s18+s9], $0x80, s26, s9, $0xb8;
	[tilespmem:$0x1EB00] =	vst v63  }
0x102: {  	_ =	swait.ge @!p1 [sflag:s17], $0x2000  }
0x103: {  	[sflag:s17] =	ssyncset.done @!p1 $0x0  }
0x104: {  	[sflag:s17] =	ssyncadd.s32 @!p1 $0xFFFFE000  }
0x105: {  	[tilespmem:s12], [sflag:$0xD] =	stream.linear.gather [hbm4b:s20+s3], $0x40, $0x38;
	[tilespmem:$0x1EB00] =	vst v63  }
0x106: {  	s4 =	sadd.s32 $0x13940, s4  }
0x107: {  	[tilespmem:s13], [sflag:$0x5] =	stream.indirect.gather [hbm4b:s18+s9], $0x80, s4, s9, $0xb8;
	[tilespmem:$0x1EB00] =	vst v63  }
0x108: {  	_ =	swait.ge [sflag:s19], $0x40  }
0x109: {  	[sflag:s19] =	ssyncset.done $0x0  }
0x10a: {  	[sflag:s19] =	ssyncadd.s32 $0xFFFFFFC0  }
0x10b: {  	_ =	swait.ge [sflag:s31], $0x2000  }
0x10c: {  	[sflag:s31] =	ssyncset.done $0x0  }
0x10d: {  	[sflag:s31] =	ssyncadd.s32 $0xFFFFE000  }
0x10e: {  	[spmem:s2] =	stream.indirect.scatter.add.f32 [tilespmem:s5], [sflag:$0x6], $0x80, s8, s9, $0xb8;
	[tilespmem:$0x1EB00] =	vst v63  }
0x10f: {  	_ =	swait.ge [sflag:s1], $0x40  }
0x110: {  	[sflag:s1] =	ssyncset.done $0x0  }
0x111: {  	[sflag:s1] =	ssyncadd.s32 $0xFFFFFFC0  }
0x112: {  	_ =	swait.ge [sflag:s0], $0x2000  }
0x113: {  	s17 =	rddreg [dreg:$0x4];
	[sflag:s0] =	ssyncset.done $0x0  }
0x114: {  	s20 =	rddreg [dreg:$0x5];
	[sflag:s0] =	ssyncadd.s32 $0xFFFFE000  }
0x115: {  	[spmem:s2] =	stream.indirect.scatter.add.f32 [tilespmem:s20], [sflag:$0x7], $0x80, s17, s9, $0xb8;
	[tilespmem:$0x1EB00] =	vst v63  }
0x116: {  	_ =	swait.ge [sflag:s7], $0x40  }
0x117: {  	[sflag:s7] =	ssyncset.done $0x0  }
0x118: {  	[sflag:s7] =	ssyncadd.s32 $0xFFFFFFC0  }
0x119: {  	_ =	swait.ge [sflag:s14], $0x2000  }
0x11a: {  	[sflag:s14] =	ssyncset.done $0x0  }
0x11b: {  	[sflag:s14] =	ssyncadd.s32 $0xFFFFE000  }
0x11c: {  	[spmem:s2] =	stream.indirect.scatter.add.f32 [tilespmem:s11], [sflag:$0x8], $0x80, s10, s9, $0xb8;
	[tilespmem:$0x1EB00] =	vst v63  }
0x11d: {  	_ =	swait.ge [sflag:s15], $0x40  }
0x11e: {  	[sflag:s15] =	ssyncset.done $0x0  }
0x11f: {  	[sflag:s15] =	ssyncadd.s32 $0xFFFFFFC0  }
0x120: {  	_ =	swait.ge [sflag:s16], $0x2000  }
0x121: {  	[sflag:s16] =	ssyncset.done $0x0  }
0x122: {  	s21 =	simm.s32 $0x6;
	[sflag:s16] =	ssyncadd.s32 $0xFFFFE000  }
0x123: {  	[spmem:s2] =	stream.indirect.scatter.add.f32 [tilespmem:s13], [sflag:$0x9], $0x80, s12, s9, $0xb8;
	[tilespmem:$0x1EB00] =	vst v63  }
0x124: {  	_ =	swait.ge [sflag:s21], $0x2000  }
0x125: {  	[sflag:s21] =	ssyncset.done $0x0  }
0x126: {  	s22 =	simm.s32 $0x7;
	[sflag:s21] =	ssyncadd.s32 $0xFFFFE000  }
0x127: {  	_ =	swait.ge [sflag:s22], $0x2000  }
0x128: {  	[sflag:s22] =	ssyncset.done $0x0  }
0x129: {  	s23 =	simm.s32 $0x8;
	[sflag:s22] =	ssyncadd.s32 $0xFFFFE000  }
0x12a: {  	_ =	swait.ge [sflag:s23], $0x2000  }
0x12b: {  	[sflag:s23] =	ssyncset.done $0x0  }
0x12c: {  	s24 =	simm.s32 $0x9;
	[sflag:s23] =	ssyncadd.s32 $0xFFFFE000  }
0x12d: {  	_ =	swait.ge [sflag:s24], $0x2000  }
0x12e: {  	[sflag:s24] =	ssyncset.done $0x0  }
0x12f: {  	[sflag:s24] =	ssyncadd.s32 $0xFFFFE000  }
0x130: {  	v1 =	vld [tilespmem:$0x15F80];
	_ =	sdelay $0x4  }
0x131: {  	s26 =	simm.s32 $0x1EA80;
	s25 =	rddreg [dreg:$0x1f];
	[tilespmem:$0x1EA00] =	vst v1  }
0x132: {  	[tilespmem:s26], [sflag:$0xA] =	stream.linear.gather [hbm4b:s25+s3], $0x10, $0x38;
	[tilespmem:$0x1EB00] =	vst v63  }
0x133: {  	_ =	swait.ge [sflag:s19], $0x10  }
0x134: {  	s21 =	simm.s32 $0x10;
	[sflag:s19] =	ssyncset.done $0x0  }
0x135: {  	s22 =	simm.s32 $0x1EA00;
	s23 =	simm.s32 $0x1E200;
	[sflag:s19] =	ssyncadd.s32 $0xFFFFFFF0  }
0x136: {  	[tilespmem:s23], [sflag:$0x2] =	stream.indirect.gather [hbm4b:s18+s21], $0x80, s22, s21, $0xb8;
	[tilespmem:$0x1EB00] =	vst v63  }
0x137: {  	_ =	swait.ge [sflag:s31], $0x800  }
0x138: {  	[sflag:s31] =	ssyncset.done $0x0  }
0x139: {  	[sflag:s31] =	ssyncadd.s32 $0xFFFFF800  }
0x13a: {  	[spmem:s2] =	stream.indirect.scatter.add.f32 [tilespmem:s23], [sflag:$0xE], $0x80, s26, s21, $0xb8;
	[tilespmem:$0x1EB00] =	vst v63  }
0x13b: {  	_ =	swait.ge [sflag:s6], $0x800  }
0x13c: {  	[sflag:s6] =	ssyncset.done $0x0  }
0x13d: {  	[sflag:s6] =	ssyncadd.s32 $0xFFFFF800  }
0x13e: {  	s24 =	stileid.u32;
	[bflag:$0x0] =	sbarrier.arrive $0xFFFF  }
0x13f: {  	s4 =	sshll.u32 s24, $0x6;
	s23 =	rddreg [dreg:$0x15]  }
0x140: {  	s4 =	sor.u32 $0x1C0E, s4;
	s26 =	rddreg [dreg:$0x6];
	s25 =	sshrl.u32 s23, $0x3  }
0x141: {  	[hbm:s26], [sflag:s4] =	dma.local [spmem:s25], $0x400  }
0x142: {  	_ =	swait.ge [sflag:s6], $0x400  }
0x143: {  	[sflag:s6] =	ssyncset.done $0x0;
	s24 =	rddreg [dreg:$0x16]  }
0x144: {  	s21 =	rddreg [dreg:$0x7];
	[sflag:s6] =	ssyncadd.s32 $0xFFFFFC00;
	s20 =	sshrl.u32 s24, $0x3  }
0x145: {  	[hbm:s21], [sflag:s4] =	dma.local [spmem:s20], $0x400  }
0x146: {  	_ =	swait.ge [sflag:s6], $0x400  }
0x147: {  	[sflag:s6] =	ssyncset.done $0x0;
	s25 =	rddreg [dreg:$0x17]  }
0x148: {  	s26 =	rddreg [dreg:$0x8];
	[sflag:s6] =	ssyncadd.s32 $0xFFFFFC00;
	s22 =	sshrl.u32 s25, $0x3  }
0x149: {  	[hbm:s26], [sflag:s4] =	dma.local [spmem:s22], $0x400  }
0x14a: {  	_ =	swait.ge [sflag:s6], $0x400  }
0x14b: {  	[sflag:s6] =	ssyncset.done $0x0;
	s26 =	rddreg [dreg:$0x18]  }
0x14c: {  	s22 =	rddreg [dreg:$0x9];
	[sflag:s6] =	ssyncadd.s32 $0xFFFFFC00;
	s21 =	sshrl.u32 s26, $0x3  }
0x14d: {  	[hbm:s22], [sflag:s4] =	dma.local [spmem:s21], $0x400  }
0x14e: {  	_ =	swait.ge [sflag:s6], $0x400  }
0x14f: {  	[sflag:s6] =	ssyncset.done $0x0;
	s28 =	rddreg [dreg:$0x19]  }
0x150: {  	s22 =	rddreg [dreg:$0xa];
	[sflag:s6] =	ssyncadd.s32 $0xFFFFFC00;
	s21 =	sshrl.u32 s28, $0x3  }
0x151: {  	[hbm:s22], [sflag:s4] =	dma.local [spmem:s21], $0x400  }
0x152: {  	_ =	swait.ge [sflag:s6], $0x400  }
0x153: {  	[sflag:s6] =	ssyncset.done $0x0;
	s29 =	rddreg [dreg:$0x1a]  }
0x154: {  	s22 =	rddreg [dreg:$0xb];
	[sflag:s6] =	ssyncadd.s32 $0xFFFFFC00;
	s21 =	sshrl.u32 s29, $0x3  }
0x155: {  	[hbm:s22], [sflag:s4] =	dma.local [spmem:s21], $0x400  }
0x156: {  	_ =	swait.ge [sflag:s6], $0x400  }
0x157: {  	[sflag:s6] =	ssyncset.done $0x0;
	s30 =	rddreg [dreg:$0x1b]  }
0x158: {  	s22 =	rddreg [dreg:$0xc];
	[sflag:s6] =	ssyncadd.s32 $0xFFFFFC00;
	s21 =	sshrl.u32 s30, $0x3  }
0x159: {  	[hbm:s22], [sflag:s4] =	dma.local [spmem:s21], $0x400  }
0x15a: {  	_ =	swait.ge [sflag:s6], $0x400  }
0x15b: {  	[sflag:s6] =	ssyncset.done $0x0;
	s21 =	rddreg [dreg:$0x1c]  }
0x15c: {  	s22 =	rddreg [dreg:$0xd];
	[sflag:s6] =	ssyncadd.s32 $0xFFFFFC00;
	s17 =	sshrl.u32 s21, $0x3  }
0x15d: {  	[hbm:s22], [sflag:s4] =	dma.local [spmem:s17], $0x400  }
0x15e: {  	_ =	swait.ge [sflag:s6], $0x400  }
0x15f: {  	[sflag:s6] =	ssyncset.done $0x0;
	s21 =	rddreg [dreg:$0x1d]  }
0x160: {  	s22 =	rddreg [dreg:$0xe];
	[sflag:s6] =	ssyncadd.s32 $0xFFFFFC00;
	s17 =	sshrl.u32 s21, $0x3  }
0x161: {  	[hbm:s22], [sflag:s4] =	dma.local [spmem:s17], $0x400  }
0x162: {  	_ =	swait.ge [sflag:s6], $0x400  }
0x163: {  	[sflag:s6] =	ssyncset.done $0x0;
	s21 =	rddreg [dreg:$0x1e]  }
0x164: {  	s22 =	rddreg [dreg:$0xf];
	[sflag:s6] =	ssyncadd.s32 $0xFFFFFC00;
	s17 =	sshrl.u32 s21, $0x3  }
0x165: {  	[hbm:s22], [sflag:s4] =	dma.local [spmem:s17], $0x300  }
0x166: {  	_ =	swait.ge [sflag:s6], $0x300  }
0x167: {  	s22 =	sld [smem:$0x7FD]  }
0x168: {  	s20 =	sld [smem:$0x7FB]  }
0x169: {  	[sflag:s6] =	ssyncset.done $0x0  }
0x16a: {  	[sflag:s6] =	ssyncadd.s32 $0xFFFFFD00;
	s17 =	sshrl.u32 @!p0 s22, $0x3  }
0x16b: {  	[hbm:s20], [sflag:s4] =	dma.local @!p0 [spmem:s17], $0x100  }
0x16c: {  	s4 =	simm.s32 @!p0 $0xE  }
0x16d: {  	_ =	swait.ge @!p0 [sflag:s4], $0x100  }
0x16e: {  	s17 =	sld [smem:$0x7FA]  }
0x16f: {  	s21 =	sld [smem:$0x7FC];
	_ =	sdelay $0x1  }
0x170: {  	s20 =	sadd.s32 $0x1, s17  }
0x171: {  	p1 =	sne.s32 s20, s21  }
.Ltmp2:
0x172: {  	_ = 	snop;
	(pc) =	sbr.rel @p1 .LBB2_1-.Ltmp2, $3  }
0x173: {  	_ =	sdelay $0x1  }
0x174: {  	[sflag:s4] =	ssyncset.done @!p0 $0x0  }
0x175: {  	[sflag:s4] =	ssyncadd.s32 @!p0 $0xFFFFFF00  }
0x176: {  	_ =	sfence.sel $0x180000  }
0x177: {  	[bflag:$0x0] =	sbarrier.arrive $0xFFFF  }
0x178: {  	_ =	strace $0x9000004D  }
0x179: {  	s0 =	stileid.u32;
	[bflag:$0x2] =	sbarrier.arrive $0xFFFF  }
0x17a: {  	p0 =	sne.s32 s0, $0x0;
	s0 =	rddreg [dreg:$0x2]  }
0x17b: {  	s0 =	sadd.s32 @!p0 $0x100000, s0  }
0x17c: {  	[sflag:s0] =	ssyncadd.tile.s32 @!p0 $0x1;
	_ =	shalt  }
.Lfunc_end2:
_tile_overlayer_lowered:
.L_overlay_start_2:
0x17d: {  	(tag) =	ssettag $0x2  }
0x17e: {  	s0 =	rddreg [dreg:$0x0];
	s2 =	stileid.u32  }
0x17f: {  	s1 =	rddreg [dreg:$0x1];
	p0 =	sne.s32 s2, $0x0  }
0x180: {  	s3 =	rddreg [dreg:$0x2];
	[bflag:$0x3] =	sbarrier.arrive $0xFFFF;
	s2 =	simm.s32 @!p0 $0x1C0E  }
0x181: {  	[timem:s3], [sflag:s2] =	dma.local @!p0 [hbm:s0], s1  }
0x182: {  	s0 =	simm.s32 @!p0 $0xE  }
0x183: {  	_ =	swait.ge @!p0 [sflag:s0], s1  }
0x184: {  	s1 =	ssub.s32 @!p0 $0x0, s1;
	[sflag:s0] =	ssyncset.done @!p0 $0x0  }
0x185: {  	[sflag:s0] =	ssyncadd.s32 @!p0 s1  }
0x186: {  	[bflag:$0x3] =	sbarrier.arrive $0xFFFF  }
0x187: {  	_ =	shalt  }

// kernel: kernel.8.cloned.1.call-start
scs
__scs_entry_jumppad:
0x0: {  	(pc) =	sbr.rel $0x88, $3  }
0x1: {  	(tag) =	ssettag $0x0;
	lr =	simm.s32 $0x1  }
0x2: {  	[smem:$0x3F98] =	sst lr;
	_ =	strace $0xD0000000  }
0x3: {  	_ = 	snop  }
0x4: {  	_ = 	snop  }
0x5: {  	_ = 	snop  }
0x6: {  	_ = 	snop  }
0x7: {  	_ = 	snop  }
__scs_overlays_trampoline_lowered:
0x8: {  	[smem:$0x3FA7] =	sst s0  }
0x9: {  	[smem:$0x3FA8] =	sst s1  }
0xa: {  	[smem:$0x3FA9] =	sst s2  }
0xb: {  	[smem:$0x3FAA] =	sst s3  }
0xc: {  	[smem:$0x3FAB] =	sst s4  }
0xd: {  	[smem:$0x3FAC] =	sst s5  }
0xe: {  	[smem:$0x3FAD] =	sst s6  }
0xf: {  	[smem:$0x3FAE] =	sst s7  }
0x10: {  	[smem:$0x3FAF] =	sst s8  }
0x11: {  	[smem:$0x3FB0] =	sst s9;
	s0 =	simm.s32 @!p0 $0x0  }
0x12: {  	s1 =	sld [smem:$0x3F96];
	s0 =	simm.s32 @p0 $0x1  }
0x13: {  	[smem:$0x3FB1] =	sst s0;
	s0 =	simm.s32 @!p1 $0x0  }
0x14: {  	s2 =	sld [smem:$0x3F95];
	s0 =	simm.s32 @p1 $0x1  }
0x15: {  	[smem:$0x3FB2] =	sst s0;
	s0 =	simm.s32 @!p2 $0x0  }
0x16: {  	s3 =	sld [smem:$0x3FDB];
	s0 =	simm.s32 @p2 $0x1  }
0x17: {  	s4 =	simm.s32 $0x1BF5;
	[smem:$0x3FB4] =	sst s0  }
0x18: {  	s0 =	sld [smem:$0x3F97];
	_ =	swait.ge [sflag:s4], $0x0  }
0x19: {  	s7 =	sld [smem:$0x3F98]  }
0x1a: {  	s8 =	sadd.s32 $0xFFFFE003, lr  }
0x1b: {  	s9 =	sadd.s32 $0xFFFFFEF7, lr;
	s5 =	simm.s32 $0xFFFFFFFF;
	p2 =	slt.u32 s8, $0xFFFFF086  }
0x1c: {  	p1 =	slt.u32 s9, $0xF7A;
	s5 =	simm.s32 @!p2 $0x0  }
0x1d: {  	s5 =	simm.s32 @p1 $0x1;
	p0 =	seq.s32 s7, s2  }
0x1e: {  	s7 =	smul.u32 @!p0 $0xF7A, s2;
	p2 =	seq.s32 @!p0 s5, $0x0  }
0x1f: {  	s9 =	smul.u32 $0xF7A, s1;
	s8 =	simm.s32 @!p0 $0x1BF5;
	p2 =	por !p2, p0  }
0x20: {  	[sflag:s8] =	ssyncset.s32 @!p0 $0xFFFFF086;
	s6 =	sadd.s32 @!p0 s3, s7;
	s7 =	simm.s32 @!p0 $0x108  }
0x21: {  	s3 =	sadd.s32 s3, s9;
	s6 =	sadd.s32 @!p0 $0x88, s6;
	s7 =	simm.s32 @p2 $0x1082  }
0x22: {  	[simem:s7], [sflag:s8] =	dma.local @!p0 [hbm:s6], $0xF7A  }
0x23: {  	s9 =	sor.u32 $0xD0000000, s2;
	s6 =	simm.s32 $0x108;
	_ =	swait.ge @!p0 [sflag:s8], $0x0  }
0x24: {  	s3 =	sadd.s32 $0x88, s3;
	s6 =	simm.s32 @!p1 $0x1082;
	[sflag:s4] =	ssyncset.s32 $0xFFFFF086  }
0x25: {  	[simem:s6], [sflag:s4] =	dma.local [hbm:s3], $0xF7A  }
0x26: {  	[smem:$0x3F98] =	sst s1;
	(tag) =	ssettag s2;
	_ =	strace s9  }
0x27: {  	s1 =	sld [smem:$0x3FA8]  }
0x28: {  	s2 =	sld [smem:$0x3FA9]  }
0x29: {  	s4 =	sld [smem:$0x3FAB]  }
0x2a: {  	p0 =	seq.s32 s5, $0x0;
	s5 =	sld [smem:$0x3FAC]  }
0x2b: {  	s6 =	sld [smem:$0x3FAD]  }
0x2c: {  	s7 =	sld [smem:$0x3FAE]  }
0x2d: {  	s3 =	simm.s32 $0x108;
	s8 =	sld [smem:$0x3FAF]  }
0x2e: {  	s3 =	simm.s32 @!p0 $0x1082;
	s9 =	sld [smem:$0x3FB0]  }
0x2f: {  	lr =	sadd.s32 s0, s3;
	s0 =	sld [smem:$0x3FA7]  }
0x30: {  	s3 =	sld [smem:$0x3FAA]  }
0x31: {  	[smem:$0x3FB3] =	sst s10  }
0x32: {  	s10 =	sld [smem:$0x3FB1];
	_ =	sdelay $0x3  }
0x33: {  	p0 =	seq.s32 s10, $0x1;
	s10 =	sld [smem:$0x3FB3];
	_ =	sdelay $0x3  }
0x34: {  	[smem:$0x3FB3] =	sst s10  }
0x35: {  	s10 =	sld [smem:$0x3FB2];
	_ =	sdelay $0x3  }
0x36: {  	p1 =	seq.s32 s10, $0x1;
	s10 =	sld [smem:$0x3FB3];
	_ =	sdelay $0x3  }
0x37: {  	[smem:$0x3FB3] =	sst s10  }
0x38: {  	s10 =	sld [smem:$0x3FB4]  }
0x39: {  	_ = 	snop;
	(pc) =	sbr.ind lr, $3  }
0x3a: {  	_ = 	snop  }
0x3b: {  	_ = 	snop  }
0x3c: {  	p2 =	seq.s32 s10, $0x1;
	s10 =	sld [smem:$0x3FB3]  }
0x3d: {  	_ =	shalt  }
0x3e: {  	_ =	shalt  }
0x3f: {  	_ =	shalt  }
0x40: {  	_ =	shalt  }
0x41: {  	_ =	shalt  }
0x42: {  	_ =	shalt  }
0x43: {  	_ =	shalt  }
0x44: {  	_ =	shalt  }
0x45: {  	_ =	shalt  }
0x46: {  	_ =	shalt  }
0x47: {  	_ =	shalt  }
0x48: {  	_ =	shalt  }
0x49: {  	_ =	shalt  }
0x4a: {  	_ =	shalt  }
0x4b: {  	_ =	shalt  }
0x4c: {  	_ =	shalt  }
0x4d: {  	_ =	shalt  }
0x4e: {  	_ =	shalt  }
0x4f: {  	_ =	shalt  }
0x50: {  	_ =	shalt  }
0x51: {  	_ =	shalt  }
0x52: {  	_ =	shalt  }
0x53: {  	_ =	shalt  }
0x54: {  	_ =	shalt  }
0x55: {  	_ =	shalt  }
0x56: {  	_ =	shalt  }
0x57: {  	_ =	shalt  }
0x58: {  	_ =	shalt  }
0x59: {  	_ =	shalt  }
0x5a: {  	_ =	shalt  }
0x5b: {  	_ =	shalt  }
0x5c: {  	_ =	shalt  }
0x5d: {  	_ =	shalt  }
0x5e: {  	_ =	shalt  }
0x5f: {  	_ =	shalt  }
0x60: {  	_ =	shalt  }
0x61: {  	_ =	shalt  }
0x62: {  	_ =	shalt  }
0x63: {  	_ =	shalt  }
0x64: {  	_ =	shalt  }
0x65: {  	_ =	shalt  }
0x66: {  	_ =	shalt  }
0x67: {  	_ =	shalt  }
0x68: {  	_ =	shalt  }
0x69: {  	_ =	shalt  }
0x6a: {  	_ =	shalt  }
0x6b: {  	_ =	shalt  }
0x6c: {  	_ =	shalt  }
0x6d: {  	_ =	shalt  }
0x6e: {  	_ =	shalt  }
0x6f: {  	_ =	shalt  }
0x70: {  	_ =	shalt  }
0x71: {  	_ =	shalt  }
0x72: {  	_ =	shalt  }
0x73: {  	_ =	shalt  }
0x74: {  	_ =	shalt  }
0x75: {  	_ =	shalt  }
0x76: {  	_ =	shalt  }
0x77: {  	_ =	shalt  }
0x78: {  	_ =	shalt  }
0x79: {  	_ =	shalt  }
0x7a: {  	_ =	shalt  }
0x7b: {  	_ =	shalt  }
0x7c: {  	_ =	shalt  }
0x7d: {  	_ =	shalt  }
0x7e: {  	_ =	shalt  }
0x7f: {  	_ =	shalt  }
0x80: {  	_ =	shalt  }
0x81: {  	_ =	shalt  }
0x82: {  	_ =	shalt  }
0x83: {  	_ =	shalt  }
0x84: {  	_ =	shalt  }
0x85: {  	_ =	shalt  }
0x86: {  	_ =	shalt  }
0x87: {  	_ =	shalt  }
.Lfunc_end0:
.L_simem_size_0:
called_computation_lowered:
.L_overlay_start_0:
0x88: {  	s2 =	sld [smem:$0x3FD9]  }
0x89: {  	s3 =	sld [smem:$0x3FFE];
	_ =	sdelay $0x1  }
0x8a: {  	s1 =	srdreg.scid  }
0x8b: {  	s0 =	sand.u32 $0x1, s1  }
0x8c: {  	s16 =	sshll.u32 s0, $0xA;
	s2 =	sadd.s32 s3, s2  }
0x8d: {  	s2 =	sadd.s32 s2, s16  }
0x8e: {  	[smem:$0x3FBF] =	sst s2  }
0x8f: {  	_ = 	snop  }
0x90: {  	(tm) =	ssettm $0x1  }
0x91: {  	s17 =	sld [smem:$0x3FFB];
	_ =	sdelay $0x3  }
0x92: {  	_ =	strace s17  }
0x93: {  	s2 =	sld [smem:$0x3FFC];
	_ =	sdelay $0x3  }
0x94: {  	_ =	strace s2  }
0x95: {  	s2 =	sld [smem:$0x3FFD];
	_ =	sdelay $0x3  }
0x96: {  	_ =	strace s2  }
0x97: {  	_ =	strace $0x8FFFFFFF  }
0x98: {  	s18 =	sld [smem:$0x3FDB];
	_ =	sdelay $0x1  }
0x99: {  	s19 =	simm.s32 $_scs_section_size  }
0x9a: {  	s4 =	simm.s32 $_size__tile_overlayer_lowered;
	s5 =	simm.s32 $_tile_overlayer_lowered  }
0x9b: {  	s22 =	simm.s32 $0x1BFF;
	s21 =	sshll.u32 s5, $0x1;
	s2 =	sadd.s32 s19, s18  }
0x9c: {  	s6 =	simm.s32 $0x0;
	s20 =	sshll.u32 s4, $0x1;
	s4 =	sadd.s32 s21, s2  }
0x9d: {  	[timem:s6], [sflag:s22] =	dma.local [hbm:s4], s20  }
0x9e: {  	_ =	swait.ge [sflag:s22], s20  }
0x9f: {  	s3 =	ssub.s32 $0x0, s20;
	[sflag:s22] =	ssyncset.done $0x0  }
0xa0: {  	[sflag:s22] =	ssyncadd.s32 s3;
	_ =	sdelay $0x1  }
0xa1: {  	s23 =	simm.s32 $0x1B8B  }
0xa2: {  	_ =	swait.ge [sflag:s23], $0x1  }
0xa3: {  	[sflag:s23] =	ssyncset.done $0x0  }
0xa4: {  	s25 =	simm.s32 $0x1B8E;
	s24 =	sld [smem:$0x3FFE];
	[sflag:s23] =	ssyncadd.s32 $0xFFFFFFFF  }
0xa5: {  	s26 =	simm.s32 $execute0_lowered;
	[smem:$0x3FD2] =	sst s25  }
0xa6: {  	s4 =	sshll.u32 s26, $0x1;
	_ =	strace $0x80000046;
	[dreg:$0x1] =	wrdreg $0xFFFFFFFF  }
0xa7: {  	s28 =	simm.s32 $_size_execute0_lowered;
	s2 =	sadd.s32 s2, s4;
	[dreg:$0x0] =	wrdreg $0x0  }
0xa8: {  	s4 =	sshll.u32 s28, $0x1;
	[dreg:$0x2] =	wrdreg s2  }
0xa9: {  	[dreg:$0x3] =	wrdreg s4  }
0xaa: {  	[dreg:$0x4] =	wrdreg $0xC0  }
0xab: {  	_ =	task [dreg:s6], $0x5FFFF  }
0xac: {  	[dreg:$0x1] =	wrdreg $0xFFFFFFFF  }
0xad: {  	[dreg:$0x0] =	wrdreg $0x60  }
0xae: {  	[dreg:$0x2] =	wrdreg s24  }
0xaf: {  	[dreg:$0x3] =	wrdreg $0x0  }
0xb0: {  	[dreg:$0x4] =	wrdreg $0x9  }
0xb1: {  	_ =	task.clear_ibuf [dreg:s6], $0x5FFFF;
	_ =	strace $0x90000046  }
0xb2: {  	s29 =	simm.s32 $0x9;
	_ =	strace $0x80000048  }
0xb3: {  	_ =	swait.ge [sflag:s29], $0x1  }
0xb4: {  	[sflag:s29] =	ssyncadd.s32 $0xFFFFFFFF  }
0xb5: {  	_ =	strace $0x90000048  }
0xb6: {  	_ =	sfence  }
0xb7: {  	s30 =	sld [smem:$0x0];
	_ =	sdelay $0x2  }
0xb8: {  	s31 =	sshll.u32 s1, $0xD;
	s1 =	sshrl.u32 s1, $0x2  }
0xb9: {  	s3 =	sand.u32 $0x4000, s31;
	s1 =	sadd.s32 s1, s30  }
0xba: {  	s0 =	sor.u32 s3, s0;
	s1 =	sshll.u32 s1, $0x11  }
0xbb: {  	s0 =	sor.u32 s1, s0  }
0xbc: {  	s0 =	sadd.s32 $0x8F2B, s0  }
0xbd: {  	[sflag:s0] =	ssyncadd.remote.s32 $0x1  }
0xbe: {  	_ =	sfence.sel $0xFFFF  }
0xbf: {  	[dreg:$0x0] =	wrdreg $0xFFFFFFFF;
	(pc) =	sbr.abs _section_cstart, $3  }
0xc0: {  	[dreg:$0x1] =	wrdreg $0xFFFFFFFF  }
0xc1: {  	_ =	task.clear_ibuf [dreg:s6], $0x2FFFF;
	_ =	strace $0x9FFFFFFF  }
0xc2: {  	(tm) =	ssettm $0x7FFFFFFF  }
0xc3: {  	_ =	shalt  }
tec
execute0_lowered:
.L_overlay_start_1:
0x0: {  	(tag) =	ssettag $0x1  }
0x1: {  	s3 =	rddreg [dreg:$0x0];
	s0 =	srdreg.scid  }
0x2: {  	s18 =	stileid.u32;
	s1 =	rddreg [dreg:$0x1]  }
0x3: {  	s2 =	simm.s32 $0x0;
	s9 =	simm.s32 $0x1;
	s10 =	simm.s32 $0x80  }
0x4: {  	s11 =	simm.s32 $0x2DF8;
	s12 =	simm.s32 $0x2C78;
	s13 =	simm.s32 $0x2E78  }
0x5: {  	s14 =	simm.s32 $0x2EF8;
	s15 =	simm.s32 $0x2;
	s16 =	simm.s32 $0x3  }
0x6: {  	s17 =	simm.s32 $0x4;
	s19 =	simm.s32 $0x2CF8;
	s20 =	simm.s32 $0x2D78  }
0x7: {  	s21 =	simm.s32 $0x5;
	s4 =	sand.u32 $0x1, s0;
	s0 =	rddreg [dreg:$0x2]  }
0x8: {  	s23 =	simm.s32 $0x0;
	s5 =	sshll.u32 s18, $0x1;
	[smem:$0x7FF] =	sst s2  }
0x9: {  	s6 =	smul.u32 $0x9C0, s18;
	p0 =	seq.s32 s18, $0xF;
	p1 =	sne.s32 s18, $0x0  }
0xa: {  	s18 =	simm.s32 $0x10;
	s5 =	sor.u32 s4, s5;
	_ =	strace $0x80000047  }
0xb: {  	s7 =	sshll.u32 s4, $0x4;
	s4 =	ssub.s32 $0x2, s4;
	s22 =	sshrl.u32 @!p1 s1, $0x3  }
0xc: {  	s5 =	smul.u32 $0x4E2, s5;
	s31 =	sshrl.u32 s4, $0x1;
	s6 =	sshrl.u32 s6, $0x2  }
0xd: {  	s7 =	sadd.s32 s7, s3;
	s8 =	ssub.s32 s4, s31;
	s4 =	sadd.s32 s6, s1  }
0xe: {  	s6 =	sadd.s32 $0x16800, s7;
	s5 =	sadd.s32 s5, s3;
	s7 =	smax.u32 s8, $0x1  }
0xf: {  	v0 =	vimm.f32 $0.0e+00;
	v1 =	vimm.f32 $1.000000000e+00;
	s8 =	simm.s32 $0x278;
	s3 =	sadd.s32 $0xCA00, s5;
	s5 =	sadd.s32 $0x2490, s1  }
.LBB2_1:
0x10: {  	[tilespmem:s8], [sflag:$0x1] =	stream.linear.gather [hbm4b:s3+s2], $0x2710, $0x38;
	[tilespmem:$0x2F78] =	vst v63  }
0x11: {  	[tilespmem:$0x29F8] =	vst v0  }
0x12: {  	[tilespmem:$0x2A08] =	vst v0  }
0x13: {  	[tilespmem:$0x2A18] =	vst v0  }
0x14: {  	[tilespmem:$0x2A28] =	vst v0  }
0x15: {  	[tilespmem:$0x2A38] =	vst v0  }
0x16: {  	[tilespmem:$0x2A48] =	vst v0  }
0x17: {  	[tilespmem:$0x2A58] =	vst v0  }
0x18: {  	[tilespmem:$0x2A68] =	vst v0  }
0x19: {  	[tilespmem:$0x2A78] =	vst v0  }
0x1a: {  	[tilespmem:$0x2A88] =	vst v0  }
0x1b: {  	[tilespmem:$0x2A98] =	vst v0  }
0x1c: {  	[tilespmem:$0x2AA8] =	vst v0  }
0x1d: {  	[tilespmem:$0x2AB8] =	vst v0  }
0x1e: {  	[tilespmem:$0x2AC8] =	vst v0  }
0x1f: {  	[tilespmem:$0x2AD8] =	vst v0  }
0x20: {  	[tilespmem:$0x2AE8] =	vst v0  }
0x21: {  	[tilespmem:$0x2AF8] =	vst v0  }
0x22: {  	[tilespmem:$0x2B08] =	vst v0  }
0x23: {  	[tilespmem:$0x2B18] =	vst v0  }
0x24: {  	[tilespmem:$0x2B28] =	vst v0  }
0x25: {  	[tilespmem:$0x2B38] =	vst v0  }
0x26: {  	[tilespmem:$0x2B48] =	vst v0  }
0x27: {  	[tilespmem:$0x2B58] =	vst v0  }
0x28: {  	[tilespmem:$0x2B68] =	vst v0  }
0x29: {  	[tilespmem:$0x2B78] =	vst v0  }
0x2a: {  	[tilespmem:$0x2B88] =	vst v0  }
0x2b: {  	[tilespmem:$0x2B98] =	vst v0  }
0x2c: {  	[tilespmem:$0x2BA8] =	vst v0  }
0x2d: {  	[tilespmem:$0x2BB8] =	vst v0  }
0x2e: {  	[tilespmem:$0x2BC8] =	vst v0  }
0x2f: {  	[tilespmem:$0x2BD8] =	vst v0  }
0x30: {  	[tilespmem:$0x2BE8] =	vst v0  }
0x31: {  	[tilespmem:$0x2BF8] =	vst v0  }
0x32: {  	[tilespmem:$0x2C08] =	vst v0  }
0x33: {  	[tilespmem:$0x2C18] =	vst v0  }
0x34: {  	[tilespmem:$0x2C28] =	vst v0  }
0x35: {  	[tilespmem:$0x2C38] =	vst v0  }
0x36: {  	[tilespmem:$0x2C48] =	vst v0  }
0x37: {  	[tilespmem:$0x2C58] =	vst v0  }
0x38: {  	[tilespmem:$0x2C68] =	vst v0  }
0x39: {  	[tilespmem:$0x2C78] =	vst v1  }
0x3a: {  	[tilespmem:$0x2C88] =	vst v1  }
0x3b: {  	[tilespmem:$0x2C98] =	vst v1  }
0x3c: {  	[tilespmem:$0x2CA8] =	vst v1  }
0x3d: {  	[tilespmem:$0x2CB8] =	vst v1  }
0x3e: {  	[tilespmem:$0x2CC8] =	vst v1  }
0x3f: {  	[tilespmem:$0x2CD8] =	vst v1  }
0x40: {  	[tilespmem:$0x2CE8] =	vst v1  }
0x41: {  	s24 =	simm.s32 @p0 $0x29F8;
	[tilespmem:$0x2D78] =	vst v1  }
0x42: {  	[spmem:s5] =	stream.linear.scatter @p0 [tilespmem:s24], [sflag:$0x5], $0x280, $0x38;
	[tilespmem:$0x2F78] =	vst v63  }
0x43: {  	s24 =	simm.s32 @p0 $0x5  }
0x44: {  	_ =	swait.ge @p0 [sflag:s24], $0x280  }
0x45: {  	[sflag:s24] =	ssyncset.done @p0 $0x0  }
0x46: {  	[sflag:s24] =	ssyncadd.s32 @p0 $0xFFFFFD80;
	s24 =	simm.s32 @!p0 $0x29F8  }
0x47: {  	[spmem:s4] =	stream.linear.scatter @!p0 [tilespmem:s24], [sflag:$0x5], $0x270, $0x38;
	[tilespmem:$0x2F78] =	vst v63  }
0x48: {  	s24 =	simm.s32 @!p0 $0x5  }
0x49: {  	_ =	swait.ge @!p0 [sflag:s24], $0x270  }
0x4a: {  	[sflag:s24] =	ssyncset.done @!p0 $0x0  }
0x4b: {  	[sflag:s24] =	ssyncadd.s32 @!p0 $0xFFFFFD90  }
0x4c: {  	_ =	swait.ge [sflag:s9], $0x2710  }
0x4d: {  	[sflag:s9] =	ssyncset.done $0x0  }
0x4e: {  	[sflag:s9] =	ssyncadd.s32 $0xFFFFD8F0  }
0x4f: {  	[bflag:$0x0] =	sbarrier.arrive $0xFFFF  }
0x50: {  	v2 =	vld [tilespmem:$0x278]  }
0x51: {  	v3 =	vld [tilespmem:$0x288]  }
0x52: {  	v4 =	vld [tilespmem:$0x298]  }
0x53: {  	v5 =	vld [tilespmem:$0x2A8]  }
0x54: {  	v6 =	vld [tilespmem:$0x2B8]  }
0x55: {  	v55 =	vld [tilespmem:$0x2E8];
	[tilespmem:$0x2DF8] =	vst v2  }
0x56: {  	v2 =	vld [tilespmem:$0x2C8];
	[tilespmem:$0x2E08] =	vst v3  }
0x57: {  	v3 =	vld [tilespmem:$0x2D8];
	[tilespmem:$0x2E18] =	vst v4  }
0x58: {  	[tilespmem:$0x2E28] =	vst v5  }
0x59: {  	[tilespmem:$0x2E38] =	vst v6  }
0x5a: {  	[tilespmem:$0x2E68] =	vst v55  }
0x5b: {  	[tilespmem:$0x2E48] =	vst v2  }
0x5c: {  	[tilespmem:$0x2E58] =	vst v3  }
0x5d: {  	[spmem:s1] =	stream.indirect.scatter.add.f32 [tilespmem:s12], [sflag:$0x2], $0x1, s11, s10, $0xb8;
	[tilespmem:$0x2F78] =	vst v63  }
0x5e: {  	v2 =	vld [tilespmem:$0x2F8]  }
0x5f: {  	v3 =	vld [tilespmem:$0x308]  }
0x60: {  	v56 =	vld [tilespmem:$0x318]  }
0x61: {  	v57 =	vld [tilespmem:$0x328]  }
0x62: {  	v58 =	vld [tilespmem:$0x338]  }
0x63: {  	v59 =	vld [tilespmem:$0x368];
	[tilespmem:$0x2E78] =	vst v2  }
0x64: {  	v2 =	vld [tilespmem:$0x348];
	[tilespmem:$0x2E88] =	vst v3  }
0x65: {  	v3 =	vld [tilespmem:$0x358];
	[tilespmem:$0x2E98] =	vst v56  }
0x66: {  	[tilespmem:$0x2EA8] =	vst v57  }
0x67: {  	[tilespmem:$0x2EB8] =	vst v58  }
0x68: {  	[tilespmem:$0x2EE8] =	vst v59  }
0x69: {  	[tilespmem:$0x2EC8] =	vst v2  }
0x6a: {  	[tilespmem:$0x2ED8] =	vst v3  }
0x6b: {  	[spmem:s1] =	stream.indirect.scatter.add.f32 [tilespmem:s12], [sflag:$0x3], $0x1, s13, s10, $0xb8;
	[tilespmem:$0x2F78] =	vst v63  }
0x6c: {  	v2 =	vld [tilespmem:$0x378]  }
0x6d: {  	v3 =	vld [tilespmem:$0x388]  }
0x6e: {  	v60 =	vld [tilespmem:$0x398]  }
0x6f: {  	v61 =	vld [tilespmem:$0x3A8]  }
0x70: {  	v62 =	vld [tilespmem:$0x3B8]  }
0x71: {  	v63 =	vld [tilespmem:$0x3E8];
	[tilespmem:$0x2EF8] =	vst v2  }
0x72: {  	v2 =	vld [tilespmem:$0x3C8];
	[tilespmem:$0x2F08] =	vst v3  }
0x73: {  	v3 =	vld [tilespmem:$0x3D8];
	[tilespmem:$0x2F18] =	vst v60  }
0x74: {  	[tilespmem:$0x2F28] =	vst v61  }
0x75: {  	[tilespmem:$0x2F38] =	vst v62  }
0x76: {  	[tilespmem:$0x2F68] =	vst v63  }
0x77: {  	[tilespmem:$0x2F48] =	vst v2  }
0x78: {  	[tilespmem:$0x2F58] =	vst v3  }
0x79: {  	[spmem:s1] =	stream.indirect.scatter.add.f32 [tilespmem:s12], [sflag:$0x4], $0x1, s14, s10, $0xb8;
	[tilespmem:$0x2F78] =	vst v63  }
0x7a: {  	_ =	swait.ge [sflag:s15], $0x80  }
0x7b: {  	[sflag:s15] =	ssyncset.done $0x0  }
0x7c: {  	s31 =	simm.s32 $0x2F0;
	[sflag:s15] =	ssyncadd.s32 $0xFFFFFF80  }
0x7d: {  	v2 =	vld [tilespmem:s31+$0x108];
	_ =	sdelay $0x4  }
0x7e: {  	[tilespmem:$0x2DF8] =	vst v2  }
0x7f: {  	v2 =	vld [tilespmem:s31+$0x118];
	_ =	sdelay $0x4  }
0x80: {  	[tilespmem:$0x2E08] =	vst v2  }
0x81: {  	v2 =	vld [tilespmem:s31+$0x128];
	_ =	sdelay $0x4  }
0x82: {  	[tilespmem:$0x2E18] =	vst v2  }
0x83: {  	v2 =	vld [tilespmem:s31+$0x138];
	_ =	sdelay $0x4  }
0x84: {  	[tilespmem:$0x2E28] =	vst v2  }
0x85: {  	v2 =	vld [tilespmem:s31+$0x148];
	_ =	sdelay $0x4  }
0x86: {  	[tilespmem:$0x2E38] =	vst v2  }
0x87: {  	v2 =	vld [tilespmem:s31+$0x158];
	_ =	sdelay $0x4  }
0x88: {  	[tilespmem:$0x2E48] =	vst v2  }
0x89: {  	v2 =	vld [tilespmem:s31+$0x168];
	_ =	sdelay $0x4  }
0x8a: {  	[tilespmem:$0x2E58] =	vst v2  }
0x8b: {  	v2 =	vld [tilespmem:s31+$0x178];
	_ =	sdelay $0x4  }
0x8c: {  	[tilespmem:$0x2E68] =	vst v2  }
0x8d: {  	[spmem:s1] =	stream.indirect.scatter.add.f32 [tilespmem:s12], [sflag:$0x2], $0x1, s11, s10, $0xb8;
	[tilespmem:$0x2F78] =	vst v63  }
0x8e: {  	_ =	swait.ge [sflag:s16], $0x80  }
0x8f: {  	[sflag:s16] =	ssyncset.done $0x0  }
0x90: {  	[sflag:s16] =	ssyncadd.s32 $0xFFFFFF80  }
0x91: {  	v2 =	vld [tilespmem:s31+$0x188];
	_ =	sdelay $0x4  }
0x92: {  	[tilespmem:$0x2E78] =	vst v2  }
0x93: {  	v2 =	vld [tilespmem:s31+$0x198];
	_ =	sdelay $0x4  }
0x94: {  	[tilespmem:$0x2E88] =	vst v2  }
0x95: {  	v2 =	vld [tilespmem:s31+$0x1A8];
	_ =	sdelay $0x4  }
0x96: {  	[tilespmem:$0x2E98] =	vst v2  }
0x97: {  	v2 =	vld [tilespmem:s31+$0x1B8];
	_ =	sdelay $0x4  }
0x98: {  	[tilespmem:$0x2EA8] =	vst v2  }
0x99: {  	v2 =	vld [tilespmem:s31+$0x1C8];
	_ =	sdelay $0x4  }
0x9a: {  	[tilespmem:$0x2EB8] =	vst v2  }
0x9b: {  	v2 =	vld [tilespmem:s31+$0x1D8];
	_ =	sdelay $0x4  }
0x9c: {  	[tilespmem:$0x2EC8] =	vst v2  }
0x9d: {  	v2 =	vld [tilespmem:s31+$0x1E8];
	_ =	sdelay $0x4  }
0x9e: {  	[tilespmem:$0x2ED8] =	vst v2  }
0x9f: {  	v2 =	vld [tilespmem:s31+$0x1F8];
	_ =	sdelay $0x4  }
0xa0: {  	[tilespmem:$0x2EE8] =	vst v2  }
0xa1: {  	[spmem:s1] =	stream.indirect.scatter.add.f32 [tilespmem:s12], [sflag:$0x3], $0x1, s13, s10, $0xb8;
	[tilespmem:$0x2F78] =	vst v63  }
0xa2: {  	_ =	swait.ge [sflag:s17], $0x80  }
0xa3: {  	[sflag:s17] =	ssyncset.done $0x0  }
0xa4: {  	[sflag:s17] =	ssyncadd.s32 $0xFFFFFF80  }
0xa5: {  	v2 =	vld [tilespmem:s31+$0x208];
	_ =	sdelay $0x4  }
0xa6: {  	[tilespmem:$0x2EF8] =	vst v2  }
0xa7: {  	v2 =	vld [tilespmem:s31+$0x218];
	_ =	sdelay $0x4  }
0xa8: {  	[tilespmem:$0x2F08] =	vst v2  }
0xa9: {  	v2 =	vld [tilespmem:s31+$0x228];
	_ =	sdelay $0x4  }
0xaa: {  	[tilespmem:$0x2F18] =	vst v2  }
0xab: {  	v2 =	vld [tilespmem:s31+$0x238];
	_ =	sdelay $0x4  }
0xac: {  	[tilespmem:$0x2F28] =	vst v2  }
0xad: {  	v2 =	vld [tilespmem:s31+$0x248];
	_ =	sdelay $0x4  }
0xae: {  	[tilespmem:$0x2F38] =	vst v2  }
0xaf: {  	v2 =	vld [tilespmem:s31+$0x258];
	_ =	sdelay $0x4  }
0xb0: {  	[tilespmem:$0x2F48] =	vst v2  }
0xb1: {  	v2 =	vld [tilespmem:s31+$0x268];
	_ =	sdelay $0x4  }
0xb2: {  	[tilespmem:$0x2F58] =	vst v2  }
0xb3: {  	v2 =	vld [tilespmem:s31+$0x278];
	_ =	sdelay $0x4  }
0xb4: {  	s24 =	simm.s32 $0x11C0;
	[tilespmem:$0x2F68] =	vst v2  }
.LBB2_2:
0xb5: {  	[spmem:s1] =	stream.indirect.scatter.add.f32 [tilespmem:s12], [sflag:$0x4], $0x1, s14, s10, $0xb8;
	[tilespmem:$0x2F78] =	vst v63  }
0xb6: {  	s25 =	smov.u32 s24  }
0xb7: {  	p2 =	sne.s32 s24, $0x9BC0;
	s24 =	sadd.s32 $0x600, s24;
	_ =	swait.ge [sflag:s15], $0x80  }
0xb8: {  	[sflag:s15] =	ssyncset.done $0x0  }
0xb9: {  	s25 =	sshra.s32 s25, $0x2;
	[sflag:s15] =	ssyncadd.s32 $0xFFFFFF80  }
0xba: {  	v2 =	vld [tilespmem:s25+$0x108];
	_ =	sdelay $0x4  }
0xbb: {  	[tilespmem:$0x2DF8] =	vst v2  }
0xbc: {  	v2 =	vld [tilespmem:s25+$0x118];
	_ =	sdelay $0x4  }
0xbd: {  	[tilespmem:$0x2E08] =	vst v2  }
0xbe: {  	v2 =	vld [tilespmem:s25+$0x128];
	_ =	sdelay $0x4  }
0xbf: {  	[tilespmem:$0x2E18] =	vst v2  }
0xc0: {  	v2 =	vld [tilespmem:s25+$0x138];
	_ =	sdelay $0x4  }
0xc1: {  	[tilespmem:$0x2E28] =	vst v2  }
0xc2: {  	v2 =	vld [tilespmem:s25+$0x148];
	_ =	sdelay $0x4  }
0xc3: {  	[tilespmem:$0x2E38] =	vst v2  }
0xc4: {  	v2 =	vld [tilespmem:s25+$0x158];
	_ =	sdelay $0x4  }
0xc5: {  	[tilespmem:$0x2E48] =	vst v2  }
0xc6: {  	v2 =	vld [tilespmem:s25+$0x168];
	_ =	sdelay $0x4  }
0xc7: {  	[tilespmem:$0x2E58] =	vst v2  }
0xc8: {  	v2 =	vld [tilespmem:s25+$0x178];
	_ =	sdelay $0x4  }
0xc9: {  	[tilespmem:$0x2E68] =	vst v2  }
0xca: {  	[spmem:s1] =	stream.indirect.scatter.add.f32 [tilespmem:s12], [sflag:$0x2], $0x1, s11, s10, $0xb8;
	[tilespmem:$0x2F78] =	vst v63  }
0xcb: {  	_ =	swait.ge [sflag:s16], $0x80  }
0xcc: {  	[sflag:s16] =	ssyncset.done $0x0  }
0xcd: {  	[sflag:s16] =	ssyncadd.s32 $0xFFFFFF80  }
0xce: {  	v2 =	vld [tilespmem:s25+$0x188];
	_ =	sdelay $0x4  }
0xcf: {  	[tilespmem:$0x2E78] =	vst v2  }
0xd0: {  	v2 =	vld [tilespmem:s25+$0x198];
	_ =	sdelay $0x4  }
0xd1: {  	[tilespmem:$0x2E88] =	vst v2  }
0xd2: {  	v2 =	vld [tilespmem:s25+$0x1A8];
	_ =	sdelay $0x4  }
0xd3: {  	[tilespmem:$0x2E98] =	vst v2  }
0xd4: {  	v2 =	vld [tilespmem:s25+$0x1B8];
	_ =	sdelay $0x4  }
0xd5: {  	[tilespmem:$0x2EA8] =	vst v2  }
0xd6: {  	v2 =	vld [tilespmem:s25+$0x1C8];
	_ =	sdelay $0x4  }
0xd7: {  	[tilespmem:$0x2EB8] =	vst v2  }
0xd8: {  	v2 =	vld [tilespmem:s25+$0x1D8];
	_ =	sdelay $0x4  }
0xd9: {  	[tilespmem:$0x2EC8] =	vst v2  }
0xda: {  	v2 =	vld [tilespmem:s25+$0x1E8];
	_ =	sdelay $0x4  }
0xdb: {  	[tilespmem:$0x2ED8] =	vst v2  }
0xdc: {  	v2 =	vld [tilespmem:s25+$0x1F8];
	_ =	sdelay $0x4  }
0xdd: {  	[tilespmem:$0x2EE8] =	vst v2  }
0xde: {  	[spmem:s1] =	stream.indirect.scatter.add.f32 [tilespmem:s12], [sflag:$0x3], $0x1, s13, s10, $0xb8;
	[tilespmem:$0x2F78] =	vst v63  }
0xdf: {  	_ =	swait.ge [sflag:s17], $0x80  }
0xe0: {  	[sflag:s17] =	ssyncset.done $0x0  }
0xe1: {  	[sflag:s17] =	ssyncadd.s32 $0xFFFFFF80  }
0xe2: {  	v2 =	vld [tilespmem:s25+$0x208];
	_ =	sdelay $0x4  }
0xe3: {  	[tilespmem:$0x2EF8] =	vst v2  }
0xe4: {  	v2 =	vld [tilespmem:s25+$0x218];
	_ =	sdelay $0x4  }
0xe5: {  	[tilespmem:$0x2F08] =	vst v2  }
0xe6: {  	v2 =	vld [tilespmem:s25+$0x228];
	_ =	sdelay $0x4  }
0xe7: {  	[tilespmem:$0x2F18] =	vst v2  }
0xe8: {  	v2 =	vld [tilespmem:s25+$0x238];
	_ =	sdelay $0x4  }
0xe9: {  	[tilespmem:$0x2F28] =	vst v2  }
0xea: {  	v2 =	vld [tilespmem:s25+$0x248];
	_ =	sdelay $0x4  }
0xeb: {  	[tilespmem:$0x2F38] =	vst v2  }
0xec: {  	v2 =	vld [tilespmem:s25+$0x258];
	_ =	sdelay $0x4  }
0xed: {  	[tilespmem:$0x2F48] =	vst v2  }
0xee: {  	v2 =	vld [tilespmem:s25+$0x268];
	_ =	sdelay $0x4  }
0xef: {  	[tilespmem:$0x2F58] =	vst v2  }
0xf0: {  	v2 =	vld [tilespmem:s25+$0x278]  }
.Ltmp0:
0xf1: {  	(pc) =	sbr.rel @p2 .LBB2_2-.Ltmp0, $2  }
0xf2: {  	_ =	sdelay $0x2  }
0xf3: {  	[tilespmem:$0x2F68] =	vst v2  }
0xf4: {  	[spmem:s1] =	stream.indirect.scatter.add.f32 [tilespmem:s12], [sflag:$0x4], $0x1, s14, s10, $0xb8;
	[tilespmem:$0x2F78] =	vst v63  }
0xf5: {  	_ =	swait.ge [sflag:s15], $0x80  }
0xf6: {  	[sflag:s15] =	ssyncset.done $0x0  }
0xf7: {  	[sflag:s15] =	ssyncadd.s32 $0xFFFFFF80  }
0xf8: {  	_ =	swait.ge [sflag:s16], $0x80  }
0xf9: {  	[sflag:s16] =	ssyncset.done $0x0  }
0xfa: {  	[sflag:s16] =	ssyncadd.s32 $0xFFFFFF80  }
0xfb: {  	_ =	swait.ge [sflag:s17], $0x80  }
0xfc: {  	[sflag:s17] =	ssyncset.done $0x0  }
0xfd: {  	[sflag:s17] =	ssyncadd.s32 $0xFFFFFF80  }
0xfe: {  	v2 =	vld [tilespmem:$0x2978];
	_ =	sdelay $0x4  }
0xff: {  	[tilespmem:$0x2CF8] =	vst v2  }
0x100: {  	[spmem:s1] =	stream.indirect.scatter.add.f32 [tilespmem:s20], [sflag:$0x5], $0x1, s19, s18, $0xb8;
	[tilespmem:$0x2F78] =	vst v63  }
0x101: {  	_ =	swait.ge [sflag:s21], $0x10  }
0x102: {  	s24 =	simm.s32 @!p1 $0x1;
	s25 =	simm.s32 @!p1 $0x20;
	[sflag:s21] =	ssyncset.done $0x0  }
0x103: {  	s26 =	simm.s32 @!p1 $0x10;
	s23 =	sadd.s32 $0x1, s23;
	[sflag:s21] =	ssyncadd.s32 $0xFFFFFFF0  }
0x104: {  	s28 =	simm.s32 @!p1 $0x1C05;
	p2 =	sne.s32 s23, s7;
	[bflag:$0x0] =	sbarrier.arrive $0xFFFF  }
0x105: {  	[hbm:s6@s25], [sflag:s28] =	dma.strided @!p1 [spmem:s22@s26], $0x4F0, s24, $0x10   }
.Ltmp1:
0x106: {  	_ = 	snop;
	(pc) =	sbr.rel @p2 .LBB2_1-.Ltmp1, $4  }
0x107: {  	s24 =	simm.s32 @!p1 $0x5  }
0x108: {  	_ =	swait.ge @!p1 [sflag:s24], $0x4F0  }
0x109: {  	[sflag:s24] =	ssyncset.done @!p1 $0x0  }
0x10a: {  	[sflag:s24] =	ssyncadd.s32 @!p1 $0xFFFFFB10  }
0x10b: {  	_ =	sfence.sel $0x180000  }
0x10c: {  	[bflag:$0x0] =	sbarrier.arrive $0xFFFF  }
0x10d: {  	_ =	strace $0x90000047  }
0x10e: {  	s0 =	sadd.s32 @!p1 $0x100000, s0;
	[bflag:$0x2] =	sbarrier.arrive $0xFFFF  }
0x10f: {  	[sflag:s0] =	ssyncadd.tile.s32 @!p1 $0x1;
	_ =	shalt  }
.Lfunc_end2:
_tile_overlayer_lowered:
.L_overlay_start_2:
0x110: {  	(tag) =	ssettag $0x2  }
0x111: {  	s0 =	rddreg [dreg:$0x0];
	s2 =	stileid.u32  }
0x112: {  	s1 =	rddreg [dreg:$0x1];
	p0 =	sne.s32 s2, $0x0  }
0x113: {  	s3 =	rddreg [dreg:$0x2];
	[bflag:$0x3] =	sbarrier.arrive $0xFFFF;
	s2 =	simm.s32 @!p0 $0x1C05  }
0x114: {  	[timem:s3], [sflag:s2] =	dma.local @!p0 [hbm:s0], s1  }
0x115: {  	s0 =	simm.s32 @!p0 $0x5  }
0x116: {  	_ =	swait.ge @!p0 [sflag:s0], s1  }
0x117: {  	s1 =	ssub.s32 @!p0 $0x0, s1;
	[sflag:s0] =	ssyncset.done @!p0 $0x0  }
0x118: {  	[sflag:s0] =	ssyncadd.s32 @!p0 s1  }
0x119: {  	[bflag:$0x3] =	sbarrier.arrive $0xFFFF  }
0x11a: {  	_ =	shalt  }

</sc_bundles>
